<compile_context>
chip_gen: v7x
topology: tpu7x:2x2x1
jax: 0.10.2.dev20260603
libtpu: 0.0.44.dev20260713+nightly
codegen_flags: <defaults>
</compile_context>

<pallas_src>
import functools

import jax
import jax.numpy as jnp
import numpy as np
from jax import lax
from jax.experimental import pallas as pl
from jax.experimental.pallas import tpu as pltpu
from jax.experimental.pallas import tpu_sc as plsc

_LIMS_F32 = np.linspace(-np.float32(np.pi), np.float32(np.pi), 20).astype(np.float32)
_COS_T = [np.float64(np.cos(np.float64(_LIMS_F32[k]))) for k in range(10, 19)]
_POS_T2 = [float(np.float32(t * t)) for t in _COS_T if t > 0]
_NEG_T2 = [float(np.float32(t * t)) for t in _COS_T if t < 0]

_NW = 32


def _sc_body(x_hbm, idx_hbm, o_hbm, inbuf, idxbuf, outbuf, addrbuf, sem, insem, *, bsz, n, rpw):
    wid = lax.axis_index("s") * 2 + lax.axis_index("c")
    lanes = lax.broadcasted_iota(jnp.int32, (16,), 0)
    ones = jnp.full((16,), 1.0, dtype=jnp.float32)
    zerosv = jnp.zeros((16,), dtype=jnp.float32)
    lastlane = n - 1
    ngrp = n // 16
    npad = n + 16

    def stage(rb, half):
        brow = wid * rpw + rb
        cps = [
            pltpu.make_async_copy(
                x_hbm.at[pl.ds((p * bsz + brow) * n, n)],
                inbuf.at[pl.ds((half * 9 + p) * n, n)],
                insem,
            )
            for p in range(9)
        ]
        cps.append(
            pltpu.make_async_copy(
                idx_hbm.at[pl.ds(brow * n, n)],
                idxbuf.at[pl.ds(half * npad, n)],
                insem,
            )
        )
        for cp in cps:
            cp.start()
        return cps

    pend = stage(0, 0)

    def _zero(j, c):
        outbuf[pl.ds(j * 64, 16)] = zerosv
        outbuf[pl.ds(j * 64 + 16, 16)] = zerosv
        outbuf[pl.ds(j * 64 + 32, 16)] = zerosv
        outbuf[pl.ds(j * 64 + 48, 16)] = zerosv
        return c

    lax.fori_loop(0, 63 * n // 64, _zero, 0)

    def bin_of(dot, q):
        rho = (dot * dot) / q
        neg = dot < 0.0
        acc = jnp.full((16,), 10, dtype=jnp.int32)
        for t2 in _POS_T2:
            acc = acc + jnp.where(neg | (rho < t2), 1, 0)
        for t2 in _NEG_T2:
            acc = acc + jnp.where(neg & (rho > t2), 1, 0)
        return acc

    def cosparts(a, bv, g):
        v1 = [a[i] - bv[i] for i in range(3)]
        v2 = [g[i] - bv[i] for i in range(3)]
        dot = v1[0] * v2[0] + v1[1] * v2[1] + v1[2] * v2[2]
        s1 = v1[0] * v1[0] + v1[1] * v1[1] + v1[2] * v1[2]
        s2 = v2[0] * v2[0] + v2[1] * v2[1] + v2[2] * v2[2]
        return dot, s1 * s2

    for rb in range(rpw):
        brow = wid * rpw + rb
        half = rb % 2
        for cp in pend:
            cp.wait()
        if rb + 1 < rpw:
            pend = stage(rb + 1, 1 - half)

        def group(g, c):
            r0 = g * 16
            rows = r0 + lanes
            ib = half * 9 * n
            jb = half * npad

            def comp(p):
                return inbuf[pl.ds(ib + p * n + r0, 16)]

            def compn(p):
                return inbuf[pl.ds(ib + p * n + r0 + 1, 16)]

            na = [comp(0), comp(1), comp(2)]
            ca = [comp(3), comp(4), comp(5)]
            cc = [comp(6), comp(7), comp(8)]
            nan_ = [compn(0), compn(1), compn(2)]
            can_ = [compn(3), compn(4), compn(5)]

            d1, q1 = cosparts(na, ca, cc)
            d2, q2 = cosparts(ca, cc, nan_)
            d3, q3 = cosparts(cc, nan_, can_)

            idxv = idxbuf[pl.ds(jb + r0, 16)]
            idxn = idxbuf[pl.ds(jb + r0 + 1, 16)]
            good = ((idxn - idxv) == 1) & (rows != lastlane)

            b1 = bin_of(d1, q1)
            b2 = jnp.where(good, bin_of(d2, q2), 10)
            b3 = jnp.where(good, bin_of(d3, q3), 10)

            a1 = b1 * n + rows
            a2 = (b2 + 21) * n + rows
            a3 = (b3 + 42) * n + rows
            plsc.store_scatter(outbuf, [a1], ones)
            plsc.store_scatter(outbuf, [a2], ones)
            plsc.store_scatter(outbuf, [a3], ones)
            abase = g * 48
            addrbuf[pl.ds(abase, 16)] = a1
            addrbuf[pl.ds(abase + 16, 16)] = a2
            addrbuf[pl.ds(abase + 32, 16)] = a3
            return c

        lax.fori_loop(0, ngrp, group, 0)

        copies = []
        for p in range(63):
            copies.append(
                pltpu.make_async_copy(
                    outbuf.at[pl.ds(p * n, n)],
                    o_hbm.at[pl.ds((p * bsz + brow) * n, n)],
                    sem,
                )
            )
        for cp in copies:
            cp.start()
        for cp in copies:
            cp.wait()

        def clean(j, c):
            addr = addrbuf[pl.ds(j * 16, 16)]
            plsc.store_scatter(outbuf, [addr], zerosv)
            return c

        lax.fori_loop(0, 3 * ngrp, clean, 0)


def kernel(coords, mask, residue_pdb_idx):
    del mask
    b, n = coords.shape[0], coords.shape[1]
    assert b % _NW == 0 and n % 16 == 0
    rpw = b // _NW
    nat3 = coords.shape[2] * coords.shape[3]

    xt = jnp.transpose(coords, (2, 3, 0, 1)).reshape(nat3, b, n)[:9].reshape(9 * b * n)
    idxflat = residue_pdb_idx.astype(jnp.int32).reshape(b * n)

    mesh = plsc.VectorSubcoreMesh(core_axis_name="c", subcore_axis_name="s")
    run = pl.kernel(
        functools.partial(_sc_body, bsz=b, n=n, rpw=rpw),
        mesh=mesh,
        compiler_params=pltpu.CompilerParams(needs_layout_passes=False),
        out_type=jax.ShapeDtypeStruct((63 * b * n,), jnp.float32),
        scratch_types=[
            pltpu.VMEM((2 * 9 * n,), jnp.float32),
            pltpu.VMEM((2 * (n + 16),), jnp.int32),
            pltpu.VMEM((63 * n,), jnp.float32),
            pltpu.VMEM((3 * n,), jnp.int32),
            pltpu.SemaphoreType.DMA,
            pltpu.SemaphoreType.DMA,
        ],
    )
    out = run(xt, idxflat)
    return out.reshape(63, b, n).transpose(1, 2, 0)

# --- scband reference (transcript-rebuilt; emitter-appended) ---
"""Pipeline reference for scband-backbone-bond-angles-seq-feat-31421980737691 (READ-ONLY COPY).

The authoritative reference and input builder live on the scoring server;
editing this copy changes nothing except your own understanding.
"""

import jax, jax.numpy as jnp
import numpy as np


def bond_angles(A, B, C):
    # angle at vertex B between vectors (A-B) and (C-B)
    v1 = A - B
    v2 = C - B
    dot = jnp.sum(v1 * v2, axis=-1)
    n1 = jnp.linalg.norm(v1, axis=-1)
    n2 = jnp.linalg.norm(v2, axis=-1)
    cos = dot / (n1 * n2 + 1e-10)
    cos = jnp.clip(cos, -1.0 + 1e-7, 1.0 - 1e-7)
    return jnp.arccos(cos)


def bin_and_one_hot(tensor, bin_limits):
    # torch.bucketize(t, limits) with right=False == searchsorted side='left'
    bin_indices = jnp.searchsorted(bin_limits, tensor, side='left')
    return jax.nn.one_hot(bin_indices, bin_limits.shape[0] + 1, dtype=jnp.float32)


def setup_inputs(seed: int = 0) -> dict:
    key = jax.random.key(seed)
    k1, = jax.random.split(key, 1)
    b, n = 64, 1024
    coords = jax.random.normal(k1, (b, n, 37, 3), dtype=jnp.float32) * 3.0
    mask = jnp.ones((b, n, 37, 3), dtype=jnp.float32)
    # arange reshaped -> within each row consecutive diffs are exactly 1 (all good pairs)
    residue_pdb_idx = jnp.arange(b * n).reshape(b, n)
    return {"coords": coords, "mask": mask, "residue_pdb_idx": residue_pdb_idx}


def reference(coords, mask, residue_pdb_idx):
    a37 = coords
    # mask = mask[..., 0, 0] is computed in the original forward but never used
    _ = mask[..., 0, 0]
    N = a37[:, :, 0, :]
    CA = a37[:, :, 1, :]
    C = a37[:, :, 2, :]
    theta_1 = bond_angles(N, CA, C)
    theta_2 = bond_angles(CA[:, :-1, :], C[:, :-1, :], N[:, 1:, :])
    theta_3 = bond_angles(C[:, :-1, :], N[:, 1:, :], CA[:, 1:, :])
    idx = residue_pdb_idx
    good_pair = (idx[:, 1:] - idx[:, :-1]) == 1
    theta_2 = theta_2 * good_pair
    theta_3 = theta_3 * good_pair
    b = a37.shape[0]
    zero_pad = jnp.zeros((b, 1), dtype=theta_2.dtype)
    theta_2 = jnp.concatenate([theta_2, zero_pad], axis=-1)
    theta_3 = jnp.concatenate([theta_3, zero_pad], axis=-1)
    bb_angles = jnp.stack([theta_1, theta_2, theta_3], axis=-1)  # [b, n, 3]
    bin_limits = jnp.linspace(-jnp.pi, jnp.pi, 20)
    feats = bin_and_one_hot(bb_angles, bin_limits)  # [b, n, 3, 21]
    # einops 'b n t d -> b n (t d)'
    return feats.reshape(feats.shape[0], feats.shape[1], -1)

if __name__ == "__main__":
    import jax
    _d = setup_inputs()
    print(jax.jit(kernel)(*tuple(_d.values())))

</pallas_src>

<mosaic_0001>
#map = affine_map<(d0, d1) -> (0)>
module attributes {stable_mosaic.version = 14 : i64} {
  func.func @_sc_body(%arg0: i32, %arg1: i32, %arg2: memref<589824xf32, #tpu.memory_space<hbm>>, %arg3: memref<65536xi32, #tpu.memory_space<hbm>>, %arg4: memref<4128768xf32, #tpu.memory_space<hbm>>, %arg5: memref<18432xf32, #tpu.memory_space<vmem>>, %arg6: memref<2080xi32, #tpu.memory_space<vmem>>, %arg7: memref<64512xf32, #tpu.memory_space<vmem>>, %arg8: memref<3072xi32, #tpu.memory_space<vmem>>, %arg9: memref<!tpu.dma_semaphore, #tpu.memory_space<semaphore_mem>>, %arg10: memref<!tpu.dma_semaphore, #tpu.memory_space<semaphore_mem>>) attributes {dimension_semantics = [#tpu.dimension_semantics<core_parallel>, #tpu.dimension_semantics<subcore_parallel>], iteration_bounds = array<i64: 2, 16>, scalar_prefetch = 0 : i64, scratch_operands = 6 : i64, tpu.core_type = #tpu.core_type<sc_vector_subcore>, window_params = [{transform_indices = #map}, {transform_indices = #map}, {transform_indices = #map}]} {
    %mul3A = arith.constant 2 : i32
    %mul3A_0 = arith.muli %arg1, %mul3A : i32
    %add3A = arith.addi %mul3A_0, %arg0 : i32
    %iota3A = tpu.iota {dimensions = array<i32: 0>} : vector<16xi32>
    %broadcast_in_dim3A = arith.constant 1.000000e+00 : f32
    %broadcast_in_dim3A_1 = vector.broadcast %broadcast_in_dim3A : f32 to vector<16xf32>
    %broadcast_in_dim3A_2 = arith.constant 0.000000e+00 : f32
    %broadcast_in_dim3A_3 = vector.broadcast %broadcast_in_dim3A_2 : f32 to vector<16xf32>
    %mul3A_4 = arith.constant 2 : i32
    %mul3A_5 = arith.muli %add3A, %mul3A_4 : i32
    %add3A_6 = arith.constant 0 : i32
    %add3A_7 = arith.addi %mul3A_5, %add3A_6 : i32
    %add3A_8 = arith.constant 0 : i32
    %add3A_9 = arith.addi %add3A_8, %add3A_7 : i32
    %mul3A_10 = arith.constant 1024 : i32
    %mul3A_11 = arith.muli %add3A_9, %mul3A_10 : i32
    %add3A_12 = arith.constant 64 : i32
    %add3A_13 = arith.addi %add3A_12, %add3A_7 : i32
    %mul3A_14 = arith.constant 1024 : i32
    %mul3A_15 = arith.muli %add3A_13, %mul3A_14 : i32
    %add3A_16 = arith.constant 128 : i32
    %add3A_17 = arith.addi %add3A_16, %add3A_7 : i32
    %mul3A_18 = arith.constant 1024 : i32
    %mul3A_19 = arith.muli %add3A_17, %mul3A_18 : i32
    %add3A_20 = arith.constant 192 : i32
    %add3A_21 = arith.addi %add3A_20, %add3A_7 : i32
    %mul3A_22 = arith.constant 1024 : i32
    %mul3A_23 = arith.muli %add3A_21, %mul3A_22 : i32
    %add3A_24 = arith.constant 256 : i32
    %add3A_25 = arith.addi %add3A_24, %add3A_7 : i32
    %mul3A_26 = arith.constant 1024 : i32
    %mul3A_27 = arith.muli %add3A_25, %mul3A_26 : i32
    %add3A_28 = arith.constant 320 : i32
    %add3A_29 = arith.addi %add3A_28, %add3A_7 : i32
    %mul3A_30 = arith.constant 1024 : i32
    %mul3A_31 = arith.muli %add3A_29, %mul3A_30 : i32
    %add3A_32 = arith.constant 384 : i32
    %add3A_33 = arith.addi %add3A_32, %add3A_7 : i32
    %mul3A_34 = arith.constant 1024 : i32
    %mul3A_35 = arith.muli %add3A_33, %mul3A_34 : i32
    %add3A_36 = arith.constant 448 : i32
    %add3A_37 = arith.addi %add3A_36, %add3A_7 : i32
    %mul3A_38 = arith.constant 1024 : i32
    %mul3A_39 = arith.muli %add3A_37, %mul3A_38 : i32
    %add3A_40 = arith.constant 512 : i32
    %add3A_41 = arith.addi %add3A_40, %add3A_7 : i32
    %mul3A_42 = arith.constant 1024 : i32
    %mul3A_43 = arith.muli %add3A_41, %mul3A_42 : i32
    %mul3A_44 = arith.constant 1024 : i32
    %mul3A_45 = arith.muli %add3A_7, %mul3A_44 : i32
    %dma_start3A = arith.constant 0 : i32
    %dma_start3A_46 = tpu.memref_slice %arg5[%dma_start3A] : memref<18432xf32, #tpu.memory_space<vmem>> -> memref<1024xf32, #tpu.memory_space<vmem>>
    %dma_start3A_47 = tpu.memref_slice %arg2[%mul3A_11] : memref<589824xf32, #tpu.memory_space<hbm>> -> memref<1024xf32, #tpu.memory_space<hbm>>
    %dma_start3A_48 = arith.constant 0 : i32
    %dma_start3A_49 = tpu.memref_slice %arg5[%dma_start3A_48] : memref<18432xf32, #tpu.memory_space<vmem>> -> memref<1024xf32, #tpu.memory_space<vmem>>
    %dma_start3A_50 = tpu.memref_slice %arg2[%mul3A_11] : memref<589824xf32, #tpu.memory_space<hbm>> -> memref<1024xf32, #tpu.memory_space<hbm>>
    tpu.enqueue_dma source(%dma_start3A_50 : memref<1024xf32, #tpu.memory_space<hbm>>) target(%dma_start3A_49 : memref<1024xf32, #tpu.memory_space<vmem>>) target_semaphore(%arg10 : memref<!tpu.dma_semaphore, #tpu.memory_space<semaphore_mem>>)
    %dma_start3A_51 = arith.constant 1024 : i32
    %dma_start3A_52 = tpu.memref_slice %arg5[%dma_start3A_51] : memref<18432xf32, #tpu.memory_space<vmem>> -> memref<1024xf32, #tpu.memory_space<vmem>>
    %dma_start3A_53 = tpu.memref_slice %arg2[%mul3A_15] : memref<589824xf32, #tpu.memory_space<hbm>> -> memref<1024xf32, #tpu.memory_space<hbm>>
    %dma_start3A_54 = arith.constant 1024 : i32
    %dma_start3A_55 = tpu.memref_slice %arg5[%dma_start3A_54] : memref<18432xf32, #tpu.memory_space<vmem>> -> memref<1024xf32, #tpu.memory_space<vmem>>
    %dma_start3A_56 = tpu.memref_slice %arg2[%mul3A_15] : memref<589824xf32, #tpu.memory_space<hbm>> -> memref<1024xf32, #tpu.memory_space<hbm>>
    tpu.enqueue_dma source(%dma_start3A_56 : memref<1024xf32, #tpu.memory_space<hbm>>) target(%dma_start3A_55 : memref<1024xf32, #tpu.memory_space<vmem>>) target_semaphore(%arg10 : memref<!tpu.dma_semaphore, #tpu.memory_space<semaphore_mem>>)
    %dma_start3A_57 = arith.constant 2048 : i32
    %dma_start3A_58 = tpu.memref_slice %arg5[%dma_start3A_57] : memref<18432xf32, #tpu.memory_space<vmem>> -> memref<1024xf32, #tpu.memory_space<vmem>>
    %dma_start3A_59 = tpu.memref_slice %arg2[%mul3A_19] : memref<589824xf32, #tpu.memory_space<hbm>> -> memref<1024xf32, #tpu.memory_space<hbm>>
    %dma_start3A_60 = arith.constant 2048 : i32
    %dma_start3A_61 = tpu.memref_slice %arg5[%dma_start3A_60] : memref<18432xf32, #tpu.memory_space<vmem>> -> memref<1024xf32, #tpu.memory_space<vmem>>
    %dma_start3A_62 = tpu.memref_slice %arg2[%mul3A_19] : memref<589824xf32, #tpu.memory_space<hbm>> -> memref<1024xf32, #tpu.memory_space<hbm>>
    tpu.enqueue_dma source(%dma_start3A_62 : memref<1024xf32, #tpu.memory_space<hbm>>) target(%dma_start3A_61 : memref<1024xf32, #tpu.memory_space<vmem>>) target_semaphore(%arg10 : memref<!tpu.dma_semaphore, #tpu.memory_space<semaphore_mem>>)
    %dma_start3A_63 = arith.constant 3072 : i32
    %dma_start3A_64 = tpu.memref_slice %arg5[%dma_start3A_63] : memref<18432xf32, #tpu.memory_space<vmem>> -> memref<1024xf32, #tpu.memory_space<vmem>>
    %dma_start3A_65 = tpu.memref_slice %arg2[%mul3A_23] : memref<589824xf32, #tpu.memory_space<hbm>> -> memref<1024xf32, #tpu.memory_space<hbm>>
    %dma_start3A_66 = arith.constant 3072 : i32
    %dma_start3A_67 = tpu.memref_slice %arg5[%dma_start3A_66] : memref<18432xf32, #tpu.memory_space<vmem>> -> memref<1024xf32, #tpu.memory_space<vmem>>
    %dma_start3A_68 = tpu.memref_slice %arg2[%mul3A_23] : memref<589824xf32, #tpu.memory_space<hbm>> -> memref<1024xf32, #tpu.memory_space<hbm>>
    tpu.enqueue_dma source(%dma_start3A_68 : memref<1024xf32, #tpu.memory_space<hbm>>) target(%dma_start3A_67 : memref<1024xf32, #tpu.memory_space<vmem>>) target_semaphore(%arg10 : memref<!tpu.dma_semaphore, #tpu.memory_space<semaphore_mem>>)
    %dma_start3A_69 = arith.constant 4096 : i32
    %dma_start3A_70 = tpu.memref_slice %arg5[%dma_start3A_69] : memref<18432xf32, #tpu.memory_space<vmem>> -> memref<1024xf32, #tpu.memory_space<vmem>>
    %dma_start3A_71 = tpu.memref_slice %arg2[%mul3A_27] : memref<589824xf32, #tpu.memory_space<hbm>> -> memref<1024xf32, #tpu.memory_space<hbm>>
    %dma_start3A_72 = arith.constant 4096 : i32
    %dma_start3A_73 = tpu.memref_slice %arg5[%dma_start3A_72] : memref<18432xf32, #tpu.memory_space<vmem>> -> memref<1024xf32, #tpu.memory_space<vmem>>
    %dma_start3A_74 = tpu.memref_slice %arg2[%mul3A_27] : memref<589824xf32, #tpu.memory_space<hbm>> -> memref<1024xf32, #tpu.memory_space<hbm>>
    tpu.enqueue_dma source(%dma_start3A_74 : memref<1024xf32, #tpu.memory_space<hbm>>) target(%dma_start3A_73 : memref<1024xf32, #tpu.memory_space<vmem>>) target_semaphore(%arg10 : memref<!tpu.dma_semaphore, #tpu.memory_space<semaphore_mem>>)
    %dma_start3A_75 = arith.constant 5120 : i32
    %dma_start3A_76 = tpu.memref_slice %arg5[%dma_start3A_75] : memref<18432xf32, #tpu.memory_space<vmem>> -> memref<1024xf32, #tpu.memory_space<vmem>>
    %dma_start3A_77 = tpu.memref_slice %arg2[%mul3A_31] : memref<589824xf32, #tpu.memory_space<hbm>> -> memref<1024xf32, #tpu.memory_space<hbm>>
    %dma_start3A_78 = arith.constant 5120 : i32
    %dma_start3A_79 = tpu.memref_slice %arg5[%dma_start3A_78] : memref<18432xf32, #tpu.memory_space<vmem>> -> memref<1024xf32, #tpu.memory_space<vmem>>
    %dma_start3A_80 = tpu.memref_slice %arg2[%mul3A_31] : memref<589824xf32, #tpu.memory_space<hbm>> -> memref<1024xf32, #tpu.memory_space<hbm>>
    tpu.enqueue_dma source(%dma_start3A_80 : memref<1024xf32, #tpu.memory_space<hbm>>) target(%dma_start3A_79 : memref<1024xf32, #tpu.memory_space<vmem>>) target_semaphore(%arg10 : memref<!tpu.dma_semaphore, #tpu.memory_space<semaphore_mem>>)
    %dma_start3A_81 = arith.constant 6144 : i32
    %dma_start3A_82 = tpu.memref_slice %arg5[%dma_start3A_81] : memref<18432xf32, #tpu.memory_space<vmem>> -> memref<1024xf32, #tpu.memory_space<vmem>>
    %dma_start3A_83 = tpu.memref_slice %arg2[%mul3A_35] : memref<589824xf32, #tpu.memory_space<hbm>> -> memref<1024xf32, #tpu.memory_space<hbm>>
    %dma_start3A_84 = arith.constant 6144 : i32
    %dma_start3A_85 = tpu.memref_slice %arg5[%dma_start3A_84] : memref<18432xf32, #tpu.memory_space<vmem>> -> memref<1024xf32, #tpu.memory_space<vmem>>
    %dma_start3A_86 = tpu.memref_slice %arg2[%mul3A_35] : memref<589824xf32, #tpu.memory_space<hbm>> -> memref<1024xf32, #tpu.memory_space<hbm>>
    tpu.enqueue_dma source(%dma_start3A_86 : memref<1024xf32, #tpu.memory_space<hbm>>) target(%dma_start3A_85 : memref<1024xf32, #tpu.memory_space<vmem>>) target_semaphore(%arg10 : memref<!tpu.dma_semaphore, #tpu.memory_space<semaphore_mem>>)
    %dma_start3A_87 = arith.constant 7168 : i32
    %dma_start3A_88 = tpu.memref_slice %arg5[%dma_start3A_87] : memref<18432xf32, #tpu.memory_space<vmem>> -> memref<1024xf32, #tpu.memory_space<vmem>>
    %dma_start3A_89 = tpu.memref_slice %arg2[%mul3A_39] : memref<589824xf32, #tpu.memory_space<hbm>> -> memref<1024xf32, #tpu.memory_space<hbm>>
    %dma_start3A_90 = arith.constant 7168 : i32
    %dma_start3A_91 = tpu.memref_slice %arg5[%dma_start3A_90] : memref<18432xf32, #tpu.memory_space<vmem>> -> memref<1024xf32, #tpu.memory_space<vmem>>
    %dma_start3A_92 = tpu.memref_slice %arg2[%mul3A_39] : memref<589824xf32, #tpu.memory_space<hbm>> -> memref<1024xf32, #tpu.memory_space<hbm>>
    tpu.enqueue_dma source(%dma_start3A_92 : memref<1024xf32, #tpu.memory_space<hbm>>) target(%dma_start3A_91 : memref<1024xf32, #tpu.memory_space<vmem>>) target_semaphore(%arg10 : memref<!tpu.dma_semaphore, #tpu.memory_space<semaphore_mem>>)
    %dma_start3A_93 = arith.constant 8192 : i32
    %dma_start3A_94 = tpu.memref_slice %arg5[%dma_start3A_93] : memref<18432xf32, #tpu.memory_space<vmem>> -> memref<1024xf32, #tpu.memory_space<vmem>>
    %dma_start3A_95 = tpu.memref_slice %arg2[%mul3A_43] : memref<589824xf32, #tpu.memory_space<hbm>> -> memref<1024xf32, #tpu.memory_space<hbm>>
    %dma_start3A_96 = arith.constant 8192 : i32
    %dma_start3A_97 = tpu.memref_slice %arg5[%dma_start3A_96] : memref<18432xf32, #tpu.memory_space<vmem>> -> memref<1024xf32, #tpu.memory_space<vmem>>
    %dma_start3A_98 = tpu.memref_slice %arg2[%mul3A_43] : memref<589824xf32, #tpu.memory_space<hbm>> -> memref<1024xf32, #tpu.memory_space<hbm>>
    tpu.enqueue_dma source(%dma_start3A_98 : memref<1024xf32, #tpu.memory_space<hbm>>) target(%dma_start3A_97 : memref<1024xf32, #tpu.memory_space<vmem>>) target_semaphore(%arg10 : memref<!tpu.dma_semaphore, #tpu.memory_space<semaphore_mem>>)
    %dma_start3A_99 = arith.constant 0 : i32
    %dma_start3A_100 = tpu.memref_slice %arg6[%dma_start3A_99] : memref<2080xi32, #tpu.memory_space<vmem>> -> memref<1024xi32, #tpu.memory_space<vmem>>
    %dma_start3A_101 = tpu.memref_slice %arg3[%mul3A_45] : memref<65536xi32, #tpu.memory_space<hbm>> -> memref<1024xi32, #tpu.memory_space<hbm>>
    %dma_start3A_102 = arith.constant 0 : i32
    %dma_start3A_103 = tpu.memref_slice %arg6[%dma_start3A_102] : memref<2080xi32, #tpu.memory_space<vmem>> -> memref<1024xi32, #tpu.memory_space<vmem>>
    %dma_start3A_104 = tpu.memref_slice %arg3[%mul3A_45] : memref<65536xi32, #tpu.memory_space<hbm>> -> memref<1024xi32, #tpu.memory_space<hbm>>
    tpu.enqueue_dma source(%dma_start3A_104 : memref<1024xi32, #tpu.memory_space<hbm>>) target(%dma_start3A_103 : memref<1024xi32, #tpu.memory_space<vmem>>) target_semaphore(%arg10 : memref<!tpu.dma_semaphore, #tpu.memory_space<semaphore_mem>>)
    %scan3A = arith.constant 0 : i32
    %scan3A_105 = arith.constant 0 : i32
    %scan3A_106 = arith.constant 1008 : i32
    %scan3A_107 = arith.addi %scan3A_105, %scan3A_106 : i32
    %scan3A_108 = arith.constant 1 : i32
    scf.for %scan3A_2379 = %scan3A_105 to %scan3A_107 step %scan3A_108  : i32 {
      %mul3A_2380 = arith.constant 64 : i32
      %mul3A_2381 = arith.muli %scan3A_2379, %mul3A_2380 : i32
      %swap3A = arith.index_cast %mul3A_2381 : i32 to index
      %swap3A_2382 = tpu.vector_load %arg7[%swap3A] {strides = array<i32>} : memref<64512xf32, #tpu.memory_space<vmem>>, vector<16xf32>,
      tpu.vector_store %arg7[%swap3A], %broadcast_in_dim3A_3 {strides = array<i32>} : memref<64512xf32, #tpu.memory_space<vmem>>, vector<16xf32>,
      %mul3A_2383 = arith.constant 64 : i32
      %mul3A_2384 = arith.muli %scan3A_2379, %mul3A_2383 : i32
      %add3A_2385 = arith.constant 16 : i32
      %add3A_2386 = arith.addi %mul3A_2384, %add3A_2385 : i32
      %swap3A_2387 = arith.index_cast %add3A_2386 : i32 to index
      %swap3A_2388 = tpu.vector_load %arg7[%swap3A_2387] {strides = array<i32>} : memref<64512xf32, #tpu.memory_space<vmem>>, vector<16xf32>,
      tpu.vector_store %arg7[%swap3A_2387], %broadcast_in_dim3A_3 {strides = array<i32>} : memref<64512xf32, #tpu.memory_space<vmem>>, vector<16xf32>,
      %mul3A_2389 = arith.constant 64 : i32
      %mul3A_2390 = arith.muli %scan3A_2379, %mul3A_2389 : i32
      %add3A_2391 = arith.constant 32 : i32
      %add3A_2392 = arith.addi %mul3A_2390, %add3A_2391 : i32
      %swap3A_2393 = arith.index_cast %add3A_2392 : i32 to index
      %swap3A_2394 = tpu.vector_load %arg7[%swap3A_2393] {strides = array<i32>} : memref<64512xf32, #tpu.memory_space<vmem>>, vector<16xf32>,
      tpu.vector_store %arg7[%swap3A_2393], %broadcast_in_dim3A_3 {strides = array<i32>} : memref<64512xf32, #tpu.memory_space<vmem>>, vector<16xf32>,
      %mul3A_2395 = arith.constant 64 : i32
      %mul3A_2396 = arith.muli %scan3A_2379, %mul3A_2395 : i32
      %add3A_2397 = arith.constant 48 : i32
      %add3A_2398 = arith.addi %mul3A_2396, %add3A_2397 : i32
      %swap3A_2399 = arith.index_cast %add3A_2398 : i32 to index
      %swap3A_2400 = tpu.vector_load %arg7[%swap3A_2399] {strides = array<i32>} : memref<64512xf32, #tpu.memory_space<vmem>>, vector<16xf32>,
      tpu.vector_store %arg7[%swap3A_2399], %broadcast_in_dim3A_3 {strides = array<i32>} : memref<64512xf32, #tpu.memory_space<vmem>>, vector<16xf32>,
    }
    %scan3A_109 = arith.constant 1008 : i32
    %mul3A_110 = arith.constant 2 : i32
    %mul3A_111 = arith.muli %add3A, %mul3A_110 : i32
    %add3A_112 = arith.constant 0 : i32
    %add3A_113 = arith.addi %mul3A_111, %add3A_112 : i32
    %dma_wait3A = arith.constant 0 : i32
    %dma_wait3A_114 = tpu.memref_slice %arg5[%dma_wait3A] : memref<18432xf32, #tpu.memory_space<vmem>> -> memref<1024xf32, #tpu.memory_space<vmem>>
    %dma_wait3A_115 = tpu.memref_slice %arg2[%mul3A_11] : memref<589824xf32, #tpu.memory_space<hbm>> -> memref<1024xf32, #tpu.memory_space<hbm>>
    %dma_wait3A_116 = arith.constant 0 : i32
    %dma_wait3A_117 = tpu.memref_slice %arg5[%dma_wait3A_116] : memref<18432xf32, #tpu.memory_space<vmem>> -> memref<1024xf32, #tpu.memory_space<vmem>>
    %dma_wait3A_118 = tpu.memref_slice %arg2[%mul3A_11] : memref<589824xf32, #tpu.memory_space<hbm>> -> memref<1024xf32, #tpu.memory_space<hbm>>
    tpu.wait_dma2 semaphore(%arg10 : memref<!tpu.dma_semaphore, #tpu.memory_space<semaphore_mem>>) src(%dma_wait3A_118 : memref<1024xf32, #tpu.memory_space<hbm>>) dst(%dma_wait3A_117 : memref<1024xf32, #tpu.memory_space<vmem>>)
    %dma_wait3A_119 = arith.constant 1024 : i32
    %dma_wait3A_120 = tpu.memref_slice %arg5[%dma_wait3A_119] : memref<18432xf32, #tpu.memory_space<vmem>> -> memref<1024xf32, #tpu.memory_space<vmem>>
    %dma_wait3A_121 = tpu.memref_slice %arg2[%mul3A_15] : memref<589824xf32, #tpu.memory_space<hbm>> -> memref<1024xf32, #tpu.memory_space<hbm>>
    %dma_wait3A_122 = arith.constant 1024 : i32
    %dma_wait3A_123 = tpu.memref_slice %arg5[%dma_wait3A_122] : memref<18432xf32, #tpu.memory_space<vmem>> -> memref<1024xf32, #tpu.memory_space<vmem>>
    %dma_wait3A_124 = tpu.memref_slice %arg2[%mul3A_15] : memref<589824xf32, #tpu.memory_space<hbm>> -> memref<1024xf32, #tpu.memory_space<hbm>>
    tpu.wait_dma2 semaphore(%arg10 : memref<!tpu.dma_semaphore, #tpu.memory_space<semaphore_mem>>) src(%dma_wait3A_124 : memref<1024xf32, #tpu.memory_space<hbm>>) dst(%dma_wait3A_123 : memref<1024xf32, #tpu.memory_space<vmem>>)
    %dma_wait3A_125 = arith.constant 2048 : i32
    %dma_wait3A_126 = tpu.memref_slice %arg5[%dma_wait3A_125] : memref<18432xf32, #tpu.memory_space<vmem>> -> memref<1024xf32, #tpu.memory_space<vmem>>
    %dma_wait3A_127 = tpu.memref_slice %arg2[%mul3A_19] : memref<589824xf32, #tpu.memory_space<hbm>> -> memref<1024xf32, #tpu.memory_space<hbm>>
    %dma_wait3A_128 = arith.constant 2048 : i32
    %dma_wait3A_129 = tpu.memref_slice %arg5[%dma_wait3A_128] : memref<18432xf32, #tpu.memory_space<vmem>> -> memref<1024xf32, #tpu.memory_space<vmem>>
    %dma_wait3A_130 = tpu.memref_slice %arg2[%mul3A_19] : memref<589824xf32, #tpu.memory_space<hbm>> -> memref<1024xf32, #tpu.memory_space<hbm>>
    tpu.wait_dma2 semaphore(%arg10 : memref<!tpu.dma_semaphore, #tpu.memory_space<semaphore_mem>>) src(%dma_wait3A_130 : memref<1024xf32, #tpu.memory_space<hbm>>) dst(%dma_wait3A_129 : memref<1024xf32, #tpu.memory_space<vmem>>)
    %dma_wait3A_131 = arith.constant 3072 : i32
    %dma_wait3A_132 = tpu.memref_slice %arg5[%dma_wait3A_131] : memref<18432xf32, #tpu.memory_space<vmem>> -> memref<1024xf32, #tpu.memory_space<vmem>>
    %dma_wait3A_133 = tpu.memref_slice %arg2[%mul3A_23] : memref<589824xf32, #tpu.memory_space<hbm>> -> memref<1024xf32, #tpu.memory_space<hbm>>
    %dma_wait3A_134 = arith.constant 3072 : i32
    %dma_wait3A_135 = tpu.memref_slice %arg5[%dma_wait3A_134] : memref<18432xf32, #tpu.memory_space<vmem>> -> memref<1024xf32, #tpu.memory_space<vmem>>
    %dma_wait3A_136 = tpu.memref_slice %arg2[%mul3A_23] : memref<589824xf32, #tpu.memory_space<hbm>> -> memref<1024xf32, #tpu.memory_space<hbm>>
    tpu.wait_dma2 semaphore(%arg10 : memref<!tpu.dma_semaphore, #tpu.memory_space<semaphore_mem>>) src(%dma_wait3A_136 : memref<1024xf32, #tpu.memory_space<hbm>>) dst(%dma_wait3A_135 : memref<1024xf32, #tpu.memory_space<vmem>>)
    %dma_wait3A_137 = arith.constant 4096 : i32
    %dma_wait3A_138 = tpu.memref_slice %arg5[%dma_wait3A_137] : memref<18432xf32, #tpu.memory_space<vmem>> -> memref<1024xf32, #tpu.memory_space<vmem>>
    %dma_wait3A_139 = tpu.memref_slice %arg2[%mul3A_27] : memref<589824xf32, #tpu.memory_space<hbm>> -> memref<1024xf32, #tpu.memory_space<hbm>>
    %dma_wait3A_140 = arith.constant 4096 : i32
    %dma_wait3A_141 = tpu.memref_slice %arg5[%dma_wait3A_140] : memref<18432xf32, #tpu.memory_space<vmem>> -> memref<1024xf32, #tpu.memory_space<vmem>>
    %dma_wait3A_142 = tpu.memref_slice %arg2[%mul3A_27] : memref<589824xf32, #tpu.memory_space<hbm>> -> memref<1024xf32, #tpu.memory_space<hbm>>
    tpu.wait_dma2 semaphore(%arg10 : memref<!tpu.dma_semaphore, #tpu.memory_space<semaphore_mem>>) src(%dma_wait3A_142 : memref<1024xf32, #tpu.memory_space<hbm>>) dst(%dma_wait3A_141 : memref<1024xf32, #tpu.memory_space<vmem>>)
    %dma_wait3A_143 = arith.constant 5120 : i32
    %dma_wait3A_144 = tpu.memref_slice %arg5[%dma_wait3A_143] : memref<18432xf32, #tpu.memory_space<vmem>> -> memref<1024xf32, #tpu.memory_space<vmem>>
    %dma_wait3A_145 = tpu.memref_slice %arg2[%mul3A_31] : memref<589824xf32, #tpu.memory_space<hbm>> -> memref<1024xf32, #tpu.memory_space<hbm>>
    %dma_wait3A_146 = arith.constant 5120 : i32
    %dma_wait3A_147 = tpu.memref_slice %arg5[%dma_wait3A_146] : memref<18432xf32, #tpu.memory_space<vmem>> -> memref<1024xf32, #tpu.memory_space<vmem>>
    %dma_wait3A_148 = tpu.memref_slice %arg2[%mul3A_31] : memref<589824xf32, #tpu.memory_space<hbm>> -> memref<1024xf32, #tpu.memory_space<hbm>>
    tpu.wait_dma2 semaphore(%arg10 : memref<!tpu.dma_semaphore, #tpu.memory_space<semaphore_mem>>) src(%dma_wait3A_148 : memref<1024xf32, #tpu.memory_space<hbm>>) dst(%dma_wait3A_147 : memref<1024xf32, #tpu.memory_space<vmem>>)
    %dma_wait3A_149 = arith.constant 6144 : i32
    %dma_wait3A_150 = tpu.memref_slice %arg5[%dma_wait3A_149] : memref<18432xf32, #tpu.memory_space<vmem>> -> memref<1024xf32, #tpu.memory_space<vmem>>
    %dma_wait3A_151 = tpu.memref_slice %arg2[%mul3A_35] : memref<589824xf32, #tpu.memory_space<hbm>> -> memref<1024xf32, #tpu.memory_space<hbm>>
    %dma_wait3A_152 = arith.constant 6144 : i32
    %dma_wait3A_153 = tpu.memref_slice %arg5[%dma_wait3A_152] : memref<18432xf32, #tpu.memory_space<vmem>> -> memref<1024xf32, #tpu.memory_space<vmem>>
    %dma_wait3A_154 = tpu.memref_slice %arg2[%mul3A_35] : memref<589824xf32, #tpu.memory_space<hbm>> -> memref<1024xf32, #tpu.memory_space<hbm>>
    tpu.wait_dma2 semaphore(%arg10 : memref<!tpu.dma_semaphore, #tpu.memory_space<semaphore_mem>>) src(%dma_wait3A_154 : memref<1024xf32, #tpu.memory_space<hbm>>) dst(%dma_wait3A_153 : memref<1024xf32, #tpu.memory_space<vmem>>)
    %dma_wait3A_155 = arith.constant 7168 : i32
    %dma_wait3A_156 = tpu.memref_slice %arg5[%dma_wait3A_155] : memref<18432xf32, #tpu.memory_space<vmem>> -> memref<1024xf32, #tpu.memory_space<vmem>>
    %dma_wait3A_157 = tpu.memref_slice %arg2[%mul3A_39] : memref<589824xf32, #tpu.memory_space<hbm>> -> memref<1024xf32, #tpu.memory_space<hbm>>
    %dma_wait3A_158 = arith.constant 7168 : i32
    %dma_wait3A_159 = tpu.memref_slice %arg5[%dma_wait3A_158] : memref<18432xf32, #tpu.memory_space<vmem>> -> memref<1024xf32, #tpu.memory_space<vmem>>
    %dma_wait3A_160 = tpu.memref_slice %arg2[%mul3A_39] : memref<589824xf32, #tpu.memory_space<hbm>> -> memref<1024xf32, #tpu.memory_space<hbm>>
    tpu.wait_dma2 semaphore(%arg10 : memref<!tpu.dma_semaphore, #tpu.memory_space<semaphore_mem>>) src(%dma_wait3A_160 : memref<1024xf32, #tpu.memory_space<hbm>>) dst(%dma_wait3A_159 : memref<1024xf32, #tpu.memory_space<vmem>>)
    %dma_wait3A_161 = arith.constant 8192 : i32
    %dma_wait3A_162 = tpu.memref_slice %arg5[%dma_wait3A_161] : memref<18432xf32, #tpu.memory_space<vmem>> -> memref<1024xf32, #tpu.memory_space<vmem>>
    %dma_wait3A_163 = tpu.memref_slice %arg2[%mul3A_43] : memref<589824xf32, #tpu.memory_space<hbm>> -> memref<1024xf32, #tpu.memory_space<hbm>>
    %dma_wait3A_164 = arith.constant 8192 : i32
    %dma_wait3A_165 = tpu.memref_slice %arg5[%dma_wait3A_164] : memref<18432xf32, #tpu.memory_space<vmem>> -> memref<1024xf32, #tpu.memory_space<vmem>>
    %dma_wait3A_166 = tpu.memref_slice %arg2[%mul3A_43] : memref<589824xf32, #tpu.memory_space<hbm>> -> memref<1024xf32, #tpu.memory_space<hbm>>
    tpu.wait_dma2 semaphore(%arg10 : memref<!tpu.dma_semaphore, #tpu.memory_space<semaphore_mem>>) src(%dma_wait3A_166 : memref<1024xf32, #tpu.memory_space<hbm>>) dst(%dma_wait3A_165 : memref<1024xf32, #tpu.memory_space<vmem>>)
    %dma_wait3A_167 = arith.constant 0 : i32
    %dma_wait3A_168 = tpu.memref_slice %arg6[%dma_wait3A_167] : memref<2080xi32, #tpu.memory_space<vmem>> -> memref<1024xi32, #tpu.memory_space<vmem>>
    %dma_wait3A_169 = tpu.memref_slice %arg3[%mul3A_45] : memref<65536xi32, #tpu.memory_space<hbm>> -> memref<1024xi32, #tpu.memory_space<hbm>>
    %dma_wait3A_170 = arith.constant 0 : i32
    %dma_wait3A_171 = tpu.memref_slice %arg6[%dma_wait3A_170] : memref<2080xi32, #tpu.memory_space<vmem>> -> memref<1024xi32, #tpu.memory_space<vmem>>
    %dma_wait3A_172 = tpu.memref_slice %arg3[%mul3A_45] : memref<65536xi32, #tpu.memory_space<hbm>> -> memref<1024xi32, #tpu.memory_space<hbm>>
    tpu.wait_dma2 semaphore(%arg10 : memref<!tpu.dma_semaphore, #tpu.memory_space<semaphore_mem>>) src(%dma_wait3A_172 : memref<1024xi32, #tpu.memory_space<hbm>>) dst(%dma_wait3A_171 : memref<1024xi32, #tpu.memory_space<vmem>>)
    %mul3A_173 = arith.constant 2 : i32
    %mul3A_174 = arith.muli %add3A, %mul3A_173 : i32
    %add3A_175 = arith.constant 1 : i32
    %add3A_176 = arith.addi %mul3A_174, %add3A_175 : i32
    %add3A_177 = arith.constant 0 : i32
    %add3A_178 = arith.addi %add3A_177, %add3A_176 : i32
    %mul3A_179 = arith.constant 1024 : i32
    %mul3A_180 = arith.muli %add3A_178, %mul3A_179 : i32
    %add3A_181 = arith.constant 64 : i32
    %add3A_182 = arith.addi %add3A_181, %add3A_176 : i32
    %mul3A_183 = arith.constant 1024 : i32
    %mul3A_184 = arith.muli %add3A_182, %mul3A_183 : i32
    %add3A_185 = arith.constant 128 : i32
    %add3A_186 = arith.addi %add3A_185, %add3A_176 : i32
    %mul3A_187 = arith.constant 1024 : i32
    %mul3A_188 = arith.muli %add3A_186, %mul3A_187 : i32
    %add3A_189 = arith.constant 192 : i32
    %add3A_190 = arith.addi %add3A_189, %add3A_176 : i32
    %mul3A_191 = arith.constant 1024 : i32
    %mul3A_192 = arith.muli %add3A_190, %mul3A_191 : i32
    %add3A_193 = arith.constant 256 : i32
    %add3A_194 = arith.addi %add3A_193, %add3A_176 : i32
    %mul3A_195 = arith.constant 1024 : i32
    %mul3A_196 = arith.muli %add3A_194, %mul3A_195 : i32
    %add3A_197 = arith.constant 320 : i32
    %add3A_198 = arith.addi %add3A_197, %add3A_176 : i32
    %mul3A_199 = arith.constant 1024 : i32
    %mul3A_200 = arith.muli %add3A_198, %mul3A_199 : i32
    %add3A_201 = arith.constant 384 : i32
    %add3A_202 = arith.addi %add3A_201, %add3A_176 : i32
    %mul3A_203 = arith.constant 1024 : i32
    %mul3A_204 = arith.muli %add3A_202, %mul3A_203 : i32
    %add3A_205 = arith.constant 448 : i32
    %add3A_206 = arith.addi %add3A_205, %add3A_176 : i32
    %mul3A_207 = arith.constant 1024 : i32
    %mul3A_208 = arith.muli %add3A_206, %mul3A_207 : i32
    %add3A_209 = arith.constant 512 : i32
    %add3A_210 = arith.addi %add3A_209, %add3A_176 : i32
    %mul3A_211 = arith.constant 1024 : i32
    %mul3A_212 = arith.muli %add3A_210, %mul3A_211 : i32
    %mul3A_213 = arith.constant 1024 : i32
    %mul3A_214 = arith.muli %add3A_176, %mul3A_213 : i32
    %dma_start3A_215 = arith.constant 9216 : i32
    %dma_start3A_216 = tpu.memref_slice %arg5[%dma_start3A_215] : memref<18432xf32, #tpu.memory_space<vmem>> -> memref<1024xf32, #tpu.memory_space<vmem>>
    %dma_start3A_217 = tpu.memref_slice %arg2[%mul3A_180] : memref<589824xf32, #tpu.memory_space<hbm>> -> memref<1024xf32, #tpu.memory_space<hbm>>
    %dma_start3A_218 = arith.constant 9216 : i32
    %dma_start3A_219 = tpu.memref_slice %arg5[%dma_start3A_218] : memref<18432xf32, #tpu.memory_space<vmem>> -> memref<1024xf32, #tpu.memory_space<vmem>>
    %dma_start3A_220 = tpu.memref_slice %arg2[%mul3A_180] : memref<589824xf32, #tpu.memory_space<hbm>> -> memref<1024xf32, #tpu.memory_space<hbm>>
    tpu.enqueue_dma source(%dma_start3A_220 : memref<1024xf32, #tpu.memory_space<hbm>>) target(%dma_start3A_219 : memref<1024xf32, #tpu.memory_space<vmem>>) target_semaphore(%arg10 : memref<!tpu.dma_semaphore, #tpu.memory_space<semaphore_mem>>)
    %dma_start3A_221 = arith.constant 10240 : i32
    %dma_start3A_222 = tpu.memref_slice %arg5[%dma_start3A_221] : memref<18432xf32, #tpu.memory_space<vmem>> -> memref<1024xf32, #tpu.memory_space<vmem>>
    %dma_start3A_223 = tpu.memref_slice %arg2[%mul3A_184] : memref<589824xf32, #tpu.memory_space<hbm>> -> memref<1024xf32, #tpu.memory_space<hbm>>
    %dma_start3A_224 = arith.constant 10240 : i32
    %dma_start3A_225 = tpu.memref_slice %arg5[%dma_start3A_224] : memref<18432xf32, #tpu.memory_space<vmem>> -> memref<1024xf32, #tpu.memory_space<vmem>>
    %dma_start3A_226 = tpu.memref_slice %arg2[%mul3A_184] : memref<589824xf32, #tpu.memory_space<hbm>> -> memref<1024xf32, #tpu.memory_space<hbm>>
    tpu.enqueue_dma source(%dma_start3A_226 : memref<1024xf32, #tpu.memory_space<hbm>>) target(%dma_start3A_225 : memref<1024xf32, #tpu.memory_space<vmem>>) target_semaphore(%arg10 : memref<!tpu.dma_semaphore, #tpu.memory_space<semaphore_mem>>)
    %dma_start3A_227 = arith.constant 11264 : i32
    %dma_start3A_228 = tpu.memref_slice %arg5[%dma_start3A_227] : memref<18432xf32, #tpu.memory_space<vmem>> -> memref<1024xf32, #tpu.memory_space<vmem>>
    %dma_start3A_229 = tpu.memref_slice %arg2[%mul3A_188] : memref<589824xf32, #tpu.memory_space<hbm>> -> memref<1024xf32, #tpu.memory_space<hbm>>
    %dma_start3A_230 = arith.constant 11264 : i32
    %dma_start3A_231 = tpu.memref_slice %arg5[%dma_start3A_230] : memref<18432xf32, #tpu.memory_space<vmem>> -> memref<1024xf32, #tpu.memory_space<vmem>>
    %dma_start3A_232 = tpu.memref_slice %arg2[%mul3A_188] : memref<589824xf32, #tpu.memory_space<hbm>> -> memref<1024xf32, #tpu.memory_space<hbm>>
    tpu.enqueue_dma source(%dma_start3A_232 : memref<1024xf32, #tpu.memory_space<hbm>>) target(%dma_start3A_231 : memref<1024xf32, #tpu.memory_space<vmem>>) target_semaphore(%arg10 : memref<!tpu.dma_semaphore, #tpu.memory_space<semaphore_mem>>)
    %dma_start3A_233 = arith.constant 12288 : i32
    %dma_start3A_234 = tpu.memref_slice %arg5[%dma_start3A_233] : memref<18432xf32, #tpu.memory_space<vmem>> -> memref<1024xf32, #tpu.memory_space<vmem>>
    %dma_start3A_235 = tpu.memref_slice %arg2[%mul3A_192] : memref<589824xf32, #tpu.memory_space<hbm>> -> memref<1024xf32, #tpu.memory_space<hbm>>
    %dma_start3A_236 = arith.constant 12288 : i32
    %dma_start3A_237 = tpu.memref_slice %arg5[%dma_start3A_236] : memref<18432xf32, #tpu.memory_space<vmem>> -> memref<1024xf32, #tpu.memory_space<vmem>>
    %dma_start3A_238 = tpu.memref_slice %arg2[%mul3A_192] : memref<589824xf32, #tpu.memory_space<hbm>> -> memref<1024xf32, #tpu.memory_space<hbm>>
    tpu.enqueue_dma source(%dma_start3A_238 : memref<1024xf32, #tpu.memory_space<hbm>>) target(%dma_start3A_237 : memref<1024xf32, #tpu.memory_space<vmem>>) target_semaphore(%arg10 : memref<!tpu.dma_semaphore, #tpu.memory_space<semaphore_mem>>)
    %dma_start3A_239 = arith.constant 13312 : i32
    %dma_start3A_240 = tpu.memref_slice %arg5[%dma_start3A_239] : memref<18432xf32, #tpu.memory_space<vmem>> -> memref<1024xf32, #tpu.memory_space<vmem>>
    %dma_start3A_241 = tpu.memref_slice %arg2[%mul3A_196] : memref<589824xf32, #tpu.memory_space<hbm>> -> memref<1024xf32, #tpu.memory_space<hbm>>
    %dma_start3A_242 = arith.constant 13312 : i32
    %dma_start3A_243 = tpu.memref_slice %arg5[%dma_start3A_242] : memref<18432xf32, #tpu.memory_space<vmem>> -> memref<1024xf32, #tpu.memory_space<vmem>>
    %dma_start3A_244 = tpu.memref_slice %arg2[%mul3A_196] : memref<589824xf32, #tpu.memory_space<hbm>> -> memref<1024xf32, #tpu.memory_space<hbm>>
    tpu.enqueue_dma source(%dma_start3A_244 : memref<1024xf32, #tpu.memory_space<hbm>>) target(%dma_start3A_243 : memref<1024xf32, #tpu.memory_space<vmem>>) target_semaphore(%arg10 : memref<!tpu.dma_semaphore, #tpu.memory_space<semaphore_mem>>)
    %dma_start3A_245 = arith.constant 14336 : i32
    %dma_start3A_246 = tpu.memref_slice %arg5[%dma_start3A_245] : memref<18432xf32, #tpu.memory_space<vmem>> -> memref<1024xf32, #tpu.memory_space<vmem>>
    %dma_start3A_247 = tpu.memref_slice %arg2[%mul3A_200] : memref<589824xf32, #tpu.memory_space<hbm>> -> memref<1024xf32, #tpu.memory_space<hbm>>
    %dma_start3A_248 = arith.constant 14336 : i32
    %dma_start3A_249 = tpu.memref_slice %arg5[%dma_start3A_248] : memref<18432xf32, #tpu.memory_space<vmem>> -> memref<1024xf32, #tpu.memory_space<vmem>>
    %dma_start3A_250 = tpu.memref_slice %arg2[%mul3A_200] : memref<589824xf32, #tpu.memory_space<hbm>> -> memref<1024xf32, #tpu.memory_space<hbm>>
    tpu.enqueue_dma source(%dma_start3A_250 : memref<1024xf32, #tpu.memory_space<hbm>>) target(%dma_start3A_249 : memref<1024xf32, #tpu.memory_space<vmem>>) target_semaphore(%arg10 : memref<!tpu.dma_semaphore, #tpu.memory_space<semaphore_mem>>)
    %dma_start3A_251 = arith.constant 15360 : i32
    %dma_start3A_252 = tpu.memref_slice %arg5[%dma_start3A_251] : memref<18432xf32, #tpu.memory_space<vmem>> -> memref<1024xf32, #tpu.memory_space<vmem>>
    %dma_start3A_253 = tpu.memref_slice %arg2[%mul3A_204] : memref<589824xf32, #tpu.memory_space<hbm>> -> memref<1024xf32, #tpu.memory_space<hbm>>
    %dma_start3A_254 = arith.constant 15360 : i32
    %dma_start3A_255 = tpu.memref_slice %arg5[%dma_start3A_254] : memref<18432xf32, #tpu.memory_space<vmem>> -> memref<1024xf32, #tpu.memory_space<vmem>>
    %dma_start3A_256 = tpu.memref_slice %arg2[%mul3A_204] : memref<589824xf32, #tpu.memory_space<hbm>> -> memref<1024xf32, #tpu.memory_space<hbm>>
    tpu.enqueue_dma source(%dma_start3A_256 : memref<1024xf32, #tpu.memory_space<hbm>>) target(%dma_start3A_255 : memref<1024xf32, #tpu.memory_space<vmem>>) target_semaphore(%arg10 : memref<!tpu.dma_semaphore, #tpu.memory_space<semaphore_mem>>)
    %dma_start3A_257 = arith.constant 16384 : i32
    %dma_start3A_258 = tpu.memref_slice %arg5[%dma_start3A_257] : memref<18432xf32, #tpu.memory_space<vmem>> -> memref<1024xf32, #tpu.memory_space<vmem>>
    %dma_start3A_259 = tpu.memref_slice %arg2[%mul3A_208] : memref<589824xf32, #tpu.memory_space<hbm>> -> memref<1024xf32, #tpu.memory_space<hbm>>
    %dma_start3A_260 = arith.constant 16384 : i32
    %dma_start3A_261 = tpu.memref_slice %arg5[%dma_start3A_260] : memref<18432xf32, #tpu.memory_space<vmem>> -> memref<1024xf32, #tpu.memory_space<vmem>>
    %dma_start3A_262 = tpu.memref_slice %arg2[%mul3A_208] : memref<589824xf32, #tpu.memory_space<hbm>> -> memref<1024xf32, #tpu.memory_space<hbm>>
    tpu.enqueue_dma source(%dma_start3A_262 : memref<1024xf32, #tpu.memory_space<hbm>>) target(%dma_start3A_261 : memref<1024xf32, #tpu.memory_space<vmem>>) target_semaphore(%arg10 : memref<!tpu.dma_semaphore, #tpu.memory_space<semaphore_mem>>)
    %dma_start3A_263 = arith.constant 17408 : i32
    %dma_start3A_264 = tpu.memref_slice %arg5[%dma_start3A_263] : memref<18432xf32, #tpu.memory_space<vmem>> -> memref<1024xf32, #tpu.memory_space<vmem>>
    %dma_start3A_265 = tpu.memref_slice %arg2[%mul3A_212] : memref<589824xf32, #tpu.memory_space<hbm>> -> memref<1024xf32, #tpu.memory_space<hbm>>
    %dma_start3A_266 = arith.constant 17408 : i32
    %dma_start3A_267 = tpu.memref_slice %arg5[%dma_start3A_266] : memref<18432xf32, #tpu.memory_space<vmem>> -> memref<1024xf32, #tpu.memory_space<vmem>>
    %dma_start3A_268 = tpu.memref_slice %arg2[%mul3A_212] : memref<589824xf32, #tpu.memory_space<hbm>> -> memref<1024xf32, #tpu.memory_space<hbm>>
    tpu.enqueue_dma source(%dma_start3A_268 : memref<1024xf32, #tpu.memory_space<hbm>>) target(%dma_start3A_267 : memref<1024xf32, #tpu.memory_space<vmem>>) target_semaphore(%arg10 : memref<!tpu.dma_semaphore, #tpu.memory_space<semaphore_mem>>)
    %dma_start3A_269 = arith.constant 1040 : i32
    %dma_start3A_270 = tpu.memref_slice %arg6[%dma_start3A_269] : memref<2080xi32, #tpu.memory_space<vmem>> -> memref<1024xi32, #tpu.memory_space<vmem>>
    %dma_start3A_271 = tpu.memref_slice %arg3[%mul3A_214] : memref<65536xi32, #tpu.memory_space<hbm>> -> memref<1024xi32, #tpu.memory_space<hbm>>
    %dma_start3A_272 = arith.constant 1040 : i32
    %dma_start3A_273 = tpu.memref_slice %arg6[%dma_start3A_272] : memref<2080xi32, #tpu.memory_space<vmem>> -> memref<1024xi32, #tpu.memory_space<vmem>>
    %dma_start3A_274 = tpu.memref_slice %arg3[%mul3A_214] : memref<65536xi32, #tpu.memory_space<hbm>> -> memref<1024xi32, #tpu.memory_space<hbm>>
    tpu.enqueue_dma source(%dma_start3A_274 : memref<1024xi32, #tpu.memory_space<hbm>>) target(%dma_start3A_273 : memref<1024xi32, #tpu.memory_space<vmem>>) target_semaphore(%arg10 : memref<!tpu.dma_semaphore, #tpu.memory_space<semaphore_mem>>)
    %scan3A_275 = arith.constant 0 : i32
    %scan3A_276 = arith.constant 0 : i32
    %scan3A_277 = arith.constant 64 : i32
    %scan3A_278 = arith.addi %scan3A_276, %scan3A_277 : i32
    %scan3A_279 = arith.constant 1 : i32
    scf.for %scan3A_2379 = %scan3A_276 to %scan3A_278 step %scan3A_279  : i32 {
      %mul3A_2380 = arith.constant 16 : i32
      %mul3A_2381 = arith.muli %scan3A_2379, %mul3A_2380 : i32
      %add3A_2382 = vector.broadcast %mul3A_2381 : i32 to vector<16xi32>
      %add3A_2383 = arith.addi %add3A_2382, %iota3A : vector<16xi32>
      %add3A_2384 = arith.constant 0 : i32
      %add3A_2385 = arith.addi %add3A_2384, %mul3A_2381 : i32
      %get3A = arith.index_cast %add3A_2385 : i32 to index
      %get3A_2386 = tpu.vector_load %arg5[%get3A] {strides = array<i32>} : memref<18432xf32, #tpu.memory_space<vmem>>, vector<16xf32>,
      %add3A_2387 = arith.constant 1024 : i32
      %add3A_2388 = arith.addi %add3A_2387, %mul3A_2381 : i32
      %get3A_2389 = arith.index_cast %add3A_2388 : i32 to index
      %get3A_2390 = tpu.vector_load %arg5[%get3A_2389] {strides = array<i32>} : memref<18432xf32, #tpu.memory_space<vmem>>, vector<16xf32>,
      %add3A_2391 = arith.constant 2048 : i32
      %add3A_2392 = arith.addi %add3A_2391, %mul3A_2381 : i32
      %get3A_2393 = arith.index_cast %add3A_2392 : i32 to index
      %get3A_2394 = tpu.vector_load %arg5[%get3A_2393] {strides = array<i32>} : memref<18432xf32, #tpu.memory_space<vmem>>, vector<16xf32>,
      %add3A_2395 = arith.constant 3072 : i32
      %add3A_2396 = arith.addi %add3A_2395, %mul3A_2381 : i32
      %get3A_2397 = arith.index_cast %add3A_2396 : i32 to index
      %get3A_2398 = tpu.vector_load %arg5[%get3A_2397] {strides = array<i32>} : memref<18432xf32, #tpu.memory_space<vmem>>, vector<16xf32>,
      %add3A_2399 = arith.constant 4096 : i32
      %add3A_2400 = arith.addi %add3A_2399, %mul3A_2381 : i32
      %get3A_2401 = arith.index_cast %add3A_2400 : i32 to index
      %get3A_2402 = tpu.vector_load %arg5[%get3A_2401] {strides = array<i32>} : memref<18432xf32, #tpu.memory_space<vmem>>, vector<16xf32>,
      %add3A_2403 = arith.constant 5120 : i32
      %add3A_2404 = arith.addi %add3A_2403, %mul3A_2381 : i32
      %get3A_2405 = arith.index_cast %add3A_2404 : i32 to index
      %get3A_2406 = tpu.vector_load %arg5[%get3A_2405] {strides = array<i32>} : memref<18432xf32, #tpu.memory_space<vmem>>, vector<16xf32>,
      %add3A_2407 = arith.constant 6144 : i32
      %add3A_2408 = arith.addi %add3A_2407, %mul3A_2381 : i32
      %get3A_2409 = arith.index_cast %add3A_2408 : i32 to index
      %get3A_2410 = tpu.vector_load %arg5[%get3A_2409] {strides = array<i32>} : memref<18432xf32, #tpu.memory_space<vmem>>, vector<16xf32>,
      %add3A_2411 = arith.constant 7168 : i32
      %add3A_2412 = arith.addi %add3A_2411, %mul3A_2381 : i32
      %get3A_2413 = arith.index_cast %add3A_2412 : i32 to index
      %get3A_2414 = tpu.vector_load %arg5[%get3A_2413] {strides = array<i32>} : memref<18432xf32, #tpu.memory_space<vmem>>, vector<16xf32>,
      %add3A_2415 = arith.constant 8192 : i32
      %add3A_2416 = arith.addi %add3A_2415, %mul3A_2381 : i32
      %get3A_2417 = arith.index_cast %add3A_2416 : i32 to index
      %get3A_2418 = tpu.vector_load %arg5[%get3A_2417] {strides = array<i32>} : memref<18432xf32, #tpu.memory_space<vmem>>, vector<16xf32>,
      %add3A_2419 = arith.constant 0 : i32
      %add3A_2420 = arith.addi %add3A_2419, %mul3A_2381 : i32
      %add3A_2421 = arith.constant 1 : i32
      %add3A_2422 = arith.addi %add3A_2420, %add3A_2421 : i32
      %get3A_2423 = arith.index_cast %add3A_2422 : i32 to index
      %get3A_2424 = tpu.vector_load %arg5[%get3A_2423] {strides = array<i32>} : memref<18432xf32, #tpu.memory_space<vmem>>, vector<16xf32>,
      %add3A_2425 = arith.constant 1024 : i32
      %add3A_2426 = arith.addi %add3A_2425, %mul3A_2381 : i32
      %add3A_2427 = arith.constant 1 : i32
      %add3A_2428 = arith.addi %add3A_2426, %add3A_2427 : i32
      %get3A_2429 = arith.index_cast %add3A_2428 : i32 to index
      %get3A_2430 = tpu.vector_load %arg5[%get3A_2429] {strides = array<i32>} : memref<18432xf32, #tpu.memory_space<vmem>>, vector<16xf32>,
      %add3A_2431 = arith.constant 2048 : i32
      %add3A_2432 = arith.addi %add3A_2431, %mul3A_2381 : i32
      %add3A_2433 = arith.constant 1 : i32
      %add3A_2434 = arith.addi %add3A_2432, %add3A_2433 : i32
      %get3A_2435 = arith.index_cast %add3A_2434 : i32 to index
      %get3A_2436 = tpu.vector_load %arg5[%get3A_2435] {strides = array<i32>} : memref<18432xf32, #tpu.memory_space<vmem>>, vector<16xf32>,
      %add3A_2437 = arith.constant 3072 : i32
      %add3A_2438 = arith.addi %add3A_2437, %mul3A_2381 : i32
      %add3A_2439 = arith.constant 1 : i32
      %add3A_2440 = arith.addi %add3A_2438, %add3A_2439 : i32
      %get3A_2441 = arith.index_cast %add3A_2440 : i32 to index
      %get3A_2442 = tpu.vector_load %arg5[%get3A_2441] {strides = array<i32>} : memref<18432xf32, #tpu.memory_space<vmem>>, vector<16xf32>,
      %add3A_2443 = arith.constant 4096 : i32
      %add3A_2444 = arith.addi %add3A_2443, %mul3A_2381 : i32
      %add3A_2445 = arith.constant 1 : i32
      %add3A_2446 = arith.addi %add3A_2444, %add3A_2445 : i32
      %get3A_2447 = arith.index_cast %add3A_2446 : i32 to index
      %get3A_2448 = tpu.vector_load %arg5[%get3A_2447] {strides = array<i32>} : memref<18432xf32, #tpu.memory_space<vmem>>, vector<16xf32>,
      %add3A_2449 = arith.constant 5120 : i32
      %add3A_2450 = arith.addi %add3A_2449, %mul3A_2381 : i32
      %add3A_2451 = arith.constant 1 : i32
      %add3A_2452 = arith.addi %add3A_2450, %add3A_2451 : i32
      %get3A_2453 = arith.index_cast %add3A_2452 : i32 to index
      %get3A_2454 = tpu.vector_load %arg5[%get3A_2453] {strides = array<i32>} : memref<18432xf32, #tpu.memory_space<vmem>>, vector<16xf32>,
      %sub3A = arith.subf %get3A_2386, %get3A_2398 : vector<16xf32>
      %sub3A_2455 = arith.subf %get3A_2390, %get3A_2402 : vector<16xf32>
      %sub3A_2456 = arith.subf %get3A_2394, %get3A_2406 : vector<16xf32>
      %sub3A_2457 = arith.subf %get3A_2410, %get3A_2398 : vector<16xf32>
      %sub3A_2458 = arith.subf %get3A_2414, %get3A_2402 : vector<16xf32>
      %sub3A_2459 = arith.subf %get3A_2418, %get3A_2406 : vector<16xf32>
      %mul3A_2460 = arith.mulf %sub3A, %sub3A_2457 : vector<16xf32>
      %mul3A_2461 = arith.mulf %sub3A_2455, %sub3A_2458 : vector<16xf32>
      %add3A_2462 = arith.addf %mul3A_2460, %mul3A_2461 : vector<16xf32>
      %mul3A_2463 = arith.mulf %sub3A_2456, %sub3A_2459 : vector<16xf32>
      %add3A_2464 = arith.addf %add3A_2462, %mul3A_2463 : vector<16xf32>
      %mul3A_2465 = arith.mulf %sub3A, %sub3A : vector<16xf32>
      %mul3A_2466 = arith.mulf %sub3A_2455, %sub3A_2455 : vector<16xf32>
      %add3A_2467 = arith.addf %mul3A_2465, %mul3A_2466 : vector<16xf32>
      %mul3A_2468 = arith.mulf %sub3A_2456, %sub3A_2456 : vector<16xf32>
      %add3A_2469 = arith.addf %add3A_2467, %mul3A_2468 : vector<16xf32>
      %mul3A_2470 = arith.mulf %sub3A_2457, %sub3A_2457 : vector<16xf32>
      %mul3A_2471 = arith.mulf %sub3A_2458, %sub3A_2458 : vector<16xf32>
      %add3A_2472 = arith.addf %mul3A_2470, %mul3A_2471 : vector<16xf32>
      %mul3A_2473 = arith.mulf %sub3A_2459, %sub3A_2459 : vector<16xf32>
      %add3A_2474 = arith.addf %add3A_2472, %mul3A_2473 : vector<16xf32>
      %mul3A_2475 = arith.mulf %add3A_2469, %add3A_2474 : vector<16xf32>
      %sub3A_2476 = arith.subf %get3A_2398, %get3A_2410 : vector<16xf32>
      %sub3A_2477 = arith.subf %get3A_2402, %get3A_2414 : vector<16xf32>
      %sub3A_2478 = arith.subf %get3A_2406, %get3A_2418 : vector<16xf32>
      %sub3A_2479 = arith.subf %get3A_2424, %get3A_2410 : vector<16xf32>
      %sub3A_2480 = arith.subf %get3A_2430, %get3A_2414 : vector<16xf32>
      %sub3A_2481 = arith.subf %get3A_2436, %get3A_2418 : vector<16xf32>
      %mul3A_2482 = arith.mulf %sub3A_2476, %sub3A_2479 : vector<16xf32>
      %mul3A_2483 = arith.mulf %sub3A_2477, %sub3A_2480 : vector<16xf32>
      %add3A_2484 = arith.addf %mul3A_2482, %mul3A_2483 : vector<16xf32>
      %mul3A_2485 = arith.mulf %sub3A_2478, %sub3A_2481 : vector<16xf32>
      %add3A_2486 = arith.addf %add3A_2484, %mul3A_2485 : vector<16xf32>
      %mul3A_2487 = arith.mulf %sub3A_2476, %sub3A_2476 : vector<16xf32>
      %mul3A_2488 = arith.mulf %sub3A_2477, %sub3A_2477 : vector<16xf32>
      %add3A_2489 = arith.addf %mul3A_2487, %mul3A_2488 : vector<16xf32>
      %mul3A_2490 = arith.mulf %sub3A_2478, %sub3A_2478 : vector<16xf32>
      %add3A_2491 = arith.addf %add3A_2489, %mul3A_2490 : vector<16xf32>
      %mul3A_2492 = arith.mulf %sub3A_2479, %sub3A_2479 : vector<16xf32>
      %mul3A_2493 = arith.mulf %sub3A_2480, %sub3A_2480 : vector<16xf32>
      %add3A_2494 = arith.addf %mul3A_2492, %mul3A_2493 : vector<16xf32>
      %mul3A_2495 = arith.mulf %sub3A_2481, %sub3A_2481 : vector<16xf32>
      %add3A_2496 = arith.addf %add3A_2494, %mul3A_2495 : vector<16xf32>
      %mul3A_2497 = arith.mulf %add3A_2491, %add3A_2496 : vector<16xf32>
      %sub3A_2498 = arith.subf %get3A_2410, %get3A_2424 : vector<16xf32>
      %sub3A_2499 = arith.subf %get3A_2414, %get3A_2430 : vector<16xf32>
      %sub3A_2500 = arith.subf %get3A_2418, %get3A_2436 : vector<16xf32>
      %sub3A_2501 = arith.subf %get3A_2442, %get3A_2424 : vector<16xf32>
      %sub3A_2502 = arith.subf %get3A_2448, %get3A_2430 : vector<16xf32>
      %sub3A_2503 = arith.subf %get3A_2454, %get3A_2436 : vector<16xf32>
      %mul3A_2504 = arith.mulf %sub3A_2498, %sub3A_2501 : vector<16xf32>
      %mul3A_2505 = arith.mulf %sub3A_2499, %sub3A_2502 : vector<16xf32>
      %add3A_2506 = arith.addf %mul3A_2504, %mul3A_2505 : vector<16xf32>
      %mul3A_2507 = arith.mulf %sub3A_2500, %sub3A_2503 : vector<16xf32>
      %add3A_2508 = arith.addf %add3A_2506, %mul3A_2507 : vector<16xf32>
      %mul3A_2509 = arith.mulf %sub3A_2498, %sub3A_2498 : vector<16xf32>
      %mul3A_2510 = arith.mulf %sub3A_2499, %sub3A_2499 : vector<16xf32>
      %add3A_2511 = arith.addf %mul3A_2509, %mul3A_2510 : vector<16xf32>
      %mul3A_2512 = arith.mulf %sub3A_2500, %sub3A_2500 : vector<16xf32>
      %add3A_2513 = arith.addf %add3A_2511, %mul3A_2512 : vector<16xf32>
      %mul3A_2514 = arith.mulf %sub3A_2501, %sub3A_2501 : vector<16xf32>
      %mul3A_2515 = arith.mulf %sub3A_2502, %sub3A_2502 : vector<16xf32>
      %add3A_2516 = arith.addf %mul3A_2514, %mul3A_2515 : vector<16xf32>
      %mul3A_2517 = arith.mulf %sub3A_2503, %sub3A_2503 : vector<16xf32>
      %add3A_2518 = arith.addf %add3A_2516, %mul3A_2517 : vector<16xf32>
      %mul3A_2519 = arith.mulf %add3A_2513, %add3A_2518 : vector<16xf32>
      %add3A_2520 = arith.constant 0 : i32
      %add3A_2521 = arith.addi %add3A_2520, %mul3A_2381 : i32
      %get3A_2522 = arith.index_cast %add3A_2521 : i32 to index
      %get3A_2523 = tpu.vector_load %arg6[%get3A_2522] {strides = array<i32>} : memref<2080xi32, #tpu.memory_space<vmem>>, vector<16xi32>,
      %add3A_2524 = arith.constant 0 : i32
      %add3A_2525 = arith.addi %add3A_2524, %mul3A_2381 : i32
      %add3A_2526 = arith.constant 1 : i32
      %add3A_2527 = arith.addi %add3A_2525, %add3A_2526 : i32
      %get3A_2528 = arith.index_cast %add3A_2527 : i32 to index
      %get3A_2529 = tpu.vector_load %arg6[%get3A_2528] {strides = array<i32>} : memref<2080xi32, #tpu.memory_space<vmem>>, vector<16xi32>,
      %sub3A_2530 = arith.subi %get3A_2529, %get3A_2523 : vector<16xi32>
      %eq3A = arith.constant 1 : i32
      %eq3A_2531 = vector.broadcast %eq3A : i32 to vector<16xi32>
      %eq3A_2532 = arith.cmpi eq, %sub3A_2530, %eq3A_2531 : vector<16xi32>
      %ne3A = arith.constant 1023 : i32
      %ne3A_2533 = vector.broadcast %ne3A : i32 to vector<16xi32>
      %ne3A_2534 = arith.cmpi ne, %add3A_2383, %ne3A_2533 : vector<16xi32>
      %and3A = arith.andi %eq3A_2532, %ne3A_2534 : vector<16xi1>
      %mul3A_2535 = arith.mulf %add3A_2464, %add3A_2464 : vector<16xf32>
      %div3A = arith.divf %mul3A_2535, %mul3A_2475 : vector<16xf32>
      %lt3A = arith.constant 0.000000e+00 : f32
      %lt3A_2536 = vector.broadcast %lt3A : f32 to vector<16xf32>
      %lt3A_2537 = arith.cmpf olt, %add3A_2464, %lt3A_2536 : vector<16xf32>
      %broadcast_in_dim3A_2538 = arith.constant 10 : i32
      %broadcast_in_dim3A_2539 = vector.broadcast %broadcast_in_dim3A_2538 : i32 to vector<16xi32>
      %lt3A_2540 = arith.constant 0.972908675 : f32
      %lt3A_2541 = vector.broadcast %lt3A_2540 : f32 to vector<16xf32>
      %lt3A_2542 = arith.cmpf olt, %div3A, %lt3A_2541 : vector<16xf32>
      %or3A = arith.ori %lt3A_2537, %lt3A_2542 : vector<16xi1>
      %jit3A = arith.constant 1 : i32
      %jit3A_2543 = arith.constant 0 : i32
      %broadcast_in_dim3A_2544 = vector.broadcast %jit3A : i32 to vector<16xi32>
      %broadcast_in_dim3A_2545 = vector.broadcast %jit3A_2543 : i32 to vector<16xi32>
      %select_n3A = arith.select %or3A, %broadcast_in_dim3A_2544, %broadcast_in_dim3A_2545 : vector<16xi1>, vector<16xi32>
      %add3A_2546 = arith.addi %broadcast_in_dim3A_2539, %select_n3A : vector<16xi32>
      %lt3A_2547 = arith.constant 0.773474156 : f32
      %lt3A_2548 = vector.broadcast %lt3A_2547 : f32 to vector<16xf32>
      %lt3A_2549 = arith.cmpf olt, %div3A, %lt3A_2548 : vector<16xf32>
      %or3A_2550 = arith.ori %lt3A_2537, %lt3A_2549 : vector<16xi1>
      %jit3A_2551 = arith.constant 1 : i32
      %jit3A_2552 = arith.constant 0 : i32
      %broadcast_in_dim3A_2553 = vector.broadcast %jit3A_2551 : i32 to vector<16xi32>
      %broadcast_in_dim3A_2554 = vector.broadcast %jit3A_2552 : i32 to vector<16xi32>
      %select_n3A_2555 = arith.select %or3A_2550, %broadcast_in_dim3A_2553, %broadcast_in_dim3A_2554 : vector<16xi1>, vector<16xi32>
      %add3A_2556 = arith.addi %add3A_2546, %select_n3A_2555 : vector<16xi32>
      %lt3A_2557 = arith.constant 0.458710462 : f32
      %lt3A_2558 = vector.broadcast %lt3A_2557 : f32 to vector<16xf32>
      %lt3A_2559 = arith.cmpf olt, %div3A, %lt3A_2558 : vector<16xf32>
      %or3A_2560 = arith.ori %lt3A_2537, %lt3A_2559 : vector<16xi1>
      %jit3A_2561 = arith.constant 1 : i32
      %jit3A_2562 = arith.constant 0 : i32
      %broadcast_in_dim3A_2563 = vector.broadcast %jit3A_2561 : i32 to vector<16xi32>
      %broadcast_in_dim3A_2564 = vector.broadcast %jit3A_2562 : i32 to vector<16xi32>
      %select_n3A_2565 = arith.select %or3A_2560, %broadcast_in_dim3A_2563, %broadcast_in_dim3A_2564 : vector<16xi1>, vector<16xi32>
      %add3A_2566 = arith.addi %add3A_2556, %select_n3A_2565 : vector<16xi32>
      %lt3A_2567 = arith.constant 0.161359131 : f32
      %lt3A_2568 = vector.broadcast %lt3A_2567 : f32 to vector<16xf32>
      %lt3A_2569 = arith.cmpf olt, %div3A, %lt3A_2568 : vector<16xf32>
      %or3A_2570 = arith.ori %lt3A_2537, %lt3A_2569 : vector<16xi1>
      %jit3A_2571 = arith.constant 1 : i32
      %jit3A_2572 = arith.constant 0 : i32
      %broadcast_in_dim3A_2573 = vector.broadcast %jit3A_2571 : i32 to vector<16xi32>
      %broadcast_in_dim3A_2574 = vector.broadcast %jit3A_2572 : i32 to vector<16xi32>
      %select_n3A_2575 = arith.select %or3A_2570, %broadcast_in_dim3A_2573, %broadcast_in_dim3A_2574 : vector<16xi1>, vector<16xi32>
      %add3A_2576 = arith.addi %add3A_2566, %select_n3A_2575 : vector<16xi32>
      %lt3A_2577 = arith.constant 6.819370e-03 : f32
      %lt3A_2578 = vector.broadcast %lt3A_2577 : f32 to vector<16xf32>
      %lt3A_2579 = arith.cmpf olt, %div3A, %lt3A_2578 : vector<16xf32>
      %or3A_2580 = arith.ori %lt3A_2537, %lt3A_2579 : vector<16xi1>
      %jit3A_2581 = arith.constant 1 : i32
      %jit3A_2582 = arith.constant 0 : i32
      %broadcast_in_dim3A_2583 = vector.broadcast %jit3A_2581 : i32 to vector<16xi32>
      %broadcast_in_dim3A_2584 = vector.broadcast %jit3A_2582 : i32 to vector<16xi32>
      %select_n3A_2585 = arith.select %or3A_2580, %broadcast_in_dim3A_2583, %broadcast_in_dim3A_2584 : vector<16xi1>, vector<16xi32>
      %add3A_2586 = arith.addi %add3A_2576, %select_n3A_2585 : vector<16xi32>
      %gt3A = arith.constant 0.0602629445 : f32
      %gt3A_2587 = vector.broadcast %gt3A : f32 to vector<16xf32>
      %gt3A_2588 = arith.cmpf ogt, %div3A, %gt3A_2587 : vector<16xf32>
      %and3A_2589 = arith.andi %lt3A_2537, %gt3A_2588 : vector<16xi1>
      %jit3A_2590 = arith.constant 1 : i32
      %jit3A_2591 = arith.constant 0 : i32
      %broadcast_in_dim3A_2592 = vector.broadcast %jit3A_2590 : i32 to vector<16xi32>
      %broadcast_in_dim3A_2593 = vector.broadcast %jit3A_2591 : i32 to vector<16xi32>
      %select_n3A_2594 = arith.select %and3A_2589, %broadcast_in_dim3A_2592, %broadcast_in_dim3A_2593 : vector<16xi1>, vector<16xi32>
      %add3A_2595 = arith.addi %add3A_2586, %select_n3A_2594 : vector<16xi32>
      %gt3A_2596 = arith.constant 0.299152166 : f32
      %gt3A_2597 = vector.broadcast %gt3A_2596 : f32 to vector<16xf32>
      %gt3A_2598 = arith.cmpf ogt, %div3A, %gt3A_2597 : vector<16xf32>
      %and3A_2599 = arith.andi %lt3A_2537, %gt3A_2598 : vector<16xi1>
      %jit3A_2600 = arith.constant 1 : i32
      %jit3A_2601 = arith.constant 0 : i32
      %broadcast_in_dim3A_2602 = vector.broadcast %jit3A_2600 : i32 to vector<16xi32>
      %broadcast_in_dim3A_2603 = vector.broadcast %jit3A_2601 : i32 to vector<16xi32>
      %select_n3A_2604 = arith.select %and3A_2599, %broadcast_in_dim3A_2602, %broadcast_in_dim3A_2603 : vector<16xi1>, vector<16xi32>
      %add3A_2605 = arith.addi %add3A_2595, %select_n3A_2604 : vector<16xi32>
      %gt3A_2606 = arith.constant 0.622742831 : f32
      %gt3A_2607 = vector.broadcast %gt3A_2606 : f32 to vector<16xf32>
      %gt3A_2608 = arith.cmpf ogt, %div3A, %gt3A_2607 : vector<16xf32>
      %and3A_2609 = arith.andi %lt3A_2537, %gt3A_2608 : vector<16xi1>
      %jit3A_2610 = arith.constant 1 : i32
      %jit3A_2611 = arith.constant 0 : i32
      %broadcast_in_dim3A_2612 = vector.broadcast %jit3A_2610 : i32 to vector<16xi32>
      %broadcast_in_dim3A_2613 = vector.broadcast %jit3A_2611 : i32 to vector<16xi32>
      %select_n3A_2614 = arith.select %and3A_2609, %broadcast_in_dim3A_2612, %broadcast_in_dim3A_2613 : vector<16xi1>, vector<16xi32>
      %add3A_2615 = arith.addi %add3A_2605, %select_n3A_2614 : vector<16xi32>
      %gt3A_2616 = arith.constant 0.894570171 : f32
      %gt3A_2617 = vector.broadcast %gt3A_2616 : f32 to vector<16xf32>
      %gt3A_2618 = arith.cmpf ogt, %div3A, %gt3A_2617 : vector<16xf32>
      %and3A_2619 = arith.andi %lt3A_2537, %gt3A_2618 : vector<16xi1>
      %jit3A_2620 = arith.constant 1 : i32
      %jit3A_2621 = arith.constant 0 : i32
      %broadcast_in_dim3A_2622 = vector.broadcast %jit3A_2620 : i32 to vector<16xi32>
      %broadcast_in_dim3A_2623 = vector.broadcast %jit3A_2621 : i32 to vector<16xi32>
      %select_n3A_2624 = arith.select %and3A_2619, %broadcast_in_dim3A_2622, %broadcast_in_dim3A_2623 : vector<16xi1>, vector<16xi32>
      %add3A_2625 = arith.addi %add3A_2615, %select_n3A_2624 : vector<16xi32>
      %mul3A_2626 = arith.mulf %add3A_2486, %add3A_2486 : vector<16xf32>
      %div3A_2627 = arith.divf %mul3A_2626, %mul3A_2497 : vector<16xf32>
      %lt3A_2628 = arith.constant 0.000000e+00 : f32
      %lt3A_2629 = vector.broadcast %lt3A_2628 : f32 to vector<16xf32>
      %lt3A_2630 = arith.cmpf olt, %add3A_2486, %lt3A_2629 : vector<16xf32>
      %broadcast_in_dim3A_2631 = arith.constant 10 : i32
      %broadcast_in_dim3A_2632 = vector.broadcast %broadcast_in_dim3A_2631 : i32 to vector<16xi32>
      %lt3A_2633 = arith.constant 0.972908675 : f32
      %lt3A_2634 = vector.broadcast %lt3A_2633 : f32 to vector<16xf32>
      %lt3A_2635 = arith.cmpf olt, %div3A_2627, %lt3A_2634 : vector<16xf32>
      %or3A_2636 = arith.ori %lt3A_2630, %lt3A_2635 : vector<16xi1>
      %jit3A_2637 = arith.constant 1 : i32
      %jit3A_2638 = arith.constant 0 : i32
      %broadcast_in_dim3A_2639 = vector.broadcast %jit3A_2637 : i32 to vector<16xi32>
      %broadcast_in_dim3A_2640 = vector.broadcast %jit3A_2638 : i32 to vector<16xi32>
      %select_n3A_2641 = arith.select %or3A_2636, %broadcast_in_dim3A_2639, %broadcast_in_dim3A_2640 : vector<16xi1>, vector<16xi32>
      %add3A_2642 = arith.addi %broadcast_in_dim3A_2632, %select_n3A_2641 : vector<16xi32>
      %lt3A_2643 = arith.constant 0.773474156 : f32
      %lt3A_2644 = vector.broadcast %lt3A_2643 : f32 to vector<16xf32>
      %lt3A_2645 = arith.cmpf olt, %div3A_2627, %lt3A_2644 : vector<16xf32>
      %or3A_2646 = arith.ori %lt3A_2630, %lt3A_2645 : vector<16xi1>
      %jit3A_2647 = arith.constant 1 : i32
      %jit3A_2648 = arith.constant 0 : i32
      %broadcast_in_dim3A_2649 = vector.broadcast %jit3A_2647 : i32 to vector<16xi32>
      %broadcast_in_dim3A_2650 = vector.broadcast %jit3A_2648 : i32 to vector<16xi32>
      %select_n3A_2651 = arith.select %or3A_2646, %broadcast_in_dim3A_2649, %broadcast_in_dim3A_2650 : vector<16xi1>, vector<16xi32>
      %add3A_2652 = arith.addi %add3A_2642, %select_n3A_2651 : vector<16xi32>
      %lt3A_2653 = arith.constant 0.458710462 : f32
      %lt3A_2654 = vector.broadcast %lt3A_2653 : f32 to vector<16xf32>
      %lt3A_2655 = arith.cmpf olt, %div3A_2627, %lt3A_2654 : vector<16xf32>
      %or3A_2656 = arith.ori %lt3A_2630, %lt3A_2655 : vector<16xi1>
      %jit3A_2657 = arith.constant 1 : i32
      %jit3A_2658 = arith.constant 0 : i32
      %broadcast_in_dim3A_2659 = vector.broadcast %jit3A_2657 : i32 to vector<16xi32>
      %broadcast_in_dim3A_2660 = vector.broadcast %jit3A_2658 : i32 to vector<16xi32>
      %select_n3A_2661 = arith.select %or3A_2656, %broadcast_in_dim3A_2659, %broadcast_in_dim3A_2660 : vector<16xi1>, vector<16xi32>
      %add3A_2662 = arith.addi %add3A_2652, %select_n3A_2661 : vector<16xi32>
      %lt3A_2663 = arith.constant 0.161359131 : f32
      %lt3A_2664 = vector.broadcast %lt3A_2663 : f32 to vector<16xf32>
      %lt3A_2665 = arith.cmpf olt, %div3A_2627, %lt3A_2664 : vector<16xf32>
      %or3A_2666 = arith.ori %lt3A_2630, %lt3A_2665 : vector<16xi1>
      %jit3A_2667 = arith.constant 1 : i32
      %jit3A_2668 = arith.constant 0 : i32
      %broadcast_in_dim3A_2669 = vector.broadcast %jit3A_2667 : i32 to vector<16xi32>
      %broadcast_in_dim3A_2670 = vector.broadcast %jit3A_2668 : i32 to vector<16xi32>
      %select_n3A_2671 = arith.select %or3A_2666, %broadcast_in_dim3A_2669, %broadcast_in_dim3A_2670 : vector<16xi1>, vector<16xi32>
      %add3A_2672 = arith.addi %add3A_2662, %select_n3A_2671 : vector<16xi32>
      %lt3A_2673 = arith.constant 6.819370e-03 : f32
      %lt3A_2674 = vector.broadcast %lt3A_2673 : f32 to vector<16xf32>
      %lt3A_2675 = arith.cmpf olt, %div3A_2627, %lt3A_2674 : vector<16xf32>
      %or3A_2676 = arith.ori %lt3A_2630, %lt3A_2675 : vector<16xi1>
      %jit3A_2677 = arith.constant 1 : i32
      %jit3A_2678 = arith.constant 0 : i32
      %broadcast_in_dim3A_2679 = vector.broadcast %jit3A_2677 : i32 to vector<16xi32>
      %broadcast_in_dim3A_2680 = vector.broadcast %jit3A_2678 : i32 to vector<16xi32>
      %select_n3A_2681 = arith.select %or3A_2676, %broadcast_in_dim3A_2679, %broadcast_in_dim3A_2680 : vector<16xi1>, vector<16xi32>
      %add3A_2682 = arith.addi %add3A_2672, %select_n3A_2681 : vector<16xi32>
      %gt3A_2683 = arith.constant 0.0602629445 : f32
      %gt3A_2684 = vector.broadcast %gt3A_2683 : f32 to vector<16xf32>
      %gt3A_2685 = arith.cmpf ogt, %div3A_2627, %gt3A_2684 : vector<16xf32>
      %and3A_2686 = arith.andi %lt3A_2630, %gt3A_2685 : vector<16xi1>
      %jit3A_2687 = arith.constant 1 : i32
      %jit3A_2688 = arith.constant 0 : i32
      %broadcast_in_dim3A_2689 = vector.broadcast %jit3A_2687 : i32 to vector<16xi32>
      %broadcast_in_dim3A_2690 = vector.broadcast %jit3A_2688 : i32 to vector<16xi32>
      %select_n3A_2691 = arith.select %and3A_2686, %broadcast_in_dim3A_2689, %broadcast_in_dim3A_2690 : vector<16xi1>, vector<16xi32>
      %add3A_2692 = arith.addi %add3A_2682, %select_n3A_2691 : vector<16xi32>
      %gt3A_2693 = arith.constant 0.299152166 : f32
      %gt3A_2694 = vector.broadcast %gt3A_2693 : f32 to vector<16xf32>
      %gt3A_2695 = arith.cmpf ogt, %div3A_2627, %gt3A_2694 : vector<16xf32>
      %and3A_2696 = arith.andi %lt3A_2630, %gt3A_2695 : vector<16xi1>
      %jit3A_2697 = arith.constant 1 : i32
      %jit3A_2698 = arith.constant 0 : i32
      %broadcast_in_dim3A_2699 = vector.broadcast %jit3A_2697 : i32 to vector<16xi32>
      %broadcast_in_dim3A_2700 = vector.broadcast %jit3A_2698 : i32 to vector<16xi32>
      %select_n3A_2701 = arith.select %and3A_2696, %broadcast_in_dim3A_2699, %broadcast_in_dim3A_2700 : vector<16xi1>, vector<16xi32>
      %add3A_2702 = arith.addi %add3A_2692, %select_n3A_2701 : vector<16xi32>
      %gt3A_2703 = arith.constant 0.622742831 : f32
      %gt3A_2704 = vector.broadcast %gt3A_2703 : f32 to vector<16xf32>
      %gt3A_2705 = arith.cmpf ogt, %div3A_2627, %gt3A_2704 : vector<16xf32>
      %and3A_2706 = arith.andi %lt3A_2630, %gt3A_2705 : vector<16xi1>
      %jit3A_2707 = arith.constant 1 : i32
      %jit3A_2708 = arith.constant 0 : i32
      %broadcast_in_dim3A_2709 = vector.broadcast %jit3A_2707 : i32 to vector<16xi32>
      %broadcast_in_dim3A_2710 = vector.broadcast %jit3A_2708 : i32 to vector<16xi32>
      %select_n3A_2711 = arith.select %and3A_2706, %broadcast_in_dim3A_2709, %broadcast_in_dim3A_2710 : vector<16xi1>, vector<16xi32>
      %add3A_2712 = arith.addi %add3A_2702, %select_n3A_2711 : vector<16xi32>
      %gt3A_2713 = arith.constant 0.894570171 : f32
      %gt3A_2714 = vector.broadcast %gt3A_2713 : f32 to vector<16xf32>
      %gt3A_2715 = arith.cmpf ogt, %div3A_2627, %gt3A_2714 : vector<16xf32>
      %and3A_2716 = arith.andi %lt3A_2630, %gt3A_2715 : vector<16xi1>
      %jit3A_2717 = arith.constant 1 : i32
      %jit3A_2718 = arith.constant 0 : i32
      %broadcast_in_dim3A_2719 = vector.broadcast %jit3A_2717 : i32 to vector<16xi32>
      %broadcast_in_dim3A_2720 = vector.broadcast %jit3A_2718 : i32 to vector<16xi32>
      %select_n3A_2721 = arith.select %and3A_2716, %broadcast_in_dim3A_2719, %broadcast_in_dim3A_2720 : vector<16xi1>, vector<16xi32>
      %add3A_2722 = arith.addi %add3A_2712, %select_n3A_2721 : vector<16xi32>
      %jit3A_2723 = arith.constant 10 : i32
      %broadcast_in_dim3A_2724 = vector.broadcast %jit3A_2723 : i32 to vector<16xi32>
      %select_n3A_2725 = arith.select %and3A, %add3A_2722, %broadcast_in_dim3A_2724 : vector<16xi1>, vector<16xi32>
      %mul3A_2726 = arith.mulf %add3A_2508, %add3A_2508 : vector<16xf32>
      %div3A_2727 = arith.divf %mul3A_2726, %mul3A_2519 : vector<16xf32>
      %lt3A_2728 = arith.constant 0.000000e+00 : f32
      %lt3A_2729 = vector.broadcast %lt3A_2728 : f32 to vector<16xf32>
      %lt3A_2730 = arith.cmpf olt, %add3A_2508, %lt3A_2729 : vector<16xf32>
      %broadcast_in_dim3A_2731 = arith.constant 10 : i32
      %broadcast_in_dim3A_2732 = vector.broadcast %broadcast_in_dim3A_2731 : i32 to vector<16xi32>
      %lt3A_2733 = arith.constant 0.972908675 : f32
      %lt3A_2734 = vector.broadcast %lt3A_2733 : f32 to vector<16xf32>
      %lt3A_2735 = arith.cmpf olt, %div3A_2727, %lt3A_2734 : vector<16xf32>
      %or3A_2736 = arith.ori %lt3A_2730, %lt3A_2735 : vector<16xi1>
      %jit3A_2737 = arith.constant 1 : i32
      %jit3A_2738 = arith.constant 0 : i32
      %broadcast_in_dim3A_2739 = vector.broadcast %jit3A_2737 : i32 to vector<16xi32>
      %broadcast_in_dim3A_2740 = vector.broadcast %jit3A_2738 : i32 to vector<16xi32>
      %select_n3A_2741 = arith.select %or3A_2736, %broadcast_in_dim3A_2739, %broadcast_in_dim3A_2740 : vector<16xi1>, vector<16xi32>
      %add3A_2742 = arith.addi %broadcast_in_dim3A_2732, %select_n3A_2741 : vector<16xi32>
      %lt3A_2743 = arith.constant 0.773474156 : f32
      %lt3A_2744 = vector.broadcast %lt3A_2743 : f32 to vector<16xf32>
      %lt3A_2745 = arith.cmpf olt, %div3A_2727, %lt3A_2744 : vector<16xf32>
      %or3A_2746 = arith.ori %lt3A_2730, %lt3A_2745 : vector<16xi1>
      %jit3A_2747 = arith.constant 1 : i32
      %jit3A_2748 = arith.constant 0 : i32
      %broadcast_in_dim3A_2749 = vector.broadcast %jit3A_2747 : i32 to vector<16xi32>
      %broadcast_in_dim3A_2750 = vector.broadcast %jit3A_2748 : i32 to vector<16xi32>
      %select_n3A_2751 = arith.select %or3A_2746, %broadcast_in_dim3A_2749, %broadcast_in_dim3A_2750 : vector<16xi1>, vector<16xi32>
      %add3A_2752 = arith.addi %add3A_2742, %select_n3A_2751 : vector<16xi32>
      %lt3A_2753 = arith.constant 0.458710462 : f32
      %lt3A_2754 = vector.broadcast %lt3A_2753 : f32 to vector<16xf32>
      %lt3A_2755 = arith.cmpf olt, %div3A_2727, %lt3A_2754 : vector<16xf32>
      %or3A_2756 = arith.ori %lt3A_2730, %lt3A_2755 : vector<16xi1>
      %jit3A_2757 = arith.constant 1 : i32
      %jit3A_2758 = arith.constant 0 : i32
      %broadcast_in_dim3A_2759 = vector.broadcast %jit3A_2757 : i32 to vector<16xi32>
      %broadcast_in_dim3A_2760 = vector.broadcast %jit3A_2758 : i32 to vector<16xi32>
      %select_n3A_2761 = arith.select %or3A_2756, %broadcast_in_dim3A_2759, %broadcast_in_dim3A_2760 : vector<16xi1>, vector<16xi32>
      %add3A_2762 = arith.addi %add3A_2752, %select_n3A_2761 : vector<16xi32>
      %lt3A_2763 = arith.constant 0.161359131 : f32
      %lt3A_2764 = vector.broadcast %lt3A_2763 : f32 to vector<16xf32>
      %lt3A_2765 = arith.cmpf olt, %div3A_2727, %lt3A_2764 : vector<16xf32>
      %or3A_2766 = arith.ori %lt3A_2730, %lt3A_2765 : vector<16xi1>
      %jit3A_2767 = arith.constant 1 : i32
      %jit3A_2768 = arith.constant 0 : i32
      %broadcast_in_dim3A_2769 = vector.broadcast %jit3A_2767 : i32 to vector<16xi32>
      %broadcast_in_dim3A_2770 = vector.broadcast %jit3A_2768 : i32 to vector<16xi32>
      %select_n3A_2771 = arith.select %or3A_2766, %broadcast_in_dim3A_2769, %broadcast_in_dim3A_2770 : vector<16xi1>, vector<16xi32>
      %add3A_2772 = arith.addi %add3A_2762, %select_n3A_2771 : vector<16xi32>
      %lt3A_2773 = arith.constant 6.819370e-03 : f32
      %lt3A_2774 = vector.broadcast %lt3A_2773 : f32 to vector<16xf32>
      %lt3A_2775 = arith.cmpf olt, %div3A_2727, %lt3A_2774 : vector<16xf32>
      %or3A_2776 = arith.ori %lt3A_2730, %lt3A_2775 : vector<16xi1>
      %jit3A_2777 = arith.constant 1 : i32
      %jit3A_2778 = arith.constant 0 : i32
      %broadcast_in_dim3A_2779 = vector.broadcast %jit3A_2777 : i32 to vector<16xi32>
      %broadcast_in_dim3A_2780 = vector.broadcast %jit3A_2778 : i32 to vector<16xi32>
      %select_n3A_2781 = arith.select %or3A_2776, %broadcast_in_dim3A_2779, %broadcast_in_dim3A_2780 : vector<16xi1>, vector<16xi32>
      %add3A_2782 = arith.addi %add3A_2772, %select_n3A_2781 : vector<16xi32>
      %gt3A_2783 = arith.constant 0.0602629445 : f32
      %gt3A_2784 = vector.broadcast %gt3A_2783 : f32 to vector<16xf32>
      %gt3A_2785 = arith.cmpf ogt, %div3A_2727, %gt3A_2784 : vector<16xf32>
      %and3A_2786 = arith.andi %lt3A_2730, %gt3A_2785 : vector<16xi1>
      %jit3A_2787 = arith.constant 1 : i32
      %jit3A_2788 = arith.constant 0 : i32
      %broadcast_in_dim3A_2789 = vector.broadcast %jit3A_2787 : i32 to vector<16xi32>
      %broadcast_in_dim3A_2790 = vector.broadcast %jit3A_2788 : i32 to vector<16xi32>
      %select_n3A_2791 = arith.select %and3A_2786, %broadcast_in_dim3A_2789, %broadcast_in_dim3A_2790 : vector<16xi1>, vector<16xi32>
      %add3A_2792 = arith.addi %add3A_2782, %select_n3A_2791 : vector<16xi32>
      %gt3A_2793 = arith.constant 0.299152166 : f32
      %gt3A_2794 = vector.broadcast %gt3A_2793 : f32 to vector<16xf32>
      %gt3A_2795 = arith.cmpf ogt, %div3A_2727, %gt3A_2794 : vector<16xf32>
      %and3A_2796 = arith.andi %lt3A_2730, %gt3A_2795 : vector<16xi1>
      %jit3A_2797 = arith.constant 1 : i32
      %jit3A_2798 = arith.constant 0 : i32
      %broadcast_in_dim3A_2799 = vector.broadcast %jit3A_2797 : i32 to vector<16xi32>
      %broadcast_in_dim3A_2800 = vector.broadcast %jit3A_2798 : i32 to vector<16xi32>
      %select_n3A_2801 = arith.select %and3A_2796, %broadcast_in_dim3A_2799, %broadcast_in_dim3A_2800 : vector<16xi1>, vector<16xi32>
      %add3A_2802 = arith.addi %add3A_2792, %select_n3A_2801 : vector<16xi32>
      %gt3A_2803 = arith.constant 0.622742831 : f32
      %gt3A_2804 = vector.broadcast %gt3A_2803 : f32 to vector<16xf32>
      %gt3A_2805 = arith.cmpf ogt, %div3A_2727, %gt3A_2804 : vector<16xf32>
      %and3A_2806 = arith.andi %lt3A_2730, %gt3A_2805 : vector<16xi1>
      %jit3A_2807 = arith.constant 1 : i32
      %jit3A_2808 = arith.constant 0 : i32
      %broadcast_in_dim3A_2809 = vector.broadcast %jit3A_2807 : i32 to vector<16xi32>
      %broadcast_in_dim3A_2810 = vector.broadcast %jit3A_2808 : i32 to vector<16xi32>
      %select_n3A_2811 = arith.select %and3A_2806, %broadcast_in_dim3A_2809, %broadcast_in_dim3A_2810 : vector<16xi1>, vector<16xi32>
      %add3A_2812 = arith.addi %add3A_2802, %select_n3A_2811 : vector<16xi32>
      %gt3A_2813 = arith.constant 0.894570171 : f32
      %gt3A_2814 = vector.broadcast %gt3A_2813 : f32 to vector<16xf32>
      %gt3A_2815 = arith.cmpf ogt, %div3A_2727, %gt3A_2814 : vector<16xf32>
      %and3A_2816 = arith.andi %lt3A_2730, %gt3A_2815 : vector<16xi1>
      %jit3A_2817 = arith.constant 1 : i32
      %jit3A_2818 = arith.constant 0 : i32
      %broadcast_in_dim3A_2819 = vector.broadcast %jit3A_2817 : i32 to vector<16xi32>
      %broadcast_in_dim3A_2820 = vector.broadcast %jit3A_2818 : i32 to vector<16xi32>
      %select_n3A_2821 = arith.select %and3A_2816, %broadcast_in_dim3A_2819, %broadcast_in_dim3A_2820 : vector<16xi1>, vector<16xi32>
      %add3A_2822 = arith.addi %add3A_2812, %select_n3A_2821 : vector<16xi32>
      %jit3A_2823 = arith.constant 10 : i32
      %broadcast_in_dim3A_2824 = vector.broadcast %jit3A_2823 : i32 to vector<16xi32>
      %select_n3A_2825 = arith.select %and3A, %add3A_2822, %broadcast_in_dim3A_2824 : vector<16xi1>, vector<16xi32>
      %mul3A_2826 = arith.constant 1024 : i32
      %mul3A_2827 = vector.broadcast %mul3A_2826 : i32 to vector<16xi32>
      %mul3A_2828 = arith.muli %add3A_2625, %mul3A_2827 : vector<16xi32>
      %add3A_2829 = arith.addi %mul3A_2828, %add3A_2383 : vector<16xi32>
      %add3A_2830 = arith.constant 21 : i32
      %add3A_2831 = vector.broadcast %add3A_2830 : i32 to vector<16xi32>
      %add3A_2832 = arith.addi %select_n3A_2725, %add3A_2831 : vector<16xi32>
      %mul3A_2833 = arith.constant 1024 : i32
      %mul3A_2834 = vector.broadcast %mul3A_2833 : i32 to vector<16xi32>
      %mul3A_2835 = arith.muli %add3A_2832, %mul3A_2834 : vector<16xi32>
      %add3A_2836 = arith.addi %mul3A_2835, %add3A_2383 : vector<16xi32>
      %add3A_2837 = arith.constant 42 : i32
      %add3A_2838 = vector.broadcast %add3A_2837 : i32 to vector<16xi32>
      %add3A_2839 = arith.addi %select_n3A_2825, %add3A_2838 : vector<16xi32>
      %mul3A_2840 = arith.constant 1024 : i32
      %mul3A_2841 = vector.broadcast %mul3A_2840 : i32 to vector<16xi32>
      %mul3A_2842 = arith.muli %add3A_2839, %mul3A_2841 : vector<16xi32>
      %add3A_2843 = arith.addi %mul3A_2842, %add3A_2383 : vector<16xi32>
      tpu.vector_store_idx %arg7[%add3A_2829], %broadcast_in_dim3A_1 : memref<64512xf32, #tpu.memory_space<vmem>>[vector<16xi32>], vector<16xf32>,
      tpu.vector_store_idx %arg7[%add3A_2836], %broadcast_in_dim3A_1 : memref<64512xf32, #tpu.memory_space<vmem>>[vector<16xi32>], vector<16xf32>,
      tpu.vector_store_idx %arg7[%add3A_2843], %broadcast_in_dim3A_1 : memref<64512xf32, #tpu.memory_space<vmem>>[vector<16xi32>], vector<16xf32>,
      %mul3A_2844 = arith.constant 48 : i32
      %mul3A_2845 = arith.muli %scan3A_2379, %mul3A_2844 : i32
      %swap3A = arith.index_cast %mul3A_2845 : i32 to index
      %swap3A_2846 = tpu.vector_load %arg8[%swap3A] {strides = array<i32>} : memref<3072xi32, #tpu.memory_space<vmem>>, vector<16xi32>,
      tpu.vector_store %arg8[%swap3A], %add3A_2829 {strides = array<i32>} : memref<3072xi32, #tpu.memory_space<vmem>>, vector<16xi32>,
      %add3A_2847 = arith.constant 16 : i32
      %add3A_2848 = arith.addi %mul3A_2845, %add3A_2847 : i32
      %swap3A_2849 = arith.index_cast %add3A_2848 : i32 to index
      %swap3A_2850 = tpu.vector_load %arg8[%swap3A_2849] {strides = array<i32>} : memref<3072xi32, #tpu.memory_space<vmem>>, vector<16xi32>,
      tpu.vector_store %arg8[%swap3A_2849], %add3A_2836 {strides = array<i32>} : memref<3072xi32, #tpu.memory_space<vmem>>, vector<16xi32>,
      %add3A_2851 = arith.constant 32 : i32
      %add3A_2852 = arith.addi %mul3A_2845, %add3A_2851 : i32
      %swap3A_2853 = arith.index_cast %add3A_2852 : i32 to index
      %swap3A_2854 = tpu.vector_load %arg8[%swap3A_2853] {strides = array<i32>} : memref<3072xi32, #tpu.memory_space<vmem>>, vector<16xi32>,
      tpu.vector_store %arg8[%swap3A_2853], %add3A_2843 {strides = array<i32>} : memref<3072xi32, #tpu.memory_space<vmem>>, vector<16xi32>,
    }
    %scan3A_280 = arith.constant 64 : i32
    %add3A_281 = arith.constant 0 : i32
    %add3A_282 = arith.addi %add3A_281, %add3A_113 : i32
    %mul3A_283 = arith.constant 1024 : i32
    %mul3A_284 = arith.muli %add3A_282, %mul3A_283 : i32
    %add3A_285 = arith.constant 64 : i32
    %add3A_286 = arith.addi %add3A_285, %add3A_113 : i32
    %mul3A_287 = arith.constant 1024 : i32
    %mul3A_288 = arith.muli %add3A_286, %mul3A_287 : i32
    %add3A_289 = arith.constant 128 : i32
    %add3A_290 = arith.addi %add3A_289, %add3A_113 : i32
    %mul3A_291 = arith.constant 1024 : i32
    %mul3A_292 = arith.muli %add3A_290, %mul3A_291 : i32
    %add3A_293 = arith.constant 192 : i32
    %add3A_294 = arith.addi %add3A_293, %add3A_113 : i32
    %mul3A_295 = arith.constant 1024 : i32
    %mul3A_296 = arith.muli %add3A_294, %mul3A_295 : i32
    %add3A_297 = arith.constant 256 : i32
    %add3A_298 = arith.addi %add3A_297, %add3A_113 : i32
    %mul3A_299 = arith.constant 1024 : i32
    %mul3A_300 = arith.muli %add3A_298, %mul3A_299 : i32
    %add3A_301 = arith.constant 320 : i32
    %add3A_302 = arith.addi %add3A_301, %add3A_113 : i32
    %mul3A_303 = arith.constant 1024 : i32
    %mul3A_304 = arith.muli %add3A_302, %mul3A_303 : i32
    %add3A_305 = arith.constant 384 : i32
    %add3A_306 = arith.addi %add3A_305, %add3A_113 : i32
    %mul3A_307 = arith.constant 1024 : i32
    %mul3A_308 = arith.muli %add3A_306, %mul3A_307 : i32
    %add3A_309 = arith.constant 448 : i32
    %add3A_310 = arith.addi %add3A_309, %add3A_113 : i32
    %mul3A_311 = arith.constant 1024 : i32
    %mul3A_312 = arith.muli %add3A_310, %mul3A_311 : i32
    %add3A_313 = arith.constant 512 : i32
    %add3A_314 = arith.addi %add3A_313, %add3A_113 : i32
    %mul3A_315 = arith.constant 1024 : i32
    %mul3A_316 = arith.muli %add3A_314, %mul3A_315 : i32
    %add3A_317 = arith.constant 576 : i32
    %add3A_318 = arith.addi %add3A_317, %add3A_113 : i32
    %mul3A_319 = arith.constant 1024 : i32
    %mul3A_320 = arith.muli %add3A_318, %mul3A_319 : i32
    %add3A_321 = arith.constant 640 : i32
    %add3A_322 = arith.addi %add3A_321, %add3A_113 : i32
    %mul3A_323 = arith.constant 1024 : i32
    %mul3A_324 = arith.muli %add3A_322, %mul3A_323 : i32
    %add3A_325 = arith.constant 704 : i32
    %add3A_326 = arith.addi %add3A_325, %add3A_113 : i32
    %mul3A_327 = arith.constant 1024 : i32
    %mul3A_328 = arith.muli %add3A_326, %mul3A_327 : i32
    %add3A_329 = arith.constant 768 : i32
    %add3A_330 = arith.addi %add3A_329, %add3A_113 : i32
    %mul3A_331 = arith.constant 1024 : i32
    %mul3A_332 = arith.muli %add3A_330, %mul3A_331 : i32
    %add3A_333 = arith.constant 832 : i32
    %add3A_334 = arith.addi %add3A_333, %add3A_113 : i32
    %mul3A_335 = arith.constant 1024 : i32
    %mul3A_336 = arith.muli %add3A_334, %mul3A_335 : i32
    %add3A_337 = arith.constant 896 : i32
    %add3A_338 = arith.addi %add3A_337, %add3A_113 : i32
    %mul3A_339 = arith.constant 1024 : i32
    %mul3A_340 = arith.muli %add3A_338, %mul3A_339 : i32
    %add3A_341 = arith.constant 960 : i32
    %add3A_342 = arith.addi %add3A_341, %add3A_113 : i32
    %mul3A_343 = arith.constant 1024 : i32
    %mul3A_344 = arith.muli %add3A_342, %mul3A_343 : i32
    %add3A_345 = arith.constant 1024 : i32
    %add3A_346 = arith.addi %add3A_345, %add3A_113 : i32
    %mul3A_347 = arith.constant 1024 : i32
    %mul3A_348 = arith.muli %add3A_346, %mul3A_347 : i32
    %add3A_349 = arith.constant 1088 : i32
    %add3A_350 = arith.addi %add3A_349, %add3A_113 : i32
    %mul3A_351 = arith.constant 1024 : i32
    %mul3A_352 = arith.muli %add3A_350, %mul3A_351 : i32
    %add3A_353 = arith.constant 1152 : i32
    %add3A_354 = arith.addi %add3A_353, %add3A_113 : i32
    %mul3A_355 = arith.constant 1024 : i32
    %mul3A_356 = arith.muli %add3A_354, %mul3A_355 : i32
    %add3A_357 = arith.constant 1216 : i32
    %add3A_358 = arith.addi %add3A_357, %add3A_113 : i32
    %mul3A_359 = arith.constant 1024 : i32
    %mul3A_360 = arith.muli %add3A_358, %mul3A_359 : i32
    %add3A_361 = arith.constant 1280 : i32
    %add3A_362 = arith.addi %add3A_361, %add3A_113 : i32
    %mul3A_363 = arith.constant 1024 : i32
    %mul3A_364 = arith.muli %add3A_362, %mul3A_363 : i32
    %add3A_365 = arith.constant 1344 : i32
    %add3A_366 = arith.addi %add3A_365, %add3A_113 : i32
    %mul3A_367 = arith.constant 1024 : i32
    %mul3A_368 = arith.muli %add3A_366, %mul3A_367 : i32
    %add3A_369 = arith.constant 1408 : i32
    %add3A_370 = arith.addi %add3A_369, %add3A_113 : i32
    %mul3A_371 = arith.constant 1024 : i32
    %mul3A_372 = arith.muli %add3A_370, %mul3A_371 : i32
    %add3A_373 = arith.constant 1472 : i32
    %add3A_374 = arith.addi %add3A_373, %add3A_113 : i32
    %mul3A_375 = arith.constant 1024 : i32
    %mul3A_376 = arith.muli %add3A_374, %mul3A_375 : i32
    %add3A_377 = arith.constant 1536 : i32
    %add3A_378 = arith.addi %add3A_377, %add3A_113 : i32
    %mul3A_379 = arith.constant 1024 : i32
    %mul3A_380 = arith.muli %add3A_378, %mul3A_379 : i32
    %add3A_381 = arith.constant 1600 : i32
    %add3A_382 = arith.addi %add3A_381, %add3A_113 : i32
    %mul3A_383 = arith.constant 1024 : i32
    %mul3A_384 = arith.muli %add3A_382, %mul3A_383 : i32
    %add3A_385 = arith.constant 1664 : i32
    %add3A_386 = arith.addi %add3A_385, %add3A_113 : i32
    %mul3A_387 = arith.constant 1024 : i32
    %mul3A_388 = arith.muli %add3A_386, %mul3A_387 : i32
    %add3A_389 = arith.constant 1728 : i32
    %add3A_390 = arith.addi %add3A_389, %add3A_113 : i32
    %mul3A_391 = arith.constant 1024 : i32
    %mul3A_392 = arith.muli %add3A_390, %mul3A_391 : i32
    %add3A_393 = arith.constant 1792 : i32
    %add3A_394 = arith.addi %add3A_393, %add3A_113 : i32
    %mul3A_395 = arith.constant 1024 : i32
    %mul3A_396 = arith.muli %add3A_394, %mul3A_395 : i32
    %add3A_397 = arith.constant 1856 : i32
    %add3A_398 = arith.addi %add3A_397, %add3A_113 : i32
    %mul3A_399 = arith.constant 1024 : i32
    %mul3A_400 = arith.muli %add3A_398, %mul3A_399 : i32
    %add3A_401 = arith.constant 1920 : i32
    %add3A_402 = arith.addi %add3A_401, %add3A_113 : i32
    %mul3A_403 = arith.constant 1024 : i32
    %mul3A_404 = arith.muli %add3A_402, %mul3A_403 : i32
    %add3A_405 = arith.constant 1984 : i32
    %add3A_406 = arith.addi %add3A_405, %add3A_113 : i32
    %mul3A_407 = arith.constant 1024 : i32
    %mul3A_408 = arith.muli %add3A_406, %mul3A_407 : i32
    %add3A_409 = arith.constant 2048 : i32
    %add3A_410 = arith.addi %add3A_409, %add3A_113 : i32
    %mul3A_411 = arith.constant 1024 : i32
    %mul3A_412 = arith.muli %add3A_410, %mul3A_411 : i32
    %add3A_413 = arith.constant 2112 : i32
    %add3A_414 = arith.addi %add3A_413, %add3A_113 : i32
    %mul3A_415 = arith.constant 1024 : i32
    %mul3A_416 = arith.muli %add3A_414, %mul3A_415 : i32
    %add3A_417 = arith.constant 2176 : i32
    %add3A_418 = arith.addi %add3A_417, %add3A_113 : i32
    %mul3A_419 = arith.constant 1024 : i32
    %mul3A_420 = arith.muli %add3A_418, %mul3A_419 : i32
    %add3A_421 = arith.constant 2240 : i32
    %add3A_422 = arith.addi %add3A_421, %add3A_113 : i32
    %mul3A_423 = arith.constant 1024 : i32
    %mul3A_424 = arith.muli %add3A_422, %mul3A_423 : i32
    %add3A_425 = arith.constant 2304 : i32
    %add3A_426 = arith.addi %add3A_425, %add3A_113 : i32
    %mul3A_427 = arith.constant 1024 : i32
    %mul3A_428 = arith.muli %add3A_426, %mul3A_427 : i32
    %add3A_429 = arith.constant 2368 : i32
    %add3A_430 = arith.addi %add3A_429, %add3A_113 : i32
    %mul3A_431 = arith.constant 1024 : i32
    %mul3A_432 = arith.muli %add3A_430, %mul3A_431 : i32
    %add3A_433 = arith.constant 2432 : i32
    %add3A_434 = arith.addi %add3A_433, %add3A_113 : i32
    %mul3A_435 = arith.constant 1024 : i32
    %mul3A_436 = arith.muli %add3A_434, %mul3A_435 : i32
    %add3A_437 = arith.constant 2496 : i32
    %add3A_438 = arith.addi %add3A_437, %add3A_113 : i32
    %mul3A_439 = arith.constant 1024 : i32
    %mul3A_440 = arith.muli %add3A_438, %mul3A_439 : i32
    %add3A_441 = arith.constant 2560 : i32
    %add3A_442 = arith.addi %add3A_441, %add3A_113 : i32
    %mul3A_443 = arith.constant 1024 : i32
    %mul3A_444 = arith.muli %add3A_442, %mul3A_443 : i32
    %add3A_445 = arith.constant 2624 : i32
    %add3A_446 = arith.addi %add3A_445, %add3A_113 : i32
    %mul3A_447 = arith.constant 1024 : i32
    %mul3A_448 = arith.muli %add3A_446, %mul3A_447 : i32
    %add3A_449 = arith.constant 2688 : i32
    %add3A_450 = arith.addi %add3A_449, %add3A_113 : i32
    %mul3A_451 = arith.constant 1024 : i32
    %mul3A_452 = arith.muli %add3A_450, %mul3A_451 : i32
    %add3A_453 = arith.constant 2752 : i32
    %add3A_454 = arith.addi %add3A_453, %add3A_113 : i32
    %mul3A_455 = arith.constant 1024 : i32
    %mul3A_456 = arith.muli %add3A_454, %mul3A_455 : i32
    %add3A_457 = arith.constant 2816 : i32
    %add3A_458 = arith.addi %add3A_457, %add3A_113 : i32
    %mul3A_459 = arith.constant 1024 : i32
    %mul3A_460 = arith.muli %add3A_458, %mul3A_459 : i32
    %add3A_461 = arith.constant 2880 : i32
    %add3A_462 = arith.addi %add3A_461, %add3A_113 : i32
    %mul3A_463 = arith.constant 1024 : i32
    %mul3A_464 = arith.muli %add3A_462, %mul3A_463 : i32
    %add3A_465 = arith.constant 2944 : i32
    %add3A_466 = arith.addi %add3A_465, %add3A_113 : i32
    %mul3A_467 = arith.constant 1024 : i32
    %mul3A_468 = arith.muli %add3A_466, %mul3A_467 : i32
    %add3A_469 = arith.constant 3008 : i32
    %add3A_470 = arith.addi %add3A_469, %add3A_113 : i32
    %mul3A_471 = arith.constant 1024 : i32
    %mul3A_472 = arith.muli %add3A_470, %mul3A_471 : i32
    %add3A_473 = arith.constant 3072 : i32
    %add3A_474 = arith.addi %add3A_473, %add3A_113 : i32
    %mul3A_475 = arith.constant 1024 : i32
    %mul3A_476 = arith.muli %add3A_474, %mul3A_475 : i32
    %add3A_477 = arith.constant 3136 : i32
    %add3A_478 = arith.addi %add3A_477, %add3A_113 : i32
    %mul3A_479 = arith.constant 1024 : i32
    %mul3A_480 = arith.muli %add3A_478, %mul3A_479 : i32
    %add3A_481 = arith.constant 3200 : i32
    %add3A_482 = arith.addi %add3A_481, %add3A_113 : i32
    %mul3A_483 = arith.constant 1024 : i32
    %mul3A_484 = arith.muli %add3A_482, %mul3A_483 : i32
    %add3A_485 = arith.constant 3264 : i32
    %add3A_486 = arith.addi %add3A_485, %add3A_113 : i32
    %mul3A_487 = arith.constant 1024 : i32
    %mul3A_488 = arith.muli %add3A_486, %mul3A_487 : i32
    %add3A_489 = arith.constant 3328 : i32
    %add3A_490 = arith.addi %add3A_489, %add3A_113 : i32
    %mul3A_491 = arith.constant 1024 : i32
    %mul3A_492 = arith.muli %add3A_490, %mul3A_491 : i32
    %add3A_493 = arith.constant 3392 : i32
    %add3A_494 = arith.addi %add3A_493, %add3A_113 : i32
    %mul3A_495 = arith.constant 1024 : i32
    %mul3A_496 = arith.muli %add3A_494, %mul3A_495 : i32
    %add3A_497 = arith.constant 3456 : i32
    %add3A_498 = arith.addi %add3A_497, %add3A_113 : i32
    %mul3A_499 = arith.constant 1024 : i32
    %mul3A_500 = arith.muli %add3A_498, %mul3A_499 : i32
    %add3A_501 = arith.constant 3520 : i32
    %add3A_502 = arith.addi %add3A_501, %add3A_113 : i32
    %mul3A_503 = arith.constant 1024 : i32
    %mul3A_504 = arith.muli %add3A_502, %mul3A_503 : i32
    %add3A_505 = arith.constant 3584 : i32
    %add3A_506 = arith.addi %add3A_505, %add3A_113 : i32
    %mul3A_507 = arith.constant 1024 : i32
    %mul3A_508 = arith.muli %add3A_506, %mul3A_507 : i32
    %add3A_509 = arith.constant 3648 : i32
    %add3A_510 = arith.addi %add3A_509, %add3A_113 : i32
    %mul3A_511 = arith.constant 1024 : i32
    %mul3A_512 = arith.muli %add3A_510, %mul3A_511 : i32
    %add3A_513 = arith.constant 3712 : i32
    %add3A_514 = arith.addi %add3A_513, %add3A_113 : i32
    %mul3A_515 = arith.constant 1024 : i32
    %mul3A_516 = arith.muli %add3A_514, %mul3A_515 : i32
    %add3A_517 = arith.constant 3776 : i32
    %add3A_518 = arith.addi %add3A_517, %add3A_113 : i32
    %mul3A_519 = arith.constant 1024 : i32
    %mul3A_520 = arith.muli %add3A_518, %mul3A_519 : i32
    %add3A_521 = arith.constant 3840 : i32
    %add3A_522 = arith.addi %add3A_521, %add3A_113 : i32
    %mul3A_523 = arith.constant 1024 : i32
    %mul3A_524 = arith.muli %add3A_522, %mul3A_523 : i32
    %add3A_525 = arith.constant 3904 : i32
    %add3A_526 = arith.addi %add3A_525, %add3A_113 : i32
    %mul3A_527 = arith.constant 1024 : i32
    %mul3A_528 = arith.muli %add3A_526, %mul3A_527 : i32
    %add3A_529 = arith.constant 3968 : i32
    %add3A_530 = arith.addi %add3A_529, %add3A_113 : i32
    %mul3A_531 = arith.constant 1024 : i32
    %mul3A_532 = arith.muli %add3A_530, %mul3A_531 : i32
    %dma_start3A_533 = arith.constant 0 : i32
    %dma_start3A_534 = tpu.memref_slice %arg7[%dma_start3A_533] : memref<64512xf32, #tpu.memory_space<vmem>> -> memref<1024xf32, #tpu.memory_space<vmem>>
    %dma_start3A_535 = tpu.memref_slice %arg4[%mul3A_284] : memref<4128768xf32, #tpu.memory_space<hbm>> -> memref<1024xf32, #tpu.memory_space<hbm>>
    %dma_start3A_536 = tpu.memref_slice %arg4[%mul3A_284] : memref<4128768xf32, #tpu.memory_space<hbm>> -> memref<1024xf32, #tpu.memory_space<hbm>>
    %dma_start3A_537 = arith.constant 0 : i32
    %dma_start3A_538 = tpu.memref_slice %arg7[%dma_start3A_537] : memref<64512xf32, #tpu.memory_space<vmem>> -> memref<1024xf32, #tpu.memory_space<vmem>>
    tpu.enqueue_dma source(%dma_start3A_538 : memref<1024xf32, #tpu.memory_space<vmem>>) target(%dma_start3A_536 : memref<1024xf32, #tpu.memory_space<hbm>>) target_semaphore(%arg9 : memref<!tpu.dma_semaphore, #tpu.memory_space<semaphore_mem>>)
    %dma_start3A_539 = arith.constant 1024 : i32
    %dma_start3A_540 = tpu.memref_slice %arg7[%dma_start3A_539] : memref<64512xf32, #tpu.memory_space<vmem>> -> memref<1024xf32, #tpu.memory_space<vmem>>
    %dma_start3A_541 = tpu.memref_slice %arg4[%mul3A_288] : memref<4128768xf32, #tpu.memory_space<hbm>> -> memref<1024xf32, #tpu.memory_space<hbm>>
    %dma_start3A_542 = tpu.memref_slice %arg4[%mul3A_288] : memref<4128768xf32, #tpu.memory_space<hbm>> -> memref<1024xf32, #tpu.memory_space<hbm>>
    %dma_start3A_543 = arith.constant 1024 : i32
    %dma_start3A_544 = tpu.memref_slice %arg7[%dma_start3A_543] : memref<64512xf32, #tpu.memory_space<vmem>> -> memref<1024xf32, #tpu.memory_space<vmem>>
    tpu.enqueue_dma source(%dma_start3A_544 : memref<1024xf32, #tpu.memory_space<vmem>>) target(%dma_start3A_542 : memref<1024xf32, #tpu.memory_space<hbm>>) target_semaphore(%arg9 : memref<!tpu.dma_semaphore, #tpu.memory_space<semaphore_mem>>)
    %dma_start3A_545 = arith.constant 2048 : i32
    %dma_start3A_546 = tpu.memref_slice %arg7[%dma_start3A_545] : memref<64512xf32, #tpu.memory_space<vmem>> -> memref<1024xf32, #tpu.memory_space<vmem>>
    %dma_start3A_547 = tpu.memref_slice %arg4[%mul3A_292] : memref<4128768xf32, #tpu.memory_space<hbm>> -> memref<1024xf32, #tpu.memory_space<hbm>>
    %dma_start3A_548 = tpu.memref_slice %arg4[%mul3A_292] : memref<4128768xf32, #tpu.memory_space<hbm>> -> memref<1024xf32, #tpu.memory_space<hbm>>
    %dma_start3A_549 = arith.constant 2048 : i32
    %dma_start3A_550 = tpu.memref_slice %arg7[%dma_start3A_549] : memref<64512xf32, #tpu.memory_space<vmem>> -> memref<1024xf32, #tpu.memory_space<vmem>>
    tpu.enqueue_dma source(%dma_start3A_550 : memref<1024xf32, #tpu.memory_space<vmem>>) target(%dma_start3A_548 : memref<1024xf32, #tpu.memory_space<hbm>>) target_semaphore(%arg9 : memref<!tpu.dma_semaphore, #tpu.memory_space<semaphore_mem>>)
    %dma_start3A_551 = arith.constant 3072 : i32
    %dma_start3A_552 = tpu.memref_slice %arg7[%dma_start3A_551] : memref<64512xf32, #tpu.memory_space<vmem>> -> memref<1024xf32, #tpu.memory_space<vmem>>
    %dma_start3A_553 = tpu.memref_slice %arg4[%mul3A_296] : memref<4128768xf32, #tpu.memory_space<hbm>> -> memref<1024xf32, #tpu.memory_space<hbm>>
    %dma_start3A_554 = tpu.memref_slice %arg4[%mul3A_296] : memref<4128768xf32, #tpu.memory_space<hbm>> -> memref<1024xf32, #tpu.memory_space<hbm>>
    %dma_start3A_555 = arith.constant 3072 : i32
    %dma_start3A_556 = tpu.memref_slice %arg7[%dma_start3A_555] : memref<64512xf32, #tpu.memory_space<vmem>> -> memref<1024xf32, #tpu.memory_space<vmem>>
    tpu.enqueue_dma source(%dma_start3A_556 : memref<1024xf32, #tpu.memory_space<vmem>>) target(%dma_start3A_554 : memref<1024xf32, #tpu.memory_space<hbm>>) target_semaphore(%arg9 : memref<!tpu.dma_semaphore, #tpu.memory_space<semaphore_mem>>)
    %dma_start3A_557 = arith.constant 4096 : i32
    %dma_start3A_558 = tpu.memref_slice %arg7[%dma_start3A_557] : memref<64512xf32, #tpu.memory_space<vmem>> -> memref<1024xf32, #tpu.memory_space<vmem>>
    %dma_start3A_559 = tpu.memref_slice %arg4[%mul3A_300] : memref<4128768xf32, #tpu.memory_space<hbm>> -> memref<1024xf32, #tpu.memory_space<hbm>>
    %dma_start3A_560 = tpu.memref_slice %arg4[%mul3A_300] : memref<4128768xf32, #tpu.memory_space<hbm>> -> memref<1024xf32, #tpu.memory_space<hbm>>
    %dma_start3A_561 = arith.constant 4096 : i32
    %dma_start3A_562 = tpu.memref_slice %arg7[%dma_start3A_561] : memref<64512xf32, #tpu.memory_space<vmem>> -> memref<1024xf32, #tpu.memory_space<vmem>>
    tpu.enqueue_dma source(%dma_start3A_562 : memref<1024xf32, #tpu.memory_space<vmem>>) target(%dma_start3A_560 : memref<1024xf32, #tpu.memory_space<hbm>>) target_semaphore(%arg9 : memref<!tpu.dma_semaphore, #tpu.memory_space<semaphore_mem>>)
    %dma_start3A_563 = arith.constant 5120 : i32
    %dma_start3A_564 = tpu.memref_slice %arg7[%dma_start3A_563] : memref<64512xf32, #tpu.memory_space<vmem>> -> memref<1024xf32, #tpu.memory_space<vmem>>
    %dma_start3A_565 = tpu.memref_slice %arg4[%mul3A_304] : memref<4128768xf32, #tpu.memory_space<hbm>> -> memref<1024xf32, #tpu.memory_space<hbm>>
    %dma_start3A_566 = tpu.memref_slice %arg4[%mul3A_304] : memref<4128768xf32, #tpu.memory_space<hbm>> -> memref<1024xf32, #tpu.memory_space<hbm>>
    %dma_start3A_567 = arith.constant 5120 : i32
    %dma_start3A_568 = tpu.memref_slice %arg7[%dma_start3A_567] : memref<64512xf32, #tpu.memory_space<vmem>> -> memref<1024xf32, #tpu.memory_space<vmem>>
    tpu.enqueue_dma source(%dma_start3A_568 : memref<1024xf32, #tpu.memory_space<vmem>>) target(%dma_start3A_566 : memref<1024xf32, #tpu.memory_space<hbm>>) target_semaphore(%arg9 : memref<!tpu.dma_semaphore, #tpu.memory_space<semaphore_mem>>)
    %dma_start3A_569 = arith.constant 6144 : i32
    %dma_start3A_570 = tpu.memref_slice %arg7[%dma_start3A_569] : memref<64512xf32, #tpu.memory_space<vmem>> -> memref<1024xf32, #tpu.memory_space<vmem>>
    %dma_start3A_571 = tpu.memref_slice %arg4[%mul3A_308] : memref<4128768xf32, #tpu.memory_space<hbm>> -> memref<1024xf32, #tpu.memory_space<hbm>>
    %dma_start3A_572 = tpu.memref_slice %arg4[%mul3A_308] : memref<4128768xf32, #tpu.memory_space<hbm>> -> memref<1024xf32, #tpu.memory_space<hbm>>
    %dma_start3A_573 = arith.constant 6144 : i32
    %dma_start3A_574 = tpu.memref_slice %arg7[%dma_start3A_573] : memref<64512xf32, #tpu.memory_space<vmem>> -> memref<1024xf32, #tpu.memory_space<vmem>>
    tpu.enqueue_dma source(%dma_start3A_574 : memref<1024xf32, #tpu.memory_space<vmem>>) target(%dma_start3A_572 : memref<1024xf32, #tpu.memory_space<hbm>>) target_semaphore(%arg9 : memref<!tpu.dma_semaphore, #tpu.memory_space<semaphore_mem>>)
    %dma_start3A_575 = arith.constant 7168 : i32
    %dma_start3A_576 = tpu.memref_slice %arg7[%dma_start3A_575] : memref<64512xf32, #tpu.memory_space<vmem>> -> memref<1024xf32, #tpu.memory_space<vmem>>
    %dma_start3A_577 = tpu.memref_slice %arg4[%mul3A_312] : memref<4128768xf32, #tpu.memory_space<hbm>> -> memref<1024xf32, #tpu.memory_space<hbm>>
    %dma_start3A_578 = tpu.memref_slice %arg4[%mul3A_312] : memref<4128768xf32, #tpu.memory_space<hbm>> -> memref<1024xf32, #tpu.memory_space<hbm>>
    %dma_start3A_579 = arith.constant 7168 : i32
    %dma_start3A_580 = tpu.memref_slice %arg7[%dma_start3A_579] : memref<64512xf32, #tpu.memory_space<vmem>> -> memref<1024xf32, #tpu.memory_space<vmem>>
    tpu.enqueue_dma source(%dma_start3A_580 : memref<1024xf32, #tpu.memory_space<vmem>>) target(%dma_start3A_578 : memref<1024xf32, #tpu.memory_space<hbm>>) target_semaphore(%arg9 : memref<!tpu.dma_semaphore, #tpu.memory_space<semaphore_mem>>)
    %dma_start3A_581 = arith.constant 8192 : i32
    %dma_start3A_582 = tpu.memref_slice %arg7[%dma_start3A_581] : memref<64512xf32, #tpu.memory_space<vmem>> -> memref<1024xf32, #tpu.memory_space<vmem>>
    %dma_start3A_583 = tpu.memref_slice %arg4[%mul3A_316] : memref<4128768xf32, #tpu.memory_space<hbm>> -> memref<1024xf32, #tpu.memory_space<hbm>>
    %dma_start3A_584 = tpu.memref_slice %arg4[%mul3A_316] : memref<4128768xf32, #tpu.memory_space<hbm>> -> memref<1024xf32, #tpu.memory_space<hbm>>
    %dma_start3A_585 = arith.constant 8192 : i32
    %dma_start3A_586 = tpu.memref_slice %arg7[%dma_start3A_585] : memref<64512xf32, #tpu.memory_space<vmem>> -> memref<1024xf32, #tpu.memory_space<vmem>>
    tpu.enqueue_dma source(%dma_start3A_586 : memref<1024xf32, #tpu.memory_space<vmem>>) target(%dma_start3A_584 : memref<1024xf32, #tpu.memory_space<hbm>>) target_semaphore(%arg9 : memref<!tpu.dma_semaphore, #tpu.memory_space<semaphore_mem>>)
    %dma_start3A_587 = arith.constant 9216 : i32
    %dma_start3A_588 = tpu.memref_slice %arg7[%dma_start3A_587] : memref<64512xf32, #tpu.memory_space<vmem>> -> memref<1024xf32, #tpu.memory_space<vmem>>
    %dma_start3A_589 = tpu.memref_slice %arg4[%mul3A_320] : memref<4128768xf32, #tpu.memory_space<hbm>> -> memref<1024xf32, #tpu.memory_space<hbm>>
    %dma_start3A_590 = tpu.memref_slice %arg4[%mul3A_320] : memref<4128768xf32, #tpu.memory_space<hbm>> -> memref<1024xf32, #tpu.memory_space<hbm>>
    %dma_start3A_591 = arith.constant 9216 : i32
    %dma_start3A_592 = tpu.memref_slice %arg7[%dma_start3A_591] : memref<64512xf32, #tpu.memory_space<vmem>> -> memref<1024xf32, #tpu.memory_space<vmem>>
    tpu.enqueue_dma source(%dma_start3A_592 : memref<1024xf32, #tpu.memory_space<vmem>>) target(%dma_start3A_590 : memref<1024xf32, #tpu.memory_space<hbm>>) target_semaphore(%arg9 : memref<!tpu.dma_semaphore, #tpu.memory_space<semaphore_mem>>)
    %dma_start3A_593 = arith.constant 10240 : i32
    %dma_start3A_594 = tpu.memref_slice %arg7[%dma_start3A_593] : memref<64512xf32, #tpu.memory_space<vmem>> -> memref<1024xf32, #tpu.memory_space<vmem>>
    %dma_start3A_595 = tpu.memref_slice %arg4[%mul3A_324] : memref<4128768xf32, #tpu.memory_space<hbm>> -> memref<1024xf32, #tpu.memory_space<hbm>>
    %dma_start3A_596 = tpu.memref_slice %arg4[%mul3A_324] : memref<4128768xf32, #tpu.memory_space<hbm>> -> memref<1024xf32, #tpu.memory_space<hbm>>
    %dma_start3A_597 = arith.constant 10240 : i32
    %dma_start3A_598 = tpu.memref_slice %arg7[%dma_start3A_597] : memref<64512xf32, #tpu.memory_space<vmem>> -> memref<1024xf32, #tpu.memory_space<vmem>>
    tpu.enqueue_dma source(%dma_start3A_598 : memref<1024xf32, #tpu.memory_space<vmem>>) target(%dma_start3A_596 : memref<1024xf32, #tpu.memory_space<hbm>>) target_semaphore(%arg9 : memref<!tpu.dma_semaphore, #tpu.memory_space<semaphore_mem>>)
    %dma_start3A_599 = arith.constant 11264 : i32
    %dma_start3A_600 = tpu.memref_slice %arg7[%dma_start3A_599] : memref<64512xf32, #tpu.memory_space<vmem>> -> memref<1024xf32, #tpu.memory_space<vmem>>
    %dma_start3A_601 = tpu.memref_slice %arg4[%mul3A_328] : memref<4128768xf32, #tpu.memory_space<hbm>> -> memref<1024xf32, #tpu.memory_space<hbm>>
    %dma_start3A_602 = tpu.memref_slice %arg4[%mul3A_328] : memref<4128768xf32, #tpu.memory_space<hbm>> -> memref<1024xf32, #tpu.memory_space<hbm>>
    %dma_start3A_603 = arith.constant 11264 : i32
    %dma_start3A_604 = tpu.memref_slice %arg7[%dma_start3A_603] : memref<64512xf32, #tpu.memory_space<vmem>> -> memref<1024xf32, #tpu.memory_space<vmem>>
    tpu.enqueue_dma source(%dma_start3A_604 : memref<1024xf32, #tpu.memory_space<vmem>>) target(%dma_start3A_602 : memref<1024xf32, #tpu.memory_space<hbm>>) target_semaphore(%arg9 : memref<!tpu.dma_semaphore, #tpu.memory_space<semaphore_mem>>)
    %dma_start3A_605 = arith.constant 12288 : i32
    %dma_start3A_606 = tpu.memref_slice %arg7[%dma_start3A_605] : memref<64512xf32, #tpu.memory_space<vmem>> -> memref<1024xf32, #tpu.memory_space<vmem>>
    %dma_start3A_607 = tpu.memref_slice %arg4[%mul3A_332] : memref<4128768xf32, #tpu.memory_space<hbm>> -> memref<1024xf32, #tpu.memory_space<hbm>>
    %dma_start3A_608 = tpu.memref_slice %arg4[%mul3A_332] : memref<4128768xf32, #tpu.memory_space<hbm>> -> memref<1024xf32, #tpu.memory_space<hbm>>
    %dma_start3A_609 = arith.constant 12288 : i32
    %dma_start3A_610 = tpu.memref_slice %arg7[%dma_start3A_609] : memref<64512xf32, #tpu.memory_space<vmem>> -> memref<1024xf32, #tpu.memory_space<vmem>>
    tpu.enqueue_dma source(%dma_start3A_610 : memref<1024xf32, #tpu.memory_space<vmem>>) target(%dma_start3A_608 : memref<1024xf32, #tpu.memory_space<hbm>>) target_semaphore(%arg9 : memref<!tpu.dma_semaphore, #tpu.memory_space<semaphore_mem>>)
    %dma_start3A_611 = arith.constant 13312 : i32
    %dma_start3A_612 = tpu.memref_slice %arg7[%dma_start3A_611] : memref<64512xf32, #tpu.memory_space<vmem>> -> memref<1024xf32, #tpu.memory_space<vmem>>
    %dma_start3A_613 = tpu.memref_slice %arg4[%mul3A_336] : memref<4128768xf32, #tpu.memory_space<hbm>> -> memref<1024xf32, #tpu.memory_space<hbm>>
    %dma_start3A_614 = tpu.memref_slice %arg4[%mul3A_336] : memref<4128768xf32, #tpu.memory_space<hbm>> -> memref<1024xf32, #tpu.memory_space<hbm>>
    %dma_start3A_615 = arith.constant 13312 : i32
    %dma_start3A_616 = tpu.memref_slice %arg7[%dma_start3A_615] : memref<64512xf32, #tpu.memory_space<vmem>> -> memref<1024xf32, #tpu.memory_space<vmem>>
    tpu.enqueue_dma source(%dma_start3A_616 : memref<1024xf32, #tpu.memory_space<vmem>>) target(%dma_start3A_614 : memref<1024xf32, #tpu.memory_space<hbm>>) target_semaphore(%arg9 : memref<!tpu.dma_semaphore, #tpu.memory_space<semaphore_mem>>)
    %dma_start3A_617 = arith.constant 14336 : i32
    %dma_start3A_618 = tpu.memref_slice %arg7[%dma_start3A_617] : memref<64512xf32, #tpu.memory_space<vmem>> -> memref<1024xf32, #tpu.memory_space<vmem>>
    %dma_start3A_619 = tpu.memref_slice %arg4[%mul3A_340] : memref<4128768xf32, #tpu.memory_space<hbm>> -> memref<1024xf32, #tpu.memory_space<hbm>>
    %dma_start3A_620 = tpu.memref_slice %arg4[%mul3A_340] : memref<4128768xf32, #tpu.memory_space<hbm>> -> memref<1024xf32, #tpu.memory_space<hbm>>
    %dma_start3A_621 = arith.constant 14336 : i32
    %dma_start3A_622 = tpu.memref_slice %arg7[%dma_start3A_621] : memref<64512xf32, #tpu.memory_space<vmem>> -> memref<1024xf32, #tpu.memory_space<vmem>>
    tpu.enqueue_dma source(%dma_start3A_622 : memref<1024xf32, #tpu.memory_space<vmem>>) target(%dma_start3A_620 : memref<1024xf32, #tpu.memory_space<hbm>>) target_semaphore(%arg9 : memref<!tpu.dma_semaphore, #tpu.memory_space<semaphore_mem>>)
    %dma_start3A_623 = arith.constant 15360 : i32
    %dma_start3A_624 = tpu.memref_slice %arg7[%dma_start3A_623] : memref<64512xf32, #tpu.memory_space<vmem>> -> memref<1024xf32, #tpu.memory_space<vmem>>
    %dma_start3A_625 = tpu.memref_slice %arg4[%mul3A_344] : memref<4128768xf32, #tpu.memory_space<hbm>> -> memref<1024xf32, #tpu.memory_space<hbm>>
    %dma_start3A_626 = tpu.memref_slice %arg4[%mul3A_344] : memref<4128768xf32, #tpu.memory_space<hbm>> -> memref<1024xf32, #tpu.memory_space<hbm>>
    %dma_start3A_627 = arith.constant 15360 : i32
    %dma_start3A_628 = tpu.memref_slice %arg7[%dma_start3A_627] : memref<64512xf32, #tpu.memory_space<vmem>> -> memref<1024xf32, #tpu.memory_space<vmem>>
    tpu.enqueue_dma source(%dma_start3A_628 : memref<1024xf32, #tpu.memory_space<vmem>>) target(%dma_start3A_626 : memref<1024xf32, #tpu.memory_space<hbm>>) target_semaphore(%arg9 : memref<!tpu.dma_semaphore, #tpu.memory_space<semaphore_mem>>)
    %dma_start3A_629 = arith.constant 16384 : i32
    %dma_start3A_630 = tpu.memref_slice %arg7[%dma_start3A_629] : memref<64512xf32, #tpu.memory_space<vmem>> -> memref<1024xf32, #tpu.memory_space<vmem>>
    %dma_start3A_631 = tpu.memref_slice %arg4[%mul3A_348] : memref<4128768xf32, #tpu.memory_space<hbm>> -> memref<1024xf32, #tpu.memory_space<hbm>>
    %dma_start3A_632 = tpu.memref_slice %arg4[%mul3A_348] : memref<4128768xf32, #tpu.memory_space<hbm>> -> memref<1024xf32, #tpu.memory_space<hbm>>
    %dma_start3A_633 = arith.constant 16384 : i32
    %dma_start3A_634 = tpu.memref_slice %arg7[%dma_start3A_633] : memref<64512xf32, #tpu.memory_space<vmem>> -> memref<1024xf32, #tpu.memory_space<vmem>>
    tpu.enqueue_dma source(%dma_start3A_634 : memref<1024xf32, #tpu.memory_space<vmem>>) target(%dma_start3A_632 : memref<1024xf32, #tpu.memory_space<hbm>>) target_semaphore(%arg9 : memref<!tpu.dma_semaphore, #tpu.memory_space<semaphore_mem>>)
    %dma_start3A_635 = arith.constant 17408 : i32
    %dma_start3A_636 = tpu.memref_slice %arg7[%dma_start3A_635] : memref<64512xf32, #tpu.memory_space<vmem>> -> memref<1024xf32, #tpu.memory_space<vmem>>
    %dma_start3A_637 = tpu.memref_slice %arg4[%mul3A_352] : memref<4128768xf32, #tpu.memory_space<hbm>> -> memref<1024xf32, #tpu.memory_space<hbm>>
    %dma_start3A_638 = tpu.memref_slice %arg4[%mul3A_352] : memref<4128768xf32, #tpu.memory_space<hbm>> -> memref<1024xf32, #tpu.memory_space<hbm>>
    %dma_start3A_639 = arith.constant 17408 : i32
    %dma_start3A_640 = tpu.memref_slice %arg7[%dma_start3A_639] : memref<64512xf32, #tpu.memory_space<vmem>> -> memref<1024xf32, #tpu.memory_space<vmem>>
    tpu.enqueue_dma source(%dma_start3A_640 : memref<1024xf32, #tpu.memory_space<vmem>>) target(%dma_start3A_638 : memref<1024xf32, #tpu.memory_space<hbm>>) target_semaphore(%arg9 : memref<!tpu.dma_semaphore, #tpu.memory_space<semaphore_mem>>)
    %dma_start3A_641 = arith.constant 18432 : i32
    %dma_start3A_642 = tpu.memref_slice %arg7[%dma_start3A_641] : memref<64512xf32, #tpu.memory_space<vmem>> -> memref<1024xf32, #tpu.memory_space<vmem>>
    %dma_start3A_643 = tpu.memref_slice %arg4[%mul3A_356] : memref<4128768xf32, #tpu.memory_space<hbm>> -> memref<1024xf32, #tpu.memory_space<hbm>>
    %dma_start3A_644 = tpu.memref_slice %arg4[%mul3A_356] : memref<4128768xf32, #tpu.memory_space<hbm>> -> memref<1024xf32, #tpu.memory_space<hbm>>
    %dma_start3A_645 = arith.constant 18432 : i32
    %dma_start3A_646 = tpu.memref_slice %arg7[%dma_start3A_645] : memref<64512xf32, #tpu.memory_space<vmem>> -> memref<1024xf32, #tpu.memory_space<vmem>>
    tpu.enqueue_dma source(%dma_start3A_646 : memref<1024xf32, #tpu.memory_space<vmem>>) target(%dma_start3A_644 : memref<1024xf32, #tpu.memory_space<hbm>>) target_semaphore(%arg9 : memref<!tpu.dma_semaphore, #tpu.memory_space<semaphore_mem>>)
    %dma_start3A_647 = arith.constant 19456 : i32
    %dma_start3A_648 = tpu.memref_slice %arg7[%dma_start3A_647] : memref<64512xf32, #tpu.memory_space<vmem>> -> memref<1024xf32, #tpu.memory_space<vmem>>
    %dma_start3A_649 = tpu.memref_slice %arg4[%mul3A_360] : memref<4128768xf32, #tpu.memory_space<hbm>> -> memref<1024xf32, #tpu.memory_space<hbm>>
    %dma_start3A_650 = tpu.memref_slice %arg4[%mul3A_360] : memref<4128768xf32, #tpu.memory_space<hbm>> -> memref<1024xf32, #tpu.memory_space<hbm>>
    %dma_start3A_651 = arith.constant 19456 : i32
    %dma_start3A_652 = tpu.memref_slice %arg7[%dma_start3A_651] : memref<64512xf32, #tpu.memory_space<vmem>> -> memref<1024xf32, #tpu.memory_space<vmem>>
    tpu.enqueue_dma source(%dma_start3A_652 : memref<1024xf32, #tpu.memory_space<vmem>>) target(%dma_start3A_650 : memref<1024xf32, #tpu.memory_space<hbm>>) target_semaphore(%arg9 : memref<!tpu.dma_semaphore, #tpu.memory_space<semaphore_mem>>)
    %dma_start3A_653 = arith.constant 20480 : i32
    %dma_start3A_654 = tpu.memref_slice %arg7[%dma_start3A_653] : memref<64512xf32, #tpu.memory_space<vmem>> -> memref<1024xf32, #tpu.memory_space<vmem>>
    %dma_start3A_655 = tpu.memref_slice %arg4[%mul3A_364] : memref<4128768xf32, #tpu.memory_space<hbm>> -> memref<1024xf32, #tpu.memory_space<hbm>>
    %dma_start3A_656 = tpu.memref_slice %arg4[%mul3A_364] : memref<4128768xf32, #tpu.memory_space<hbm>> -> memref<1024xf32, #tpu.memory_space<hbm>>
    %dma_start3A_657 = arith.constant 20480 : i32
    %dma_start3A_658 = tpu.memref_slice %arg7[%dma_start3A_657] : memref<64512xf32, #tpu.memory_space<vmem>> -> memref<1024xf32, #tpu.memory_space<vmem>>
    tpu.enqueue_dma source(%dma_start3A_658 : memref<1024xf32, #tpu.memory_space<vmem>>) target(%dma_start3A_656 : memref<1024xf32, #tpu.memory_space<hbm>>) target_semaphore(%arg9 : memref<!tpu.dma_semaphore, #tpu.memory_space<semaphore_mem>>)
    %dma_start3A_659 = arith.constant 21504 : i32
    %dma_start3A_660 = tpu.memref_slice %arg7[%dma_start3A_659] : memref<64512xf32, #tpu.memory_space<vmem>> -> memref<1024xf32, #tpu.memory_space<vmem>>
    %dma_start3A_661 = tpu.memref_slice %arg4[%mul3A_368] : memref<4128768xf32, #tpu.memory_space<hbm>> -> memref<1024xf32, #tpu.memory_space<hbm>>
    %dma_start3A_662 = tpu.memref_slice %arg4[%mul3A_368] : memref<4128768xf32, #tpu.memory_space<hbm>> -> memref<1024xf32, #tpu.memory_space<hbm>>
    %dma_start3A_663 = arith.constant 21504 : i32
    %dma_start3A_664 = tpu.memref_slice %arg7[%dma_start3A_663] : memref<64512xf32, #tpu.memory_space<vmem>> -> memref<1024xf32, #tpu.memory_space<vmem>>
    tpu.enqueue_dma source(%dma_start3A_664 : memref<1024xf32, #tpu.memory_space<vmem>>) target(%dma_start3A_662 : memref<1024xf32, #tpu.memory_space<hbm>>) target_semaphore(%arg9 : memref<!tpu.dma_semaphore, #tpu.memory_space<semaphore_mem>>)
    %dma_start3A_665 = arith.constant 22528 : i32
    %dma_start3A_666 = tpu.memref_slice %arg7[%dma_start3A_665] : memref<64512xf32, #tpu.memory_space<vmem>> -> memref<1024xf32, #tpu.memory_space<vmem>>
    %dma_start3A_667 = tpu.memref_slice %arg4[%mul3A_372] : memref<4128768xf32, #tpu.memory_space<hbm>> -> memref<1024xf32, #tpu.memory_space<hbm>>
    %dma_start3A_668 = tpu.memref_slice %arg4[%mul3A_372] : memref<4128768xf32, #tpu.memory_space<hbm>> -> memref<1024xf32, #tpu.memory_space<hbm>>
    %dma_start3A_669 = arith.constant 22528 : i32
    %dma_start3A_670 = tpu.memref_slice %arg7[%dma_start3A_669] : memref<64512xf32, #tpu.memory_space<vmem>> -> memref<1024xf32, #tpu.memory_space<vmem>>
    tpu.enqueue_dma source(%dma_start3A_670 : memref<1024xf32, #tpu.memory_space<vmem>>) target(%dma_start3A_668 : memref<1024xf32, #tpu.memory_space<hbm>>) target_semaphore(%arg9 : memref<!tpu.dma_semaphore, #tpu.memory_space<semaphore_mem>>)
    %dma_start3A_671 = arith.constant 23552 : i32
    %dma_start3A_672 = tpu.memref_slice %arg7[%dma_start3A_671] : memref<64512xf32, #tpu.memory_space<vmem>> -> memref<1024xf32, #tpu.memory_space<vmem>>
    %dma_start3A_673 = tpu.memref_slice %arg4[%mul3A_376] : memref<4128768xf32, #tpu.memory_space<hbm>> -> memref<1024xf32, #tpu.memory_space<hbm>>
    %dma_start3A_674 = tpu.memref_slice %arg4[%mul3A_376] : memref<4128768xf32, #tpu.memory_space<hbm>> -> memref<1024xf32, #tpu.memory_space<hbm>>
    %dma_start3A_675 = arith.constant 23552 : i32
    %dma_start3A_676 = tpu.memref_slice %arg7[%dma_start3A_675] : memref<64512xf32, #tpu.memory_space<vmem>> -> memref<1024xf32, #tpu.memory_space<vmem>>
    tpu.enqueue_dma source(%dma_start3A_676 : memref<1024xf32, #tpu.memory_space<vmem>>) target(%dma_start3A_674 : memref<1024xf32, #tpu.memory_space<hbm>>) target_semaphore(%arg9 : memref<!tpu.dma_semaphore, #tpu.memory_space<semaphore_mem>>)
    %dma_start3A_677 = arith.constant 24576 : i32
    %dma_start3A_678 = tpu.memref_slice %arg7[%dma_start3A_677] : memref<64512xf32, #tpu.memory_space<vmem>> -> memref<1024xf32, #tpu.memory_space<vmem>>
    %dma_start3A_679 = tpu.memref_slice %arg4[%mul3A_380] : memref<4128768xf32, #tpu.memory_space<hbm>> -> memref<1024xf32, #tpu.memory_space<hbm>>
    %dma_start3A_680 = tpu.memref_slice %arg4[%mul3A_380] : memref<4128768xf32, #tpu.memory_space<hbm>> -> memref<1024xf32, #tpu.memory_space<hbm>>
    %dma_start3A_681 = arith.constant 24576 : i32
    %dma_start3A_682 = tpu.memref_slice %arg7[%dma_start3A_681] : memref<64512xf32, #tpu.memory_space<vmem>> -> memref<1024xf32, #tpu.memory_space<vmem>>
    tpu.enqueue_dma source(%dma_start3A_682 : memref<1024xf32, #tpu.memory_space<vmem>>) target(%dma_start3A_680 : memref<1024xf32, #tpu.memory_space<hbm>>) target_semaphore(%arg9 : memref<!tpu.dma_semaphore, #tpu.memory_space<semaphore_mem>>)
    %dma_start3A_683 = arith.constant 25600 : i32
    %dma_start3A_684 = tpu.memref_slice %arg7[%dma_start3A_683] : memref<64512xf32, #tpu.memory_space<vmem>> -> memref<1024xf32, #tpu.memory_space<vmem>>
    %dma_start3A_685 = tpu.memref_slice %arg4[%mul3A_384] : memref<4128768xf32, #tpu.memory_space<hbm>> -> memref<1024xf32, #tpu.memory_space<hbm>>
    %dma_start3A_686 = tpu.memref_slice %arg4[%mul3A_384] : memref<4128768xf32, #tpu.memory_space<hbm>> -> memref<1024xf32, #tpu.memory_space<hbm>>
    %dma_start3A_687 = arith.constant 25600 : i32
    %dma_start3A_688 = tpu.memref_slice %arg7[%dma_start3A_687] : memref<64512xf32, #tpu.memory_space<vmem>> -> memref<1024xf32, #tpu.memory_space<vmem>>
    tpu.enqueue_dma source(%dma_start3A_688 : memref<1024xf32, #tpu.memory_space<vmem>>) target(%dma_start3A_686 : memref<1024xf32, #tpu.memory_space<hbm>>) target_semaphore(%arg9 : memref<!tpu.dma_semaphore, #tpu.memory_space<semaphore_mem>>)
    %dma_start3A_689 = arith.constant 26624 : i32
    %dma_start3A_690 = tpu.memref_slice %arg7[%dma_start3A_689] : memref<64512xf32, #tpu.memory_space<vmem>> -> memref<1024xf32, #tpu.memory_space<vmem>>
    %dma_start3A_691 = tpu.memref_slice %arg4[%mul3A_388] : memref<4128768xf32, #tpu.memory_space<hbm>> -> memref<1024xf32, #tpu.memory_space<hbm>>
    %dma_start3A_692 = tpu.memref_slice %arg4[%mul3A_388] : memref<4128768xf32, #tpu.memory_space<hbm>> -> memref<1024xf32, #tpu.memory_space<hbm>>
    %dma_start3A_693 = arith.constant 26624 : i32
    %dma_start3A_694 = tpu.memref_slice %arg7[%dma_start3A_693] : memref<64512xf32, #tpu.memory_space<vmem>> -> memref<1024xf32, #tpu.memory_space<vmem>>
    tpu.enqueue_dma source(%dma_start3A_694 : memref<1024xf32, #tpu.memory_space<vmem>>) target(%dma_start3A_692 : memref<1024xf32, #tpu.memory_space<hbm>>) target_semaphore(%arg9 : memref<!tpu.dma_semaphore, #tpu.memory_space<semaphore_mem>>)
    %dma_start3A_695 = arith.constant 27648 : i32
    %dma_start3A_696 = tpu.memref_slice %arg7[%dma_start3A_695] : memref<64512xf32, #tpu.memory_space<vmem>> -> memref<1024xf32, #tpu.memory_space<vmem>>
    %dma_start3A_697 = tpu.memref_slice %arg4[%mul3A_392] : memref<4128768xf32, #tpu.memory_space<hbm>> -> memref<1024xf32, #tpu.memory_space<hbm>>
    %dma_start3A_698 = tpu.memref_slice %arg4[%mul3A_392] : memref<4128768xf32, #tpu.memory_space<hbm>> -> memref<1024xf32, #tpu.memory_space<hbm>>
    %dma_start3A_699 = arith.constant 27648 : i32
    %dma_start3A_700 = tpu.memref_slice %arg7[%dma_start3A_699] : memref<64512xf32, #tpu.memory_space<vmem>> -> memref<1024xf32, #tpu.memory_space<vmem>>
    tpu.enqueue_dma source(%dma_start3A_700 : memref<1024xf32, #tpu.memory_space<vmem>>) target(%dma_start3A_698 : memref<1024xf32, #tpu.memory_space<hbm>>) target_semaphore(%arg9 : memref<!tpu.dma_semaphore, #tpu.memory_space<semaphore_mem>>)
    %dma_start3A_701 = arith.constant 28672 : i32
    %dma_start3A_702 = tpu.memref_slice %arg7[%dma_start3A_701] : memref<64512xf32, #tpu.memory_space<vmem>> -> memref<1024xf32, #tpu.memory_space<vmem>>
    %dma_start3A_703 = tpu.memref_slice %arg4[%mul3A_396] : memref<4128768xf32, #tpu.memory_space<hbm>> -> memref<1024xf32, #tpu.memory_space<hbm>>
    %dma_start3A_704 = tpu.memref_slice %arg4[%mul3A_396] : memref<4128768xf32, #tpu.memory_space<hbm>> -> memref<1024xf32, #tpu.memory_space<hbm>>
    %dma_start3A_705 = arith.constant 28672 : i32
    %dma_start3A_706 = tpu.memref_slice %arg7[%dma_start3A_705] : memref<64512xf32, #tpu.memory_space<vmem>> -> memref<1024xf32, #tpu.memory_space<vmem>>
    tpu.enqueue_dma source(%dma_start3A_706 : memref<1024xf32, #tpu.memory_space<vmem>>) target(%dma_start3A_704 : memref<1024xf32, #tpu.memory_space<hbm>>) target_semaphore(%arg9 : memref<!tpu.dma_semaphore, #tpu.memory_space<semaphore_mem>>)
    %dma_start3A_707 = arith.constant 29696 : i32
    %dma_start3A_708 = tpu.memref_slice %arg7[%dma_start3A_707] : memref<64512xf32, #tpu.memory_space<vmem>> -> memref<1024xf32, #tpu.memory_space<vmem>>
    %dma_start3A_709 = tpu.memref_slice %arg4[%mul3A_400] : memref<4128768xf32, #tpu.memory_space<hbm>> -> memref<1024xf32, #tpu.memory_space<hbm>>
    %dma_start3A_710 = tpu.memref_slice %arg4[%mul3A_400] : memref<4128768xf32, #tpu.memory_space<hbm>> -> memref<1024xf32, #tpu.memory_space<hbm>>
    %dma_start3A_711 = arith.constant 29696 : i32
    %dma_start3A_712 = tpu.memref_slice %arg7[%dma_start3A_711] : memref<64512xf32, #tpu.memory_space<vmem>> -> memref<1024xf32, #tpu.memory_space<vmem>>
    tpu.enqueue_dma source(%dma_start3A_712 : memref<1024xf32, #tpu.memory_space<vmem>>) target(%dma_start3A_710 : memref<1024xf32, #tpu.memory_space<hbm>>) target_semaphore(%arg9 : memref<!tpu.dma_semaphore, #tpu.memory_space<semaphore_mem>>)
    %dma_start3A_713 = arith.constant 30720 : i32
    %dma_start3A_714 = tpu.memref_slice %arg7[%dma_start3A_713] : memref<64512xf32, #tpu.memory_space<vmem>> -> memref<1024xf32, #tpu.memory_space<vmem>>
    %dma_start3A_715 = tpu.memref_slice %arg4[%mul3A_404] : memref<4128768xf32, #tpu.memory_space<hbm>> -> memref<1024xf32, #tpu.memory_space<hbm>>
    %dma_start3A_716 = tpu.memref_slice %arg4[%mul3A_404] : memref<4128768xf32, #tpu.memory_space<hbm>> -> memref<1024xf32, #tpu.memory_space<hbm>>
    %dma_start3A_717 = arith.constant 30720 : i32
    %dma_start3A_718 = tpu.memref_slice %arg7[%dma_start3A_717] : memref<64512xf32, #tpu.memory_space<vmem>> -> memref<1024xf32, #tpu.memory_space<vmem>>
    tpu.enqueue_dma source(%dma_start3A_718 : memref<1024xf32, #tpu.memory_space<vmem>>) target(%dma_start3A_716 : memref<1024xf32, #tpu.memory_space<hbm>>) target_semaphore(%arg9 : memref<!tpu.dma_semaphore, #tpu.memory_space<semaphore_mem>>)
    %dma_start3A_719 = arith.constant 31744 : i32
    %dma_start3A_720 = tpu.memref_slice %arg7[%dma_start3A_719] : memref<64512xf32, #tpu.memory_space<vmem>> -> memref<1024xf32, #tpu.memory_space<vmem>>
    %dma_start3A_721 = tpu.memref_slice %arg4[%mul3A_408] : memref<4128768xf32, #tpu.memory_space<hbm>> -> memref<1024xf32, #tpu.memory_space<hbm>>
    %dma_start3A_722 = tpu.memref_slice %arg4[%mul3A_408] : memref<4128768xf32, #tpu.memory_space<hbm>> -> memref<1024xf32, #tpu.memory_space<hbm>>
    %dma_start3A_723 = arith.constant 31744 : i32
    %dma_start3A_724 = tpu.memref_slice %arg7[%dma_start3A_723] : memref<64512xf32, #tpu.memory_space<vmem>> -> memref<1024xf32, #tpu.memory_space<vmem>>
    tpu.enqueue_dma source(%dma_start3A_724 : memref<1024xf32, #tpu.memory_space<vmem>>) target(%dma_start3A_722 : memref<1024xf32, #tpu.memory_space<hbm>>) target_semaphore(%arg9 : memref<!tpu.dma_semaphore, #tpu.memory_space<semaphore_mem>>)
    %dma_start3A_725 = arith.constant 32768 : i32
    %dma_start3A_726 = tpu.memref_slice %arg7[%dma_start3A_725] : memref<64512xf32, #tpu.memory_space<vmem>> -> memref<1024xf32, #tpu.memory_space<vmem>>
    %dma_start3A_727 = tpu.memref_slice %arg4[%mul3A_412] : memref<4128768xf32, #tpu.memory_space<hbm>> -> memref<1024xf32, #tpu.memory_space<hbm>>
    %dma_start3A_728 = tpu.memref_slice %arg4[%mul3A_412] : memref<4128768xf32, #tpu.memory_space<hbm>> -> memref<1024xf32, #tpu.memory_space<hbm>>
    %dma_start3A_729 = arith.constant 32768 : i32
    %dma_start3A_730 = tpu.memref_slice %arg7[%dma_start3A_729] : memref<64512xf32, #tpu.memory_space<vmem>> -> memref<1024xf32, #tpu.memory_space<vmem>>
    tpu.enqueue_dma source(%dma_start3A_730 : memref<1024xf32, #tpu.memory_space<vmem>>) target(%dma_start3A_728 : memref<1024xf32, #tpu.memory_space<hbm>>) target_semaphore(%arg9 : memref<!tpu.dma_semaphore, #tpu.memory_space<semaphore_mem>>)
    %dma_start3A_731 = arith.constant 33792 : i32
    %dma_start3A_732 = tpu.memref_slice %arg7[%dma_start3A_731] : memref<64512xf32, #tpu.memory_space<vmem>> -> memref<1024xf32, #tpu.memory_space<vmem>>
    %dma_start3A_733 = tpu.memref_slice %arg4[%mul3A_416] : memref<4128768xf32, #tpu.memory_space<hbm>> -> memref<1024xf32, #tpu.memory_space<hbm>>
    %dma_start3A_734 = tpu.memref_slice %arg4[%mul3A_416] : memref<4128768xf32, #tpu.memory_space<hbm>> -> memref<1024xf32, #tpu.memory_space<hbm>>
    %dma_start3A_735 = arith.constant 33792 : i32
    %dma_start3A_736 = tpu.memref_slice %arg7[%dma_start3A_735] : memref<64512xf32, #tpu.memory_space<vmem>> -> memref<1024xf32, #tpu.memory_space<vmem>>
    tpu.enqueue_dma source(%dma_start3A_736 : memref<1024xf32, #tpu.memory_space<vmem>>) target(%dma_start3A_734 : memref<1024xf32, #tpu.memory_space<hbm>>) target_semaphore(%arg9 : memref<!tpu.dma_semaphore, #tpu.memory_space<semaphore_mem>>)
    %dma_start3A_737 = arith.constant 34816 : i32
    %dma_start3A_738 = tpu.memref_slice %arg7[%dma_start3A_737] : memref<64512xf32, #tpu.memory_space<vmem>> -> memref<1024xf32, #tpu.memory_space<vmem>>
    %dma_start3A_739 = tpu.memref_slice %arg4[%mul3A_420] : memref<4128768xf32, #tpu.memory_space<hbm>> -> memref<1024xf32, #tpu.memory_space<hbm>>
    %dma_start3A_740 = tpu.memref_slice %arg4[%mul3A_420] : memref<4128768xf32, #tpu.memory_space<hbm>> -> memref<1024xf32, #tpu.memory_space<hbm>>
    %dma_start3A_741 = arith.constant 34816 : i32
    %dma_start3A_742 = tpu.memref_slice %arg7[%dma_start3A_741] : memref<64512xf32, #tpu.memory_space<vmem>> -> memref<1024xf32, #tpu.memory_space<vmem>>
    tpu.enqueue_dma source(%dma_start3A_742 : memref<1024xf32, #tpu.memory_space<vmem>>) target(%dma_start3A_740 : memref<1024xf32, #tpu.memory_space<hbm>>) target_semaphore(%arg9 : memref<!tpu.dma_semaphore, #tpu.memory_space<semaphore_mem>>)
    %dma_start3A_743 = arith.constant 35840 : i32
    %dma_start3A_744 = tpu.memref_slice %arg7[%dma_start3A_743] : memref<64512xf32, #tpu.memory_space<vmem>> -> memref<1024xf32, #tpu.memory_space<vmem>>
    %dma_start3A_745 = tpu.memref_slice %arg4[%mul3A_424] : memref<4128768xf32, #tpu.memory_space<hbm>> -> memref<1024xf32, #tpu.memory_space<hbm>>
    %dma_start3A_746 = tpu.memref_slice %arg4[%mul3A_424] : memref<4128768xf32, #tpu.memory_space<hbm>> -> memref<1024xf32, #tpu.memory_space<hbm>>
    %dma_start3A_747 = arith.constant 35840 : i32
    %dma_start3A_748 = tpu.memref_slice %arg7[%dma_start3A_747] : memref<64512xf32, #tpu.memory_space<vmem>> -> memref<1024xf32, #tpu.memory_space<vmem>>
    tpu.enqueue_dma source(%dma_start3A_748 : memref<1024xf32, #tpu.memory_space<vmem>>) target(%dma_start3A_746 : memref<1024xf32, #tpu.memory_space<hbm>>) target_semaphore(%arg9 : memref<!tpu.dma_semaphore, #tpu.memory_space<semaphore_mem>>)
    %dma_start3A_749 = arith.constant 36864 : i32
    %dma_start3A_750 = tpu.memref_slice %arg7[%dma_start3A_749] : memref<64512xf32, #tpu.memory_space<vmem>> -> memref<1024xf32, #tpu.memory_space<vmem>>
    %dma_start3A_751 = tpu.memref_slice %arg4[%mul3A_428] : memref<4128768xf32, #tpu.memory_space<hbm>> -> memref<1024xf32, #tpu.memory_space<hbm>>
    %dma_start3A_752 = tpu.memref_slice %arg4[%mul3A_428] : memref<4128768xf32, #tpu.memory_space<hbm>> -> memref<1024xf32, #tpu.memory_space<hbm>>
    %dma_start3A_753 = arith.constant 36864 : i32
    %dma_start3A_754 = tpu.memref_slice %arg7[%dma_start3A_753] : memref<64512xf32, #tpu.memory_space<vmem>> -> memref<1024xf32, #tpu.memory_space<vmem>>
    tpu.enqueue_dma source(%dma_start3A_754 : memref<1024xf32, #tpu.memory_space<vmem>>) target(%dma_start3A_752 : memref<1024xf32, #tpu.memory_space<hbm>>) target_semaphore(%arg9 : memref<!tpu.dma_semaphore, #tpu.memory_space<semaphore_mem>>)
    %dma_start3A_755 = arith.constant 37888 : i32
    %dma_start3A_756 = tpu.memref_slice %arg7[%dma_start3A_755] : memref<64512xf32, #tpu.memory_space<vmem>> -> memref<1024xf32, #tpu.memory_space<vmem>>
    %dma_start3A_757 = tpu.memref_slice %arg4[%mul3A_432] : memref<4128768xf32, #tpu.memory_space<hbm>> -> memref<1024xf32, #tpu.memory_space<hbm>>
    %dma_start3A_758 = tpu.memref_slice %arg4[%mul3A_432] : memref<4128768xf32, #tpu.memory_space<hbm>> -> memref<1024xf32, #tpu.memory_space<hbm>>
    %dma_start3A_759 = arith.constant 37888 : i32
    %dma_start3A_760 = tpu.memref_slice %arg7[%dma_start3A_759] : memref<64512xf32, #tpu.memory_space<vmem>> -> memref<1024xf32, #tpu.memory_space<vmem>>
    tpu.enqueue_dma source(%dma_start3A_760 : memref<1024xf32, #tpu.memory_space<vmem>>) target(%dma_start3A_758 : memref<1024xf32, #tpu.memory_space<hbm>>) target_semaphore(%arg9 : memref<!tpu.dma_semaphore, #tpu.memory_space<semaphore_mem>>)
    %dma_start3A_761 = arith.constant 38912 : i32
    %dma_start3A_762 = tpu.memref_slice %arg7[%dma_start3A_761] : memref<64512xf32, #tpu.memory_space<vmem>> -> memref<1024xf32, #tpu.memory_space<vmem>>
    %dma_start3A_763 = tpu.memref_slice %arg4[%mul3A_436] : memref<4128768xf32, #tpu.memory_space<hbm>> -> memref<1024xf32, #tpu.memory_space<hbm>>
    %dma_start3A_764 = tpu.memref_slice %arg4[%mul3A_436] : memref<4128768xf32, #tpu.memory_space<hbm>> -> memref<1024xf32, #tpu.memory_space<hbm>>
    %dma_start3A_765 = arith.constant 38912 : i32
    %dma_start3A_766 = tpu.memref_slice %arg7[%dma_start3A_765] : memref<64512xf32, #tpu.memory_space<vmem>> -> memref<1024xf32, #tpu.memory_space<vmem>>
    tpu.enqueue_dma source(%dma_start3A_766 : memref<1024xf32, #tpu.memory_space<vmem>>) target(%dma_start3A_764 : memref<1024xf32, #tpu.memory_space<hbm>>) target_semaphore(%arg9 : memref<!tpu.dma_semaphore, #tpu.memory_space<semaphore_mem>>)
    %dma_start3A_767 = arith.constant 39936 : i32
    %dma_start3A_768 = tpu.memref_slice %arg7[%dma_start3A_767] : memref<64512xf32, #tpu.memory_space<vmem>> -> memref<1024xf32, #tpu.memory_space<vmem>>
    %dma_start3A_769 = tpu.memref_slice %arg4[%mul3A_440] : memref<4128768xf32, #tpu.memory_space<hbm>> -> memref<1024xf32, #tpu.memory_space<hbm>>
    %dma_start3A_770 = tpu.memref_slice %arg4[%mul3A_440] : memref<4128768xf32, #tpu.memory_space<hbm>> -> memref<1024xf32, #tpu.memory_space<hbm>>
    %dma_start3A_771 = arith.constant 39936 : i32
    %dma_start3A_772 = tpu.memref_slice %arg7[%dma_start3A_771] : memref<64512xf32, #tpu.memory_space<vmem>> -> memref<1024xf32, #tpu.memory_space<vmem>>
    tpu.enqueue_dma source(%dma_start3A_772 : memref<1024xf32, #tpu.memory_space<vmem>>) target(%dma_start3A_770 : memref<1024xf32, #tpu.memory_space<hbm>>) target_semaphore(%arg9 : memref<!tpu.dma_semaphore, #tpu.memory_space<semaphore_mem>>)
    %dma_start3A_773 = arith.constant 40960 : i32
    %dma_start3A_774 = tpu.memref_slice %arg7[%dma_start3A_773] : memref<64512xf32, #tpu.memory_space<vmem>> -> memref<1024xf32, #tpu.memory_space<vmem>>
    %dma_start3A_775 = tpu.memref_slice %arg4[%mul3A_444] : memref<4128768xf32, #tpu.memory_space<hbm>> -> memref<1024xf32, #tpu.memory_space<hbm>>
    %dma_start3A_776 = tpu.memref_slice %arg4[%mul3A_444] : memref<4128768xf32, #tpu.memory_space<hbm>> -> memref<1024xf32, #tpu.memory_space<hbm>>
    %dma_start3A_777 = arith.constant 40960 : i32
    %dma_start3A_778 = tpu.memref_slice %arg7[%dma_start3A_777] : memref<64512xf32, #tpu.memory_space<vmem>> -> memref<1024xf32, #tpu.memory_space<vmem>>
    tpu.enqueue_dma source(%dma_start3A_778 : memref<1024xf32, #tpu.memory_space<vmem>>) target(%dma_start3A_776 : memref<1024xf32, #tpu.memory_space<hbm>>) target_semaphore(%arg9 : memref<!tpu.dma_semaphore, #tpu.memory_space<semaphore_mem>>)
    %dma_start3A_779 = arith.constant 41984 : i32
    %dma_start3A_780 = tpu.memref_slice %arg7[%dma_start3A_779] : memref<64512xf32, #tpu.memory_space<vmem>> -> memref<1024xf32, #tpu.memory_space<vmem>>
    %dma_start3A_781 = tpu.memref_slice %arg4[%mul3A_448] : memref<4128768xf32, #tpu.memory_space<hbm>> -> memref<1024xf32, #tpu.memory_space<hbm>>
    %dma_start3A_782 = tpu.memref_slice %arg4[%mul3A_448] : memref<4128768xf32, #tpu.memory_space<hbm>> -> memref<1024xf32, #tpu.memory_space<hbm>>
    %dma_start3A_783 = arith.constant 41984 : i32
    %dma_start3A_784 = tpu.memref_slice %arg7[%dma_start3A_783] : memref<64512xf32, #tpu.memory_space<vmem>> -> memref<1024xf32, #tpu.memory_space<vmem>>
    tpu.enqueue_dma source(%dma_start3A_784 : memref<1024xf32, #tpu.memory_space<vmem>>) target(%dma_start3A_782 : memref<1024xf32, #tpu.memory_space<hbm>>) target_semaphore(%arg9 : memref<!tpu.dma_semaphore, #tpu.memory_space<semaphore_mem>>)
    %dma_start3A_785 = arith.constant 43008 : i32
    %dma_start3A_786 = tpu.memref_slice %arg7[%dma_start3A_785] : memref<64512xf32, #tpu.memory_space<vmem>> -> memref<1024xf32, #tpu.memory_space<vmem>>
    %dma_start3A_787 = tpu.memref_slice %arg4[%mul3A_452] : memref<4128768xf32, #tpu.memory_space<hbm>> -> memref<1024xf32, #tpu.memory_space<hbm>>
    %dma_start3A_788 = tpu.memref_slice %arg4[%mul3A_452] : memref<4128768xf32, #tpu.memory_space<hbm>> -> memref<1024xf32, #tpu.memory_space<hbm>>
    %dma_start3A_789 = arith.constant 43008 : i32
    %dma_start3A_790 = tpu.memref_slice %arg7[%dma_start3A_789] : memref<64512xf32, #tpu.memory_space<vmem>> -> memref<1024xf32, #tpu.memory_space<vmem>>
    tpu.enqueue_dma source(%dma_start3A_790 : memref<1024xf32, #tpu.memory_space<vmem>>) target(%dma_start3A_788 : memref<1024xf32, #tpu.memory_space<hbm>>) target_semaphore(%arg9 : memref<!tpu.dma_semaphore, #tpu.memory_space<semaphore_mem>>)
    %dma_start3A_791 = arith.constant 44032 : i32
    %dma_start3A_792 = tpu.memref_slice %arg7[%dma_start3A_791] : memref<64512xf32, #tpu.memory_space<vmem>> -> memref<1024xf32, #tpu.memory_space<vmem>>
    %dma_start3A_793 = tpu.memref_slice %arg4[%mul3A_456] : memref<4128768xf32, #tpu.memory_space<hbm>> -> memref<1024xf32, #tpu.memory_space<hbm>>
    %dma_start3A_794 = tpu.memref_slice %arg4[%mul3A_456] : memref<4128768xf32, #tpu.memory_space<hbm>> -> memref<1024xf32, #tpu.memory_space<hbm>>
    %dma_start3A_795 = arith.constant 44032 : i32
    %dma_start3A_796 = tpu.memref_slice %arg7[%dma_start3A_795] : memref<64512xf32, #tpu.memory_space<vmem>> -> memref<1024xf32, #tpu.memory_space<vmem>>
    tpu.enqueue_dma source(%dma_start3A_796 : memref<1024xf32, #tpu.memory_space<vmem>>) target(%dma_start3A_794 : memref<1024xf32, #tpu.memory_space<hbm>>) target_semaphore(%arg9 : memref<!tpu.dma_semaphore, #tpu.memory_space<semaphore_mem>>)
    %dma_start3A_797 = arith.constant 45056 : i32
    %dma_start3A_798 = tpu.memref_slice %arg7[%dma_start3A_797] : memref<64512xf32, #tpu.memory_space<vmem>> -> memref<1024xf32, #tpu.memory_space<vmem>>
    %dma_start3A_799 = tpu.memref_slice %arg4[%mul3A_460] : memref<4128768xf32, #tpu.memory_space<hbm>> -> memref<1024xf32, #tpu.memory_space<hbm>>
    %dma_start3A_800 = tpu.memref_slice %arg4[%mul3A_460] : memref<4128768xf32, #tpu.memory_space<hbm>> -> memref<1024xf32, #tpu.memory_space<hbm>>
    %dma_start3A_801 = arith.constant 45056 : i32
    %dma_start3A_802 = tpu.memref_slice %arg7[%dma_start3A_801] : memref<64512xf32, #tpu.memory_space<vmem>> -> memref<1024xf32, #tpu.memory_space<vmem>>
    tpu.enqueue_dma source(%dma_start3A_802 : memref<1024xf32, #tpu.memory_space<vmem>>) target(%dma_start3A_800 : memref<1024xf32, #tpu.memory_space<hbm>>) target_semaphore(%arg9 : memref<!tpu.dma_semaphore, #tpu.memory_space<semaphore_mem>>)
    %dma_start3A_803 = arith.constant 46080 : i32
    %dma_start3A_804 = tpu.memref_slice %arg7[%dma_start3A_803] : memref<64512xf32, #tpu.memory_space<vmem>> -> memref<1024xf32, #tpu.memory_space<vmem>>
    %dma_start3A_805 = tpu.memref_slice %arg4[%mul3A_464] : memref<4128768xf32, #tpu.memory_space<hbm>> -> memref<1024xf32, #tpu.memory_space<hbm>>
    %dma_start3A_806 = tpu.memref_slice %arg4[%mul3A_464] : memref<4128768xf32, #tpu.memory_space<hbm>> -> memref<1024xf32, #tpu.memory_space<hbm>>
    %dma_start3A_807 = arith.constant 46080 : i32
    %dma_start3A_808 = tpu.memref_slice %arg7[%dma_start3A_807] : memref<64512xf32, #tpu.memory_space<vmem>> -> memref<1024xf32, #tpu.memory_space<vmem>>
    tpu.enqueue_dma source(%dma_start3A_808 : memref<1024xf32, #tpu.memory_space<vmem>>) target(%dma_start3A_806 : memref<1024xf32, #tpu.memory_space<hbm>>) target_semaphore(%arg9 : memref<!tpu.dma_semaphore, #tpu.memory_space<semaphore_mem>>)
    %dma_start3A_809 = arith.constant 47104 : i32
    %dma_start3A_810 = tpu.memref_slice %arg7[%dma_start3A_809] : memref<64512xf32, #tpu.memory_space<vmem>> -> memref<1024xf32, #tpu.memory_space<vmem>>
    %dma_start3A_811 = tpu.memref_slice %arg4[%mul3A_468] : memref<4128768xf32, #tpu.memory_space<hbm>> -> memref<1024xf32, #tpu.memory_space<hbm>>
    %dma_start3A_812 = tpu.memref_slice %arg4[%mul3A_468] : memref<4128768xf32, #tpu.memory_space<hbm>> -> memref<1024xf32, #tpu.memory_space<hbm>>
    %dma_start3A_813 = arith.constant 47104 : i32
    %dma_start3A_814 = tpu.memref_slice %arg7[%dma_start3A_813] : memref<64512xf32, #tpu.memory_space<vmem>> -> memref<1024xf32, #tpu.memory_space<vmem>>
    tpu.enqueue_dma source(%dma_start3A_814 : memref<1024xf32, #tpu.memory_space<vmem>>) target(%dma_start3A_812 : memref<1024xf32, #tpu.memory_space<hbm>>) target_semaphore(%arg9 : memref<!tpu.dma_semaphore, #tpu.memory_space<semaphore_mem>>)
    %dma_start3A_815 = arith.constant 48128 : i32
    %dma_start3A_816 = tpu.memref_slice %arg7[%dma_start3A_815] : memref<64512xf32, #tpu.memory_space<vmem>> -> memref<1024xf32, #tpu.memory_space<vmem>>
    %dma_start3A_817 = tpu.memref_slice %arg4[%mul3A_472] : memref<4128768xf32, #tpu.memory_space<hbm>> -> memref<1024xf32, #tpu.memory_space<hbm>>
    %dma_start3A_818 = tpu.memref_slice %arg4[%mul3A_472] : memref<4128768xf32, #tpu.memory_space<hbm>> -> memref<1024xf32, #tpu.memory_space<hbm>>
    %dma_start3A_819 = arith.constant 48128 : i32
    %dma_start3A_820 = tpu.memref_slice %arg7[%dma_start3A_819] : memref<64512xf32, #tpu.memory_space<vmem>> -> memref<1024xf32, #tpu.memory_space<vmem>>
    tpu.enqueue_dma source(%dma_start3A_820 : memref<1024xf32, #tpu.memory_space<vmem>>) target(%dma_start3A_818 : memref<1024xf32, #tpu.memory_space<hbm>>) target_semaphore(%arg9 : memref<!tpu.dma_semaphore, #tpu.memory_space<semaphore_mem>>)
    %dma_start3A_821 = arith.constant 49152 : i32
    %dma_start3A_822 = tpu.memref_slice %arg7[%dma_start3A_821] : memref<64512xf32, #tpu.memory_space<vmem>> -> memref<1024xf32, #tpu.memory_space<vmem>>
    %dma_start3A_823 = tpu.memref_slice %arg4[%mul3A_476] : memref<4128768xf32, #tpu.memory_space<hbm>> -> memref<1024xf32, #tpu.memory_space<hbm>>
    %dma_start3A_824 = tpu.memref_slice %arg4[%mul3A_476] : memref<4128768xf32, #tpu.memory_space<hbm>> -> memref<1024xf32, #tpu.memory_space<hbm>>
    %dma_start3A_825 = arith.constant 49152 : i32
    %dma_start3A_826 = tpu.memref_slice %arg7[%dma_start3A_825] : memref<64512xf32, #tpu.memory_space<vmem>> -> memref<1024xf32, #tpu.memory_space<vmem>>
    tpu.enqueue_dma source(%dma_start3A_826 : memref<1024xf32, #tpu.memory_space<vmem>>) target(%dma_start3A_824 : memref<1024xf32, #tpu.memory_space<hbm>>) target_semaphore(%arg9 : memref<!tpu.dma_semaphore, #tpu.memory_space<semaphore_mem>>)
    %dma_start3A_827 = arith.constant 50176 : i32
    %dma_start3A_828 = tpu.memref_slice %arg7[%dma_start3A_827] : memref<64512xf32, #tpu.memory_space<vmem>> -> memref<1024xf32, #tpu.memory_space<vmem>>
    %dma_start3A_829 = tpu.memref_slice %arg4[%mul3A_480] : memref<4128768xf32, #tpu.memory_space<hbm>> -> memref<1024xf32, #tpu.memory_space<hbm>>
    %dma_start3A_830 = tpu.memref_slice %arg4[%mul3A_480] : memref<4128768xf32, #tpu.memory_space<hbm>> -> memref<1024xf32, #tpu.memory_space<hbm>>
    %dma_start3A_831 = arith.constant 50176 : i32
    %dma_start3A_832 = tpu.memref_slice %arg7[%dma_start3A_831] : memref<64512xf32, #tpu.memory_space<vmem>> -> memref<1024xf32, #tpu.memory_space<vmem>>
    tpu.enqueue_dma source(%dma_start3A_832 : memref<1024xf32, #tpu.memory_space<vmem>>) target(%dma_start3A_830 : memref<1024xf32, #tpu.memory_space<hbm>>) target_semaphore(%arg9 : memref<!tpu.dma_semaphore, #tpu.memory_space<semaphore_mem>>)
    %dma_start3A_833 = arith.constant 51200 : i32
    %dma_start3A_834 = tpu.memref_slice %arg7[%dma_start3A_833] : memref<64512xf32, #tpu.memory_space<vmem>> -> memref<1024xf32, #tpu.memory_space<vmem>>
    %dma_start3A_835 = tpu.memref_slice %arg4[%mul3A_484] : memref<4128768xf32, #tpu.memory_space<hbm>> -> memref<1024xf32, #tpu.memory_space<hbm>>
    %dma_start3A_836 = tpu.memref_slice %arg4[%mul3A_484] : memref<4128768xf32, #tpu.memory_space<hbm>> -> memref<1024xf32, #tpu.memory_space<hbm>>
    %dma_start3A_837 = arith.constant 51200 : i32
    %dma_start3A_838 = tpu.memref_slice %arg7[%dma_start3A_837] : memref<64512xf32, #tpu.memory_space<vmem>> -> memref<1024xf32, #tpu.memory_space<vmem>>
    tpu.enqueue_dma source(%dma_start3A_838 : memref<1024xf32, #tpu.memory_space<vmem>>) target(%dma_start3A_836 : memref<1024xf32, #tpu.memory_space<hbm>>) target_semaphore(%arg9 : memref<!tpu.dma_semaphore, #tpu.memory_space<semaphore_mem>>)
    %dma_start3A_839 = arith.constant 52224 : i32
    %dma_start3A_840 = tpu.memref_slice %arg7[%dma_start3A_839] : memref<64512xf32, #tpu.memory_space<vmem>> -> memref<1024xf32, #tpu.memory_space<vmem>>
    %dma_start3A_841 = tpu.memref_slice %arg4[%mul3A_488] : memref<4128768xf32, #tpu.memory_space<hbm>> -> memref<1024xf32, #tpu.memory_space<hbm>>
    %dma_start3A_842 = tpu.memref_slice %arg4[%mul3A_488] : memref<4128768xf32, #tpu.memory_space<hbm>> -> memref<1024xf32, #tpu.memory_space<hbm>>
    %dma_start3A_843 = arith.constant 52224 : i32
    %dma_start3A_844 = tpu.memref_slice %arg7[%dma_start3A_843] : memref<64512xf32, #tpu.memory_space<vmem>> -> memref<1024xf32, #tpu.memory_space<vmem>>
    tpu.enqueue_dma source(%dma_start3A_844 : memref<1024xf32, #tpu.memory_space<vmem>>) target(%dma_start3A_842 : memref<1024xf32, #tpu.memory_space<hbm>>) target_semaphore(%arg9 : memref<!tpu.dma_semaphore, #tpu.memory_space<semaphore_mem>>)
    %dma_start3A_845 = arith.constant 53248 : i32
    %dma_start3A_846 = tpu.memref_slice %arg7[%dma_start3A_845] : memref<64512xf32, #tpu.memory_space<vmem>> -> memref<1024xf32, #tpu.memory_space<vmem>>
    %dma_start3A_847 = tpu.memref_slice %arg4[%mul3A_492] : memref<4128768xf32, #tpu.memory_space<hbm>> -> memref<1024xf32, #tpu.memory_space<hbm>>
    %dma_start3A_848 = tpu.memref_slice %arg4[%mul3A_492] : memref<4128768xf32, #tpu.memory_space<hbm>> -> memref<1024xf32, #tpu.memory_space<hbm>>
    %dma_start3A_849 = arith.constant 53248 : i32
    %dma_start3A_850 = tpu.memref_slice %arg7[%dma_start3A_849] : memref<64512xf32, #tpu.memory_space<vmem>> -> memref<1024xf32, #tpu.memory_space<vmem>>
    tpu.enqueue_dma source(%dma_start3A_850 : memref<1024xf32, #tpu.memory_space<vmem>>) target(%dma_start3A_848 : memref<1024xf32, #tpu.memory_space<hbm>>) target_semaphore(%arg9 : memref<!tpu.dma_semaphore, #tpu.memory_space<semaphore_mem>>)
    %dma_start3A_851 = arith.constant 54272 : i32
    %dma_start3A_852 = tpu.memref_slice %arg7[%dma_start3A_851] : memref<64512xf32, #tpu.memory_space<vmem>> -> memref<1024xf32, #tpu.memory_space<vmem>>
    %dma_start3A_853 = tpu.memref_slice %arg4[%mul3A_496] : memref<4128768xf32, #tpu.memory_space<hbm>> -> memref<1024xf32, #tpu.memory_space<hbm>>
    %dma_start3A_854 = tpu.memref_slice %arg4[%mul3A_496] : memref<4128768xf32, #tpu.memory_space<hbm>> -> memref<1024xf32, #tpu.memory_space<hbm>>
    %dma_start3A_855 = arith.constant 54272 : i32
    %dma_start3A_856 = tpu.memref_slice %arg7[%dma_start3A_855] : memref<64512xf32, #tpu.memory_space<vmem>> -> memref<1024xf32, #tpu.memory_space<vmem>>
    tpu.enqueue_dma source(%dma_start3A_856 : memref<1024xf32, #tpu.memory_space<vmem>>) target(%dma_start3A_854 : memref<1024xf32, #tpu.memory_space<hbm>>) target_semaphore(%arg9 : memref<!tpu.dma_semaphore, #tpu.memory_space<semaphore_mem>>)
    %dma_start3A_857 = arith.constant 55296 : i32
    %dma_start3A_858 = tpu.memref_slice %arg7[%dma_start3A_857] : memref<64512xf32, #tpu.memory_space<vmem>> -> memref<1024xf32, #tpu.memory_space<vmem>>
    %dma_start3A_859 = tpu.memref_slice %arg4[%mul3A_500] : memref<4128768xf32, #tpu.memory_space<hbm>> -> memref<1024xf32, #tpu.memory_space<hbm>>
    %dma_start3A_860 = tpu.memref_slice %arg4[%mul3A_500] : memref<4128768xf32, #tpu.memory_space<hbm>> -> memref<1024xf32, #tpu.memory_space<hbm>>
    %dma_start3A_861 = arith.constant 55296 : i32
    %dma_start3A_862 = tpu.memref_slice %arg7[%dma_start3A_861] : memref<64512xf32, #tpu.memory_space<vmem>> -> memref<1024xf32, #tpu.memory_space<vmem>>
    tpu.enqueue_dma source(%dma_start3A_862 : memref<1024xf32, #tpu.memory_space<vmem>>) target(%dma_start3A_860 : memref<1024xf32, #tpu.memory_space<hbm>>) target_semaphore(%arg9 : memref<!tpu.dma_semaphore, #tpu.memory_space<semaphore_mem>>)
    %dma_start3A_863 = arith.constant 56320 : i32
    %dma_start3A_864 = tpu.memref_slice %arg7[%dma_start3A_863] : memref<64512xf32, #tpu.memory_space<vmem>> -> memref<1024xf32, #tpu.memory_space<vmem>>
    %dma_start3A_865 = tpu.memref_slice %arg4[%mul3A_504] : memref<4128768xf32, #tpu.memory_space<hbm>> -> memref<1024xf32, #tpu.memory_space<hbm>>
    %dma_start3A_866 = tpu.memref_slice %arg4[%mul3A_504] : memref<4128768xf32, #tpu.memory_space<hbm>> -> memref<1024xf32, #tpu.memory_space<hbm>>
    %dma_start3A_867 = arith.constant 56320 : i32
    %dma_start3A_868 = tpu.memref_slice %arg7[%dma_start3A_867] : memref<64512xf32, #tpu.memory_space<vmem>> -> memref<1024xf32, #tpu.memory_space<vmem>>
    tpu.enqueue_dma source(%dma_start3A_868 : memref<1024xf32, #tpu.memory_space<vmem>>) target(%dma_start3A_866 : memref<1024xf32, #tpu.memory_space<hbm>>) target_semaphore(%arg9 : memref<!tpu.dma_semaphore, #tpu.memory_space<semaphore_mem>>)
    %dma_start3A_869 = arith.constant 57344 : i32
    %dma_start3A_870 = tpu.memref_slice %arg7[%dma_start3A_869] : memref<64512xf32, #tpu.memory_space<vmem>> -> memref<1024xf32, #tpu.memory_space<vmem>>
    %dma_start3A_871 = tpu.memref_slice %arg4[%mul3A_508] : memref<4128768xf32, #tpu.memory_space<hbm>> -> memref<1024xf32, #tpu.memory_space<hbm>>
    %dma_start3A_872 = tpu.memref_slice %arg4[%mul3A_508] : memref<4128768xf32, #tpu.memory_space<hbm>> -> memref<1024xf32, #tpu.memory_space<hbm>>
    %dma_start3A_873 = arith.constant 57344 : i32
    %dma_start3A_874 = tpu.memref_slice %arg7[%dma_start3A_873] : memref<64512xf32, #tpu.memory_space<vmem>> -> memref<1024xf32, #tpu.memory_space<vmem>>
    tpu.enqueue_dma source(%dma_start3A_874 : memref<1024xf32, #tpu.memory_space<vmem>>) target(%dma_start3A_872 : memref<1024xf32, #tpu.memory_space<hbm>>) target_semaphore(%arg9 : memref<!tpu.dma_semaphore, #tpu.memory_space<semaphore_mem>>)
    %dma_start3A_875 = arith.constant 58368 : i32
    %dma_start3A_876 = tpu.memref_slice %arg7[%dma_start3A_875] : memref<64512xf32, #tpu.memory_space<vmem>> -> memref<1024xf32, #tpu.memory_space<vmem>>
    %dma_start3A_877 = tpu.memref_slice %arg4[%mul3A_512] : memref<4128768xf32, #tpu.memory_space<hbm>> -> memref<1024xf32, #tpu.memory_space<hbm>>
    %dma_start3A_878 = tpu.memref_slice %arg4[%mul3A_512] : memref<4128768xf32, #tpu.memory_space<hbm>> -> memref<1024xf32, #tpu.memory_space<hbm>>
    %dma_start3A_879 = arith.constant 58368 : i32
    %dma_start3A_880 = tpu.memref_slice %arg7[%dma_start3A_879] : memref<64512xf32, #tpu.memory_space<vmem>> -> memref<1024xf32, #tpu.memory_space<vmem>>
    tpu.enqueue_dma source(%dma_start3A_880 : memref<1024xf32, #tpu.memory_space<vmem>>) target(%dma_start3A_878 : memref<1024xf32, #tpu.memory_space<hbm>>) target_semaphore(%arg9 : memref<!tpu.dma_semaphore, #tpu.memory_space<semaphore_mem>>)
    %dma_start3A_881 = arith.constant 59392 : i32
    %dma_start3A_882 = tpu.memref_slice %arg7[%dma_start3A_881] : memref<64512xf32, #tpu.memory_space<vmem>> -> memref<1024xf32, #tpu.memory_space<vmem>>
    %dma_start3A_883 = tpu.memref_slice %arg4[%mul3A_516] : memref<4128768xf32, #tpu.memory_space<hbm>> -> memref<1024xf32, #tpu.memory_space<hbm>>
    %dma_start3A_884 = tpu.memref_slice %arg4[%mul3A_516] : memref<4128768xf32, #tpu.memory_space<hbm>> -> memref<1024xf32, #tpu.memory_space<hbm>>
    %dma_start3A_885 = arith.constant 59392 : i32
    %dma_start3A_886 = tpu.memref_slice %arg7[%dma_start3A_885] : memref<64512xf32, #tpu.memory_space<vmem>> -> memref<1024xf32, #tpu.memory_space<vmem>>
    tpu.enqueue_dma source(%dma_start3A_886 : memref<1024xf32, #tpu.memory_space<vmem>>) target(%dma_start3A_884 : memref<1024xf32, #tpu.memory_space<hbm>>) target_semaphore(%arg9 : memref<!tpu.dma_semaphore, #tpu.memory_space<semaphore_mem>>)
    %dma_start3A_887 = arith.constant 60416 : i32
    %dma_start3A_888 = tpu.memref_slice %arg7[%dma_start3A_887] : memref<64512xf32, #tpu.memory_space<vmem>> -> memref<1024xf32, #tpu.memory_space<vmem>>
    %dma_start3A_889 = tpu.memref_slice %arg4[%mul3A_520] : memref<4128768xf32, #tpu.memory_space<hbm>> -> memref<1024xf32, #tpu.memory_space<hbm>>
    %dma_start3A_890 = tpu.memref_slice %arg4[%mul3A_520] : memref<4128768xf32, #tpu.memory_space<hbm>> -> memref<1024xf32, #tpu.memory_space<hbm>>
    %dma_start3A_891 = arith.constant 60416 : i32
    %dma_start3A_892 = tpu.memref_slice %arg7[%dma_start3A_891] : memref<64512xf32, #tpu.memory_space<vmem>> -> memref<1024xf32, #tpu.memory_space<vmem>>
    tpu.enqueue_dma source(%dma_start3A_892 : memref<1024xf32, #tpu.memory_space<vmem>>) target(%dma_start3A_890 : memref<1024xf32, #tpu.memory_space<hbm>>) target_semaphore(%arg9 : memref<!tpu.dma_semaphore, #tpu.memory_space<semaphore_mem>>)
    %dma_start3A_893 = arith.constant 61440 : i32
    %dma_start3A_894 = tpu.memref_slice %arg7[%dma_start3A_893] : memref<64512xf32, #tpu.memory_space<vmem>> -> memref<1024xf32, #tpu.memory_space<vmem>>
    %dma_start3A_895 = tpu.memref_slice %arg4[%mul3A_524] : memref<4128768xf32, #tpu.memory_space<hbm>> -> memref<1024xf32, #tpu.memory_space<hbm>>
    %dma_start3A_896 = tpu.memref_slice %arg4[%mul3A_524] : memref<4128768xf32, #tpu.memory_space<hbm>> -> memref<1024xf32, #tpu.memory_space<hbm>>
    %dma_start3A_897 = arith.constant 61440 : i32
    %dma_start3A_898 = tpu.memref_slice %arg7[%dma_start3A_897] : memref<64512xf32, #tpu.memory_space<vmem>> -> memref<1024xf32, #tpu.memory_space<vmem>>
    tpu.enqueue_dma source(%dma_start3A_898 : memref<1024xf32, #tpu.memory_space<vmem>>) target(%dma_start3A_896 : memref<1024xf32, #tpu.memory_space<hbm>>) target_semaphore(%arg9 : memref<!tpu.dma_semaphore, #tpu.memory_space<semaphore_mem>>)
    %dma_start3A_899 = arith.constant 62464 : i32
    %dma_start3A_900 = tpu.memref_slice %arg7[%dma_start3A_899] : memref<64512xf32, #tpu.memory_space<vmem>> -> memref<1024xf32, #tpu.memory_space<vmem>>
    %dma_start3A_901 = tpu.memref_slice %arg4[%mul3A_528] : memref<4128768xf32, #tpu.memory_space<hbm>> -> memref<1024xf32, #tpu.memory_space<hbm>>
    %dma_start3A_902 = tpu.memref_slice %arg4[%mul3A_528] : memref<4128768xf32, #tpu.memory_space<hbm>> -> memref<1024xf32, #tpu.memory_space<hbm>>
    %dma_start3A_903 = arith.constant 62464 : i32
    %dma_start3A_904 = tpu.memref_slice %arg7[%dma_start3A_903] : memref<64512xf32, #tpu.memory_space<vmem>> -> memref<1024xf32, #tpu.memory_space<vmem>>
    tpu.enqueue_dma source(%dma_start3A_904 : memref<1024xf32, #tpu.memory_space<vmem>>) target(%dma_start3A_902 : memref<1024xf32, #tpu.memory_space<hbm>>) target_semaphore(%arg9 : memref<!tpu.dma_semaphore, #tpu.memory_space<semaphore_mem>>)
    %dma_start3A_905 = arith.constant 63488 : i32
    %dma_start3A_906 = tpu.memref_slice %arg7[%dma_start3A_905] : memref<64512xf32, #tpu.memory_space<vmem>> -> memref<1024xf32, #tpu.memory_space<vmem>>
    %dma_start3A_907 = tpu.memref_slice %arg4[%mul3A_532] : memref<4128768xf32, #tpu.memory_space<hbm>> -> memref<1024xf32, #tpu.memory_space<hbm>>
    %dma_start3A_908 = tpu.memref_slice %arg4[%mul3A_532] : memref<4128768xf32, #tpu.memory_space<hbm>> -> memref<1024xf32, #tpu.memory_space<hbm>>
    %dma_start3A_909 = arith.constant 63488 : i32
    %dma_start3A_910 = tpu.memref_slice %arg7[%dma_start3A_909] : memref<64512xf32, #tpu.memory_space<vmem>> -> memref<1024xf32, #tpu.memory_space<vmem>>
    tpu.enqueue_dma source(%dma_start3A_910 : memref<1024xf32, #tpu.memory_space<vmem>>) target(%dma_start3A_908 : memref<1024xf32, #tpu.memory_space<hbm>>) target_semaphore(%arg9 : memref<!tpu.dma_semaphore, #tpu.memory_space<semaphore_mem>>)
    %dma_wait3A_911 = arith.constant 0 : i32
    %dma_wait3A_912 = tpu.memref_slice %arg7[%dma_wait3A_911] : memref<64512xf32, #tpu.memory_space<vmem>> -> memref<1024xf32, #tpu.memory_space<vmem>>
    %dma_wait3A_913 = tpu.memref_slice %arg4[%mul3A_284] : memref<4128768xf32, #tpu.memory_space<hbm>> -> memref<1024xf32, #tpu.memory_space<hbm>>
    %dma_wait3A_914 = tpu.memref_slice %arg4[%mul3A_284] : memref<4128768xf32, #tpu.memory_space<hbm>> -> memref<1024xf32, #tpu.memory_space<hbm>>
    %dma_wait3A_915 = arith.constant 0 : i32
    %dma_wait3A_916 = tpu.memref_slice %arg7[%dma_wait3A_915] : memref<64512xf32, #tpu.memory_space<vmem>> -> memref<1024xf32, #tpu.memory_space<vmem>>
    tpu.wait_dma2 semaphore(%arg9 : memref<!tpu.dma_semaphore, #tpu.memory_space<semaphore_mem>>) src(%dma_wait3A_916 : memref<1024xf32, #tpu.memory_space<vmem>>) dst(%dma_wait3A_914 : memref<1024xf32, #tpu.memory_space<hbm>>)
    %dma_wait3A_917 = arith.constant 1024 : i32
    %dma_wait3A_918 = tpu.memref_slice %arg7[%dma_wait3A_917] : memref<64512xf32, #tpu.memory_space<vmem>> -> memref<1024xf32, #tpu.memory_space<vmem>>
    %dma_wait3A_919 = tpu.memref_slice %arg4[%mul3A_288] : memref<4128768xf32, #tpu.memory_space<hbm>> -> memref<1024xf32, #tpu.memory_space<hbm>>
    %dma_wait3A_920 = tpu.memref_slice %arg4[%mul3A_288] : memref<4128768xf32, #tpu.memory_space<hbm>> -> memref<1024xf32, #tpu.memory_space<hbm>>
    %dma_wait3A_921 = arith.constant 1024 : i32
    %dma_wait3A_922 = tpu.memref_slice %arg7[%dma_wait3A_921] : memref<64512xf32, #tpu.memory_space<vmem>> -> memref<1024xf32, #tpu.memory_space<vmem>>
    tpu.wait_dma2 semaphore(%arg9 : memref<!tpu.dma_semaphore, #tpu.memory_space<semaphore_mem>>) src(%dma_wait3A_922 : memref<1024xf32, #tpu.memory_space<vmem>>) dst(%dma_wait3A_920 : memref<1024xf32, #tpu.memory_space<hbm>>)
    %dma_wait3A_923 = arith.constant 2048 : i32
    %dma_wait3A_924 = tpu.memref_slice %arg7[%dma_wait3A_923] : memref<64512xf32, #tpu.memory_space<vmem>> -> memref<1024xf32, #tpu.memory_space<vmem>>
    %dma_wait3A_925 = tpu.memref_slice %arg4[%mul3A_292] : memref<4128768xf32, #tpu.memory_space<hbm>> -> memref<1024xf32, #tpu.memory_space<hbm>>
    %dma_wait3A_926 = tpu.memref_slice %arg4[%mul3A_292] : memref<4128768xf32, #tpu.memory_space<hbm>> -> memref<1024xf32, #tpu.memory_space<hbm>>
    %dma_wait3A_927 = arith.constant 2048 : i32
    %dma_wait3A_928 = tpu.memref_slice %arg7[%dma_wait3A_927] : memref<64512xf32, #tpu.memory_space<vmem>> -> memref<1024xf32, #tpu.memory_space<vmem>>
    tpu.wait_dma2 semaphore(%arg9 : memref<!tpu.dma_semaphore, #tpu.memory_space<semaphore_mem>>) src(%dma_wait3A_928 : memref<1024xf32, #tpu.memory_space<vmem>>) dst(%dma_wait3A_926 : memref<1024xf32, #tpu.memory_space<hbm>>)
    %dma_wait3A_929 = arith.constant 3072 : i32
    %dma_wait3A_930 = tpu.memref_slice %arg7[%dma_wait3A_929] : memref<64512xf32, #tpu.memory_space<vmem>> -> memref<1024xf32, #tpu.memory_space<vmem>>
    %dma_wait3A_931 = tpu.memref_slice %arg4[%mul3A_296] : memref<4128768xf32, #tpu.memory_space<hbm>> -> memref<1024xf32, #tpu.memory_space<hbm>>
    %dma_wait3A_932 = tpu.memref_slice %arg4[%mul3A_296] : memref<4128768xf32, #tpu.memory_space<hbm>> -> memref<1024xf32, #tpu.memory_space<hbm>>
    %dma_wait3A_933 = arith.constant 3072 : i32
    %dma_wait3A_934 = tpu.memref_slice %arg7[%dma_wait3A_933] : memref<64512xf32, #tpu.memory_space<vmem>> -> memref<1024xf32, #tpu.memory_space<vmem>>
    tpu.wait_dma2 semaphore(%arg9 : memref<!tpu.dma_semaphore, #tpu.memory_space<semaphore_mem>>) src(%dma_wait3A_934 : memref<1024xf32, #tpu.memory_space<vmem>>) dst(%dma_wait3A_932 : memref<1024xf32, #tpu.memory_space<hbm>>)
    %dma_wait3A_935 = arith.constant 4096 : i32
    %dma_wait3A_936 = tpu.memref_slice %arg7[%dma_wait3A_935] : memref<64512xf32, #tpu.memory_space<vmem>> -> memref<1024xf32, #tpu.memory_space<vmem>>
    %dma_wait3A_937 = tpu.memref_slice %arg4[%mul3A_300] : memref<4128768xf32, #tpu.memory_space<hbm>> -> memref<1024xf32, #tpu.memory_space<hbm>>
    %dma_wait3A_938 = tpu.memref_slice %arg4[%mul3A_300] : memref<4128768xf32, #tpu.memory_space<hbm>> -> memref<1024xf32, #tpu.memory_space<hbm>>
    %dma_wait3A_939 = arith.constant 4096 : i32
    %dma_wait3A_940 = tpu.memref_slice %arg7[%dma_wait3A_939] : memref<64512xf32, #tpu.memory_space<vmem>> -> memref<1024xf32, #tpu.memory_space<vmem>>
    tpu.wait_dma2 semaphore(%arg9 : memref<!tpu.dma_semaphore, #tpu.memory_space<semaphore_mem>>) src(%dma_wait3A_940 : memref<1024xf32, #tpu.memory_space<vmem>>) dst(%dma_wait3A_938 : memref<1024xf32, #tpu.memory_space<hbm>>)
    %dma_wait3A_941 = arith.constant 5120 : i32
    %dma_wait3A_942 = tpu.memref_slice %arg7[%dma_wait3A_941] : memref<64512xf32, #tpu.memory_space<vmem>> -> memref<1024xf32, #tpu.memory_space<vmem>>
    %dma_wait3A_943 = tpu.memref_slice %arg4[%mul3A_304] : memref<4128768xf32, #tpu.memory_space<hbm>> -> memref<1024xf32, #tpu.memory_space<hbm>>
    %dma_wait3A_944 = tpu.memref_slice %arg4[%mul3A_304] : memref<4128768xf32, #tpu.memory_space<hbm>> -> memref<1024xf32, #tpu.memory_space<hbm>>
    %dma_wait3A_945 = arith.constant 5120 : i32
    %dma_wait3A_946 = tpu.memref_slice %arg7[%dma_wait3A_945] : memref<64512xf32, #tpu.memory_space<vmem>> -> memref<1024xf32, #tpu.memory_space<vmem>>
    tpu.wait_dma2 semaphore(%arg9 : memref<!tpu.dma_semaphore, #tpu.memory_space<semaphore_mem>>) src(%dma_wait3A_946 : memref<1024xf32, #tpu.memory_space<vmem>>) dst(%dma_wait3A_944 : memref<1024xf32, #tpu.memory_space<hbm>>)
    %dma_wait3A_947 = arith.constant 6144 : i32
    %dma_wait3A_948 = tpu.memref_slice %arg7[%dma_wait3A_947] : memref<64512xf32, #tpu.memory_space<vmem>> -> memref<1024xf32, #tpu.memory_space<vmem>>
    %dma_wait3A_949 = tpu.memref_slice %arg4[%mul3A_308] : memref<4128768xf32, #tpu.memory_space<hbm>> -> memref<1024xf32, #tpu.memory_space<hbm>>
    %dma_wait3A_950 = tpu.memref_slice %arg4[%mul3A_308] : memref<4128768xf32, #tpu.memory_space<hbm>> -> memref<1024xf32, #tpu.memory_space<hbm>>
    %dma_wait3A_951 = arith.constant 6144 : i32
    %dma_wait3A_952 = tpu.memref_slice %arg7[%dma_wait3A_951] : memref<64512xf32, #tpu.memory_space<vmem>> -> memref<1024xf32, #tpu.memory_space<vmem>>
    tpu.wait_dma2 semaphore(%arg9 : memref<!tpu.dma_semaphore, #tpu.memory_space<semaphore_mem>>) src(%dma_wait3A_952 : memref<1024xf32, #tpu.memory_space<vmem>>) dst(%dma_wait3A_950 : memref<1024xf32, #tpu.memory_space<hbm>>)
    %dma_wait3A_953 = arith.constant 7168 : i32
    %dma_wait3A_954 = tpu.memref_slice %arg7[%dma_wait3A_953] : memref<64512xf32, #tpu.memory_space<vmem>> -> memref<1024xf32, #tpu.memory_space<vmem>>
    %dma_wait3A_955 = tpu.memref_slice %arg4[%mul3A_312] : memref<4128768xf32, #tpu.memory_space<hbm>> -> memref<1024xf32, #tpu.memory_space<hbm>>
    %dma_wait3A_956 = tpu.memref_slice %arg4[%mul3A_312] : memref<4128768xf32, #tpu.memory_space<hbm>> -> memref<1024xf32, #tpu.memory_space<hbm>>
    %dma_wait3A_957 = arith.constant 7168 : i32
    %dma_wait3A_958 = tpu.memref_slice %arg7[%dma_wait3A_957] : memref<64512xf32, #tpu.memory_space<vmem>> -> memref<1024xf32, #tpu.memory_space<vmem>>
    tpu.wait_dma2 semaphore(%arg9 : memref<!tpu.dma_semaphore, #tpu.memory_space<semaphore_mem>>) src(%dma_wait3A_958 : memref<1024xf32, #tpu.memory_space<vmem>>) dst(%dma_wait3A_956 : memref<1024xf32, #tpu.memory_space<hbm>>)
    %dma_wait3A_959 = arith.constant 8192 : i32
    %dma_wait3A_960 = tpu.memref_slice %arg7[%dma_wait3A_959] : memref<64512xf32, #tpu.memory_space<vmem>> -> memref<1024xf32, #tpu.memory_space<vmem>>
    %dma_wait3A_961 = tpu.memref_slice %arg4[%mul3A_316] : memref<4128768xf32, #tpu.memory_space<hbm>> -> memref<1024xf32, #tpu.memory_space<hbm>>
    %dma_wait3A_962 = tpu.memref_slice %arg4[%mul3A_316] : memref<4128768xf32, #tpu.memory_space<hbm>> -> memref<1024xf32, #tpu.memory_space<hbm>>
    %dma_wait3A_963 = arith.constant 8192 : i32
    %dma_wait3A_964 = tpu.memref_slice %arg7[%dma_wait3A_963] : memref<64512xf32, #tpu.memory_space<vmem>> -> memref<1024xf32, #tpu.memory_space<vmem>>
    tpu.wait_dma2 semaphore(%arg9 : memref<!tpu.dma_semaphore, #tpu.memory_space<semaphore_mem>>) src(%dma_wait3A_964 : memref<1024xf32, #tpu.memory_space<vmem>>) dst(%dma_wait3A_962 : memref<1024xf32, #tpu.memory_space<hbm>>)
    %dma_wait3A_965 = arith.constant 9216 : i32
    %dma_wait3A_966 = tpu.memref_slice %arg7[%dma_wait3A_965] : memref<64512xf32, #tpu.memory_space<vmem>> -> memref<1024xf32, #tpu.memory_space<vmem>>
    %dma_wait3A_967 = tpu.memref_slice %arg4[%mul3A_320] : memref<4128768xf32, #tpu.memory_space<hbm>> -> memref<1024xf32, #tpu.memory_space<hbm>>
    %dma_wait3A_968 = tpu.memref_slice %arg4[%mul3A_320] : memref<4128768xf32, #tpu.memory_space<hbm>> -> memref<1024xf32, #tpu.memory_space<hbm>>
    %dma_wait3A_969 = arith.constant 9216 : i32
    %dma_wait3A_970 = tpu.memref_slice %arg7[%dma_wait3A_969] : memref<64512xf32, #tpu.memory_space<vmem>> -> memref<1024xf32, #tpu.memory_space<vmem>>
    tpu.wait_dma2 semaphore(%arg9 : memref<!tpu.dma_semaphore, #tpu.memory_space<semaphore_mem>>) src(%dma_wait3A_970 : memref<1024xf32, #tpu.memory_space<vmem>>) dst(%dma_wait3A_968 : memref<1024xf32, #tpu.memory_space<hbm>>)
    %dma_wait3A_971 = arith.constant 10240 : i32
    %dma_wait3A_972 = tpu.memref_slice %arg7[%dma_wait3A_971] : memref<64512xf32, #tpu.memory_space<vmem>> -> memref<1024xf32, #tpu.memory_space<vmem>>
    %dma_wait3A_973 = tpu.memref_slice %arg4[%mul3A_324] : memref<4128768xf32, #tpu.memory_space<hbm>> -> memref<1024xf32, #tpu.memory_space<hbm>>
    %dma_wait3A_974 = tpu.memref_slice %arg4[%mul3A_324] : memref<4128768xf32, #tpu.memory_space<hbm>> -> memref<1024xf32, #tpu.memory_space<hbm>>
    %dma_wait3A_975 = arith.constant 10240 : i32
    %dma_wait3A_976 = tpu.memref_slice %arg7[%dma_wait3A_975] : memref<64512xf32, #tpu.memory_space<vmem>> -> memref<1024xf32, #tpu.memory_space<vmem>>
    tpu.wait_dma2 semaphore(%arg9 : memref<!tpu.dma_semaphore, #tpu.memory_space<semaphore_mem>>) src(%dma_wait3A_976 : memref<1024xf32, #tpu.memory_space<vmem>>) dst(%dma_wait3A_974 : memref<1024xf32, #tpu.memory_space<hbm>>)
    %dma_wait3A_977 = arith.constant 11264 : i32
    %dma_wait3A_978 = tpu.memref_slice %arg7[%dma_wait3A_977] : memref<64512xf32, #tpu.memory_space<vmem>> -> memref<1024xf32, #tpu.memory_space<vmem>>
    %dma_wait3A_979 = tpu.memref_slice %arg4[%mul3A_328] : memref<4128768xf32, #tpu.memory_space<hbm>> -> memref<1024xf32, #tpu.memory_space<hbm>>
    %dma_wait3A_980 = tpu.memref_slice %arg4[%mul3A_328] : memref<4128768xf32, #tpu.memory_space<hbm>> -> memref<1024xf32, #tpu.memory_space<hbm>>
    %dma_wait3A_981 = arith.constant 11264 : i32
    %dma_wait3A_982 = tpu.memref_slice %arg7[%dma_wait3A_981] : memref<64512xf32, #tpu.memory_space<vmem>> -> memref<1024xf32, #tpu.memory_space<vmem>>
    tpu.wait_dma2 semaphore(%arg9 : memref<!tpu.dma_semaphore, #tpu.memory_space<semaphore_mem>>) src(%dma_wait3A_982 : memref<1024xf32, #tpu.memory_space<vmem>>) dst(%dma_wait3A_980 : memref<1024xf32, #tpu.memory_space<hbm>>)
    %dma_wait3A_983 = arith.constant 12288 : i32
    %dma_wait3A_984 = tpu.memref_slice %arg7[%dma_wait3A_983] : memref<64512xf32, #tpu.memory_space<vmem>> -> memref<1024xf32, #tpu.memory_space<vmem>>
    %dma_wait3A_985 = tpu.memref_slice %arg4[%mul3A_332] : memref<4128768xf32, #tpu.memory_space<hbm>> -> memref<1024xf32, #tpu.memory_space<hbm>>
    %dma_wait3A_986 = tpu.memref_slice %arg4[%mul3A_332] : memref<4128768xf32, #tpu.memory_space<hbm>> -> memref<1024xf32, #tpu.memory_space<hbm>>
    %dma_wait3A_987 = arith.constant 12288 : i32
    %dma_wait3A_988 = tpu.memref_slice %arg7[%dma_wait3A_987] : memref<64512xf32, #tpu.memory_space<vmem>> -> memref<1024xf32, #tpu.memory_space<vmem>>
    tpu.wait_dma2 semaphore(%arg9 : memref<!tpu.dma_semaphore, #tpu.memory_space<semaphore_mem>>) src(%dma_wait3A_988 : memref<1024xf32, #tpu.memory_space<vmem>>) dst(%dma_wait3A_986 : memref<1024xf32, #tpu.memory_space<hbm>>)
    %dma_wait3A_989 = arith.constant 13312 : i32
    %dma_wait3A_990 = tpu.memref_slice %arg7[%dma_wait3A_989] : memref<64512xf32, #tpu.memory_space<vmem>> -> memref<1024xf32, #tpu.memory_space<vmem>>
    %dma_wait3A_991 = tpu.memref_slice %arg4[%mul3A_336] : memref<4128768xf32, #tpu.memory_space<hbm>> -> memref<1024xf32, #tpu.memory_space<hbm>>
    %dma_wait3A_992 = tpu.memref_slice %arg4[%mul3A_336] : memref<4128768xf32, #tpu.memory_space<hbm>> -> memref<1024xf32, #tpu.memory_space<hbm>>
    %dma_wait3A_993 = arith.constant 13312 : i32
    %dma_wait3A_994 = tpu.memref_slice %arg7[%dma_wait3A_993] : memref<64512xf32, #tpu.memory_space<vmem>> -> memref<1024xf32, #tpu.memory_space<vmem>>
    tpu.wait_dma2 semaphore(%arg9 : memref<!tpu.dma_semaphore, #tpu.memory_space<semaphore_mem>>) src(%dma_wait3A_994 : memref<1024xf32, #tpu.memory_space<vmem>>) dst(%dma_wait3A_992 : memref<1024xf32, #tpu.memory_space<hbm>>)
    %dma_wait3A_995 = arith.constant 14336 : i32
    %dma_wait3A_996 = tpu.memref_slice %arg7[%dma_wait3A_995] : memref<64512xf32, #tpu.memory_space<vmem>> -> memref<1024xf32, #tpu.memory_space<vmem>>
    %dma_wait3A_997 = tpu.memref_slice %arg4[%mul3A_340] : memref<4128768xf32, #tpu.memory_space<hbm>> -> memref<1024xf32, #tpu.memory_space<hbm>>
    %dma_wait3A_998 = tpu.memref_slice %arg4[%mul3A_340] : memref<4128768xf32, #tpu.memory_space<hbm>> -> memref<1024xf32, #tpu.memory_space<hbm>>
    %dma_wait3A_999 = arith.constant 14336 : i32
    %dma_wait3A_1000 = tpu.memref_slice %arg7[%dma_wait3A_999] : memref<64512xf32, #tpu.memory_space<vmem>> -> memref<1024xf32, #tpu.memory_space<vmem>>
    tpu.wait_dma2 semaphore(%arg9 : memref<!tpu.dma_semaphore, #tpu.memory_space<semaphore_mem>>) src(%dma_wait3A_1000 : memref<1024xf32, #tpu.memory_space<vmem>>) dst(%dma_wait3A_998 : memref<1024xf32, #tpu.memory_space<hbm>>)
    %dma_wait3A_1001 = arith.constant 15360 : i32
    %dma_wait3A_1002 = tpu.memref_slice %arg7[%dma_wait3A_1001] : memref<64512xf32, #tpu.memory_space<vmem>> -> memref<1024xf32, #tpu.memory_space<vmem>>
    %dma_wait3A_1003 = tpu.memref_slice %arg4[%mul3A_344] : memref<4128768xf32, #tpu.memory_space<hbm>> -> memref<1024xf32, #tpu.memory_space<hbm>>
    %dma_wait3A_1004 = tpu.memref_slice %arg4[%mul3A_344] : memref<4128768xf32, #tpu.memory_space<hbm>> -> memref<1024xf32, #tpu.memory_space<hbm>>
    %dma_wait3A_1005 = arith.constant 15360 : i32
    %dma_wait3A_1006 = tpu.memref_slice %arg7[%dma_wait3A_1005] : memref<64512xf32, #tpu.memory_space<vmem>> -> memref<1024xf32, #tpu.memory_space<vmem>>
    tpu.wait_dma2 semaphore(%arg9 : memref<!tpu.dma_semaphore, #tpu.memory_space<semaphore_mem>>) src(%dma_wait3A_1006 : memref<1024xf32, #tpu.memory_space<vmem>>) dst(%dma_wait3A_1004 : memref<1024xf32, #tpu.memory_space<hbm>>)
    %dma_wait3A_1007 = arith.constant 16384 : i32
    %dma_wait3A_1008 = tpu.memref_slice %arg7[%dma_wait3A_1007] : memref<64512xf32, #tpu.memory_space<vmem>> -> memref<1024xf32, #tpu.memory_space<vmem>>
    %dma_wait3A_1009 = tpu.memref_slice %arg4[%mul3A_348] : memref<4128768xf32, #tpu.memory_space<hbm>> -> memref<1024xf32, #tpu.memory_space<hbm>>
    %dma_wait3A_1010 = tpu.memref_slice %arg4[%mul3A_348] : memref<4128768xf32, #tpu.memory_space<hbm>> -> memref<1024xf32, #tpu.memory_space<hbm>>
    %dma_wait3A_1011 = arith.constant 16384 : i32
    %dma_wait3A_1012 = tpu.memref_slice %arg7[%dma_wait3A_1011] : memref<64512xf32, #tpu.memory_space<vmem>> -> memref<1024xf32, #tpu.memory_space<vmem>>
    tpu.wait_dma2 semaphore(%arg9 : memref<!tpu.dma_semaphore, #tpu.memory_space<semaphore_mem>>) src(%dma_wait3A_1012 : memref<1024xf32, #tpu.memory_space<vmem>>) dst(%dma_wait3A_1010 : memref<1024xf32, #tpu.memory_space<hbm>>)
    %dma_wait3A_1013 = arith.constant 17408 : i32
    %dma_wait3A_1014 = tpu.memref_slice %arg7[%dma_wait3A_1013] : memref<64512xf32, #tpu.memory_space<vmem>> -> memref<1024xf32, #tpu.memory_space<vmem>>
    %dma_wait3A_1015 = tpu.memref_slice %arg4[%mul3A_352] : memref<4128768xf32, #tpu.memory_space<hbm>> -> memref<1024xf32, #tpu.memory_space<hbm>>
    %dma_wait3A_1016 = tpu.memref_slice %arg4[%mul3A_352] : memref<4128768xf32, #tpu.memory_space<hbm>> -> memref<1024xf32, #tpu.memory_space<hbm>>
    %dma_wait3A_1017 = arith.constant 17408 : i32
    %dma_wait3A_1018 = tpu.memref_slice %arg7[%dma_wait3A_1017] : memref<64512xf32, #tpu.memory_space<vmem>> -> memref<1024xf32, #tpu.memory_space<vmem>>
    tpu.wait_dma2 semaphore(%arg9 : memref<!tpu.dma_semaphore, #tpu.memory_space<semaphore_mem>>) src(%dma_wait3A_1018 : memref<1024xf32, #tpu.memory_space<vmem>>) dst(%dma_wait3A_1016 : memref<1024xf32, #tpu.memory_space<hbm>>)
    %dma_wait3A_1019 = arith.constant 18432 : i32
    %dma_wait3A_1020 = tpu.memref_slice %arg7[%dma_wait3A_1019] : memref<64512xf32, #tpu.memory_space<vmem>> -> memref<1024xf32, #tpu.memory_space<vmem>>
    %dma_wait3A_1021 = tpu.memref_slice %arg4[%mul3A_356] : memref<4128768xf32, #tpu.memory_space<hbm>> -> memref<1024xf32, #tpu.memory_space<hbm>>
    %dma_wait3A_1022 = tpu.memref_slice %arg4[%mul3A_356] : memref<4128768xf32, #tpu.memory_space<hbm>> -> memref<1024xf32, #tpu.memory_space<hbm>>
    %dma_wait3A_1023 = arith.constant 18432 : i32
    %dma_wait3A_1024 = tpu.memref_slice %arg7[%dma_wait3A_1023] : memref<64512xf32, #tpu.memory_space<vmem>> -> memref<1024xf32, #tpu.memory_space<vmem>>
    tpu.wait_dma2 semaphore(%arg9 : memref<!tpu.dma_semaphore, #tpu.memory_space<semaphore_mem>>) src(%dma_wait3A_1024 : memref<1024xf32, #tpu.memory_space<vmem>>) dst(%dma_wait3A_1022 : memref<1024xf32, #tpu.memory_space<hbm>>)
    %dma_wait3A_1025 = arith.constant 19456 : i32
    %dma_wait3A_1026 = tpu.memref_slice %arg7[%dma_wait3A_1025] : memref<64512xf32, #tpu.memory_space<vmem>> -> memref<1024xf32, #tpu.memory_space<vmem>>
    %dma_wait3A_1027 = tpu.memref_slice %arg4[%mul3A_360] : memref<4128768xf32, #tpu.memory_space<hbm>> -> memref<1024xf32, #tpu.memory_space<hbm>>
    %dma_wait3A_1028 = tpu.memref_slice %arg4[%mul3A_360] : memref<4128768xf32, #tpu.memory_space<hbm>> -> memref<1024xf32, #tpu.memory_space<hbm>>
    %dma_wait3A_1029 = arith.constant 19456 : i32
    %dma_wait3A_1030 = tpu.memref_slice %arg7[%dma_wait3A_1029] : memref<64512xf32, #tpu.memory_space<vmem>> -> memref<1024xf32, #tpu.memory_space<vmem>>
    tpu.wait_dma2 semaphore(%arg9 : memref<!tpu.dma_semaphore, #tpu.memory_space<semaphore_mem>>) src(%dma_wait3A_1030 : memref<1024xf32, #tpu.memory_space<vmem>>) dst(%dma_wait3A_1028 : memref<1024xf32, #tpu.memory_space<hbm>>)
    %dma_wait3A_1031 = arith.constant 20480 : i32
    %dma_wait3A_1032 = tpu.memref_slice %arg7[%dma_wait3A_1031] : memref<64512xf32, #tpu.memory_space<vmem>> -> memref<1024xf32, #tpu.memory_space<vmem>>
    %dma_wait3A_1033 = tpu.memref_slice %arg4[%mul3A_364] : memref<4128768xf32, #tpu.memory_space<hbm>> -> memref<1024xf32, #tpu.memory_space<hbm>>
    %dma_wait3A_1034 = tpu.memref_slice %arg4[%mul3A_364] : memref<4128768xf32, #tpu.memory_space<hbm>> -> memref<1024xf32, #tpu.memory_space<hbm>>
    %dma_wait3A_1035 = arith.constant 20480 : i32
    %dma_wait3A_1036 = tpu.memref_slice %arg7[%dma_wait3A_1035] : memref<64512xf32, #tpu.memory_space<vmem>> -> memref<1024xf32, #tpu.memory_space<vmem>>
    tpu.wait_dma2 semaphore(%arg9 : memref<!tpu.dma_semaphore, #tpu.memory_space<semaphore_mem>>) src(%dma_wait3A_1036 : memref<1024xf32, #tpu.memory_space<vmem>>) dst(%dma_wait3A_1034 : memref<1024xf32, #tpu.memory_space<hbm>>)
    %dma_wait3A_1037 = arith.constant 21504 : i32
    %dma_wait3A_1038 = tpu.memref_slice %arg7[%dma_wait3A_1037] : memref<64512xf32, #tpu.memory_space<vmem>> -> memref<1024xf32, #tpu.memory_space<vmem>>
    %dma_wait3A_1039 = tpu.memref_slice %arg4[%mul3A_368] : memref<4128768xf32, #tpu.memory_space<hbm>> -> memref<1024xf32, #tpu.memory_space<hbm>>
    %dma_wait3A_1040 = tpu.memref_slice %arg4[%mul3A_368] : memref<4128768xf32, #tpu.memory_space<hbm>> -> memref<1024xf32, #tpu.memory_space<hbm>>
    %dma_wait3A_1041 = arith.constant 21504 : i32
    %dma_wait3A_1042 = tpu.memref_slice %arg7[%dma_wait3A_1041] : memref<64512xf32, #tpu.memory_space<vmem>> -> memref<1024xf32, #tpu.memory_space<vmem>>
    tpu.wait_dma2 semaphore(%arg9 : memref<!tpu.dma_semaphore, #tpu.memory_space<semaphore_mem>>) src(%dma_wait3A_1042 : memref<1024xf32, #tpu.memory_space<vmem>>) dst(%dma_wait3A_1040 : memref<1024xf32, #tpu.memory_space<hbm>>)
    %dma_wait3A_1043 = arith.constant 22528 : i32
    %dma_wait3A_1044 = tpu.memref_slice %arg7[%dma_wait3A_1043] : memref<64512xf32, #tpu.memory_space<vmem>> -> memref<1024xf32, #tpu.memory_space<vmem>>
    %dma_wait3A_1045 = tpu.memref_slice %arg4[%mul3A_372] : memref<4128768xf32, #tpu.memory_space<hbm>> -> memref<1024xf32, #tpu.memory_space<hbm>>
    %dma_wait3A_1046 = tpu.memref_slice %arg4[%mul3A_372] : memref<4128768xf32, #tpu.memory_space<hbm>> -> memref<1024xf32, #tpu.memory_space<hbm>>
    %dma_wait3A_1047 = arith.constant 22528 : i32
    %dma_wait3A_1048 = tpu.memref_slice %arg7[%dma_wait3A_1047] : memref<64512xf32, #tpu.memory_space<vmem>> -> memref<1024xf32, #tpu.memory_space<vmem>>
    tpu.wait_dma2 semaphore(%arg9 : memref<!tpu.dma_semaphore, #tpu.memory_space<semaphore_mem>>) src(%dma_wait3A_1048 : memref<1024xf32, #tpu.memory_space<vmem>>) dst(%dma_wait3A_1046 : memref<1024xf32, #tpu.memory_space<hbm>>)
    %dma_wait3A_1049 = arith.constant 23552 : i32
    %dma_wait3A_1050 = tpu.memref_slice %arg7[%dma_wait3A_1049] : memref<64512xf32, #tpu.memory_space<vmem>> -> memref<1024xf32, #tpu.memory_space<vmem>>
    %dma_wait3A_1051 = tpu.memref_slice %arg4[%mul3A_376] : memref<4128768xf32, #tpu.memory_space<hbm>> -> memref<1024xf32, #tpu.memory_space<hbm>>
    %dma_wait3A_1052 = tpu.memref_slice %arg4[%mul3A_376] : memref<4128768xf32, #tpu.memory_space<hbm>> -> memref<1024xf32, #tpu.memory_space<hbm>>
    %dma_wait3A_1053 = arith.constant 23552 : i32
    %dma_wait3A_1054 = tpu.memref_slice %arg7[%dma_wait3A_1053] : memref<64512xf32, #tpu.memory_space<vmem>> -> memref<1024xf32, #tpu.memory_space<vmem>>
    tpu.wait_dma2 semaphore(%arg9 : memref<!tpu.dma_semaphore, #tpu.memory_space<semaphore_mem>>) src(%dma_wait3A_1054 : memref<1024xf32, #tpu.memory_space<vmem>>) dst(%dma_wait3A_1052 : memref<1024xf32, #tpu.memory_space<hbm>>)
    %dma_wait3A_1055 = arith.constant 24576 : i32
    %dma_wait3A_1056 = tpu.memref_slice %arg7[%dma_wait3A_1055] : memref<64512xf32, #tpu.memory_space<vmem>> -> memref<1024xf32, #tpu.memory_space<vmem>>
    %dma_wait3A_1057 = tpu.memref_slice %arg4[%mul3A_380] : memref<4128768xf32, #tpu.memory_space<hbm>> -> memref<1024xf32, #tpu.memory_space<hbm>>
    %dma_wait3A_1058 = tpu.memref_slice %arg4[%mul3A_380] : memref<4128768xf32, #tpu.memory_space<hbm>> -> memref<1024xf32, #tpu.memory_space<hbm>>
    %dma_wait3A_1059 = arith.constant 24576 : i32
    %dma_wait3A_1060 = tpu.memref_slice %arg7[%dma_wait3A_1059] : memref<64512xf32, #tpu.memory_space<vmem>> -> memref<1024xf32, #tpu.memory_space<vmem>>
    tpu.wait_dma2 semaphore(%arg9 : memref<!tpu.dma_semaphore, #tpu.memory_space<semaphore_mem>>) src(%dma_wait3A_1060 : memref<1024xf32, #tpu.memory_space<vmem>>) dst(%dma_wait3A_1058 : memref<1024xf32, #tpu.memory_space<hbm>>)
    %dma_wait3A_1061 = arith.constant 25600 : i32
    %dma_wait3A_1062 = tpu.memref_slice %arg7[%dma_wait3A_1061] : memref<64512xf32, #tpu.memory_space<vmem>> -> memref<1024xf32, #tpu.memory_space<vmem>>
    %dma_wait3A_1063 = tpu.memref_slice %arg4[%mul3A_384] : memref<4128768xf32, #tpu.memory_space<hbm>> -> memref<1024xf32, #tpu.memory_space<hbm>>
    %dma_wait3A_1064 = tpu.memref_slice %arg4[%mul3A_384] : memref<4128768xf32, #tpu.memory_space<hbm>> -> memref<1024xf32, #tpu.memory_space<hbm>>
    %dma_wait3A_1065 = arith.constant 25600 : i32
    %dma_wait3A_1066 = tpu.memref_slice %arg7[%dma_wait3A_1065] : memref<64512xf32, #tpu.memory_space<vmem>> -> memref<1024xf32, #tpu.memory_space<vmem>>
    tpu.wait_dma2 semaphore(%arg9 : memref<!tpu.dma_semaphore, #tpu.memory_space<semaphore_mem>>) src(%dma_wait3A_1066 : memref<1024xf32, #tpu.memory_space<vmem>>) dst(%dma_wait3A_1064 : memref<1024xf32, #tpu.memory_space<hbm>>)
    %dma_wait3A_1067 = arith.constant 26624 : i32
    %dma_wait3A_1068 = tpu.memref_slice %arg7[%dma_wait3A_1067] : memref<64512xf32, #tpu.memory_space<vmem>> -> memref<1024xf32, #tpu.memory_space<vmem>>
    %dma_wait3A_1069 = tpu.memref_slice %arg4[%mul3A_388] : memref<4128768xf32, #tpu.memory_space<hbm>> -> memref<1024xf32, #tpu.memory_space<hbm>>
    %dma_wait3A_1070 = tpu.memref_slice %arg4[%mul3A_388] : memref<4128768xf32, #tpu.memory_space<hbm>> -> memref<1024xf32, #tpu.memory_space<hbm>>
    %dma_wait3A_1071 = arith.constant 26624 : i32
    %dma_wait3A_1072 = tpu.memref_slice %arg7[%dma_wait3A_1071] : memref<64512xf32, #tpu.memory_space<vmem>> -> memref<1024xf32, #tpu.memory_space<vmem>>
    tpu.wait_dma2 semaphore(%arg9 : memref<!tpu.dma_semaphore, #tpu.memory_space<semaphore_mem>>) src(%dma_wait3A_1072 : memref<1024xf32, #tpu.memory_space<vmem>>) dst(%dma_wait3A_1070 : memref<1024xf32, #tpu.memory_space<hbm>>)
    %dma_wait3A_1073 = arith.constant 27648 : i32
    %dma_wait3A_1074 = tpu.memref_slice %arg7[%dma_wait3A_1073] : memref<64512xf32, #tpu.memory_space<vmem>> -> memref<1024xf32, #tpu.memory_space<vmem>>
    %dma_wait3A_1075 = tpu.memref_slice %arg4[%mul3A_392] : memref<4128768xf32, #tpu.memory_space<hbm>> -> memref<1024xf32, #tpu.memory_space<hbm>>
    %dma_wait3A_1076 = tpu.memref_slice %arg4[%mul3A_392] : memref<4128768xf32, #tpu.memory_space<hbm>> -> memref<1024xf32, #tpu.memory_space<hbm>>
    %dma_wait3A_1077 = arith.constant 27648 : i32
    %dma_wait3A_1078 = tpu.memref_slice %arg7[%dma_wait3A_1077] : memref<64512xf32, #tpu.memory_space<vmem>> -> memref<1024xf32, #tpu.memory_space<vmem>>
    tpu.wait_dma2 semaphore(%arg9 : memref<!tpu.dma_semaphore, #tpu.memory_space<semaphore_mem>>) src(%dma_wait3A_1078 : memref<1024xf32, #tpu.memory_space<vmem>>) dst(%dma_wait3A_1076 : memref<1024xf32, #tpu.memory_space<hbm>>)
    %dma_wait3A_1079 = arith.constant 28672 : i32
    %dma_wait3A_1080 = tpu.memref_slice %arg7[%dma_wait3A_1079] : memref<64512xf32, #tpu.memory_space<vmem>> -> memref<1024xf32, #tpu.memory_space<vmem>>
    %dma_wait3A_1081 = tpu.memref_slice %arg4[%mul3A_396] : memref<4128768xf32, #tpu.memory_space<hbm>> -> memref<1024xf32, #tpu.memory_space<hbm>>
    %dma_wait3A_1082 = tpu.memref_slice %arg4[%mul3A_396] : memref<4128768xf32, #tpu.memory_space<hbm>> -> memref<1024xf32, #tpu.memory_space<hbm>>
    %dma_wait3A_1083 = arith.constant 28672 : i32
    %dma_wait3A_1084 = tpu.memref_slice %arg7[%dma_wait3A_1083] : memref<64512xf32, #tpu.memory_space<vmem>> -> memref<1024xf32, #tpu.memory_space<vmem>>
    tpu.wait_dma2 semaphore(%arg9 : memref<!tpu.dma_semaphore, #tpu.memory_space<semaphore_mem>>) src(%dma_wait3A_1084 : memref<1024xf32, #tpu.memory_space<vmem>>) dst(%dma_wait3A_1082 : memref<1024xf32, #tpu.memory_space<hbm>>)
    %dma_wait3A_1085 = arith.constant 29696 : i32
    %dma_wait3A_1086 = tpu.memref_slice %arg7[%dma_wait3A_1085] : memref<64512xf32, #tpu.memory_space<vmem>> -> memref<1024xf32, #tpu.memory_space<vmem>>
    %dma_wait3A_1087 = tpu.memref_slice %arg4[%mul3A_400] : memref<4128768xf32, #tpu.memory_space<hbm>> -> memref<1024xf32, #tpu.memory_space<hbm>>
    %dma_wait3A_1088 = tpu.memref_slice %arg4[%mul3A_400] : memref<4128768xf32, #tpu.memory_space<hbm>> -> memref<1024xf32, #tpu.memory_space<hbm>>
    %dma_wait3A_1089 = arith.constant 29696 : i32
    %dma_wait3A_1090 = tpu.memref_slice %arg7[%dma_wait3A_1089] : memref<64512xf32, #tpu.memory_space<vmem>> -> memref<1024xf32, #tpu.memory_space<vmem>>
    tpu.wait_dma2 semaphore(%arg9 : memref<!tpu.dma_semaphore, #tpu.memory_space<semaphore_mem>>) src(%dma_wait3A_1090 : memref<1024xf32, #tpu.memory_space<vmem>>) dst(%dma_wait3A_1088 : memref<1024xf32, #tpu.memory_space<hbm>>)
    %dma_wait3A_1091 = arith.constant 30720 : i32
    %dma_wait3A_1092 = tpu.memref_slice %arg7[%dma_wait3A_1091] : memref<64512xf32, #tpu.memory_space<vmem>> -> memref<1024xf32, #tpu.memory_space<vmem>>
    %dma_wait3A_1093 = tpu.memref_slice %arg4[%mul3A_404] : memref<4128768xf32, #tpu.memory_space<hbm>> -> memref<1024xf32, #tpu.memory_space<hbm>>
    %dma_wait3A_1094 = tpu.memref_slice %arg4[%mul3A_404] : memref<4128768xf32, #tpu.memory_space<hbm>> -> memref<1024xf32, #tpu.memory_space<hbm>>
    %dma_wait3A_1095 = arith.constant 30720 : i32
    %dma_wait3A_1096 = tpu.memref_slice %arg7[%dma_wait3A_1095] : memref<64512xf32, #tpu.memory_space<vmem>> -> memref<1024xf32, #tpu.memory_space<vmem>>
    tpu.wait_dma2 semaphore(%arg9 : memref<!tpu.dma_semaphore, #tpu.memory_space<semaphore_mem>>) src(%dma_wait3A_1096 : memref<1024xf32, #tpu.memory_space<vmem>>) dst(%dma_wait3A_1094 : memref<1024xf32, #tpu.memory_space<hbm>>)
    %dma_wait3A_1097 = arith.constant 31744 : i32
    %dma_wait3A_1098 = tpu.memref_slice %arg7[%dma_wait3A_1097] : memref<64512xf32, #tpu.memory_space<vmem>> -> memref<1024xf32, #tpu.memory_space<vmem>>
    %dma_wait3A_1099 = tpu.memref_slice %arg4[%mul3A_408] : memref<4128768xf32, #tpu.memory_space<hbm>> -> memref<1024xf32, #tpu.memory_space<hbm>>
    %dma_wait3A_1100 = tpu.memref_slice %arg4[%mul3A_408] : memref<4128768xf32, #tpu.memory_space<hbm>> -> memref<1024xf32, #tpu.memory_space<hbm>>
    %dma_wait3A_1101 = arith.constant 31744 : i32
    %dma_wait3A_1102 = tpu.memref_slice %arg7[%dma_wait3A_1101] : memref<64512xf32, #tpu.memory_space<vmem>> -> memref<1024xf32, #tpu.memory_space<vmem>>
    tpu.wait_dma2 semaphore(%arg9 : memref<!tpu.dma_semaphore, #tpu.memory_space<semaphore_mem>>) src(%dma_wait3A_1102 : memref<1024xf32, #tpu.memory_space<vmem>>) dst(%dma_wait3A_1100 : memref<1024xf32, #tpu.memory_space<hbm>>)
    %dma_wait3A_1103 = arith.constant 32768 : i32
    %dma_wait3A_1104 = tpu.memref_slice %arg7[%dma_wait3A_1103] : memref<64512xf32, #tpu.memory_space<vmem>> -> memref<1024xf32, #tpu.memory_space<vmem>>
    %dma_wait3A_1105 = tpu.memref_slice %arg4[%mul3A_412] : memref<4128768xf32, #tpu.memory_space<hbm>> -> memref<1024xf32, #tpu.memory_space<hbm>>
    %dma_wait3A_1106 = tpu.memref_slice %arg4[%mul3A_412] : memref<4128768xf32, #tpu.memory_space<hbm>> -> memref<1024xf32, #tpu.memory_space<hbm>>
    %dma_wait3A_1107 = arith.constant 32768 : i32
    %dma_wait3A_1108 = tpu.memref_slice %arg7[%dma_wait3A_1107] : memref<64512xf32, #tpu.memory_space<vmem>> -> memref<1024xf32, #tpu.memory_space<vmem>>
    tpu.wait_dma2 semaphore(%arg9 : memref<!tpu.dma_semaphore, #tpu.memory_space<semaphore_mem>>) src(%dma_wait3A_1108 : memref<1024xf32, #tpu.memory_space<vmem>>) dst(%dma_wait3A_1106 : memref<1024xf32, #tpu.memory_space<hbm>>)
    %dma_wait3A_1109 = arith.constant 33792 : i32
    %dma_wait3A_1110 = tpu.memref_slice %arg7[%dma_wait3A_1109] : memref<64512xf32, #tpu.memory_space<vmem>> -> memref<1024xf32, #tpu.memory_space<vmem>>
    %dma_wait3A_1111 = tpu.memref_slice %arg4[%mul3A_416] : memref<4128768xf32, #tpu.memory_space<hbm>> -> memref<1024xf32, #tpu.memory_space<hbm>>
    %dma_wait3A_1112 = tpu.memref_slice %arg4[%mul3A_416] : memref<4128768xf32, #tpu.memory_space<hbm>> -> memref<1024xf32, #tpu.memory_space<hbm>>
    %dma_wait3A_1113 = arith.constant 33792 : i32
    %dma_wait3A_1114 = tpu.memref_slice %arg7[%dma_wait3A_1113] : memref<64512xf32, #tpu.memory_space<vmem>> -> memref<1024xf32, #tpu.memory_space<vmem>>
    tpu.wait_dma2 semaphore(%arg9 : memref<!tpu.dma_semaphore, #tpu.memory_space<semaphore_mem>>) src(%dma_wait3A_1114 : memref<1024xf32, #tpu.memory_space<vmem>>) dst(%dma_wait3A_1112 : memref<1024xf32, #tpu.memory_space<hbm>>)
    %dma_wait3A_1115 = arith.constant 34816 : i32
    %dma_wait3A_1116 = tpu.memref_slice %arg7[%dma_wait3A_1115] : memref<64512xf32, #tpu.memory_space<vmem>> -> memref<1024xf32, #tpu.memory_space<vmem>>
    %dma_wait3A_1117 = tpu.memref_slice %arg4[%mul3A_420] : memref<4128768xf32, #tpu.memory_space<hbm>> -> memref<1024xf32, #tpu.memory_space<hbm>>
    %dma_wait3A_1118 = tpu.memref_slice %arg4[%mul3A_420] : memref<4128768xf32, #tpu.memory_space<hbm>> -> memref<1024xf32, #tpu.memory_space<hbm>>
    %dma_wait3A_1119 = arith.constant 34816 : i32
    %dma_wait3A_1120 = tpu.memref_slice %arg7[%dma_wait3A_1119] : memref<64512xf32, #tpu.memory_space<vmem>> -> memref<1024xf32, #tpu.memory_space<vmem>>
    tpu.wait_dma2 semaphore(%arg9 : memref<!tpu.dma_semaphore, #tpu.memory_space<semaphore_mem>>) src(%dma_wait3A_1120 : memref<1024xf32, #tpu.memory_space<vmem>>) dst(%dma_wait3A_1118 : memref<1024xf32, #tpu.memory_space<hbm>>)
    %dma_wait3A_1121 = arith.constant 35840 : i32
    %dma_wait3A_1122 = tpu.memref_slice %arg7[%dma_wait3A_1121] : memref<64512xf32, #tpu.memory_space<vmem>> -> memref<1024xf32, #tpu.memory_space<vmem>>
    %dma_wait3A_1123 = tpu.memref_slice %arg4[%mul3A_424] : memref<4128768xf32, #tpu.memory_space<hbm>> -> memref<1024xf32, #tpu.memory_space<hbm>>
    %dma_wait3A_1124 = tpu.memref_slice %arg4[%mul3A_424] : memref<4128768xf32, #tpu.memory_space<hbm>> -> memref<1024xf32, #tpu.memory_space<hbm>>
    %dma_wait3A_1125 = arith.constant 35840 : i32
    %dma_wait3A_1126 = tpu.memref_slice %arg7[%dma_wait3A_1125] : memref<64512xf32, #tpu.memory_space<vmem>> -> memref<1024xf32, #tpu.memory_space<vmem>>
    tpu.wait_dma2 semaphore(%arg9 : memref<!tpu.dma_semaphore, #tpu.memory_space<semaphore_mem>>) src(%dma_wait3A_1126 : memref<1024xf32, #tpu.memory_space<vmem>>) dst(%dma_wait3A_1124 : memref<1024xf32, #tpu.memory_space<hbm>>)
    %dma_wait3A_1127 = arith.constant 36864 : i32
    %dma_wait3A_1128 = tpu.memref_slice %arg7[%dma_wait3A_1127] : memref<64512xf32, #tpu.memory_space<vmem>> -> memref<1024xf32, #tpu.memory_space<vmem>>
    %dma_wait3A_1129 = tpu.memref_slice %arg4[%mul3A_428] : memref<4128768xf32, #tpu.memory_space<hbm>> -> memref<1024xf32, #tpu.memory_space<hbm>>
    %dma_wait3A_1130 = tpu.memref_slice %arg4[%mul3A_428] : memref<4128768xf32, #tpu.memory_space<hbm>> -> memref<1024xf32, #tpu.memory_space<hbm>>
    %dma_wait3A_1131 = arith.constant 36864 : i32
    %dma_wait3A_1132 = tpu.memref_slice %arg7[%dma_wait3A_1131] : memref<64512xf32, #tpu.memory_space<vmem>> -> memref<1024xf32, #tpu.memory_space<vmem>>
    tpu.wait_dma2 semaphore(%arg9 : memref<!tpu.dma_semaphore, #tpu.memory_space<semaphore_mem>>) src(%dma_wait3A_1132 : memref<1024xf32, #tpu.memory_space<vmem>>) dst(%dma_wait3A_1130 : memref<1024xf32, #tpu.memory_space<hbm>>)
    %dma_wait3A_1133 = arith.constant 37888 : i32
    %dma_wait3A_1134 = tpu.memref_slice %arg7[%dma_wait3A_1133] : memref<64512xf32, #tpu.memory_space<vmem>> -> memref<1024xf32, #tpu.memory_space<vmem>>
    %dma_wait3A_1135 = tpu.memref_slice %arg4[%mul3A_432] : memref<4128768xf32, #tpu.memory_space<hbm>> -> memref<1024xf32, #tpu.memory_space<hbm>>
    %dma_wait3A_1136 = tpu.memref_slice %arg4[%mul3A_432] : memref<4128768xf32, #tpu.memory_space<hbm>> -> memref<1024xf32, #tpu.memory_space<hbm>>
    %dma_wait3A_1137 = arith.constant 37888 : i32
    %dma_wait3A_1138 = tpu.memref_slice %arg7[%dma_wait3A_1137] : memref<64512xf32, #tpu.memory_space<vmem>> -> memref<1024xf32, #tpu.memory_space<vmem>>
    tpu.wait_dma2 semaphore(%arg9 : memref<!tpu.dma_semaphore, #tpu.memory_space<semaphore_mem>>) src(%dma_wait3A_1138 : memref<1024xf32, #tpu.memory_space<vmem>>) dst(%dma_wait3A_1136 : memref<1024xf32, #tpu.memory_space<hbm>>)
    %dma_wait3A_1139 = arith.constant 38912 : i32
    %dma_wait3A_1140 = tpu.memref_slice %arg7[%dma_wait3A_1139] : memref<64512xf32, #tpu.memory_space<vmem>> -> memref<1024xf32, #tpu.memory_space<vmem>>
    %dma_wait3A_1141 = tpu.memref_slice %arg4[%mul3A_436] : memref<4128768xf32, #tpu.memory_space<hbm>> -> memref<1024xf32, #tpu.memory_space<hbm>>
    %dma_wait3A_1142 = tpu.memref_slice %arg4[%mul3A_436] : memref<4128768xf32, #tpu.memory_space<hbm>> -> memref<1024xf32, #tpu.memory_space<hbm>>
    %dma_wait3A_1143 = arith.constant 38912 : i32
    %dma_wait3A_1144 = tpu.memref_slice %arg7[%dma_wait3A_1143] : memref<64512xf32, #tpu.memory_space<vmem>> -> memref<1024xf32, #tpu.memory_space<vmem>>
    tpu.wait_dma2 semaphore(%arg9 : memref<!tpu.dma_semaphore, #tpu.memory_space<semaphore_mem>>) src(%dma_wait3A_1144 : memref<1024xf32, #tpu.memory_space<vmem>>) dst(%dma_wait3A_1142 : memref<1024xf32, #tpu.memory_space<hbm>>)
    %dma_wait3A_1145 = arith.constant 39936 : i32
    %dma_wait3A_1146 = tpu.memref_slice %arg7[%dma_wait3A_1145] : memref<64512xf32, #tpu.memory_space<vmem>> -> memref<1024xf32, #tpu.memory_space<vmem>>
    %dma_wait3A_1147 = tpu.memref_slice %arg4[%mul3A_440] : memref<4128768xf32, #tpu.memory_space<hbm>> -> memref<1024xf32, #tpu.memory_space<hbm>>
    %dma_wait3A_1148 = tpu.memref_slice %arg4[%mul3A_440] : memref<4128768xf32, #tpu.memory_space<hbm>> -> memref<1024xf32, #tpu.memory_space<hbm>>
    %dma_wait3A_1149 = arith.constant 39936 : i32
    %dma_wait3A_1150 = tpu.memref_slice %arg7[%dma_wait3A_1149] : memref<64512xf32, #tpu.memory_space<vmem>> -> memref<1024xf32, #tpu.memory_space<vmem>>
    tpu.wait_dma2 semaphore(%arg9 : memref<!tpu.dma_semaphore, #tpu.memory_space<semaphore_mem>>) src(%dma_wait3A_1150 : memref<1024xf32, #tpu.memory_space<vmem>>) dst(%dma_wait3A_1148 : memref<1024xf32, #tpu.memory_space<hbm>>)
    %dma_wait3A_1151 = arith.constant 40960 : i32
    %dma_wait3A_1152 = tpu.memref_slice %arg7[%dma_wait3A_1151] : memref<64512xf32, #tpu.memory_space<vmem>> -> memref<1024xf32, #tpu.memory_space<vmem>>
    %dma_wait3A_1153 = tpu.memref_slice %arg4[%mul3A_444] : memref<4128768xf32, #tpu.memory_space<hbm>> -> memref<1024xf32, #tpu.memory_space<hbm>>
    %dma_wait3A_1154 = tpu.memref_slice %arg4[%mul3A_444] : memref<4128768xf32, #tpu.memory_space<hbm>> -> memref<1024xf32, #tpu.memory_space<hbm>>
    %dma_wait3A_1155 = arith.constant 40960 : i32
    %dma_wait3A_1156 = tpu.memref_slice %arg7[%dma_wait3A_1155] : memref<64512xf32, #tpu.memory_space<vmem>> -> memref<1024xf32, #tpu.memory_space<vmem>>
    tpu.wait_dma2 semaphore(%arg9 : memref<!tpu.dma_semaphore, #tpu.memory_space<semaphore_mem>>) src(%dma_wait3A_1156 : memref<1024xf32, #tpu.memory_space<vmem>>) dst(%dma_wait3A_1154 : memref<1024xf32, #tpu.memory_space<hbm>>)
    %dma_wait3A_1157 = arith.constant 41984 : i32
    %dma_wait3A_1158 = tpu.memref_slice %arg7[%dma_wait3A_1157] : memref<64512xf32, #tpu.memory_space<vmem>> -> memref<1024xf32, #tpu.memory_space<vmem>>
    %dma_wait3A_1159 = tpu.memref_slice %arg4[%mul3A_448] : memref<4128768xf32, #tpu.memory_space<hbm>> -> memref<1024xf32, #tpu.memory_space<hbm>>
    %dma_wait3A_1160 = tpu.memref_slice %arg4[%mul3A_448] : memref<4128768xf32, #tpu.memory_space<hbm>> -> memref<1024xf32, #tpu.memory_space<hbm>>
    %dma_wait3A_1161 = arith.constant 41984 : i32
    %dma_wait3A_1162 = tpu.memref_slice %arg7[%dma_wait3A_1161] : memref<64512xf32, #tpu.memory_space<vmem>> -> memref<1024xf32, #tpu.memory_space<vmem>>
    tpu.wait_dma2 semaphore(%arg9 : memref<!tpu.dma_semaphore, #tpu.memory_space<semaphore_mem>>) src(%dma_wait3A_1162 : memref<1024xf32, #tpu.memory_space<vmem>>) dst(%dma_wait3A_1160 : memref<1024xf32, #tpu.memory_space<hbm>>)
    %dma_wait3A_1163 = arith.constant 43008 : i32
    %dma_wait3A_1164 = tpu.memref_slice %arg7[%dma_wait3A_1163] : memref<64512xf32, #tpu.memory_space<vmem>> -> memref<1024xf32, #tpu.memory_space<vmem>>
    %dma_wait3A_1165 = tpu.memref_slice %arg4[%mul3A_452] : memref<4128768xf32, #tpu.memory_space<hbm>> -> memref<1024xf32, #tpu.memory_space<hbm>>
    %dma_wait3A_1166 = tpu.memref_slice %arg4[%mul3A_452] : memref<4128768xf32, #tpu.memory_space<hbm>> -> memref<1024xf32, #tpu.memory_space<hbm>>
    %dma_wait3A_1167 = arith.constant 43008 : i32
    %dma_wait3A_1168 = tpu.memref_slice %arg7[%dma_wait3A_1167] : memref<64512xf32, #tpu.memory_space<vmem>> -> memref<1024xf32, #tpu.memory_space<vmem>>
    tpu.wait_dma2 semaphore(%arg9 : memref<!tpu.dma_semaphore, #tpu.memory_space<semaphore_mem>>) src(%dma_wait3A_1168 : memref<1024xf32, #tpu.memory_space<vmem>>) dst(%dma_wait3A_1166 : memref<1024xf32, #tpu.memory_space<hbm>>)
    %dma_wait3A_1169 = arith.constant 44032 : i32
    %dma_wait3A_1170 = tpu.memref_slice %arg7[%dma_wait3A_1169] : memref<64512xf32, #tpu.memory_space<vmem>> -> memref<1024xf32, #tpu.memory_space<vmem>>
    %dma_wait3A_1171 = tpu.memref_slice %arg4[%mul3A_456] : memref<4128768xf32, #tpu.memory_space<hbm>> -> memref<1024xf32, #tpu.memory_space<hbm>>
    %dma_wait3A_1172 = tpu.memref_slice %arg4[%mul3A_456] : memref<4128768xf32, #tpu.memory_space<hbm>> -> memref<1024xf32, #tpu.memory_space<hbm>>
    %dma_wait3A_1173 = arith.constant 44032 : i32
    %dma_wait3A_1174 = tpu.memref_slice %arg7[%dma_wait3A_1173] : memref<64512xf32, #tpu.memory_space<vmem>> -> memref<1024xf32, #tpu.memory_space<vmem>>
    tpu.wait_dma2 semaphore(%arg9 : memref<!tpu.dma_semaphore, #tpu.memory_space<semaphore_mem>>) src(%dma_wait3A_1174 : memref<1024xf32, #tpu.memory_space<vmem>>) dst(%dma_wait3A_1172 : memref<1024xf32, #tpu.memory_space<hbm>>)
    %dma_wait3A_1175 = arith.constant 45056 : i32
    %dma_wait3A_1176 = tpu.memref_slice %arg7[%dma_wait3A_1175] : memref<64512xf32, #tpu.memory_space<vmem>> -> memref<1024xf32, #tpu.memory_space<vmem>>
    %dma_wait3A_1177 = tpu.memref_slice %arg4[%mul3A_460] : memref<4128768xf32, #tpu.memory_space<hbm>> -> memref<1024xf32, #tpu.memory_space<hbm>>
    %dma_wait3A_1178 = tpu.memref_slice %arg4[%mul3A_460] : memref<4128768xf32, #tpu.memory_space<hbm>> -> memref<1024xf32, #tpu.memory_space<hbm>>
    %dma_wait3A_1179 = arith.constant 45056 : i32
    %dma_wait3A_1180 = tpu.memref_slice %arg7[%dma_wait3A_1179] : memref<64512xf32, #tpu.memory_space<vmem>> -> memref<1024xf32, #tpu.memory_space<vmem>>
    tpu.wait_dma2 semaphore(%arg9 : memref<!tpu.dma_semaphore, #tpu.memory_space<semaphore_mem>>) src(%dma_wait3A_1180 : memref<1024xf32, #tpu.memory_space<vmem>>) dst(%dma_wait3A_1178 : memref<1024xf32, #tpu.memory_space<hbm>>)
    %dma_wait3A_1181 = arith.constant 46080 : i32
    %dma_wait3A_1182 = tpu.memref_slice %arg7[%dma_wait3A_1181] : memref<64512xf32, #tpu.memory_space<vmem>> -> memref<1024xf32, #tpu.memory_space<vmem>>
    %dma_wait3A_1183 = tpu.memref_slice %arg4[%mul3A_464] : memref<4128768xf32, #tpu.memory_space<hbm>> -> memref<1024xf32, #tpu.memory_space<hbm>>
    %dma_wait3A_1184 = tpu.memref_slice %arg4[%mul3A_464] : memref<4128768xf32, #tpu.memory_space<hbm>> -> memref<1024xf32, #tpu.memory_space<hbm>>
    %dma_wait3A_1185 = arith.constant 46080 : i32
    %dma_wait3A_1186 = tpu.memref_slice %arg7[%dma_wait3A_1185] : memref<64512xf32, #tpu.memory_space<vmem>> -> memref<1024xf32, #tpu.memory_space<vmem>>
    tpu.wait_dma2 semaphore(%arg9 : memref<!tpu.dma_semaphore, #tpu.memory_space<semaphore_mem>>) src(%dma_wait3A_1186 : memref<1024xf32, #tpu.memory_space<vmem>>) dst(%dma_wait3A_1184 : memref<1024xf32, #tpu.memory_space<hbm>>)
    %dma_wait3A_1187 = arith.constant 47104 : i32
    %dma_wait3A_1188 = tpu.memref_slice %arg7[%dma_wait3A_1187] : memref<64512xf32, #tpu.memory_space<vmem>> -> memref<1024xf32, #tpu.memory_space<vmem>>
    %dma_wait3A_1189 = tpu.memref_slice %arg4[%mul3A_468] : memref<4128768xf32, #tpu.memory_space<hbm>> -> memref<1024xf32, #tpu.memory_space<hbm>>
    %dma_wait3A_1190 = tpu.memref_slice %arg4[%mul3A_468] : memref<4128768xf32, #tpu.memory_space<hbm>> -> memref<1024xf32, #tpu.memory_space<hbm>>
    %dma_wait3A_1191 = arith.constant 47104 : i32
    %dma_wait3A_1192 = tpu.memref_slice %arg7[%dma_wait3A_1191] : memref<64512xf32, #tpu.memory_space<vmem>> -> memref<1024xf32, #tpu.memory_space<vmem>>
    tpu.wait_dma2 semaphore(%arg9 : memref<!tpu.dma_semaphore, #tpu.memory_space<semaphore_mem>>) src(%dma_wait3A_1192 : memref<1024xf32, #tpu.memory_space<vmem>>) dst(%dma_wait3A_1190 : memref<1024xf32, #tpu.memory_space<hbm>>)
    %dma_wait3A_1193 = arith.constant 48128 : i32
    %dma_wait3A_1194 = tpu.memref_slice %arg7[%dma_wait3A_1193] : memref<64512xf32, #tpu.memory_space<vmem>> -> memref<1024xf32, #tpu.memory_space<vmem>>
    %dma_wait3A_1195 = tpu.memref_slice %arg4[%mul3A_472] : memref<4128768xf32, #tpu.memory_space<hbm>> -> memref<1024xf32, #tpu.memory_space<hbm>>
    %dma_wait3A_1196 = tpu.memref_slice %arg4[%mul3A_472] : memref<4128768xf32, #tpu.memory_space<hbm>> -> memref<1024xf32, #tpu.memory_space<hbm>>
    %dma_wait3A_1197 = arith.constant 48128 : i32
    %dma_wait3A_1198 = tpu.memref_slice %arg7[%dma_wait3A_1197] : memref<64512xf32, #tpu.memory_space<vmem>> -> memref<1024xf32, #tpu.memory_space<vmem>>
    tpu.wait_dma2 semaphore(%arg9 : memref<!tpu.dma_semaphore, #tpu.memory_space<semaphore_mem>>) src(%dma_wait3A_1198 : memref<1024xf32, #tpu.memory_space<vmem>>) dst(%dma_wait3A_1196 : memref<1024xf32, #tpu.memory_space<hbm>>)
    %dma_wait3A_1199 = arith.constant 49152 : i32
    %dma_wait3A_1200 = tpu.memref_slice %arg7[%dma_wait3A_1199] : memref<64512xf32, #tpu.memory_space<vmem>> -> memref<1024xf32, #tpu.memory_space<vmem>>
    %dma_wait3A_1201 = tpu.memref_slice %arg4[%mul3A_476] : memref<4128768xf32, #tpu.memory_space<hbm>> -> memref<1024xf32, #tpu.memory_space<hbm>>
    %dma_wait3A_1202 = tpu.memref_slice %arg4[%mul3A_476] : memref<4128768xf32, #tpu.memory_space<hbm>> -> memref<1024xf32, #tpu.memory_space<hbm>>
    %dma_wait3A_1203 = arith.constant 49152 : i32
    %dma_wait3A_1204 = tpu.memref_slice %arg7[%dma_wait3A_1203] : memref<64512xf32, #tpu.memory_space<vmem>> -> memref<1024xf32, #tpu.memory_space<vmem>>
    tpu.wait_dma2 semaphore(%arg9 : memref<!tpu.dma_semaphore, #tpu.memory_space<semaphore_mem>>) src(%dma_wait3A_1204 : memref<1024xf32, #tpu.memory_space<vmem>>) dst(%dma_wait3A_1202 : memref<1024xf32, #tpu.memory_space<hbm>>)
    %dma_wait3A_1205 = arith.constant 50176 : i32
    %dma_wait3A_1206 = tpu.memref_slice %arg7[%dma_wait3A_1205] : memref<64512xf32, #tpu.memory_space<vmem>> -> memref<1024xf32, #tpu.memory_space<vmem>>
    %dma_wait3A_1207 = tpu.memref_slice %arg4[%mul3A_480] : memref<4128768xf32, #tpu.memory_space<hbm>> -> memref<1024xf32, #tpu.memory_space<hbm>>
    %dma_wait3A_1208 = tpu.memref_slice %arg4[%mul3A_480] : memref<4128768xf32, #tpu.memory_space<hbm>> -> memref<1024xf32, #tpu.memory_space<hbm>>
    %dma_wait3A_1209 = arith.constant 50176 : i32
    %dma_wait3A_1210 = tpu.memref_slice %arg7[%dma_wait3A_1209] : memref<64512xf32, #tpu.memory_space<vmem>> -> memref<1024xf32, #tpu.memory_space<vmem>>
    tpu.wait_dma2 semaphore(%arg9 : memref<!tpu.dma_semaphore, #tpu.memory_space<semaphore_mem>>) src(%dma_wait3A_1210 : memref<1024xf32, #tpu.memory_space<vmem>>) dst(%dma_wait3A_1208 : memref<1024xf32, #tpu.memory_space<hbm>>)
    %dma_wait3A_1211 = arith.constant 51200 : i32
    %dma_wait3A_1212 = tpu.memref_slice %arg7[%dma_wait3A_1211] : memref<64512xf32, #tpu.memory_space<vmem>> -> memref<1024xf32, #tpu.memory_space<vmem>>
    %dma_wait3A_1213 = tpu.memref_slice %arg4[%mul3A_484] : memref<4128768xf32, #tpu.memory_space<hbm>> -> memref<1024xf32, #tpu.memory_space<hbm>>
    %dma_wait3A_1214 = tpu.memref_slice %arg4[%mul3A_484] : memref<4128768xf32, #tpu.memory_space<hbm>> -> memref<1024xf32, #tpu.memory_space<hbm>>
    %dma_wait3A_1215 = arith.constant 51200 : i32
    %dma_wait3A_1216 = tpu.memref_slice %arg7[%dma_wait3A_1215] : memref<64512xf32, #tpu.memory_space<vmem>> -> memref<1024xf32, #tpu.memory_space<vmem>>
    tpu.wait_dma2 semaphore(%arg9 : memref<!tpu.dma_semaphore, #tpu.memory_space<semaphore_mem>>) src(%dma_wait3A_1216 : memref<1024xf32, #tpu.memory_space<vmem>>) dst(%dma_wait3A_1214 : memref<1024xf32, #tpu.memory_space<hbm>>)
    %dma_wait3A_1217 = arith.constant 52224 : i32
    %dma_wait3A_1218 = tpu.memref_slice %arg7[%dma_wait3A_1217] : memref<64512xf32, #tpu.memory_space<vmem>> -> memref<1024xf32, #tpu.memory_space<vmem>>
    %dma_wait3A_1219 = tpu.memref_slice %arg4[%mul3A_488] : memref<4128768xf32, #tpu.memory_space<hbm>> -> memref<1024xf32, #tpu.memory_space<hbm>>
    %dma_wait3A_1220 = tpu.memref_slice %arg4[%mul3A_488] : memref<4128768xf32, #tpu.memory_space<hbm>> -> memref<1024xf32, #tpu.memory_space<hbm>>
    %dma_wait3A_1221 = arith.constant 52224 : i32
    %dma_wait3A_1222 = tpu.memref_slice %arg7[%dma_wait3A_1221] : memref<64512xf32, #tpu.memory_space<vmem>> -> memref<1024xf32, #tpu.memory_space<vmem>>
    tpu.wait_dma2 semaphore(%arg9 : memref<!tpu.dma_semaphore, #tpu.memory_space<semaphore_mem>>) src(%dma_wait3A_1222 : memref<1024xf32, #tpu.memory_space<vmem>>) dst(%dma_wait3A_1220 : memref<1024xf32, #tpu.memory_space<hbm>>)
    %dma_wait3A_1223 = arith.constant 53248 : i32
    %dma_wait3A_1224 = tpu.memref_slice %arg7[%dma_wait3A_1223] : memref<64512xf32, #tpu.memory_space<vmem>> -> memref<1024xf32, #tpu.memory_space<vmem>>
    %dma_wait3A_1225 = tpu.memref_slice %arg4[%mul3A_492] : memref<4128768xf32, #tpu.memory_space<hbm>> -> memref<1024xf32, #tpu.memory_space<hbm>>
    %dma_wait3A_1226 = tpu.memref_slice %arg4[%mul3A_492] : memref<4128768xf32, #tpu.memory_space<hbm>> -> memref<1024xf32, #tpu.memory_space<hbm>>
    %dma_wait3A_1227 = arith.constant 53248 : i32
    %dma_wait3A_1228 = tpu.memref_slice %arg7[%dma_wait3A_1227] : memref<64512xf32, #tpu.memory_space<vmem>> -> memref<1024xf32, #tpu.memory_space<vmem>>
    tpu.wait_dma2 semaphore(%arg9 : memref<!tpu.dma_semaphore, #tpu.memory_space<semaphore_mem>>) src(%dma_wait3A_1228 : memref<1024xf32, #tpu.memory_space<vmem>>) dst(%dma_wait3A_1226 : memref<1024xf32, #tpu.memory_space<hbm>>)
    %dma_wait3A_1229 = arith.constant 54272 : i32
    %dma_wait3A_1230 = tpu.memref_slice %arg7[%dma_wait3A_1229] : memref<64512xf32, #tpu.memory_space<vmem>> -> memref<1024xf32, #tpu.memory_space<vmem>>
    %dma_wait3A_1231 = tpu.memref_slice %arg4[%mul3A_496] : memref<4128768xf32, #tpu.memory_space<hbm>> -> memref<1024xf32, #tpu.memory_space<hbm>>
    %dma_wait3A_1232 = tpu.memref_slice %arg4[%mul3A_496] : memref<4128768xf32, #tpu.memory_space<hbm>> -> memref<1024xf32, #tpu.memory_space<hbm>>
    %dma_wait3A_1233 = arith.constant 54272 : i32
    %dma_wait3A_1234 = tpu.memref_slice %arg7[%dma_wait3A_1233] : memref<64512xf32, #tpu.memory_space<vmem>> -> memref<1024xf32, #tpu.memory_space<vmem>>
    tpu.wait_dma2 semaphore(%arg9 : memref<!tpu.dma_semaphore, #tpu.memory_space<semaphore_mem>>) src(%dma_wait3A_1234 : memref<1024xf32, #tpu.memory_space<vmem>>) dst(%dma_wait3A_1232 : memref<1024xf32, #tpu.memory_space<hbm>>)
    %dma_wait3A_1235 = arith.constant 55296 : i32
    %dma_wait3A_1236 = tpu.memref_slice %arg7[%dma_wait3A_1235] : memref<64512xf32, #tpu.memory_space<vmem>> -> memref<1024xf32, #tpu.memory_space<vmem>>
    %dma_wait3A_1237 = tpu.memref_slice %arg4[%mul3A_500] : memref<4128768xf32, #tpu.memory_space<hbm>> -> memref<1024xf32, #tpu.memory_space<hbm>>
    %dma_wait3A_1238 = tpu.memref_slice %arg4[%mul3A_500] : memref<4128768xf32, #tpu.memory_space<hbm>> -> memref<1024xf32, #tpu.memory_space<hbm>>
    %dma_wait3A_1239 = arith.constant 55296 : i32
    %dma_wait3A_1240 = tpu.memref_slice %arg7[%dma_wait3A_1239] : memref<64512xf32, #tpu.memory_space<vmem>> -> memref<1024xf32, #tpu.memory_space<vmem>>
    tpu.wait_dma2 semaphore(%arg9 : memref<!tpu.dma_semaphore, #tpu.memory_space<semaphore_mem>>) src(%dma_wait3A_1240 : memref<1024xf32, #tpu.memory_space<vmem>>) dst(%dma_wait3A_1238 : memref<1024xf32, #tpu.memory_space<hbm>>)
    %dma_wait3A_1241 = arith.constant 56320 : i32
    %dma_wait3A_1242 = tpu.memref_slice %arg7[%dma_wait3A_1241] : memref<64512xf32, #tpu.memory_space<vmem>> -> memref<1024xf32, #tpu.memory_space<vmem>>
    %dma_wait3A_1243 = tpu.memref_slice %arg4[%mul3A_504] : memref<4128768xf32, #tpu.memory_space<hbm>> -> memref<1024xf32, #tpu.memory_space<hbm>>
    %dma_wait3A_1244 = tpu.memref_slice %arg4[%mul3A_504] : memref<4128768xf32, #tpu.memory_space<hbm>> -> memref<1024xf32, #tpu.memory_space<hbm>>
    %dma_wait3A_1245 = arith.constant 56320 : i32
    %dma_wait3A_1246 = tpu.memref_slice %arg7[%dma_wait3A_1245] : memref<64512xf32, #tpu.memory_space<vmem>> -> memref<1024xf32, #tpu.memory_space<vmem>>
    tpu.wait_dma2 semaphore(%arg9 : memref<!tpu.dma_semaphore, #tpu.memory_space<semaphore_mem>>) src(%dma_wait3A_1246 : memref<1024xf32, #tpu.memory_space<vmem>>) dst(%dma_wait3A_1244 : memref<1024xf32, #tpu.memory_space<hbm>>)
    %dma_wait3A_1247 = arith.constant 57344 : i32
    %dma_wait3A_1248 = tpu.memref_slice %arg7[%dma_wait3A_1247] : memref<64512xf32, #tpu.memory_space<vmem>> -> memref<1024xf32, #tpu.memory_space<vmem>>
    %dma_wait3A_1249 = tpu.memref_slice %arg4[%mul3A_508] : memref<4128768xf32, #tpu.memory_space<hbm>> -> memref<1024xf32, #tpu.memory_space<hbm>>
    %dma_wait3A_1250 = tpu.memref_slice %arg4[%mul3A_508] : memref<4128768xf32, #tpu.memory_space<hbm>> -> memref<1024xf32, #tpu.memory_space<hbm>>
    %dma_wait3A_1251 = arith.constant 57344 : i32
    %dma_wait3A_1252 = tpu.memref_slice %arg7[%dma_wait3A_1251] : memref<64512xf32, #tpu.memory_space<vmem>> -> memref<1024xf32, #tpu.memory_space<vmem>>
    tpu.wait_dma2 semaphore(%arg9 : memref<!tpu.dma_semaphore, #tpu.memory_space<semaphore_mem>>) src(%dma_wait3A_1252 : memref<1024xf32, #tpu.memory_space<vmem>>) dst(%dma_wait3A_1250 : memref<1024xf32, #tpu.memory_space<hbm>>)
    %dma_wait3A_1253 = arith.constant 58368 : i32
    %dma_wait3A_1254 = tpu.memref_slice %arg7[%dma_wait3A_1253] : memref<64512xf32, #tpu.memory_space<vmem>> -> memref<1024xf32, #tpu.memory_space<vmem>>
    %dma_wait3A_1255 = tpu.memref_slice %arg4[%mul3A_512] : memref<4128768xf32, #tpu.memory_space<hbm>> -> memref<1024xf32, #tpu.memory_space<hbm>>
    %dma_wait3A_1256 = tpu.memref_slice %arg4[%mul3A_512] : memref<4128768xf32, #tpu.memory_space<hbm>> -> memref<1024xf32, #tpu.memory_space<hbm>>
    %dma_wait3A_1257 = arith.constant 58368 : i32
    %dma_wait3A_1258 = tpu.memref_slice %arg7[%dma_wait3A_1257] : memref<64512xf32, #tpu.memory_space<vmem>> -> memref<1024xf32, #tpu.memory_space<vmem>>
    tpu.wait_dma2 semaphore(%arg9 : memref<!tpu.dma_semaphore, #tpu.memory_space<semaphore_mem>>) src(%dma_wait3A_1258 : memref<1024xf32, #tpu.memory_space<vmem>>) dst(%dma_wait3A_1256 : memref<1024xf32, #tpu.memory_space<hbm>>)
    %dma_wait3A_1259 = arith.constant 59392 : i32
    %dma_wait3A_1260 = tpu.memref_slice %arg7[%dma_wait3A_1259] : memref<64512xf32, #tpu.memory_space<vmem>> -> memref<1024xf32, #tpu.memory_space<vmem>>
    %dma_wait3A_1261 = tpu.memref_slice %arg4[%mul3A_516] : memref<4128768xf32, #tpu.memory_space<hbm>> -> memref<1024xf32, #tpu.memory_space<hbm>>
    %dma_wait3A_1262 = tpu.memref_slice %arg4[%mul3A_516] : memref<4128768xf32, #tpu.memory_space<hbm>> -> memref<1024xf32, #tpu.memory_space<hbm>>
    %dma_wait3A_1263 = arith.constant 59392 : i32
    %dma_wait3A_1264 = tpu.memref_slice %arg7[%dma_wait3A_1263] : memref<64512xf32, #tpu.memory_space<vmem>> -> memref<1024xf32, #tpu.memory_space<vmem>>
    tpu.wait_dma2 semaphore(%arg9 : memref<!tpu.dma_semaphore, #tpu.memory_space<semaphore_mem>>) src(%dma_wait3A_1264 : memref<1024xf32, #tpu.memory_space<vmem>>) dst(%dma_wait3A_1262 : memref<1024xf32, #tpu.memory_space<hbm>>)
    %dma_wait3A_1265 = arith.constant 60416 : i32
    %dma_wait3A_1266 = tpu.memref_slice %arg7[%dma_wait3A_1265] : memref<64512xf32, #tpu.memory_space<vmem>> -> memref<1024xf32, #tpu.memory_space<vmem>>
    %dma_wait3A_1267 = tpu.memref_slice %arg4[%mul3A_520] : memref<4128768xf32, #tpu.memory_space<hbm>> -> memref<1024xf32, #tpu.memory_space<hbm>>
    %dma_wait3A_1268 = tpu.memref_slice %arg4[%mul3A_520] : memref<4128768xf32, #tpu.memory_space<hbm>> -> memref<1024xf32, #tpu.memory_space<hbm>>
    %dma_wait3A_1269 = arith.constant 60416 : i32
    %dma_wait3A_1270 = tpu.memref_slice %arg7[%dma_wait3A_1269] : memref<64512xf32, #tpu.memory_space<vmem>> -> memref<1024xf32, #tpu.memory_space<vmem>>
    tpu.wait_dma2 semaphore(%arg9 : memref<!tpu.dma_semaphore, #tpu.memory_space<semaphore_mem>>) src(%dma_wait3A_1270 : memref<1024xf32, #tpu.memory_space<vmem>>) dst(%dma_wait3A_1268 : memref<1024xf32, #tpu.memory_space<hbm>>)
    %dma_wait3A_1271 = arith.constant 61440 : i32
    %dma_wait3A_1272 = tpu.memref_slice %arg7[%dma_wait3A_1271] : memref<64512xf32, #tpu.memory_space<vmem>> -> memref<1024xf32, #tpu.memory_space<vmem>>
    %dma_wait3A_1273 = tpu.memref_slice %arg4[%mul3A_524] : memref<4128768xf32, #tpu.memory_space<hbm>> -> memref<1024xf32, #tpu.memory_space<hbm>>
    %dma_wait3A_1274 = tpu.memref_slice %arg4[%mul3A_524] : memref<4128768xf32, #tpu.memory_space<hbm>> -> memref<1024xf32, #tpu.memory_space<hbm>>
    %dma_wait3A_1275 = arith.constant 61440 : i32
    %dma_wait3A_1276 = tpu.memref_slice %arg7[%dma_wait3A_1275] : memref<64512xf32, #tpu.memory_space<vmem>> -> memref<1024xf32, #tpu.memory_space<vmem>>
    tpu.wait_dma2 semaphore(%arg9 : memref<!tpu.dma_semaphore, #tpu.memory_space<semaphore_mem>>) src(%dma_wait3A_1276 : memref<1024xf32, #tpu.memory_space<vmem>>) dst(%dma_wait3A_1274 : memref<1024xf32, #tpu.memory_space<hbm>>)
    %dma_wait3A_1277 = arith.constant 62464 : i32
    %dma_wait3A_1278 = tpu.memref_slice %arg7[%dma_wait3A_1277] : memref<64512xf32, #tpu.memory_space<vmem>> -> memref<1024xf32, #tpu.memory_space<vmem>>
    %dma_wait3A_1279 = tpu.memref_slice %arg4[%mul3A_528] : memref<4128768xf32, #tpu.memory_space<hbm>> -> memref<1024xf32, #tpu.memory_space<hbm>>
    %dma_wait3A_1280 = tpu.memref_slice %arg4[%mul3A_528] : memref<4128768xf32, #tpu.memory_space<hbm>> -> memref<1024xf32, #tpu.memory_space<hbm>>
    %dma_wait3A_1281 = arith.constant 62464 : i32
    %dma_wait3A_1282 = tpu.memref_slice %arg7[%dma_wait3A_1281] : memref<64512xf32, #tpu.memory_space<vmem>> -> memref<1024xf32, #tpu.memory_space<vmem>>
    tpu.wait_dma2 semaphore(%arg9 : memref<!tpu.dma_semaphore, #tpu.memory_space<semaphore_mem>>) src(%dma_wait3A_1282 : memref<1024xf32, #tpu.memory_space<vmem>>) dst(%dma_wait3A_1280 : memref<1024xf32, #tpu.memory_space<hbm>>)
    %dma_wait3A_1283 = arith.constant 63488 : i32
    %dma_wait3A_1284 = tpu.memref_slice %arg7[%dma_wait3A_1283] : memref<64512xf32, #tpu.memory_space<vmem>> -> memref<1024xf32, #tpu.memory_space<vmem>>
    %dma_wait3A_1285 = tpu.memref_slice %arg4[%mul3A_532] : memref<4128768xf32, #tpu.memory_space<hbm>> -> memref<1024xf32, #tpu.memory_space<hbm>>
    %dma_wait3A_1286 = tpu.memref_slice %arg4[%mul3A_532] : memref<4128768xf32, #tpu.memory_space<hbm>> -> memref<1024xf32, #tpu.memory_space<hbm>>
    %dma_wait3A_1287 = arith.constant 63488 : i32
    %dma_wait3A_1288 = tpu.memref_slice %arg7[%dma_wait3A_1287] : memref<64512xf32, #tpu.memory_space<vmem>> -> memref<1024xf32, #tpu.memory_space<vmem>>
    tpu.wait_dma2 semaphore(%arg9 : memref<!tpu.dma_semaphore, #tpu.memory_space<semaphore_mem>>) src(%dma_wait3A_1288 : memref<1024xf32, #tpu.memory_space<vmem>>) dst(%dma_wait3A_1286 : memref<1024xf32, #tpu.memory_space<hbm>>)
    %scan3A_1289 = arith.constant 0 : i32
    %scan3A_1290 = arith.constant 0 : i32
    %scan3A_1291 = arith.constant 192 : i32
    %scan3A_1292 = arith.addi %scan3A_1290, %scan3A_1291 : i32
    %scan3A_1293 = arith.constant 1 : i32
    scf.for %scan3A_2379 = %scan3A_1290 to %scan3A_1292 step %scan3A_1293  : i32 {
      %mul3A_2380 = arith.constant 16 : i32
      %mul3A_2381 = arith.muli %scan3A_2379, %mul3A_2380 : i32
      %get3A = arith.index_cast %mul3A_2381 : i32 to index
      %get3A_2382 = tpu.vector_load %arg8[%get3A] {strides = array<i32>} : memref<3072xi32, #tpu.memory_space<vmem>>, vector<16xi32>,
      tpu.vector_store_idx %arg7[%get3A_2382], %broadcast_in_dim3A_3 : memref<64512xf32, #tpu.memory_space<vmem>>[vector<16xi32>], vector<16xf32>,
    }
    %scan3A_1294 = arith.constant 192 : i32
    %mul3A_1295 = arith.constant 2 : i32
    %mul3A_1296 = arith.muli %add3A, %mul3A_1295 : i32
    %add3A_1297 = arith.constant 1 : i32
    %add3A_1298 = arith.addi %mul3A_1296, %add3A_1297 : i32
    %dma_wait3A_1299 = arith.constant 9216 : i32
    %dma_wait3A_1300 = tpu.memref_slice %arg5[%dma_wait3A_1299] : memref<18432xf32, #tpu.memory_space<vmem>> -> memref<1024xf32, #tpu.memory_space<vmem>>
    %dma_wait3A_1301 = tpu.memref_slice %arg2[%mul3A_180] : memref<589824xf32, #tpu.memory_space<hbm>> -> memref<1024xf32, #tpu.memory_space<hbm>>
    %dma_wait3A_1302 = arith.constant 9216 : i32
    %dma_wait3A_1303 = tpu.memref_slice %arg5[%dma_wait3A_1302] : memref<18432xf32, #tpu.memory_space<vmem>> -> memref<1024xf32, #tpu.memory_space<vmem>>
    %dma_wait3A_1304 = tpu.memref_slice %arg2[%mul3A_180] : memref<589824xf32, #tpu.memory_space<hbm>> -> memref<1024xf32, #tpu.memory_space<hbm>>
    tpu.wait_dma2 semaphore(%arg10 : memref<!tpu.dma_semaphore, #tpu.memory_space<semaphore_mem>>) src(%dma_wait3A_1304 : memref<1024xf32, #tpu.memory_space<hbm>>) dst(%dma_wait3A_1303 : memref<1024xf32, #tpu.memory_space<vmem>>)
    %dma_wait3A_1305 = arith.constant 10240 : i32
    %dma_wait3A_1306 = tpu.memref_slice %arg5[%dma_wait3A_1305] : memref<18432xf32, #tpu.memory_space<vmem>> -> memref<1024xf32, #tpu.memory_space<vmem>>
    %dma_wait3A_1307 = tpu.memref_slice %arg2[%mul3A_184] : memref<589824xf32, #tpu.memory_space<hbm>> -> memref<1024xf32, #tpu.memory_space<hbm>>
    %dma_wait3A_1308 = arith.constant 10240 : i32
    %dma_wait3A_1309 = tpu.memref_slice %arg5[%dma_wait3A_1308] : memref<18432xf32, #tpu.memory_space<vmem>> -> memref<1024xf32, #tpu.memory_space<vmem>>
    %dma_wait3A_1310 = tpu.memref_slice %arg2[%mul3A_184] : memref<589824xf32, #tpu.memory_space<hbm>> -> memref<1024xf32, #tpu.memory_space<hbm>>
    tpu.wait_dma2 semaphore(%arg10 : memref<!tpu.dma_semaphore, #tpu.memory_space<semaphore_mem>>) src(%dma_wait3A_1310 : memref<1024xf32, #tpu.memory_space<hbm>>) dst(%dma_wait3A_1309 : memref<1024xf32, #tpu.memory_space<vmem>>)
    %dma_wait3A_1311 = arith.constant 11264 : i32
    %dma_wait3A_1312 = tpu.memref_slice %arg5[%dma_wait3A_1311] : memref<18432xf32, #tpu.memory_space<vmem>> -> memref<1024xf32, #tpu.memory_space<vmem>>
    %dma_wait3A_1313 = tpu.memref_slice %arg2[%mul3A_188] : memref<589824xf32, #tpu.memory_space<hbm>> -> memref<1024xf32, #tpu.memory_space<hbm>>
    %dma_wait3A_1314 = arith.constant 11264 : i32
    %dma_wait3A_1315 = tpu.memref_slice %arg5[%dma_wait3A_1314] : memref<18432xf32, #tpu.memory_space<vmem>> -> memref<1024xf32, #tpu.memory_space<vmem>>
    %dma_wait3A_1316 = tpu.memref_slice %arg2[%mul3A_188] : memref<589824xf32, #tpu.memory_space<hbm>> -> memref<1024xf32, #tpu.memory_space<hbm>>
    tpu.wait_dma2 semaphore(%arg10 : memref<!tpu.dma_semaphore, #tpu.memory_space<semaphore_mem>>) src(%dma_wait3A_1316 : memref<1024xf32, #tpu.memory_space<hbm>>) dst(%dma_wait3A_1315 : memref<1024xf32, #tpu.memory_space<vmem>>)
    %dma_wait3A_1317 = arith.constant 12288 : i32
    %dma_wait3A_1318 = tpu.memref_slice %arg5[%dma_wait3A_1317] : memref<18432xf32, #tpu.memory_space<vmem>> -> memref<1024xf32, #tpu.memory_space<vmem>>
    %dma_wait3A_1319 = tpu.memref_slice %arg2[%mul3A_192] : memref<589824xf32, #tpu.memory_space<hbm>> -> memref<1024xf32, #tpu.memory_space<hbm>>
    %dma_wait3A_1320 = arith.constant 12288 : i32
    %dma_wait3A_1321 = tpu.memref_slice %arg5[%dma_wait3A_1320] : memref<18432xf32, #tpu.memory_space<vmem>> -> memref<1024xf32, #tpu.memory_space<vmem>>
    %dma_wait3A_1322 = tpu.memref_slice %arg2[%mul3A_192] : memref<589824xf32, #tpu.memory_space<hbm>> -> memref<1024xf32, #tpu.memory_space<hbm>>
    tpu.wait_dma2 semaphore(%arg10 : memref<!tpu.dma_semaphore, #tpu.memory_space<semaphore_mem>>) src(%dma_wait3A_1322 : memref<1024xf32, #tpu.memory_space<hbm>>) dst(%dma_wait3A_1321 : memref<1024xf32, #tpu.memory_space<vmem>>)
    %dma_wait3A_1323 = arith.constant 13312 : i32
    %dma_wait3A_1324 = tpu.memref_slice %arg5[%dma_wait3A_1323] : memref<18432xf32, #tpu.memory_space<vmem>> -> memref<1024xf32, #tpu.memory_space<vmem>>
    %dma_wait3A_1325 = tpu.memref_slice %arg2[%mul3A_196] : memref<589824xf32, #tpu.memory_space<hbm>> -> memref<1024xf32, #tpu.memory_space<hbm>>
    %dma_wait3A_1326 = arith.constant 13312 : i32
    %dma_wait3A_1327 = tpu.memref_slice %arg5[%dma_wait3A_1326] : memref<18432xf32, #tpu.memory_space<vmem>> -> memref<1024xf32, #tpu.memory_space<vmem>>
    %dma_wait3A_1328 = tpu.memref_slice %arg2[%mul3A_196] : memref<589824xf32, #tpu.memory_space<hbm>> -> memref<1024xf32, #tpu.memory_space<hbm>>
    tpu.wait_dma2 semaphore(%arg10 : memref<!tpu.dma_semaphore, #tpu.memory_space<semaphore_mem>>) src(%dma_wait3A_1328 : memref<1024xf32, #tpu.memory_space<hbm>>) dst(%dma_wait3A_1327 : memref<1024xf32, #tpu.memory_space<vmem>>)
    %dma_wait3A_1329 = arith.constant 14336 : i32
    %dma_wait3A_1330 = tpu.memref_slice %arg5[%dma_wait3A_1329] : memref<18432xf32, #tpu.memory_space<vmem>> -> memref<1024xf32, #tpu.memory_space<vmem>>
    %dma_wait3A_1331 = tpu.memref_slice %arg2[%mul3A_200] : memref<589824xf32, #tpu.memory_space<hbm>> -> memref<1024xf32, #tpu.memory_space<hbm>>
    %dma_wait3A_1332 = arith.constant 14336 : i32
    %dma_wait3A_1333 = tpu.memref_slice %arg5[%dma_wait3A_1332] : memref<18432xf32, #tpu.memory_space<vmem>> -> memref<1024xf32, #tpu.memory_space<vmem>>
    %dma_wait3A_1334 = tpu.memref_slice %arg2[%mul3A_200] : memref<589824xf32, #tpu.memory_space<hbm>> -> memref<1024xf32, #tpu.memory_space<hbm>>
    tpu.wait_dma2 semaphore(%arg10 : memref<!tpu.dma_semaphore, #tpu.memory_space<semaphore_mem>>) src(%dma_wait3A_1334 : memref<1024xf32, #tpu.memory_space<hbm>>) dst(%dma_wait3A_1333 : memref<1024xf32, #tpu.memory_space<vmem>>)
    %dma_wait3A_1335 = arith.constant 15360 : i32
    %dma_wait3A_1336 = tpu.memref_slice %arg5[%dma_wait3A_1335] : memref<18432xf32, #tpu.memory_space<vmem>> -> memref<1024xf32, #tpu.memory_space<vmem>>
    %dma_wait3A_1337 = tpu.memref_slice %arg2[%mul3A_204] : memref<589824xf32, #tpu.memory_space<hbm>> -> memref<1024xf32, #tpu.memory_space<hbm>>
    %dma_wait3A_1338 = arith.constant 15360 : i32
    %dma_wait3A_1339 = tpu.memref_slice %arg5[%dma_wait3A_1338] : memref<18432xf32, #tpu.memory_space<vmem>> -> memref<1024xf32, #tpu.memory_space<vmem>>
    %dma_wait3A_1340 = tpu.memref_slice %arg2[%mul3A_204] : memref<589824xf32, #tpu.memory_space<hbm>> -> memref<1024xf32, #tpu.memory_space<hbm>>
    tpu.wait_dma2 semaphore(%arg10 : memref<!tpu.dma_semaphore, #tpu.memory_space<semaphore_mem>>) src(%dma_wait3A_1340 : memref<1024xf32, #tpu.memory_space<hbm>>) dst(%dma_wait3A_1339 : memref<1024xf32, #tpu.memory_space<vmem>>)
    %dma_wait3A_1341 = arith.constant 16384 : i32
    %dma_wait3A_1342 = tpu.memref_slice %arg5[%dma_wait3A_1341] : memref<18432xf32, #tpu.memory_space<vmem>> -> memref<1024xf32, #tpu.memory_space<vmem>>
    %dma_wait3A_1343 = tpu.memref_slice %arg2[%mul3A_208] : memref<589824xf32, #tpu.memory_space<hbm>> -> memref<1024xf32, #tpu.memory_space<hbm>>
    %dma_wait3A_1344 = arith.constant 16384 : i32
    %dma_wait3A_1345 = tpu.memref_slice %arg5[%dma_wait3A_1344] : memref<18432xf32, #tpu.memory_space<vmem>> -> memref<1024xf32, #tpu.memory_space<vmem>>
    %dma_wait3A_1346 = tpu.memref_slice %arg2[%mul3A_208] : memref<589824xf32, #tpu.memory_space<hbm>> -> memref<1024xf32, #tpu.memory_space<hbm>>
    tpu.wait_dma2 semaphore(%arg10 : memref<!tpu.dma_semaphore, #tpu.memory_space<semaphore_mem>>) src(%dma_wait3A_1346 : memref<1024xf32, #tpu.memory_space<hbm>>) dst(%dma_wait3A_1345 : memref<1024xf32, #tpu.memory_space<vmem>>)
    %dma_wait3A_1347 = arith.constant 17408 : i32
    %dma_wait3A_1348 = tpu.memref_slice %arg5[%dma_wait3A_1347] : memref<18432xf32, #tpu.memory_space<vmem>> -> memref<1024xf32, #tpu.memory_space<vmem>>
    %dma_wait3A_1349 = tpu.memref_slice %arg2[%mul3A_212] : memref<589824xf32, #tpu.memory_space<hbm>> -> memref<1024xf32, #tpu.memory_space<hbm>>
    %dma_wait3A_1350 = arith.constant 17408 : i32
    %dma_wait3A_1351 = tpu.memref_slice %arg5[%dma_wait3A_1350] : memref<18432xf32, #tpu.memory_space<vmem>> -> memref<1024xf32, #tpu.memory_space<vmem>>
    %dma_wait3A_1352 = tpu.memref_slice %arg2[%mul3A_212] : memref<589824xf32, #tpu.memory_space<hbm>> -> memref<1024xf32, #tpu.memory_space<hbm>>
    tpu.wait_dma2 semaphore(%arg10 : memref<!tpu.dma_semaphore, #tpu.memory_space<semaphore_mem>>) src(%dma_wait3A_1352 : memref<1024xf32, #tpu.memory_space<hbm>>) dst(%dma_wait3A_1351 : memref<1024xf32, #tpu.memory_space<vmem>>)
    %dma_wait3A_1353 = arith.constant 1040 : i32
    %dma_wait3A_1354 = tpu.memref_slice %arg6[%dma_wait3A_1353] : memref<2080xi32, #tpu.memory_space<vmem>> -> memref<1024xi32, #tpu.memory_space<vmem>>
    %dma_wait3A_1355 = tpu.memref_slice %arg3[%mul3A_214] : memref<65536xi32, #tpu.memory_space<hbm>> -> memref<1024xi32, #tpu.memory_space<hbm>>
    %dma_wait3A_1356 = arith.constant 1040 : i32
    %dma_wait3A_1357 = tpu.memref_slice %arg6[%dma_wait3A_1356] : memref<2080xi32, #tpu.memory_space<vmem>> -> memref<1024xi32, #tpu.memory_space<vmem>>
    %dma_wait3A_1358 = tpu.memref_slice %arg3[%mul3A_214] : memref<65536xi32, #tpu.memory_space<hbm>> -> memref<1024xi32, #tpu.memory_space<hbm>>
    tpu.wait_dma2 semaphore(%arg10 : memref<!tpu.dma_semaphore, #tpu.memory_space<semaphore_mem>>) src(%dma_wait3A_1358 : memref<1024xi32, #tpu.memory_space<hbm>>) dst(%dma_wait3A_1357 : memref<1024xi32, #tpu.memory_space<vmem>>)
    %scan3A_1359 = arith.constant 0 : i32
    %scan3A_1360 = arith.constant 0 : i32
    %scan3A_1361 = arith.constant 64 : i32
    %scan3A_1362 = arith.addi %scan3A_1360, %scan3A_1361 : i32
    %scan3A_1363 = arith.constant 1 : i32
    scf.for %scan3A_2379 = %scan3A_1360 to %scan3A_1362 step %scan3A_1363  : i32 {
      %mul3A_2380 = arith.constant 16 : i32
      %mul3A_2381 = arith.muli %scan3A_2379, %mul3A_2380 : i32
      %add3A_2382 = vector.broadcast %mul3A_2381 : i32 to vector<16xi32>
      %add3A_2383 = arith.addi %add3A_2382, %iota3A : vector<16xi32>
      %add3A_2384 = arith.constant 9216 : i32
      %add3A_2385 = arith.addi %add3A_2384, %mul3A_2381 : i32
      %get3A = arith.index_cast %add3A_2385 : i32 to index
      %get3A_2386 = tpu.vector_load %arg5[%get3A] {strides = array<i32>} : memref<18432xf32, #tpu.memory_space<vmem>>, vector<16xf32>,
      %add3A_2387 = arith.constant 10240 : i32
      %add3A_2388 = arith.addi %add3A_2387, %mul3A_2381 : i32
      %get3A_2389 = arith.index_cast %add3A_2388 : i32 to index
      %get3A_2390 = tpu.vector_load %arg5[%get3A_2389] {strides = array<i32>} : memref<18432xf32, #tpu.memory_space<vmem>>, vector<16xf32>,
      %add3A_2391 = arith.constant 11264 : i32
      %add3A_2392 = arith.addi %add3A_2391, %mul3A_2381 : i32
      %get3A_2393 = arith.index_cast %add3A_2392 : i32 to index
      %get3A_2394 = tpu.vector_load %arg5[%get3A_2393] {strides = array<i32>} : memref<18432xf32, #tpu.memory_space<vmem>>, vector<16xf32>,
      %add3A_2395 = arith.constant 12288 : i32
      %add3A_2396 = arith.addi %add3A_2395, %mul3A_2381 : i32
      %get3A_2397 = arith.index_cast %add3A_2396 : i32 to index
      %get3A_2398 = tpu.vector_load %arg5[%get3A_2397] {strides = array<i32>} : memref<18432xf32, #tpu.memory_space<vmem>>, vector<16xf32>,
      %add3A_2399 = arith.constant 13312 : i32
      %add3A_2400 = arith.addi %add3A_2399, %mul3A_2381 : i32
      %get3A_2401 = arith.index_cast %add3A_2400 : i32 to index
      %get3A_2402 = tpu.vector_load %arg5[%get3A_2401] {strides = array<i32>} : memref<18432xf32, #tpu.memory_space<vmem>>, vector<16xf32>,
      %add3A_2403 = arith.constant 14336 : i32
      %add3A_2404 = arith.addi %add3A_2403, %mul3A_2381 : i32
      %get3A_2405 = arith.index_cast %add3A_2404 : i32 to index
      %get3A_2406 = tpu.vector_load %arg5[%get3A_2405] {strides = array<i32>} : memref<18432xf32, #tpu.memory_space<vmem>>, vector<16xf32>,
      %add3A_2407 = arith.constant 15360 : i32
      %add3A_2408 = arith.addi %add3A_2407, %mul3A_2381 : i32
      %get3A_2409 = arith.index_cast %add3A_2408 : i32 to index
      %get3A_2410 = tpu.vector_load %arg5[%get3A_2409] {strides = array<i32>} : memref<18432xf32, #tpu.memory_space<vmem>>, vector<16xf32>,
      %add3A_2411 = arith.constant 16384 : i32
      %add3A_2412 = arith.addi %add3A_2411, %mul3A_2381 : i32
      %get3A_2413 = arith.index_cast %add3A_2412 : i32 to index
      %get3A_2414 = tpu.vector_load %arg5[%get3A_2413] {strides = array<i32>} : memref<18432xf32, #tpu.memory_space<vmem>>, vector<16xf32>,
      %add3A_2415 = arith.constant 17408 : i32
      %add3A_2416 = arith.addi %add3A_2415, %mul3A_2381 : i32
      %get3A_2417 = arith.index_cast %add3A_2416 : i32 to index
      %get3A_2418 = tpu.vector_load %arg5[%get3A_2417] {strides = array<i32>} : memref<18432xf32, #tpu.memory_space<vmem>>, vector<16xf32>,
      %add3A_2419 = arith.constant 9216 : i32
      %add3A_2420 = arith.addi %add3A_2419, %mul3A_2381 : i32
      %add3A_2421 = arith.constant 1 : i32
      %add3A_2422 = arith.addi %add3A_2420, %add3A_2421 : i32
      %get3A_2423 = arith.index_cast %add3A_2422 : i32 to index
      %get3A_2424 = tpu.vector_load %arg5[%get3A_2423] {strides = array<i32>} : memref<18432xf32, #tpu.memory_space<vmem>>, vector<16xf32>,
      %add3A_2425 = arith.constant 10240 : i32
      %add3A_2426 = arith.addi %add3A_2425, %mul3A_2381 : i32
      %add3A_2427 = arith.constant 1 : i32
      %add3A_2428 = arith.addi %add3A_2426, %add3A_2427 : i32
      %get3A_2429 = arith.index_cast %add3A_2428 : i32 to index
      %get3A_2430 = tpu.vector_load %arg5[%get3A_2429] {strides = array<i32>} : memref<18432xf32, #tpu.memory_space<vmem>>, vector<16xf32>,
      %add3A_2431 = arith.constant 11264 : i32
      %add3A_2432 = arith.addi %add3A_2431, %mul3A_2381 : i32
      %add3A_2433 = arith.constant 1 : i32
      %add3A_2434 = arith.addi %add3A_2432, %add3A_2433 : i32
      %get3A_2435 = arith.index_cast %add3A_2434 : i32 to index
      %get3A_2436 = tpu.vector_load %arg5[%get3A_2435] {strides = array<i32>} : memref<18432xf32, #tpu.memory_space<vmem>>, vector<16xf32>,
      %add3A_2437 = arith.constant 12288 : i32
      %add3A_2438 = arith.addi %add3A_2437, %mul3A_2381 : i32
      %add3A_2439 = arith.constant 1 : i32
      %add3A_2440 = arith.addi %add3A_2438, %add3A_2439 : i32
      %get3A_2441 = arith.index_cast %add3A_2440 : i32 to index
      %get3A_2442 = tpu.vector_load %arg5[%get3A_2441] {strides = array<i32>} : memref<18432xf32, #tpu.memory_space<vmem>>, vector<16xf32>,
      %add3A_2443 = arith.constant 13312 : i32
      %add3A_2444 = arith.addi %add3A_2443, %mul3A_2381 : i32
      %add3A_2445 = arith.constant 1 : i32
      %add3A_2446 = arith.addi %add3A_2444, %add3A_2445 : i32
      %get3A_2447 = arith.index_cast %add3A_2446 : i32 to index
      %get3A_2448 = tpu.vector_load %arg5[%get3A_2447] {strides = array<i32>} : memref<18432xf32, #tpu.memory_space<vmem>>, vector<16xf32>,
      %add3A_2449 = arith.constant 14336 : i32
      %add3A_2450 = arith.addi %add3A_2449, %mul3A_2381 : i32
      %add3A_2451 = arith.constant 1 : i32
      %add3A_2452 = arith.addi %add3A_2450, %add3A_2451 : i32
      %get3A_2453 = arith.index_cast %add3A_2452 : i32 to index
      %get3A_2454 = tpu.vector_load %arg5[%get3A_2453] {strides = array<i32>} : memref<18432xf32, #tpu.memory_space<vmem>>, vector<16xf32>,
      %sub3A = arith.subf %get3A_2386, %get3A_2398 : vector<16xf32>
      %sub3A_2455 = arith.subf %get3A_2390, %get3A_2402 : vector<16xf32>
      %sub3A_2456 = arith.subf %get3A_2394, %get3A_2406 : vector<16xf32>
      %sub3A_2457 = arith.subf %get3A_2410, %get3A_2398 : vector<16xf32>
      %sub3A_2458 = arith.subf %get3A_2414, %get3A_2402 : vector<16xf32>
      %sub3A_2459 = arith.subf %get3A_2418, %get3A_2406 : vector<16xf32>
      %mul3A_2460 = arith.mulf %sub3A, %sub3A_2457 : vector<16xf32>
      %mul3A_2461 = arith.mulf %sub3A_2455, %sub3A_2458 : vector<16xf32>
      %add3A_2462 = arith.addf %mul3A_2460, %mul3A_2461 : vector<16xf32>
      %mul3A_2463 = arith.mulf %sub3A_2456, %sub3A_2459 : vector<16xf32>
      %add3A_2464 = arith.addf %add3A_2462, %mul3A_2463 : vector<16xf32>
      %mul3A_2465 = arith.mulf %sub3A, %sub3A : vector<16xf32>
      %mul3A_2466 = arith.mulf %sub3A_2455, %sub3A_2455 : vector<16xf32>
      %add3A_2467 = arith.addf %mul3A_2465, %mul3A_2466 : vector<16xf32>
      %mul3A_2468 = arith.mulf %sub3A_2456, %sub3A_2456 : vector<16xf32>
      %add3A_2469 = arith.addf %add3A_2467, %mul3A_2468 : vector<16xf32>
      %mul3A_2470 = arith.mulf %sub3A_2457, %sub3A_2457 : vector<16xf32>
      %mul3A_2471 = arith.mulf %sub3A_2458, %sub3A_2458 : vector<16xf32>
      %add3A_2472 = arith.addf %mul3A_2470, %mul3A_2471 : vector<16xf32>
      %mul3A_2473 = arith.mulf %sub3A_2459, %sub3A_2459 : vector<16xf32>
      %add3A_2474 = arith.addf %add3A_2472, %mul3A_2473 : vector<16xf32>
      %mul3A_2475 = arith.mulf %add3A_2469, %add3A_2474 : vector<16xf32>
      %sub3A_2476 = arith.subf %get3A_2398, %get3A_2410 : vector<16xf32>
      %sub3A_2477 = arith.subf %get3A_2402, %get3A_2414 : vector<16xf32>
      %sub3A_2478 = arith.subf %get3A_2406, %get3A_2418 : vector<16xf32>
      %sub3A_2479 = arith.subf %get3A_2424, %get3A_2410 : vector<16xf32>
      %sub3A_2480 = arith.subf %get3A_2430, %get3A_2414 : vector<16xf32>
      %sub3A_2481 = arith.subf %get3A_2436, %get3A_2418 : vector<16xf32>
      %mul3A_2482 = arith.mulf %sub3A_2476, %sub3A_2479 : vector<16xf32>
      %mul3A_2483 = arith.mulf %sub3A_2477, %sub3A_2480 : vector<16xf32>
      %add3A_2484 = arith.addf %mul3A_2482, %mul3A_2483 : vector<16xf32>
      %mul3A_2485 = arith.mulf %sub3A_2478, %sub3A_2481 : vector<16xf32>
      %add3A_2486 = arith.addf %add3A_2484, %mul3A_2485 : vector<16xf32>
      %mul3A_2487 = arith.mulf %sub3A_2476, %sub3A_2476 : vector<16xf32>
      %mul3A_2488 = arith.mulf %sub3A_2477, %sub3A_2477 : vector<16xf32>
      %add3A_2489 = arith.addf %mul3A_2487, %mul3A_2488 : vector<16xf32>
      %mul3A_2490 = arith.mulf %sub3A_2478, %sub3A_2478 : vector<16xf32>
      %add3A_2491 = arith.addf %add3A_2489, %mul3A_2490 : vector<16xf32>
      %mul3A_2492 = arith.mulf %sub3A_2479, %sub3A_2479 : vector<16xf32>
      %mul3A_2493 = arith.mulf %sub3A_2480, %sub3A_2480 : vector<16xf32>
      %add3A_2494 = arith.addf %mul3A_2492, %mul3A_2493 : vector<16xf32>
      %mul3A_2495 = arith.mulf %sub3A_2481, %sub3A_2481 : vector<16xf32>
      %add3A_2496 = arith.addf %add3A_2494, %mul3A_2495 : vector<16xf32>
      %mul3A_2497 = arith.mulf %add3A_2491, %add3A_2496 : vector<16xf32>
      %sub3A_2498 = arith.subf %get3A_2410, %get3A_2424 : vector<16xf32>
      %sub3A_2499 = arith.subf %get3A_2414, %get3A_2430 : vector<16xf32>
      %sub3A_2500 = arith.subf %get3A_2418, %get3A_2436 : vector<16xf32>
      %sub3A_2501 = arith.subf %get3A_2442, %get3A_2424 : vector<16xf32>
      %sub3A_2502 = arith.subf %get3A_2448, %get3A_2430 : vector<16xf32>
      %sub3A_2503 = arith.subf %get3A_2454, %get3A_2436 : vector<16xf32>
      %mul3A_2504 = arith.mulf %sub3A_2498, %sub3A_2501 : vector<16xf32>
      %mul3A_2505 = arith.mulf %sub3A_2499, %sub3A_2502 : vector<16xf32>
      %add3A_2506 = arith.addf %mul3A_2504, %mul3A_2505 : vector<16xf32>
      %mul3A_2507 = arith.mulf %sub3A_2500, %sub3A_2503 : vector<16xf32>
      %add3A_2508 = arith.addf %add3A_2506, %mul3A_2507 : vector<16xf32>
      %mul3A_2509 = arith.mulf %sub3A_2498, %sub3A_2498 : vector<16xf32>
      %mul3A_2510 = arith.mulf %sub3A_2499, %sub3A_2499 : vector<16xf32>
      %add3A_2511 = arith.addf %mul3A_2509, %mul3A_2510 : vector<16xf32>
      %mul3A_2512 = arith.mulf %sub3A_2500, %sub3A_2500 : vector<16xf32>
      %add3A_2513 = arith.addf %add3A_2511, %mul3A_2512 : vector<16xf32>
      %mul3A_2514 = arith.mulf %sub3A_2501, %sub3A_2501 : vector<16xf32>
      %mul3A_2515 = arith.mulf %sub3A_2502, %sub3A_2502 : vector<16xf32>
      %add3A_2516 = arith.addf %mul3A_2514, %mul3A_2515 : vector<16xf32>
      %mul3A_2517 = arith.mulf %sub3A_2503, %sub3A_2503 : vector<16xf32>
      %add3A_2518 = arith.addf %add3A_2516, %mul3A_2517 : vector<16xf32>
      %mul3A_2519 = arith.mulf %add3A_2513, %add3A_2518 : vector<16xf32>
      %add3A_2520 = arith.constant 1040 : i32
      %add3A_2521 = arith.addi %add3A_2520, %mul3A_2381 : i32
      %get3A_2522 = arith.index_cast %add3A_2521 : i32 to index
      %get3A_2523 = tpu.vector_load %arg6[%get3A_2522] {strides = array<i32>} : memref<2080xi32, #tpu.memory_space<vmem>>, vector<16xi32>,
      %add3A_2524 = arith.constant 1040 : i32
      %add3A_2525 = arith.addi %add3A_2524, %mul3A_2381 : i32
      %add3A_2526 = arith.constant 1 : i32
      %add3A_2527 = arith.addi %add3A_2525, %add3A_2526 : i32
      %get3A_2528 = arith.index_cast %add3A_2527 : i32 to index
      %get3A_2529 = tpu.vector_load %arg6[%get3A_2528] {strides = array<i32>} : memref<2080xi32, #tpu.memory_space<vmem>>, vector<16xi32>,
      %sub3A_2530 = arith.subi %get3A_2529, %get3A_2523 : vector<16xi32>
      %eq3A = arith.constant 1 : i32
      %eq3A_2531 = vector.broadcast %eq3A : i32 to vector<16xi32>
      %eq3A_2532 = arith.cmpi eq, %sub3A_2530, %eq3A_2531 : vector<16xi32>
      %ne3A = arith.constant 1023 : i32
      %ne3A_2533 = vector.broadcast %ne3A : i32 to vector<16xi32>
      %ne3A_2534 = arith.cmpi ne, %add3A_2383, %ne3A_2533 : vector<16xi32>
      %and3A = arith.andi %eq3A_2532, %ne3A_2534 : vector<16xi1>
      %mul3A_2535 = arith.mulf %add3A_2464, %add3A_2464 : vector<16xf32>
      %div3A = arith.divf %mul3A_2535, %mul3A_2475 : vector<16xf32>
      %lt3A = arith.constant 0.000000e+00 : f32
      %lt3A_2536 = vector.broadcast %lt3A : f32 to vector<16xf32>
      %lt3A_2537 = arith.cmpf olt, %add3A_2464, %lt3A_2536 : vector<16xf32>
      %broadcast_in_dim3A_2538 = arith.constant 10 : i32
      %broadcast_in_dim3A_2539 = vector.broadcast %broadcast_in_dim3A_2538 : i32 to vector<16xi32>
      %lt3A_2540 = arith.constant 0.972908675 : f32
      %lt3A_2541 = vector.broadcast %lt3A_2540 : f32 to vector<16xf32>
      %lt3A_2542 = arith.cmpf olt, %div3A, %lt3A_2541 : vector<16xf32>
      %or3A = arith.ori %lt3A_2537, %lt3A_2542 : vector<16xi1>
      %jit3A = arith.constant 1 : i32
      %jit3A_2543 = arith.constant 0 : i32
      %broadcast_in_dim3A_2544 = vector.broadcast %jit3A : i32 to vector<16xi32>
      %broadcast_in_dim3A_2545 = vector.broadcast %jit3A_2543 : i32 to vector<16xi32>
      %select_n3A = arith.select %or3A, %broadcast_in_dim3A_2544, %broadcast_in_dim3A_2545 : vector<16xi1>, vector<16xi32>
      %add3A_2546 = arith.addi %broadcast_in_dim3A_2539, %select_n3A : vector<16xi32>
      %lt3A_2547 = arith.constant 0.773474156 : f32
      %lt3A_2548 = vector.broadcast %lt3A_2547 : f32 to vector<16xf32>
      %lt3A_2549 = arith.cmpf olt, %div3A, %lt3A_2548 : vector<16xf32>
      %or3A_2550 = arith.ori %lt3A_2537, %lt3A_2549 : vector<16xi1>
      %jit3A_2551 = arith.constant 1 : i32
      %jit3A_2552 = arith.constant 0 : i32
      %broadcast_in_dim3A_2553 = vector.broadcast %jit3A_2551 : i32 to vector<16xi32>
      %broadcast_in_dim3A_2554 = vector.broadcast %jit3A_2552 : i32 to vector<16xi32>
      %select_n3A_2555 = arith.select %or3A_2550, %broadcast_in_dim3A_2553, %broadcast_in_dim3A_2554 : vector<16xi1>, vector<16xi32>
      %add3A_2556 = arith.addi %add3A_2546, %select_n3A_2555 : vector<16xi32>
      %lt3A_2557 = arith.constant 0.458710462 : f32
      %lt3A_2558 = vector.broadcast %lt3A_2557 : f32 to vector<16xf32>
      %lt3A_2559 = arith.cmpf olt, %div3A, %lt3A_2558 : vector<16xf32>
      %or3A_2560 = arith.ori %lt3A_2537, %lt3A_2559 : vector<16xi1>
      %jit3A_2561 = arith.constant 1 : i32
      %jit3A_2562 = arith.constant 0 : i32
      %broadcast_in_dim3A_2563 = vector.broadcast %jit3A_2561 : i32 to vector<16xi32>
      %broadcast_in_dim3A_2564 = vector.broadcast %jit3A_2562 : i32 to vector<16xi32>
      %select_n3A_2565 = arith.select %or3A_2560, %broadcast_in_dim3A_2563, %broadcast_in_dim3A_2564 : vector<16xi1>, vector<16xi32>
      %add3A_2566 = arith.addi %add3A_2556, %select_n3A_2565 : vector<16xi32>
      %lt3A_2567 = arith.constant 0.161359131 : f32
      %lt3A_2568 = vector.broadcast %lt3A_2567 : f32 to vector<16xf32>
      %lt3A_2569 = arith.cmpf olt, %div3A, %lt3A_2568 : vector<16xf32>
      %or3A_2570 = arith.ori %lt3A_2537, %lt3A_2569 : vector<16xi1>
      %jit3A_2571 = arith.constant 1 : i32
      %jit3A_2572 = arith.constant 0 : i32
      %broadcast_in_dim3A_2573 = vector.broadcast %jit3A_2571 : i32 to vector<16xi32>
      %broadcast_in_dim3A_2574 = vector.broadcast %jit3A_2572 : i32 to vector<16xi32>
      %select_n3A_2575 = arith.select %or3A_2570, %broadcast_in_dim3A_2573, %broadcast_in_dim3A_2574 : vector<16xi1>, vector<16xi32>
      %add3A_2576 = arith.addi %add3A_2566, %select_n3A_2575 : vector<16xi32>
      %lt3A_2577 = arith.constant 6.819370e-03 : f32
      %lt3A_2578 = vector.broadcast %lt3A_2577 : f32 to vector<16xf32>
      %lt3A_2579 = arith.cmpf olt, %div3A, %lt3A_2578 : vector<16xf32>
      %or3A_2580 = arith.ori %lt3A_2537, %lt3A_2579 : vector<16xi1>
      %jit3A_2581 = arith.constant 1 : i32
      %jit3A_2582 = arith.constant 0 : i32
      %broadcast_in_dim3A_2583 = vector.broadcast %jit3A_2581 : i32 to vector<16xi32>
      %broadcast_in_dim3A_2584 = vector.broadcast %jit3A_2582 : i32 to vector<16xi32>
      %select_n3A_2585 = arith.select %or3A_2580, %broadcast_in_dim3A_2583, %broadcast_in_dim3A_2584 : vector<16xi1>, vector<16xi32>
      %add3A_2586 = arith.addi %add3A_2576, %select_n3A_2585 : vector<16xi32>
      %gt3A = arith.constant 0.0602629445 : f32
      %gt3A_2587 = vector.broadcast %gt3A : f32 to vector<16xf32>
      %gt3A_2588 = arith.cmpf ogt, %div3A, %gt3A_2587 : vector<16xf32>
      %and3A_2589 = arith.andi %lt3A_2537, %gt3A_2588 : vector<16xi1>
      %jit3A_2590 = arith.constant 1 : i32
      %jit3A_2591 = arith.constant 0 : i32
      %broadcast_in_dim3A_2592 = vector.broadcast %jit3A_2590 : i32 to vector<16xi32>
      %broadcast_in_dim3A_2593 = vector.broadcast %jit3A_2591 : i32 to vector<16xi32>
      %select_n3A_2594 = arith.select %and3A_2589, %broadcast_in_dim3A_2592, %broadcast_in_dim3A_2593 : vector<16xi1>, vector<16xi32>
      %add3A_2595 = arith.addi %add3A_2586, %select_n3A_2594 : vector<16xi32>
      %gt3A_2596 = arith.constant 0.299152166 : f32
      %gt3A_2597 = vector.broadcast %gt3A_2596 : f32 to vector<16xf32>
      %gt3A_2598 = arith.cmpf ogt, %div3A, %gt3A_2597 : vector<16xf32>
      %and3A_2599 = arith.andi %lt3A_2537, %gt3A_2598 : vector<16xi1>
      %jit3A_2600 = arith.constant 1 : i32
      %jit3A_2601 = arith.constant 0 : i32
      %broadcast_in_dim3A_2602 = vector.broadcast %jit3A_2600 : i32 to vector<16xi32>
      %broadcast_in_dim3A_2603 = vector.broadcast %jit3A_2601 : i32 to vector<16xi32>
      %select_n3A_2604 = arith.select %and3A_2599, %broadcast_in_dim3A_2602, %broadcast_in_dim3A_2603 : vector<16xi1>, vector<16xi32>
      %add3A_2605 = arith.addi %add3A_2595, %select_n3A_2604 : vector<16xi32>
      %gt3A_2606 = arith.constant 0.622742831 : f32
      %gt3A_2607 = vector.broadcast %gt3A_2606 : f32 to vector<16xf32>
      %gt3A_2608 = arith.cmpf ogt, %div3A, %gt3A_2607 : vector<16xf32>
      %and3A_2609 = arith.andi %lt3A_2537, %gt3A_2608 : vector<16xi1>
      %jit3A_2610 = arith.constant 1 : i32
      %jit3A_2611 = arith.constant 0 : i32
      %broadcast_in_dim3A_2612 = vector.broadcast %jit3A_2610 : i32 to vector<16xi32>
      %broadcast_in_dim3A_2613 = vector.broadcast %jit3A_2611 : i32 to vector<16xi32>
      %select_n3A_2614 = arith.select %and3A_2609, %broadcast_in_dim3A_2612, %broadcast_in_dim3A_2613 : vector<16xi1>, vector<16xi32>
      %add3A_2615 = arith.addi %add3A_2605, %select_n3A_2614 : vector<16xi32>
      %gt3A_2616 = arith.constant 0.894570171 : f32
      %gt3A_2617 = vector.broadcast %gt3A_2616 : f32 to vector<16xf32>
      %gt3A_2618 = arith.cmpf ogt, %div3A, %gt3A_2617 : vector<16xf32>
      %and3A_2619 = arith.andi %lt3A_2537, %gt3A_2618 : vector<16xi1>
      %jit3A_2620 = arith.constant 1 : i32
      %jit3A_2621 = arith.constant 0 : i32
      %broadcast_in_dim3A_2622 = vector.broadcast %jit3A_2620 : i32 to vector<16xi32>
      %broadcast_in_dim3A_2623 = vector.broadcast %jit3A_2621 : i32 to vector<16xi32>
      %select_n3A_2624 = arith.select %and3A_2619, %broadcast_in_dim3A_2622, %broadcast_in_dim3A_2623 : vector<16xi1>, vector<16xi32>
      %add3A_2625 = arith.addi %add3A_2615, %select_n3A_2624 : vector<16xi32>
      %mul3A_2626 = arith.mulf %add3A_2486, %add3A_2486 : vector<16xf32>
      %div3A_2627 = arith.divf %mul3A_2626, %mul3A_2497 : vector<16xf32>
      %lt3A_2628 = arith.constant 0.000000e+00 : f32
      %lt3A_2629 = vector.broadcast %lt3A_2628 : f32 to vector<16xf32>
      %lt3A_2630 = arith.cmpf olt, %add3A_2486, %lt3A_2629 : vector<16xf32>
      %broadcast_in_dim3A_2631 = arith.constant 10 : i32
      %broadcast_in_dim3A_2632 = vector.broadcast %broadcast_in_dim3A_2631 : i32 to vector<16xi32>
      %lt3A_2633 = arith.constant 0.972908675 : f32
      %lt3A_2634 = vector.broadcast %lt3A_2633 : f32 to vector<16xf32>
      %lt3A_2635 = arith.cmpf olt, %div3A_2627, %lt3A_2634 : vector<16xf32>
      %or3A_2636 = arith.ori %lt3A_2630, %lt3A_2635 : vector<16xi1>
      %jit3A_2637 = arith.constant 1 : i32
      %jit3A_2638 = arith.constant 0 : i32
      %broadcast_in_dim3A_2639 = vector.broadcast %jit3A_2637 : i32 to vector<16xi32>
      %broadcast_in_dim3A_2640 = vector.broadcast %jit3A_2638 : i32 to vector<16xi32>
      %select_n3A_2641 = arith.select %or3A_2636, %broadcast_in_dim3A_2639, %broadcast_in_dim3A_2640 : vector<16xi1>, vector<16xi32>
      %add3A_2642 = arith.addi %broadcast_in_dim3A_2632, %select_n3A_2641 : vector<16xi32>
      %lt3A_2643 = arith.constant 0.773474156 : f32
      %lt3A_2644 = vector.broadcast %lt3A_2643 : f32 to vector<16xf32>
      %lt3A_2645 = arith.cmpf olt, %div3A_2627, %lt3A_2644 : vector<16xf32>
      %or3A_2646 = arith.ori %lt3A_2630, %lt3A_2645 : vector<16xi1>
      %jit3A_2647 = arith.constant 1 : i32
      %jit3A_2648 = arith.constant 0 : i32
      %broadcast_in_dim3A_2649 = vector.broadcast %jit3A_2647 : i32 to vector<16xi32>
      %broadcast_in_dim3A_2650 = vector.broadcast %jit3A_2648 : i32 to vector<16xi32>
      %select_n3A_2651 = arith.select %or3A_2646, %broadcast_in_dim3A_2649, %broadcast_in_dim3A_2650 : vector<16xi1>, vector<16xi32>
      %add3A_2652 = arith.addi %add3A_2642, %select_n3A_2651 : vector<16xi32>
      %lt3A_2653 = arith.constant 0.458710462 : f32
      %lt3A_2654 = vector.broadcast %lt3A_2653 : f32 to vector<16xf32>
      %lt3A_2655 = arith.cmpf olt, %div3A_2627, %lt3A_2654 : vector<16xf32>
      %or3A_2656 = arith.ori %lt3A_2630, %lt3A_2655 : vector<16xi1>
      %jit3A_2657 = arith.constant 1 : i32
      %jit3A_2658 = arith.constant 0 : i32
      %broadcast_in_dim3A_2659 = vector.broadcast %jit3A_2657 : i32 to vector<16xi32>
      %broadcast_in_dim3A_2660 = vector.broadcast %jit3A_2658 : i32 to vector<16xi32>
      %select_n3A_2661 = arith.select %or3A_2656, %broadcast_in_dim3A_2659, %broadcast_in_dim3A_2660 : vector<16xi1>, vector<16xi32>
      %add3A_2662 = arith.addi %add3A_2652, %select_n3A_2661 : vector<16xi32>
      %lt3A_2663 = arith.constant 0.161359131 : f32
      %lt3A_2664 = vector.broadcast %lt3A_2663 : f32 to vector<16xf32>
      %lt3A_2665 = arith.cmpf olt, %div3A_2627, %lt3A_2664 : vector<16xf32>
      %or3A_2666 = arith.ori %lt3A_2630, %lt3A_2665 : vector<16xi1>
      %jit3A_2667 = arith.constant 1 : i32
      %jit3A_2668 = arith.constant 0 : i32
      %broadcast_in_dim3A_2669 = vector.broadcast %jit3A_2667 : i32 to vector<16xi32>
      %broadcast_in_dim3A_2670 = vector.broadcast %jit3A_2668 : i32 to vector<16xi32>
      %select_n3A_2671 = arith.select %or3A_2666, %broadcast_in_dim3A_2669, %broadcast_in_dim3A_2670 : vector<16xi1>, vector<16xi32>
      %add3A_2672 = arith.addi %add3A_2662, %select_n3A_2671 : vector<16xi32>
      %lt3A_2673 = arith.constant 6.819370e-03 : f32
      %lt3A_2674 = vector.broadcast %lt3A_2673 : f32 to vector<16xf32>
      %lt3A_2675 = arith.cmpf olt, %div3A_2627, %lt3A_2674 : vector<16xf32>
      %or3A_2676 = arith.ori %lt3A_2630, %lt3A_2675 : vector<16xi1>
      %jit3A_2677 = arith.constant 1 : i32
      %jit3A_2678 = arith.constant 0 : i32
      %broadcast_in_dim3A_2679 = vector.broadcast %jit3A_2677 : i32 to vector<16xi32>
      %broadcast_in_dim3A_2680 = vector.broadcast %jit3A_2678 : i32 to vector<16xi32>
      %select_n3A_2681 = arith.select %or3A_2676, %broadcast_in_dim3A_2679, %broadcast_in_dim3A_2680 : vector<16xi1>, vector<16xi32>
      %add3A_2682 = arith.addi %add3A_2672, %select_n3A_2681 : vector<16xi32>
      %gt3A_2683 = arith.constant 0.0602629445 : f32
      %gt3A_2684 = vector.broadcast %gt3A_2683 : f32 to vector<16xf32>
      %gt3A_2685 = arith.cmpf ogt, %div3A_2627, %gt3A_2684 : vector<16xf32>
      %and3A_2686 = arith.andi %lt3A_2630, %gt3A_2685 : vector<16xi1>
      %jit3A_2687 = arith.constant 1 : i32
      %jit3A_2688 = arith.constant 0 : i32
      %broadcast_in_dim3A_2689 = vector.broadcast %jit3A_2687 : i32 to vector<16xi32>
      %broadcast_in_dim3A_2690 = vector.broadcast %jit3A_2688 : i32 to vector<16xi32>
      %select_n3A_2691 = arith.select %and3A_2686, %broadcast_in_dim3A_2689, %broadcast_in_dim3A_2690 : vector<16xi1>, vector<16xi32>
      %add3A_2692 = arith.addi %add3A_2682, %select_n3A_2691 : vector<16xi32>
      %gt3A_2693 = arith.constant 0.299152166 : f32
      %gt3A_2694 = vector.broadcast %gt3A_2693 : f32 to vector<16xf32>
      %gt3A_2695 = arith.cmpf ogt, %div3A_2627, %gt3A_2694 : vector<16xf32>
      %and3A_2696 = arith.andi %lt3A_2630, %gt3A_2695 : vector<16xi1>
      %jit3A_2697 = arith.constant 1 : i32
      %jit3A_2698 = arith.constant 0 : i32
      %broadcast_in_dim3A_2699 = vector.broadcast %jit3A_2697 : i32 to vector<16xi32>
      %broadcast_in_dim3A_2700 = vector.broadcast %jit3A_2698 : i32 to vector<16xi32>
      %select_n3A_2701 = arith.select %and3A_2696, %broadcast_in_dim3A_2699, %broadcast_in_dim3A_2700 : vector<16xi1>, vector<16xi32>
      %add3A_2702 = arith.addi %add3A_2692, %select_n3A_2701 : vector<16xi32>
      %gt3A_2703 = arith.constant 0.622742831 : f32
      %gt3A_2704 = vector.broadcast %gt3A_2703 : f32 to vector<16xf32>
      %gt3A_2705 = arith.cmpf ogt, %div3A_2627, %gt3A_2704 : vector<16xf32>
      %and3A_2706 = arith.andi %lt3A_2630, %gt3A_2705 : vector<16xi1>
      %jit3A_2707 = arith.constant 1 : i32
      %jit3A_2708 = arith.constant 0 : i32
      %broadcast_in_dim3A_2709 = vector.broadcast %jit3A_2707 : i32 to vector<16xi32>
      %broadcast_in_dim3A_2710 = vector.broadcast %jit3A_2708 : i32 to vector<16xi32>
      %select_n3A_2711 = arith.select %and3A_2706, %broadcast_in_dim3A_2709, %broadcast_in_dim3A_2710 : vector<16xi1>, vector<16xi32>
      %add3A_2712 = arith.addi %add3A_2702, %select_n3A_2711 : vector<16xi32>
      %gt3A_2713 = arith.constant 0.894570171 : f32
      %gt3A_2714 = vector.broadcast %gt3A_2713 : f32 to vector<16xf32>
      %gt3A_2715 = arith.cmpf ogt, %div3A_2627, %gt3A_2714 : vector<16xf32>
      %and3A_2716 = arith.andi %lt3A_2630, %gt3A_2715 : vector<16xi1>
      %jit3A_2717 = arith.constant 1 : i32
      %jit3A_2718 = arith.constant 0 : i32
      %broadcast_in_dim3A_2719 = vector.broadcast %jit3A_2717 : i32 to vector<16xi32>
      %broadcast_in_dim3A_2720 = vector.broadcast %jit3A_2718 : i32 to vector<16xi32>
      %select_n3A_2721 = arith.select %and3A_2716, %broadcast_in_dim3A_2719, %broadcast_in_dim3A_2720 : vector<16xi1>, vector<16xi32>
      %add3A_2722 = arith.addi %add3A_2712, %select_n3A_2721 : vector<16xi32>
      %jit3A_2723 = arith.constant 10 : i32
      %broadcast_in_dim3A_2724 = vector.broadcast %jit3A_2723 : i32 to vector<16xi32>
      %select_n3A_2725 = arith.select %and3A, %add3A_2722, %broadcast_in_dim3A_2724 : vector<16xi1>, vector<16xi32>
      %mul3A_2726 = arith.mulf %add3A_2508, %add3A_2508 : vector<16xf32>
      %div3A_2727 = arith.divf %mul3A_2726, %mul3A_2519 : vector<16xf32>
      %lt3A_2728 = arith.constant 0.000000e+00 : f32
      %lt3A_2729 = vector.broadcast %lt3A_2728 : f32 to vector<16xf32>
      %lt3A_2730 = arith.cmpf olt, %add3A_2508, %lt3A_2729 : vector<16xf32>
      %broadcast_in_dim3A_2731 = arith.constant 10 : i32
      %broadcast_in_dim3A_2732 = vector.broadcast %broadcast_in_dim3A_2731 : i32 to vector<16xi32>
      %lt3A_2733 = arith.constant 0.972908675 : f32
      %lt3A_2734 = vector.broadcast %lt3A_2733 : f32 to vector<16xf32>
      %lt3A_2735 = arith.cmpf olt, %div3A_2727, %lt3A_2734 : vector<16xf32>
      %or3A_2736 = arith.ori %lt3A_2730, %lt3A_2735 : vector<16xi1>
      %jit3A_2737 = arith.constant 1 : i32
      %jit3A_2738 = arith.constant 0 : i32
      %broadcast_in_dim3A_2739 = vector.broadcast %jit3A_2737 : i32 to vector<16xi32>
      %broadcast_in_dim3A_2740 = vector.broadcast %jit3A_2738 : i32 to vector<16xi32>
      %select_n3A_2741 = arith.select %or3A_2736, %broadcast_in_dim3A_2739, %broadcast_in_dim3A_2740 : vector<16xi1>, vector<16xi32>
      %add3A_2742 = arith.addi %broadcast_in_dim3A_2732, %select_n3A_2741 : vector<16xi32>
      %lt3A_2743 = arith.constant 0.773474156 : f32
      %lt3A_2744 = vector.broadcast %lt3A_2743 : f32 to vector<16xf32>
      %lt3A_2745 = arith.cmpf olt, %div3A_2727, %lt3A_2744 : vector<16xf32>
      %or3A_2746 = arith.ori %lt3A_2730, %lt3A_2745 : vector<16xi1>
      %jit3A_2747 = arith.constant 1 : i32
      %jit3A_2748 = arith.constant 0 : i32
      %broadcast_in_dim3A_2749 = vector.broadcast %jit3A_2747 : i32 to vector<16xi32>
      %broadcast_in_dim3A_2750 = vector.broadcast %jit3A_2748 : i32 to vector<16xi32>
      %select_n3A_2751 = arith.select %or3A_2746, %broadcast_in_dim3A_2749, %broadcast_in_dim3A_2750 : vector<16xi1>, vector<16xi32>
      %add3A_2752 = arith.addi %add3A_2742, %select_n3A_2751 : vector<16xi32>
      %lt3A_2753 = arith.constant 0.458710462 : f32
      %lt3A_2754 = vector.broadcast %lt3A_2753 : f32 to vector<16xf32>
      %lt3A_2755 = arith.cmpf olt, %div3A_2727, %lt3A_2754 : vector<16xf32>
      %or3A_2756 = arith.ori %lt3A_2730, %lt3A_2755 : vector<16xi1>
      %jit3A_2757 = arith.constant 1 : i32
      %jit3A_2758 = arith.constant 0 : i32
      %broadcast_in_dim3A_2759 = vector.broadcast %jit3A_2757 : i32 to vector<16xi32>
      %broadcast_in_dim3A_2760 = vector.broadcast %jit3A_2758 : i32 to vector<16xi32>
      %select_n3A_2761 = arith.select %or3A_2756, %broadcast_in_dim3A_2759, %broadcast_in_dim3A_2760 : vector<16xi1>, vector<16xi32>
      %add3A_2762 = arith.addi %add3A_2752, %select_n3A_2761 : vector<16xi32>
      %lt3A_2763 = arith.constant 0.161359131 : f32
      %lt3A_2764 = vector.broadcast %lt3A_2763 : f32 to vector<16xf32>
      %lt3A_2765 = arith.cmpf olt, %div3A_2727, %lt3A_2764 : vector<16xf32>
      %or3A_2766 = arith.ori %lt3A_2730, %lt3A_2765 : vector<16xi1>
      %jit3A_2767 = arith.constant 1 : i32
      %jit3A_2768 = arith.constant 0 : i32
      %broadcast_in_dim3A_2769 = vector.broadcast %jit3A_2767 : i32 to vector<16xi32>
      %broadcast_in_dim3A_2770 = vector.broadcast %jit3A_2768 : i32 to vector<16xi32>
      %select_n3A_2771 = arith.select %or3A_2766, %broadcast_in_dim3A_2769, %broadcast_in_dim3A_2770 : vector<16xi1>, vector<16xi32>
      %add3A_2772 = arith.addi %add3A_2762, %select_n3A_2771 : vector<16xi32>
      %lt3A_2773 = arith.constant 6.819370e-03 : f32
      %lt3A_2774 = vector.broadcast %lt3A_2773 : f32 to vector<16xf32>
      %lt3A_2775 = arith.cmpf olt, %div3A_2727, %lt3A_2774 : vector<16xf32>
      %or3A_2776 = arith.ori %lt3A_2730, %lt3A_2775 : vector<16xi1>
      %jit3A_2777 = arith.constant 1 : i32
      %jit3A_2778 = arith.constant 0 : i32
      %broadcast_in_dim3A_2779 = vector.broadcast %jit3A_2777 : i32 to vector<16xi32>
      %broadcast_in_dim3A_2780 = vector.broadcast %jit3A_2778 : i32 to vector<16xi32>
      %select_n3A_2781 = arith.select %or3A_2776, %broadcast_in_dim3A_2779, %broadcast_in_dim3A_2780 : vector<16xi1>, vector<16xi32>
      %add3A_2782 = arith.addi %add3A_2772, %select_n3A_2781 : vector<16xi32>
      %gt3A_2783 = arith.constant 0.0602629445 : f32
      %gt3A_2784 = vector.broadcast %gt3A_2783 : f32 to vector<16xf32>
      %gt3A_2785 = arith.cmpf ogt, %div3A_2727, %gt3A_2784 : vector<16xf32>
      %and3A_2786 = arith.andi %lt3A_2730, %gt3A_2785 : vector<16xi1>
      %jit3A_2787 = arith.constant 1 : i32
      %jit3A_2788 = arith.constant 0 : i32
      %broadcast_in_dim3A_2789 = vector.broadcast %jit3A_2787 : i32 to vector<16xi32>
      %broadcast_in_dim3A_2790 = vector.broadcast %jit3A_2788 : i32 to vector<16xi32>
      %select_n3A_2791 = arith.select %and3A_2786, %broadcast_in_dim3A_2789, %broadcast_in_dim3A_2790 : vector<16xi1>, vector<16xi32>
      %add3A_2792 = arith.addi %add3A_2782, %select_n3A_2791 : vector<16xi32>
      %gt3A_2793 = arith.constant 0.299152166 : f32
      %gt3A_2794 = vector.broadcast %gt3A_2793 : f32 to vector<16xf32>
      %gt3A_2795 = arith.cmpf ogt, %div3A_2727, %gt3A_2794 : vector<16xf32>
      %and3A_2796 = arith.andi %lt3A_2730, %gt3A_2795 : vector<16xi1>
      %jit3A_2797 = arith.constant 1 : i32
      %jit3A_2798 = arith.constant 0 : i32
      %broadcast_in_dim3A_2799 = vector.broadcast %jit3A_2797 : i32 to vector<16xi32>
      %broadcast_in_dim3A_2800 = vector.broadcast %jit3A_2798 : i32 to vector<16xi32>
      %select_n3A_2801 = arith.select %and3A_2796, %broadcast_in_dim3A_2799, %broadcast_in_dim3A_2800 : vector<16xi1>, vector<16xi32>
      %add3A_2802 = arith.addi %add3A_2792, %select_n3A_2801 : vector<16xi32>
      %gt3A_2803 = arith.constant 0.622742831 : f32
      %gt3A_2804 = vector.broadcast %gt3A_2803 : f32 to vector<16xf32>
      %gt3A_2805 = arith.cmpf ogt, %div3A_2727, %gt3A_2804 : vector<16xf32>
      %and3A_2806 = arith.andi %lt3A_2730, %gt3A_2805 : vector<16xi1>
      %jit3A_2807 = arith.constant 1 : i32
      %jit3A_2808 = arith.constant 0 : i32
      %broadcast_in_dim3A_2809 = vector.broadcast %jit3A_2807 : i32 to vector<16xi32>
      %broadcast_in_dim3A_2810 = vector.broadcast %jit3A_2808 : i32 to vector<16xi32>
      %select_n3A_2811 = arith.select %and3A_2806, %broadcast_in_dim3A_2809, %broadcast_in_dim3A_2810 : vector<16xi1>, vector<16xi32>
      %add3A_2812 = arith.addi %add3A_2802, %select_n3A_2811 : vector<16xi32>
      %gt3A_2813 = arith.constant 0.894570171 : f32
      %gt3A_2814 = vector.broadcast %gt3A_2813 : f32 to vector<16xf32>
      %gt3A_2815 = arith.cmpf ogt, %div3A_2727, %gt3A_2814 : vector<16xf32>
      %and3A_2816 = arith.andi %lt3A_2730, %gt3A_2815 : vector<16xi1>
      %jit3A_2817 = arith.constant 1 : i32
      %jit3A_2818 = arith.constant 0 : i32
      %broadcast_in_dim3A_2819 = vector.broadcast %jit3A_2817 : i32 to vector<16xi32>
      %broadcast_in_dim3A_2820 = vector.broadcast %jit3A_2818 : i32 to vector<16xi32>
      %select_n3A_2821 = arith.select %and3A_2816, %broadcast_in_dim3A_2819, %broadcast_in_dim3A_2820 : vector<16xi1>, vector<16xi32>
      %add3A_2822 = arith.addi %add3A_2812, %select_n3A_2821 : vector<16xi32>
      %jit3A_2823 = arith.constant 10 : i32
      %broadcast_in_dim3A_2824 = vector.broadcast %jit3A_2823 : i32 to vector<16xi32>
      %select_n3A_2825 = arith.select %and3A, %add3A_2822, %broadcast_in_dim3A_2824 : vector<16xi1>, vector<16xi32>
      %mul3A_2826 = arith.constant 1024 : i32
      %mul3A_2827 = vector.broadcast %mul3A_2826 : i32 to vector<16xi32>
      %mul3A_2828 = arith.muli %add3A_2625, %mul3A_2827 : vector<16xi32>
      %add3A_2829 = arith.addi %mul3A_2828, %add3A_2383 : vector<16xi32>
      %add3A_2830 = arith.constant 21 : i32
      %add3A_2831 = vector.broadcast %add3A_2830 : i32 to vector<16xi32>
      %add3A_2832 = arith.addi %select_n3A_2725, %add3A_2831 : vector<16xi32>
      %mul3A_2833 = arith.constant 1024 : i32
      %mul3A_2834 = vector.broadcast %mul3A_2833 : i32 to vector<16xi32>
      %mul3A_2835 = arith.muli %add3A_2832, %mul3A_2834 : vector<16xi32>
      %add3A_2836 = arith.addi %mul3A_2835, %add3A_2383 : vector<16xi32>
      %add3A_2837 = arith.constant 42 : i32
      %add3A_2838 = vector.broadcast %add3A_2837 : i32 to vector<16xi32>
      %add3A_2839 = arith.addi %select_n3A_2825, %add3A_2838 : vector<16xi32>
      %mul3A_2840 = arith.constant 1024 : i32
      %mul3A_2841 = vector.broadcast %mul3A_2840 : i32 to vector<16xi32>
      %mul3A_2842 = arith.muli %add3A_2839, %mul3A_2841 : vector<16xi32>
      %add3A_2843 = arith.addi %mul3A_2842, %add3A_2383 : vector<16xi32>
      tpu.vector_store_idx %arg7[%add3A_2829], %broadcast_in_dim3A_1 : memref<64512xf32, #tpu.memory_space<vmem>>[vector<16xi32>], vector<16xf32>,
      tpu.vector_store_idx %arg7[%add3A_2836], %broadcast_in_dim3A_1 : memref<64512xf32, #tpu.memory_space<vmem>>[vector<16xi32>], vector<16xf32>,
      tpu.vector_store_idx %arg7[%add3A_2843], %broadcast_in_dim3A_1 : memref<64512xf32, #tpu.memory_space<vmem>>[vector<16xi32>], vector<16xf32>,
      %mul3A_2844 = arith.constant 48 : i32
      %mul3A_2845 = arith.muli %scan3A_2379, %mul3A_2844 : i32
      %swap3A = arith.index_cast %mul3A_2845 : i32 to index
      %swap3A_2846 = tpu.vector_load %arg8[%swap3A] {strides = array<i32>} : memref<3072xi32, #tpu.memory_space<vmem>>, vector<16xi32>,
      tpu.vector_store %arg8[%swap3A], %add3A_2829 {strides = array<i32>} : memref<3072xi32, #tpu.memory_space<vmem>>, vector<16xi32>,
      %add3A_2847 = arith.constant 16 : i32
      %add3A_2848 = arith.addi %mul3A_2845, %add3A_2847 : i32
      %swap3A_2849 = arith.index_cast %add3A_2848 : i32 to index
      %swap3A_2850 = tpu.vector_load %arg8[%swap3A_2849] {strides = array<i32>} : memref<3072xi32, #tpu.memory_space<vmem>>, vector<16xi32>,
      tpu.vector_store %arg8[%swap3A_2849], %add3A_2836 {strides = array<i32>} : memref<3072xi32, #tpu.memory_space<vmem>>, vector<16xi32>,
      %add3A_2851 = arith.constant 32 : i32
      %add3A_2852 = arith.addi %mul3A_2845, %add3A_2851 : i32
      %swap3A_2853 = arith.index_cast %add3A_2852 : i32 to index
      %swap3A_2854 = tpu.vector_load %arg8[%swap3A_2853] {strides = array<i32>} : memref<3072xi32, #tpu.memory_space<vmem>>, vector<16xi32>,
      tpu.vector_store %arg8[%swap3A_2853], %add3A_2843 {strides = array<i32>} : memref<3072xi32, #tpu.memory_space<vmem>>, vector<16xi32>,
    }
    %scan3A_1364 = arith.constant 64 : i32
    %add3A_1365 = arith.constant 0 : i32
    %add3A_1366 = arith.addi %add3A_1365, %add3A_1298 : i32
    %mul3A_1367 = arith.constant 1024 : i32
    %mul3A_1368 = arith.muli %add3A_1366, %mul3A_1367 : i32
    %add3A_1369 = arith.constant 64 : i32
    %add3A_1370 = arith.addi %add3A_1369, %add3A_1298 : i32
    %mul3A_1371 = arith.constant 1024 : i32
    %mul3A_1372 = arith.muli %add3A_1370, %mul3A_1371 : i32
    %add3A_1373 = arith.constant 128 : i32
    %add3A_1374 = arith.addi %add3A_1373, %add3A_1298 : i32
    %mul3A_1375 = arith.constant 1024 : i32
    %mul3A_1376 = arith.muli %add3A_1374, %mul3A_1375 : i32
    %add3A_1377 = arith.constant 192 : i32
    %add3A_1378 = arith.addi %add3A_1377, %add3A_1298 : i32
    %mul3A_1379 = arith.constant 1024 : i32
    %mul3A_1380 = arith.muli %add3A_1378, %mul3A_1379 : i32
    %add3A_1381 = arith.constant 256 : i32
    %add3A_1382 = arith.addi %add3A_1381, %add3A_1298 : i32
    %mul3A_1383 = arith.constant 1024 : i32
    %mul3A_1384 = arith.muli %add3A_1382, %mul3A_1383 : i32
    %add3A_1385 = arith.constant 320 : i32
    %add3A_1386 = arith.addi %add3A_1385, %add3A_1298 : i32
    %mul3A_1387 = arith.constant 1024 : i32
    %mul3A_1388 = arith.muli %add3A_1386, %mul3A_1387 : i32
    %add3A_1389 = arith.constant 384 : i32
    %add3A_1390 = arith.addi %add3A_1389, %add3A_1298 : i32
    %mul3A_1391 = arith.constant 1024 : i32
    %mul3A_1392 = arith.muli %add3A_1390, %mul3A_1391 : i32
    %add3A_1393 = arith.constant 448 : i32
    %add3A_1394 = arith.addi %add3A_1393, %add3A_1298 : i32
    %mul3A_1395 = arith.constant 1024 : i32
    %mul3A_1396 = arith.muli %add3A_1394, %mul3A_1395 : i32
    %add3A_1397 = arith.constant 512 : i32
    %add3A_1398 = arith.addi %add3A_1397, %add3A_1298 : i32
    %mul3A_1399 = arith.constant 1024 : i32
    %mul3A_1400 = arith.muli %add3A_1398, %mul3A_1399 : i32
    %add3A_1401 = arith.constant 576 : i32
    %add3A_1402 = arith.addi %add3A_1401, %add3A_1298 : i32
    %mul3A_1403 = arith.constant 1024 : i32
    %mul3A_1404 = arith.muli %add3A_1402, %mul3A_1403 : i32
    %add3A_1405 = arith.constant 640 : i32
    %add3A_1406 = arith.addi %add3A_1405, %add3A_1298 : i32
    %mul3A_1407 = arith.constant 1024 : i32
    %mul3A_1408 = arith.muli %add3A_1406, %mul3A_1407 : i32
    %add3A_1409 = arith.constant 704 : i32
    %add3A_1410 = arith.addi %add3A_1409, %add3A_1298 : i32
    %mul3A_1411 = arith.constant 1024 : i32
    %mul3A_1412 = arith.muli %add3A_1410, %mul3A_1411 : i32
    %add3A_1413 = arith.constant 768 : i32
    %add3A_1414 = arith.addi %add3A_1413, %add3A_1298 : i32
    %mul3A_1415 = arith.constant 1024 : i32
    %mul3A_1416 = arith.muli %add3A_1414, %mul3A_1415 : i32
    %add3A_1417 = arith.constant 832 : i32
    %add3A_1418 = arith.addi %add3A_1417, %add3A_1298 : i32
    %mul3A_1419 = arith.constant 1024 : i32
    %mul3A_1420 = arith.muli %add3A_1418, %mul3A_1419 : i32
    %add3A_1421 = arith.constant 896 : i32
    %add3A_1422 = arith.addi %add3A_1421, %add3A_1298 : i32
    %mul3A_1423 = arith.constant 1024 : i32
    %mul3A_1424 = arith.muli %add3A_1422, %mul3A_1423 : i32
    %add3A_1425 = arith.constant 960 : i32
    %add3A_1426 = arith.addi %add3A_1425, %add3A_1298 : i32
    %mul3A_1427 = arith.constant 1024 : i32
    %mul3A_1428 = arith.muli %add3A_1426, %mul3A_1427 : i32
    %add3A_1429 = arith.constant 1024 : i32
    %add3A_1430 = arith.addi %add3A_1429, %add3A_1298 : i32
    %mul3A_1431 = arith.constant 1024 : i32
    %mul3A_1432 = arith.muli %add3A_1430, %mul3A_1431 : i32
    %add3A_1433 = arith.constant 1088 : i32
    %add3A_1434 = arith.addi %add3A_1433, %add3A_1298 : i32
    %mul3A_1435 = arith.constant 1024 : i32
    %mul3A_1436 = arith.muli %add3A_1434, %mul3A_1435 : i32
    %add3A_1437 = arith.constant 1152 : i32
    %add3A_1438 = arith.addi %add3A_1437, %add3A_1298 : i32
    %mul3A_1439 = arith.constant 1024 : i32
    %mul3A_1440 = arith.muli %add3A_1438, %mul3A_1439 : i32
    %add3A_1441 = arith.constant 1216 : i32
    %add3A_1442 = arith.addi %add3A_1441, %add3A_1298 : i32
    %mul3A_1443 = arith.constant 1024 : i32
    %mul3A_1444 = arith.muli %add3A_1442, %mul3A_1443 : i32
    %add3A_1445 = arith.constant 1280 : i32
    %add3A_1446 = arith.addi %add3A_1445, %add3A_1298 : i32
    %mul3A_1447 = arith.constant 1024 : i32
    %mul3A_1448 = arith.muli %add3A_1446, %mul3A_1447 : i32
    %add3A_1449 = arith.constant 1344 : i32
    %add3A_1450 = arith.addi %add3A_1449, %add3A_1298 : i32
    %mul3A_1451 = arith.constant 1024 : i32
    %mul3A_1452 = arith.muli %add3A_1450, %mul3A_1451 : i32
    %add3A_1453 = arith.constant 1408 : i32
    %add3A_1454 = arith.addi %add3A_1453, %add3A_1298 : i32
    %mul3A_1455 = arith.constant 1024 : i32
    %mul3A_1456 = arith.muli %add3A_1454, %mul3A_1455 : i32
    %add3A_1457 = arith.constant 1472 : i32
    %add3A_1458 = arith.addi %add3A_1457, %add3A_1298 : i32
    %mul3A_1459 = arith.constant 1024 : i32
    %mul3A_1460 = arith.muli %add3A_1458, %mul3A_1459 : i32
    %add3A_1461 = arith.constant 1536 : i32
    %add3A_1462 = arith.addi %add3A_1461, %add3A_1298 : i32
    %mul3A_1463 = arith.constant 1024 : i32
    %mul3A_1464 = arith.muli %add3A_1462, %mul3A_1463 : i32
    %add3A_1465 = arith.constant 1600 : i32
    %add3A_1466 = arith.addi %add3A_1465, %add3A_1298 : i32
    %mul3A_1467 = arith.constant 1024 : i32
    %mul3A_1468 = arith.muli %add3A_1466, %mul3A_1467 : i32
    %add3A_1469 = arith.constant 1664 : i32
    %add3A_1470 = arith.addi %add3A_1469, %add3A_1298 : i32
    %mul3A_1471 = arith.constant 1024 : i32
    %mul3A_1472 = arith.muli %add3A_1470, %mul3A_1471 : i32
    %add3A_1473 = arith.constant 1728 : i32
    %add3A_1474 = arith.addi %add3A_1473, %add3A_1298 : i32
    %mul3A_1475 = arith.constant 1024 : i32
    %mul3A_1476 = arith.muli %add3A_1474, %mul3A_1475 : i32
    %add3A_1477 = arith.constant 1792 : i32
    %add3A_1478 = arith.addi %add3A_1477, %add3A_1298 : i32
    %mul3A_1479 = arith.constant 1024 : i32
    %mul3A_1480 = arith.muli %add3A_1478, %mul3A_1479 : i32
    %add3A_1481 = arith.constant 1856 : i32
    %add3A_1482 = arith.addi %add3A_1481, %add3A_1298 : i32
    %mul3A_1483 = arith.constant 1024 : i32
    %mul3A_1484 = arith.muli %add3A_1482, %mul3A_1483 : i32
    %add3A_1485 = arith.constant 1920 : i32
    %add3A_1486 = arith.addi %add3A_1485, %add3A_1298 : i32
    %mul3A_1487 = arith.constant 1024 : i32
    %mul3A_1488 = arith.muli %add3A_1486, %mul3A_1487 : i32
    %add3A_1489 = arith.constant 1984 : i32
    %add3A_1490 = arith.addi %add3A_1489, %add3A_1298 : i32
    %mul3A_1491 = arith.constant 1024 : i32
    %mul3A_1492 = arith.muli %add3A_1490, %mul3A_1491 : i32
    %add3A_1493 = arith.constant 2048 : i32
    %add3A_1494 = arith.addi %add3A_1493, %add3A_1298 : i32
    %mul3A_1495 = arith.constant 1024 : i32
    %mul3A_1496 = arith.muli %add3A_1494, %mul3A_1495 : i32
    %add3A_1497 = arith.constant 2112 : i32
    %add3A_1498 = arith.addi %add3A_1497, %add3A_1298 : i32
    %mul3A_1499 = arith.constant 1024 : i32
    %mul3A_1500 = arith.muli %add3A_1498, %mul3A_1499 : i32
    %add3A_1501 = arith.constant 2176 : i32
    %add3A_1502 = arith.addi %add3A_1501, %add3A_1298 : i32
    %mul3A_1503 = arith.constant 1024 : i32
    %mul3A_1504 = arith.muli %add3A_1502, %mul3A_1503 : i32
    %add3A_1505 = arith.constant 2240 : i32
    %add3A_1506 = arith.addi %add3A_1505, %add3A_1298 : i32
    %mul3A_1507 = arith.constant 1024 : i32
    %mul3A_1508 = arith.muli %add3A_1506, %mul3A_1507 : i32
    %add3A_1509 = arith.constant 2304 : i32
    %add3A_1510 = arith.addi %add3A_1509, %add3A_1298 : i32
    %mul3A_1511 = arith.constant 1024 : i32
    %mul3A_1512 = arith.muli %add3A_1510, %mul3A_1511 : i32
    %add3A_1513 = arith.constant 2368 : i32
    %add3A_1514 = arith.addi %add3A_1513, %add3A_1298 : i32
    %mul3A_1515 = arith.constant 1024 : i32
    %mul3A_1516 = arith.muli %add3A_1514, %mul3A_1515 : i32
    %add3A_1517 = arith.constant 2432 : i32
    %add3A_1518 = arith.addi %add3A_1517, %add3A_1298 : i32
    %mul3A_1519 = arith.constant 1024 : i32
    %mul3A_1520 = arith.muli %add3A_1518, %mul3A_1519 : i32
    %add3A_1521 = arith.constant 2496 : i32
    %add3A_1522 = arith.addi %add3A_1521, %add3A_1298 : i32
    %mul3A_1523 = arith.constant 1024 : i32
    %mul3A_1524 = arith.muli %add3A_1522, %mul3A_1523 : i32
    %add3A_1525 = arith.constant 2560 : i32
    %add3A_1526 = arith.addi %add3A_1525, %add3A_1298 : i32
    %mul3A_1527 = arith.constant 1024 : i32
    %mul3A_1528 = arith.muli %add3A_1526, %mul3A_1527 : i32
    %add3A_1529 = arith.constant 2624 : i32
    %add3A_1530 = arith.addi %add3A_1529, %add3A_1298 : i32
    %mul3A_1531 = arith.constant 1024 : i32
    %mul3A_1532 = arith.muli %add3A_1530, %mul3A_1531 : i32
    %add3A_1533 = arith.constant 2688 : i32
    %add3A_1534 = arith.addi %add3A_1533, %add3A_1298 : i32
    %mul3A_1535 = arith.constant 1024 : i32
    %mul3A_1536 = arith.muli %add3A_1534, %mul3A_1535 : i32
    %add3A_1537 = arith.constant 2752 : i32
    %add3A_1538 = arith.addi %add3A_1537, %add3A_1298 : i32
    %mul3A_1539 = arith.constant 1024 : i32
    %mul3A_1540 = arith.muli %add3A_1538, %mul3A_1539 : i32
    %add3A_1541 = arith.constant 2816 : i32
    %add3A_1542 = arith.addi %add3A_1541, %add3A_1298 : i32
    %mul3A_1543 = arith.constant 1024 : i32
    %mul3A_1544 = arith.muli %add3A_1542, %mul3A_1543 : i32
    %add3A_1545 = arith.constant 2880 : i32
    %add3A_1546 = arith.addi %add3A_1545, %add3A_1298 : i32
    %mul3A_1547 = arith.constant 1024 : i32
    %mul3A_1548 = arith.muli %add3A_1546, %mul3A_1547 : i32
    %add3A_1549 = arith.constant 2944 : i32
    %add3A_1550 = arith.addi %add3A_1549, %add3A_1298 : i32
    %mul3A_1551 = arith.constant 1024 : i32
    %mul3A_1552 = arith.muli %add3A_1550, %mul3A_1551 : i32
    %add3A_1553 = arith.constant 3008 : i32
    %add3A_1554 = arith.addi %add3A_1553, %add3A_1298 : i32
    %mul3A_1555 = arith.constant 1024 : i32
    %mul3A_1556 = arith.muli %add3A_1554, %mul3A_1555 : i32
    %add3A_1557 = arith.constant 3072 : i32
    %add3A_1558 = arith.addi %add3A_1557, %add3A_1298 : i32
    %mul3A_1559 = arith.constant 1024 : i32
    %mul3A_1560 = arith.muli %add3A_1558, %mul3A_1559 : i32
    %add3A_1561 = arith.constant 3136 : i32
    %add3A_1562 = arith.addi %add3A_1561, %add3A_1298 : i32
    %mul3A_1563 = arith.constant 1024 : i32
    %mul3A_1564 = arith.muli %add3A_1562, %mul3A_1563 : i32
    %add3A_1565 = arith.constant 3200 : i32
    %add3A_1566 = arith.addi %add3A_1565, %add3A_1298 : i32
    %mul3A_1567 = arith.constant 1024 : i32
    %mul3A_1568 = arith.muli %add3A_1566, %mul3A_1567 : i32
    %add3A_1569 = arith.constant 3264 : i32
    %add3A_1570 = arith.addi %add3A_1569, %add3A_1298 : i32
    %mul3A_1571 = arith.constant 1024 : i32
    %mul3A_1572 = arith.muli %add3A_1570, %mul3A_1571 : i32
    %add3A_1573 = arith.constant 3328 : i32
    %add3A_1574 = arith.addi %add3A_1573, %add3A_1298 : i32
    %mul3A_1575 = arith.constant 1024 : i32
    %mul3A_1576 = arith.muli %add3A_1574, %mul3A_1575 : i32
    %add3A_1577 = arith.constant 3392 : i32
    %add3A_1578 = arith.addi %add3A_1577, %add3A_1298 : i32
    %mul3A_1579 = arith.constant 1024 : i32
    %mul3A_1580 = arith.muli %add3A_1578, %mul3A_1579 : i32
    %add3A_1581 = arith.constant 3456 : i32
    %add3A_1582 = arith.addi %add3A_1581, %add3A_1298 : i32
    %mul3A_1583 = arith.constant 1024 : i32
    %mul3A_1584 = arith.muli %add3A_1582, %mul3A_1583 : i32
    %add3A_1585 = arith.constant 3520 : i32
    %add3A_1586 = arith.addi %add3A_1585, %add3A_1298 : i32
    %mul3A_1587 = arith.constant 1024 : i32
    %mul3A_1588 = arith.muli %add3A_1586, %mul3A_1587 : i32
    %add3A_1589 = arith.constant 3584 : i32
    %add3A_1590 = arith.addi %add3A_1589, %add3A_1298 : i32
    %mul3A_1591 = arith.constant 1024 : i32
    %mul3A_1592 = arith.muli %add3A_1590, %mul3A_1591 : i32
    %add3A_1593 = arith.constant 3648 : i32
    %add3A_1594 = arith.addi %add3A_1593, %add3A_1298 : i32
    %mul3A_1595 = arith.constant 1024 : i32
    %mul3A_1596 = arith.muli %add3A_1594, %mul3A_1595 : i32
    %add3A_1597 = arith.constant 3712 : i32
    %add3A_1598 = arith.addi %add3A_1597, %add3A_1298 : i32
    %mul3A_1599 = arith.constant 1024 : i32
    %mul3A_1600 = arith.muli %add3A_1598, %mul3A_1599 : i32
    %add3A_1601 = arith.constant 3776 : i32
    %add3A_1602 = arith.addi %add3A_1601, %add3A_1298 : i32
    %mul3A_1603 = arith.constant 1024 : i32
    %mul3A_1604 = arith.muli %add3A_1602, %mul3A_1603 : i32
    %add3A_1605 = arith.constant 3840 : i32
    %add3A_1606 = arith.addi %add3A_1605, %add3A_1298 : i32
    %mul3A_1607 = arith.constant 1024 : i32
    %mul3A_1608 = arith.muli %add3A_1606, %mul3A_1607 : i32
    %add3A_1609 = arith.constant 3904 : i32
    %add3A_1610 = arith.addi %add3A_1609, %add3A_1298 : i32
    %mul3A_1611 = arith.constant 1024 : i32
    %mul3A_1612 = arith.muli %add3A_1610, %mul3A_1611 : i32
    %add3A_1613 = arith.constant 3968 : i32
    %add3A_1614 = arith.addi %add3A_1613, %add3A_1298 : i32
    %mul3A_1615 = arith.constant 1024 : i32
    %mul3A_1616 = arith.muli %add3A_1614, %mul3A_1615 : i32
    %dma_start3A_1617 = arith.constant 0 : i32
    %dma_start3A_1618 = tpu.memref_slice %arg7[%dma_start3A_1617] : memref<64512xf32, #tpu.memory_space<vmem>> -> memref<1024xf32, #tpu.memory_space<vmem>>
    %dma_start3A_1619 = tpu.memref_slice %arg4[%mul3A_1368] : memref<4128768xf32, #tpu.memory_space<hbm>> -> memref<1024xf32, #tpu.memory_space<hbm>>
    %dma_start3A_1620 = tpu.memref_slice %arg4[%mul3A_1368] : memref<4128768xf32, #tpu.memory_space<hbm>> -> memref<1024xf32, #tpu.memory_space<hbm>>
    %dma_start3A_1621 = arith.constant 0 : i32
    %dma_start3A_1622 = tpu.memref_slice %arg7[%dma_start3A_1621] : memref<64512xf32, #tpu.memory_space<vmem>> -> memref<1024xf32, #tpu.memory_space<vmem>>
    tpu.enqueue_dma source(%dma_start3A_1622 : memref<1024xf32, #tpu.memory_space<vmem>>) target(%dma_start3A_1620 : memref<1024xf32, #tpu.memory_space<hbm>>) target_semaphore(%arg9 : memref<!tpu.dma_semaphore, #tpu.memory_space<semaphore_mem>>)
    %dma_start3A_1623 = arith.constant 1024 : i32
    %dma_start3A_1624 = tpu.memref_slice %arg7[%dma_start3A_1623] : memref<64512xf32, #tpu.memory_space<vmem>> -> memref<1024xf32, #tpu.memory_space<vmem>>
    %dma_start3A_1625 = tpu.memref_slice %arg4[%mul3A_1372] : memref<4128768xf32, #tpu.memory_space<hbm>> -> memref<1024xf32, #tpu.memory_space<hbm>>
    %dma_start3A_1626 = tpu.memref_slice %arg4[%mul3A_1372] : memref<4128768xf32, #tpu.memory_space<hbm>> -> memref<1024xf32, #tpu.memory_space<hbm>>
    %dma_start3A_1627 = arith.constant 1024 : i32
    %dma_start3A_1628 = tpu.memref_slice %arg7[%dma_start3A_1627] : memref<64512xf32, #tpu.memory_space<vmem>> -> memref<1024xf32, #tpu.memory_space<vmem>>
    tpu.enqueue_dma source(%dma_start3A_1628 : memref<1024xf32, #tpu.memory_space<vmem>>) target(%dma_start3A_1626 : memref<1024xf32, #tpu.memory_space<hbm>>) target_semaphore(%arg9 : memref<!tpu.dma_semaphore, #tpu.memory_space<semaphore_mem>>)
    %dma_start3A_1629 = arith.constant 2048 : i32
    %dma_start3A_1630 = tpu.memref_slice %arg7[%dma_start3A_1629] : memref<64512xf32, #tpu.memory_space<vmem>> -> memref<1024xf32, #tpu.memory_space<vmem>>
    %dma_start3A_1631 = tpu.memref_slice %arg4[%mul3A_1376] : memref<4128768xf32, #tpu.memory_space<hbm>> -> memref<1024xf32, #tpu.memory_space<hbm>>
    %dma_start3A_1632 = tpu.memref_slice %arg4[%mul3A_1376] : memref<4128768xf32, #tpu.memory_space<hbm>> -> memref<1024xf32, #tpu.memory_space<hbm>>
    %dma_start3A_1633 = arith.constant 2048 : i32
    %dma_start3A_1634 = tpu.memref_slice %arg7[%dma_start3A_1633] : memref<64512xf32, #tpu.memory_space<vmem>> -> memref<1024xf32, #tpu.memory_space<vmem>>
    tpu.enqueue_dma source(%dma_start3A_1634 : memref<1024xf32, #tpu.memory_space<vmem>>) target(%dma_start3A_1632 : memref<1024xf32, #tpu.memory_space<hbm>>) target_semaphore(%arg9 : memref<!tpu.dma_semaphore, #tpu.memory_space<semaphore_mem>>)
    %dma_start3A_1635 = arith.constant 3072 : i32
    %dma_start3A_1636 = tpu.memref_slice %arg7[%dma_start3A_1635] : memref<64512xf32, #tpu.memory_space<vmem>> -> memref<1024xf32, #tpu.memory_space<vmem>>
    %dma_start3A_1637 = tpu.memref_slice %arg4[%mul3A_1380] : memref<4128768xf32, #tpu.memory_space<hbm>> -> memref<1024xf32, #tpu.memory_space<hbm>>
    %dma_start3A_1638 = tpu.memref_slice %arg4[%mul3A_1380] : memref<4128768xf32, #tpu.memory_space<hbm>> -> memref<1024xf32, #tpu.memory_space<hbm>>
    %dma_start3A_1639 = arith.constant 3072 : i32
    %dma_start3A_1640 = tpu.memref_slice %arg7[%dma_start3A_1639] : memref<64512xf32, #tpu.memory_space<vmem>> -> memref<1024xf32, #tpu.memory_space<vmem>>
    tpu.enqueue_dma source(%dma_start3A_1640 : memref<1024xf32, #tpu.memory_space<vmem>>) target(%dma_start3A_1638 : memref<1024xf32, #tpu.memory_space<hbm>>) target_semaphore(%arg9 : memref<!tpu.dma_semaphore, #tpu.memory_space<semaphore_mem>>)
    %dma_start3A_1641 = arith.constant 4096 : i32
    %dma_start3A_1642 = tpu.memref_slice %arg7[%dma_start3A_1641] : memref<64512xf32, #tpu.memory_space<vmem>> -> memref<1024xf32, #tpu.memory_space<vmem>>
    %dma_start3A_1643 = tpu.memref_slice %arg4[%mul3A_1384] : memref<4128768xf32, #tpu.memory_space<hbm>> -> memref<1024xf32, #tpu.memory_space<hbm>>
    %dma_start3A_1644 = tpu.memref_slice %arg4[%mul3A_1384] : memref<4128768xf32, #tpu.memory_space<hbm>> -> memref<1024xf32, #tpu.memory_space<hbm>>
    %dma_start3A_1645 = arith.constant 4096 : i32
    %dma_start3A_1646 = tpu.memref_slice %arg7[%dma_start3A_1645] : memref<64512xf32, #tpu.memory_space<vmem>> -> memref<1024xf32, #tpu.memory_space<vmem>>
    tpu.enqueue_dma source(%dma_start3A_1646 : memref<1024xf32, #tpu.memory_space<vmem>>) target(%dma_start3A_1644 : memref<1024xf32, #tpu.memory_space<hbm>>) target_semaphore(%arg9 : memref<!tpu.dma_semaphore, #tpu.memory_space<semaphore_mem>>)
    %dma_start3A_1647 = arith.constant 5120 : i32
    %dma_start3A_1648 = tpu.memref_slice %arg7[%dma_start3A_1647] : memref<64512xf32, #tpu.memory_space<vmem>> -> memref<1024xf32, #tpu.memory_space<vmem>>
    %dma_start3A_1649 = tpu.memref_slice %arg4[%mul3A_1388] : memref<4128768xf32, #tpu.memory_space<hbm>> -> memref<1024xf32, #tpu.memory_space<hbm>>
    %dma_start3A_1650 = tpu.memref_slice %arg4[%mul3A_1388] : memref<4128768xf32, #tpu.memory_space<hbm>> -> memref<1024xf32, #tpu.memory_space<hbm>>
    %dma_start3A_1651 = arith.constant 5120 : i32
    %dma_start3A_1652 = tpu.memref_slice %arg7[%dma_start3A_1651] : memref<64512xf32, #tpu.memory_space<vmem>> -> memref<1024xf32, #tpu.memory_space<vmem>>
    tpu.enqueue_dma source(%dma_start3A_1652 : memref<1024xf32, #tpu.memory_space<vmem>>) target(%dma_start3A_1650 : memref<1024xf32, #tpu.memory_space<hbm>>) target_semaphore(%arg9 : memref<!tpu.dma_semaphore, #tpu.memory_space<semaphore_mem>>)
    %dma_start3A_1653 = arith.constant 6144 : i32
    %dma_start3A_1654 = tpu.memref_slice %arg7[%dma_start3A_1653] : memref<64512xf32, #tpu.memory_space<vmem>> -> memref<1024xf32, #tpu.memory_space<vmem>>
    %dma_start3A_1655 = tpu.memref_slice %arg4[%mul3A_1392] : memref<4128768xf32, #tpu.memory_space<hbm>> -> memref<1024xf32, #tpu.memory_space<hbm>>
    %dma_start3A_1656 = tpu.memref_slice %arg4[%mul3A_1392] : memref<4128768xf32, #tpu.memory_space<hbm>> -> memref<1024xf32, #tpu.memory_space<hbm>>
    %dma_start3A_1657 = arith.constant 6144 : i32
    %dma_start3A_1658 = tpu.memref_slice %arg7[%dma_start3A_1657] : memref<64512xf32, #tpu.memory_space<vmem>> -> memref<1024xf32, #tpu.memory_space<vmem>>
    tpu.enqueue_dma source(%dma_start3A_1658 : memref<1024xf32, #tpu.memory_space<vmem>>) target(%dma_start3A_1656 : memref<1024xf32, #tpu.memory_space<hbm>>) target_semaphore(%arg9 : memref<!tpu.dma_semaphore, #tpu.memory_space<semaphore_mem>>)
    %dma_start3A_1659 = arith.constant 7168 : i32
    %dma_start3A_1660 = tpu.memref_slice %arg7[%dma_start3A_1659] : memref<64512xf32, #tpu.memory_space<vmem>> -> memref<1024xf32, #tpu.memory_space<vmem>>
    %dma_start3A_1661 = tpu.memref_slice %arg4[%mul3A_1396] : memref<4128768xf32, #tpu.memory_space<hbm>> -> memref<1024xf32, #tpu.memory_space<hbm>>
    %dma_start3A_1662 = tpu.memref_slice %arg4[%mul3A_1396] : memref<4128768xf32, #tpu.memory_space<hbm>> -> memref<1024xf32, #tpu.memory_space<hbm>>
    %dma_start3A_1663 = arith.constant 7168 : i32
    %dma_start3A_1664 = tpu.memref_slice %arg7[%dma_start3A_1663] : memref<64512xf32, #tpu.memory_space<vmem>> -> memref<1024xf32, #tpu.memory_space<vmem>>
    tpu.enqueue_dma source(%dma_start3A_1664 : memref<1024xf32, #tpu.memory_space<vmem>>) target(%dma_start3A_1662 : memref<1024xf32, #tpu.memory_space<hbm>>) target_semaphore(%arg9 : memref<!tpu.dma_semaphore, #tpu.memory_space<semaphore_mem>>)
    %dma_start3A_1665 = arith.constant 8192 : i32
    %dma_start3A_1666 = tpu.memref_slice %arg7[%dma_start3A_1665] : memref<64512xf32, #tpu.memory_space<vmem>> -> memref<1024xf32, #tpu.memory_space<vmem>>
    %dma_start3A_1667 = tpu.memref_slice %arg4[%mul3A_1400] : memref<4128768xf32, #tpu.memory_space<hbm>> -> memref<1024xf32, #tpu.memory_space<hbm>>
    %dma_start3A_1668 = tpu.memref_slice %arg4[%mul3A_1400] : memref<4128768xf32, #tpu.memory_space<hbm>> -> memref<1024xf32, #tpu.memory_space<hbm>>
    %dma_start3A_1669 = arith.constant 8192 : i32
    %dma_start3A_1670 = tpu.memref_slice %arg7[%dma_start3A_1669] : memref<64512xf32, #tpu.memory_space<vmem>> -> memref<1024xf32, #tpu.memory_space<vmem>>
    tpu.enqueue_dma source(%dma_start3A_1670 : memref<1024xf32, #tpu.memory_space<vmem>>) target(%dma_start3A_1668 : memref<1024xf32, #tpu.memory_space<hbm>>) target_semaphore(%arg9 : memref<!tpu.dma_semaphore, #tpu.memory_space<semaphore_mem>>)
    %dma_start3A_1671 = arith.constant 9216 : i32
    %dma_start3A_1672 = tpu.memref_slice %arg7[%dma_start3A_1671] : memref<64512xf32, #tpu.memory_space<vmem>> -> memref<1024xf32, #tpu.memory_space<vmem>>
    %dma_start3A_1673 = tpu.memref_slice %arg4[%mul3A_1404] : memref<4128768xf32, #tpu.memory_space<hbm>> -> memref<1024xf32, #tpu.memory_space<hbm>>
    %dma_start3A_1674 = tpu.memref_slice %arg4[%mul3A_1404] : memref<4128768xf32, #tpu.memory_space<hbm>> -> memref<1024xf32, #tpu.memory_space<hbm>>
    %dma_start3A_1675 = arith.constant 9216 : i32
    %dma_start3A_1676 = tpu.memref_slice %arg7[%dma_start3A_1675] : memref<64512xf32, #tpu.memory_space<vmem>> -> memref<1024xf32, #tpu.memory_space<vmem>>
    tpu.enqueue_dma source(%dma_start3A_1676 : memref<1024xf32, #tpu.memory_space<vmem>>) target(%dma_start3A_1674 : memref<1024xf32, #tpu.memory_space<hbm>>) target_semaphore(%arg9 : memref<!tpu.dma_semaphore, #tpu.memory_space<semaphore_mem>>)
    %dma_start3A_1677 = arith.constant 10240 : i32
    %dma_start3A_1678 = tpu.memref_slice %arg7[%dma_start3A_1677] : memref<64512xf32, #tpu.memory_space<vmem>> -> memref<1024xf32, #tpu.memory_space<vmem>>
    %dma_start3A_1679 = tpu.memref_slice %arg4[%mul3A_1408] : memref<4128768xf32, #tpu.memory_space<hbm>> -> memref<1024xf32, #tpu.memory_space<hbm>>
    %dma_start3A_1680 = tpu.memref_slice %arg4[%mul3A_1408] : memref<4128768xf32, #tpu.memory_space<hbm>> -> memref<1024xf32, #tpu.memory_space<hbm>>
    %dma_start3A_1681 = arith.constant 10240 : i32
    %dma_start3A_1682 = tpu.memref_slice %arg7[%dma_start3A_1681] : memref<64512xf32, #tpu.memory_space<vmem>> -> memref<1024xf32, #tpu.memory_space<vmem>>
    tpu.enqueue_dma source(%dma_start3A_1682 : memref<1024xf32, #tpu.memory_space<vmem>>) target(%dma_start3A_1680 : memref<1024xf32, #tpu.memory_space<hbm>>) target_semaphore(%arg9 : memref<!tpu.dma_semaphore, #tpu.memory_space<semaphore_mem>>)
    %dma_start3A_1683 = arith.constant 11264 : i32
    %dma_start3A_1684 = tpu.memref_slice %arg7[%dma_start3A_1683] : memref<64512xf32, #tpu.memory_space<vmem>> -> memref<1024xf32, #tpu.memory_space<vmem>>
    %dma_start3A_1685 = tpu.memref_slice %arg4[%mul3A_1412] : memref<4128768xf32, #tpu.memory_space<hbm>> -> memref<1024xf32, #tpu.memory_space<hbm>>
    %dma_start3A_1686 = tpu.memref_slice %arg4[%mul3A_1412] : memref<4128768xf32, #tpu.memory_space<hbm>> -> memref<1024xf32, #tpu.memory_space<hbm>>
    %dma_start3A_1687 = arith.constant 11264 : i32
    %dma_start3A_1688 = tpu.memref_slice %arg7[%dma_start3A_1687] : memref<64512xf32, #tpu.memory_space<vmem>> -> memref<1024xf32, #tpu.memory_space<vmem>>
    tpu.enqueue_dma source(%dma_start3A_1688 : memref<1024xf32, #tpu.memory_space<vmem>>) target(%dma_start3A_1686 : memref<1024xf32, #tpu.memory_space<hbm>>) target_semaphore(%arg9 : memref<!tpu.dma_semaphore, #tpu.memory_space<semaphore_mem>>)
    %dma_start3A_1689 = arith.constant 12288 : i32
    %dma_start3A_1690 = tpu.memref_slice %arg7[%dma_start3A_1689] : memref<64512xf32, #tpu.memory_space<vmem>> -> memref<1024xf32, #tpu.memory_space<vmem>>
    %dma_start3A_1691 = tpu.memref_slice %arg4[%mul3A_1416] : memref<4128768xf32, #tpu.memory_space<hbm>> -> memref<1024xf32, #tpu.memory_space<hbm>>
    %dma_start3A_1692 = tpu.memref_slice %arg4[%mul3A_1416] : memref<4128768xf32, #tpu.memory_space<hbm>> -> memref<1024xf32, #tpu.memory_space<hbm>>
    %dma_start3A_1693 = arith.constant 12288 : i32
    %dma_start3A_1694 = tpu.memref_slice %arg7[%dma_start3A_1693] : memref<64512xf32, #tpu.memory_space<vmem>> -> memref<1024xf32, #tpu.memory_space<vmem>>
    tpu.enqueue_dma source(%dma_start3A_1694 : memref<1024xf32, #tpu.memory_space<vmem>>) target(%dma_start3A_1692 : memref<1024xf32, #tpu.memory_space<hbm>>) target_semaphore(%arg9 : memref<!tpu.dma_semaphore, #tpu.memory_space<semaphore_mem>>)
    %dma_start3A_1695 = arith.constant 13312 : i32
    %dma_start3A_1696 = tpu.memref_slice %arg7[%dma_start3A_1695] : memref<64512xf32, #tpu.memory_space<vmem>> -> memref<1024xf32, #tpu.memory_space<vmem>>
    %dma_start3A_1697 = tpu.memref_slice %arg4[%mul3A_1420] : memref<4128768xf32, #tpu.memory_space<hbm>> -> memref<1024xf32, #tpu.memory_space<hbm>>
    %dma_start3A_1698 = tpu.memref_slice %arg4[%mul3A_1420] : memref<4128768xf32, #tpu.memory_space<hbm>> -> memref<1024xf32, #tpu.memory_space<hbm>>
    %dma_start3A_1699 = arith.constant 13312 : i32
    %dma_start3A_1700 = tpu.memref_slice %arg7[%dma_start3A_1699] : memref<64512xf32, #tpu.memory_space<vmem>> -> memref<1024xf32, #tpu.memory_space<vmem>>
    tpu.enqueue_dma source(%dma_start3A_1700 : memref<1024xf32, #tpu.memory_space<vmem>>) target(%dma_start3A_1698 : memref<1024xf32, #tpu.memory_space<hbm>>) target_semaphore(%arg9 : memref<!tpu.dma_semaphore, #tpu.memory_space<semaphore_mem>>)
    %dma_start3A_1701 = arith.constant 14336 : i32
    %dma_start3A_1702 = tpu.memref_slice %arg7[%dma_start3A_1701] : memref<64512xf32, #tpu.memory_space<vmem>> -> memref<1024xf32, #tpu.memory_space<vmem>>
    %dma_start3A_1703 = tpu.memref_slice %arg4[%mul3A_1424] : memref<4128768xf32, #tpu.memory_space<hbm>> -> memref<1024xf32, #tpu.memory_space<hbm>>
    %dma_start3A_1704 = tpu.memref_slice %arg4[%mul3A_1424] : memref<4128768xf32, #tpu.memory_space<hbm>> -> memref<1024xf32, #tpu.memory_space<hbm>>
    %dma_start3A_1705 = arith.constant 14336 : i32
    %dma_start3A_1706 = tpu.memref_slice %arg7[%dma_start3A_1705] : memref<64512xf32, #tpu.memory_space<vmem>> -> memref<1024xf32, #tpu.memory_space<vmem>>
    tpu.enqueue_dma source(%dma_start3A_1706 : memref<1024xf32, #tpu.memory_space<vmem>>) target(%dma_start3A_1704 : memref<1024xf32, #tpu.memory_space<hbm>>) target_semaphore(%arg9 : memref<!tpu.dma_semaphore, #tpu.memory_space<semaphore_mem>>)
    %dma_start3A_1707 = arith.constant 15360 : i32
    %dma_start3A_1708 = tpu.memref_slice %arg7[%dma_start3A_1707] : memref<64512xf32, #tpu.memory_space<vmem>> -> memref<1024xf32, #tpu.memory_space<vmem>>
    %dma_start3A_1709 = tpu.memref_slice %arg4[%mul3A_1428] : memref<4128768xf32, #tpu.memory_space<hbm>> -> memref<1024xf32, #tpu.memory_space<hbm>>
    %dma_start3A_1710 = tpu.memref_slice %arg4[%mul3A_1428] : memref<4128768xf32, #tpu.memory_space<hbm>> -> memref<1024xf32, #tpu.memory_space<hbm>>
    %dma_start3A_1711 = arith.constant 15360 : i32
    %dma_start3A_1712 = tpu.memref_slice %arg7[%dma_start3A_1711] : memref<64512xf32, #tpu.memory_space<vmem>> -> memref<1024xf32, #tpu.memory_space<vmem>>
    tpu.enqueue_dma source(%dma_start3A_1712 : memref<1024xf32, #tpu.memory_space<vmem>>) target(%dma_start3A_1710 : memref<1024xf32, #tpu.memory_space<hbm>>) target_semaphore(%arg9 : memref<!tpu.dma_semaphore, #tpu.memory_space<semaphore_mem>>)
    %dma_start3A_1713 = arith.constant 16384 : i32
    %dma_start3A_1714 = tpu.memref_slice %arg7[%dma_start3A_1713] : memref<64512xf32, #tpu.memory_space<vmem>> -> memref<1024xf32, #tpu.memory_space<vmem>>
    %dma_start3A_1715 = tpu.memref_slice %arg4[%mul3A_1432] : memref<4128768xf32, #tpu.memory_space<hbm>> -> memref<1024xf32, #tpu.memory_space<hbm>>
    %dma_start3A_1716 = tpu.memref_slice %arg4[%mul3A_1432] : memref<4128768xf32, #tpu.memory_space<hbm>> -> memref<1024xf32, #tpu.memory_space<hbm>>
    %dma_start3A_1717 = arith.constant 16384 : i32
    %dma_start3A_1718 = tpu.memref_slice %arg7[%dma_start3A_1717] : memref<64512xf32, #tpu.memory_space<vmem>> -> memref<1024xf32, #tpu.memory_space<vmem>>
    tpu.enqueue_dma source(%dma_start3A_1718 : memref<1024xf32, #tpu.memory_space<vmem>>) target(%dma_start3A_1716 : memref<1024xf32, #tpu.memory_space<hbm>>) target_semaphore(%arg9 : memref<!tpu.dma_semaphore, #tpu.memory_space<semaphore_mem>>)
    %dma_start3A_1719 = arith.constant 17408 : i32
    %dma_start3A_1720 = tpu.memref_slice %arg7[%dma_start3A_1719] : memref<64512xf32, #tpu.memory_space<vmem>> -> memref<1024xf32, #tpu.memory_space<vmem>>
    %dma_start3A_1721 = tpu.memref_slice %arg4[%mul3A_1436] : memref<4128768xf32, #tpu.memory_space<hbm>> -> memref<1024xf32, #tpu.memory_space<hbm>>
    %dma_start3A_1722 = tpu.memref_slice %arg4[%mul3A_1436] : memref<4128768xf32, #tpu.memory_space<hbm>> -> memref<1024xf32, #tpu.memory_space<hbm>>
    %dma_start3A_1723 = arith.constant 17408 : i32
    %dma_start3A_1724 = tpu.memref_slice %arg7[%dma_start3A_1723] : memref<64512xf32, #tpu.memory_space<vmem>> -> memref<1024xf32, #tpu.memory_space<vmem>>
    tpu.enqueue_dma source(%dma_start3A_1724 : memref<1024xf32, #tpu.memory_space<vmem>>) target(%dma_start3A_1722 : memref<1024xf32, #tpu.memory_space<hbm>>) target_semaphore(%arg9 : memref<!tpu.dma_semaphore, #tpu.memory_space<semaphore_mem>>)
    %dma_start3A_1725 = arith.constant 18432 : i32
    %dma_start3A_1726 = tpu.memref_slice %arg7[%dma_start3A_1725] : memref<64512xf32, #tpu.memory_space<vmem>> -> memref<1024xf32, #tpu.memory_space<vmem>>
    %dma_start3A_1727 = tpu.memref_slice %arg4[%mul3A_1440] : memref<4128768xf32, #tpu.memory_space<hbm>> -> memref<1024xf32, #tpu.memory_space<hbm>>
    %dma_start3A_1728 = tpu.memref_slice %arg4[%mul3A_1440] : memref<4128768xf32, #tpu.memory_space<hbm>> -> memref<1024xf32, #tpu.memory_space<hbm>>
    %dma_start3A_1729 = arith.constant 18432 : i32
    %dma_start3A_1730 = tpu.memref_slice %arg7[%dma_start3A_1729] : memref<64512xf32, #tpu.memory_space<vmem>> -> memref<1024xf32, #tpu.memory_space<vmem>>
    tpu.enqueue_dma source(%dma_start3A_1730 : memref<1024xf32, #tpu.memory_space<vmem>>) target(%dma_start3A_1728 : memref<1024xf32, #tpu.memory_space<hbm>>) target_semaphore(%arg9 : memref<!tpu.dma_semaphore, #tpu.memory_space<semaphore_mem>>)
    %dma_start3A_1731 = arith.constant 19456 : i32
    %dma_start3A_1732 = tpu.memref_slice %arg7[%dma_start3A_1731] : memref<64512xf32, #tpu.memory_space<vmem>> -> memref<1024xf32, #tpu.memory_space<vmem>>
    %dma_start3A_1733 = tpu.memref_slice %arg4[%mul3A_1444] : memref<4128768xf32, #tpu.memory_space<hbm>> -> memref<1024xf32, #tpu.memory_space<hbm>>
    %dma_start3A_1734 = tpu.memref_slice %arg4[%mul3A_1444] : memref<4128768xf32, #tpu.memory_space<hbm>> -> memref<1024xf32, #tpu.memory_space<hbm>>
    %dma_start3A_1735 = arith.constant 19456 : i32
    %dma_start3A_1736 = tpu.memref_slice %arg7[%dma_start3A_1735] : memref<64512xf32, #tpu.memory_space<vmem>> -> memref<1024xf32, #tpu.memory_space<vmem>>
    tpu.enqueue_dma source(%dma_start3A_1736 : memref<1024xf32, #tpu.memory_space<vmem>>) target(%dma_start3A_1734 : memref<1024xf32, #tpu.memory_space<hbm>>) target_semaphore(%arg9 : memref<!tpu.dma_semaphore, #tpu.memory_space<semaphore_mem>>)
    %dma_start3A_1737 = arith.constant 20480 : i32
    %dma_start3A_1738 = tpu.memref_slice %arg7[%dma_start3A_1737] : memref<64512xf32, #tpu.memory_space<vmem>> -> memref<1024xf32, #tpu.memory_space<vmem>>
    %dma_start3A_1739 = tpu.memref_slice %arg4[%mul3A_1448] : memref<4128768xf32, #tpu.memory_space<hbm>> -> memref<1024xf32, #tpu.memory_space<hbm>>
    %dma_start3A_1740 = tpu.memref_slice %arg4[%mul3A_1448] : memref<4128768xf32, #tpu.memory_space<hbm>> -> memref<1024xf32, #tpu.memory_space<hbm>>
    %dma_start3A_1741 = arith.constant 20480 : i32
    %dma_start3A_1742 = tpu.memref_slice %arg7[%dma_start3A_1741] : memref<64512xf32, #tpu.memory_space<vmem>> -> memref<1024xf32, #tpu.memory_space<vmem>>
    tpu.enqueue_dma source(%dma_start3A_1742 : memref<1024xf32, #tpu.memory_space<vmem>>) target(%dma_start3A_1740 : memref<1024xf32, #tpu.memory_space<hbm>>) target_semaphore(%arg9 : memref<!tpu.dma_semaphore, #tpu.memory_space<semaphore_mem>>)
    %dma_start3A_1743 = arith.constant 21504 : i32
    %dma_start3A_1744 = tpu.memref_slice %arg7[%dma_start3A_1743] : memref<64512xf32, #tpu.memory_space<vmem>> -> memref<1024xf32, #tpu.memory_space<vmem>>
    %dma_start3A_1745 = tpu.memref_slice %arg4[%mul3A_1452] : memref<4128768xf32, #tpu.memory_space<hbm>> -> memref<1024xf32, #tpu.memory_space<hbm>>
    %dma_start3A_1746 = tpu.memref_slice %arg4[%mul3A_1452] : memref<4128768xf32, #tpu.memory_space<hbm>> -> memref<1024xf32, #tpu.memory_space<hbm>>
    %dma_start3A_1747 = arith.constant 21504 : i32
    %dma_start3A_1748 = tpu.memref_slice %arg7[%dma_start3A_1747] : memref<64512xf32, #tpu.memory_space<vmem>> -> memref<1024xf32, #tpu.memory_space<vmem>>
    tpu.enqueue_dma source(%dma_start3A_1748 : memref<1024xf32, #tpu.memory_space<vmem>>) target(%dma_start3A_1746 : memref<1024xf32, #tpu.memory_space<hbm>>) target_semaphore(%arg9 : memref<!tpu.dma_semaphore, #tpu.memory_space<semaphore_mem>>)
    %dma_start3A_1749 = arith.constant 22528 : i32
    %dma_start3A_1750 = tpu.memref_slice %arg7[%dma_start3A_1749] : memref<64512xf32, #tpu.memory_space<vmem>> -> memref<1024xf32, #tpu.memory_space<vmem>>
    %dma_start3A_1751 = tpu.memref_slice %arg4[%mul3A_1456] : memref<4128768xf32, #tpu.memory_space<hbm>> -> memref<1024xf32, #tpu.memory_space<hbm>>
    %dma_start3A_1752 = tpu.memref_slice %arg4[%mul3A_1456] : memref<4128768xf32, #tpu.memory_space<hbm>> -> memref<1024xf32, #tpu.memory_space<hbm>>
    %dma_start3A_1753 = arith.constant 22528 : i32
    %dma_start3A_1754 = tpu.memref_slice %arg7[%dma_start3A_1753] : memref<64512xf32, #tpu.memory_space<vmem>> -> memref<1024xf32, #tpu.memory_space<vmem>>
    tpu.enqueue_dma source(%dma_start3A_1754 : memref<1024xf32, #tpu.memory_space<vmem>>) target(%dma_start3A_1752 : memref<1024xf32, #tpu.memory_space<hbm>>) target_semaphore(%arg9 : memref<!tpu.dma_semaphore, #tpu.memory_space<semaphore_mem>>)
    %dma_start3A_1755 = arith.constant 23552 : i32
    %dma_start3A_1756 = tpu.memref_slice %arg7[%dma_start3A_1755] : memref<64512xf32, #tpu.memory_space<vmem>> -> memref<1024xf32, #tpu.memory_space<vmem>>
    %dma_start3A_1757 = tpu.memref_slice %arg4[%mul3A_1460] : memref<4128768xf32, #tpu.memory_space<hbm>> -> memref<1024xf32, #tpu.memory_space<hbm>>
    %dma_start3A_1758 = tpu.memref_slice %arg4[%mul3A_1460] : memref<4128768xf32, #tpu.memory_space<hbm>> -> memref<1024xf32, #tpu.memory_space<hbm>>
    %dma_start3A_1759 = arith.constant 23552 : i32
    %dma_start3A_1760 = tpu.memref_slice %arg7[%dma_start3A_1759] : memref<64512xf32, #tpu.memory_space<vmem>> -> memref<1024xf32, #tpu.memory_space<vmem>>
    tpu.enqueue_dma source(%dma_start3A_1760 : memref<1024xf32, #tpu.memory_space<vmem>>) target(%dma_start3A_1758 : memref<1024xf32, #tpu.memory_space<hbm>>) target_semaphore(%arg9 : memref<!tpu.dma_semaphore, #tpu.memory_space<semaphore_mem>>)
    %dma_start3A_1761 = arith.constant 24576 : i32
    %dma_start3A_1762 = tpu.memref_slice %arg7[%dma_start3A_1761] : memref<64512xf32, #tpu.memory_space<vmem>> -> memref<1024xf32, #tpu.memory_space<vmem>>
    %dma_start3A_1763 = tpu.memref_slice %arg4[%mul3A_1464] : memref<4128768xf32, #tpu.memory_space<hbm>> -> memref<1024xf32, #tpu.memory_space<hbm>>
    %dma_start3A_1764 = tpu.memref_slice %arg4[%mul3A_1464] : memref<4128768xf32, #tpu.memory_space<hbm>> -> memref<1024xf32, #tpu.memory_space<hbm>>
    %dma_start3A_1765 = arith.constant 24576 : i32
    %dma_start3A_1766 = tpu.memref_slice %arg7[%dma_start3A_1765] : memref<64512xf32, #tpu.memory_space<vmem>> -> memref<1024xf32, #tpu.memory_space<vmem>>
    tpu.enqueue_dma source(%dma_start3A_1766 : memref<1024xf32, #tpu.memory_space<vmem>>) target(%dma_start3A_1764 : memref<1024xf32, #tpu.memory_space<hbm>>) target_semaphore(%arg9 : memref<!tpu.dma_semaphore, #tpu.memory_space<semaphore_mem>>)
    %dma_start3A_1767 = arith.constant 25600 : i32
    %dma_start3A_1768 = tpu.memref_slice %arg7[%dma_start3A_1767] : memref<64512xf32, #tpu.memory_space<vmem>> -> memref<1024xf32, #tpu.memory_space<vmem>>
    %dma_start3A_1769 = tpu.memref_slice %arg4[%mul3A_1468] : memref<4128768xf32, #tpu.memory_space<hbm>> -> memref<1024xf32, #tpu.memory_space<hbm>>
    %dma_start3A_1770 = tpu.memref_slice %arg4[%mul3A_1468] : memref<4128768xf32, #tpu.memory_space<hbm>> -> memref<1024xf32, #tpu.memory_space<hbm>>
    %dma_start3A_1771 = arith.constant 25600 : i32
    %dma_start3A_1772 = tpu.memref_slice %arg7[%dma_start3A_1771] : memref<64512xf32, #tpu.memory_space<vmem>> -> memref<1024xf32, #tpu.memory_space<vmem>>
    tpu.enqueue_dma source(%dma_start3A_1772 : memref<1024xf32, #tpu.memory_space<vmem>>) target(%dma_start3A_1770 : memref<1024xf32, #tpu.memory_space<hbm>>) target_semaphore(%arg9 : memref<!tpu.dma_semaphore, #tpu.memory_space<semaphore_mem>>)
    %dma_start3A_1773 = arith.constant 26624 : i32
    %dma_start3A_1774 = tpu.memref_slice %arg7[%dma_start3A_1773] : memref<64512xf32, #tpu.memory_space<vmem>> -> memref<1024xf32, #tpu.memory_space<vmem>>
    %dma_start3A_1775 = tpu.memref_slice %arg4[%mul3A_1472] : memref<4128768xf32, #tpu.memory_space<hbm>> -> memref<1024xf32, #tpu.memory_space<hbm>>
    %dma_start3A_1776 = tpu.memref_slice %arg4[%mul3A_1472] : memref<4128768xf32, #tpu.memory_space<hbm>> -> memref<1024xf32, #tpu.memory_space<hbm>>
    %dma_start3A_1777 = arith.constant 26624 : i32
    %dma_start3A_1778 = tpu.memref_slice %arg7[%dma_start3A_1777] : memref<64512xf32, #tpu.memory_space<vmem>> -> memref<1024xf32, #tpu.memory_space<vmem>>
    tpu.enqueue_dma source(%dma_start3A_1778 : memref<1024xf32, #tpu.memory_space<vmem>>) target(%dma_start3A_1776 : memref<1024xf32, #tpu.memory_space<hbm>>) target_semaphore(%arg9 : memref<!tpu.dma_semaphore, #tpu.memory_space<semaphore_mem>>)
    %dma_start3A_1779 = arith.constant 27648 : i32
    %dma_start3A_1780 = tpu.memref_slice %arg7[%dma_start3A_1779] : memref<64512xf32, #tpu.memory_space<vmem>> -> memref<1024xf32, #tpu.memory_space<vmem>>
    %dma_start3A_1781 = tpu.memref_slice %arg4[%mul3A_1476] : memref<4128768xf32, #tpu.memory_space<hbm>> -> memref<1024xf32, #tpu.memory_space<hbm>>
    %dma_start3A_1782 = tpu.memref_slice %arg4[%mul3A_1476] : memref<4128768xf32, #tpu.memory_space<hbm>> -> memref<1024xf32, #tpu.memory_space<hbm>>
    %dma_start3A_1783 = arith.constant 27648 : i32
    %dma_start3A_1784 = tpu.memref_slice %arg7[%dma_start3A_1783] : memref<64512xf32, #tpu.memory_space<vmem>> -> memref<1024xf32, #tpu.memory_space<vmem>>
    tpu.enqueue_dma source(%dma_start3A_1784 : memref<1024xf32, #tpu.memory_space<vmem>>) target(%dma_start3A_1782 : memref<1024xf32, #tpu.memory_space<hbm>>) target_semaphore(%arg9 : memref<!tpu.dma_semaphore, #tpu.memory_space<semaphore_mem>>)
    %dma_start3A_1785 = arith.constant 28672 : i32
    %dma_start3A_1786 = tpu.memref_slice %arg7[%dma_start3A_1785] : memref<64512xf32, #tpu.memory_space<vmem>> -> memref<1024xf32, #tpu.memory_space<vmem>>
    %dma_start3A_1787 = tpu.memref_slice %arg4[%mul3A_1480] : memref<4128768xf32, #tpu.memory_space<hbm>> -> memref<1024xf32, #tpu.memory_space<hbm>>
    %dma_start3A_1788 = tpu.memref_slice %arg4[%mul3A_1480] : memref<4128768xf32, #tpu.memory_space<hbm>> -> memref<1024xf32, #tpu.memory_space<hbm>>
    %dma_start3A_1789 = arith.constant 28672 : i32
    %dma_start3A_1790 = tpu.memref_slice %arg7[%dma_start3A_1789] : memref<64512xf32, #tpu.memory_space<vmem>> -> memref<1024xf32, #tpu.memory_space<vmem>>
    tpu.enqueue_dma source(%dma_start3A_1790 : memref<1024xf32, #tpu.memory_space<vmem>>) target(%dma_start3A_1788 : memref<1024xf32, #tpu.memory_space<hbm>>) target_semaphore(%arg9 : memref<!tpu.dma_semaphore, #tpu.memory_space<semaphore_mem>>)
    %dma_start3A_1791 = arith.constant 29696 : i32
    %dma_start3A_1792 = tpu.memref_slice %arg7[%dma_start3A_1791] : memref<64512xf32, #tpu.memory_space<vmem>> -> memref<1024xf32, #tpu.memory_space<vmem>>
    %dma_start3A_1793 = tpu.memref_slice %arg4[%mul3A_1484] : memref<4128768xf32, #tpu.memory_space<hbm>> -> memref<1024xf32, #tpu.memory_space<hbm>>
    %dma_start3A_1794 = tpu.memref_slice %arg4[%mul3A_1484] : memref<4128768xf32, #tpu.memory_space<hbm>> -> memref<1024xf32, #tpu.memory_space<hbm>>
    %dma_start3A_1795 = arith.constant 29696 : i32
    %dma_start3A_1796 = tpu.memref_slice %arg7[%dma_start3A_1795] : memref<64512xf32, #tpu.memory_space<vmem>> -> memref<1024xf32, #tpu.memory_space<vmem>>
    tpu.enqueue_dma source(%dma_start3A_1796 : memref<1024xf32, #tpu.memory_space<vmem>>) target(%dma_start3A_1794 : memref<1024xf32, #tpu.memory_space<hbm>>) target_semaphore(%arg9 : memref<!tpu.dma_semaphore, #tpu.memory_space<semaphore_mem>>)
    %dma_start3A_1797 = arith.constant 30720 : i32
    %dma_start3A_1798 = tpu.memref_slice %arg7[%dma_start3A_1797] : memref<64512xf32, #tpu.memory_space<vmem>> -> memref<1024xf32, #tpu.memory_space<vmem>>
    %dma_start3A_1799 = tpu.memref_slice %arg4[%mul3A_1488] : memref<4128768xf32, #tpu.memory_space<hbm>> -> memref<1024xf32, #tpu.memory_space<hbm>>
    %dma_start3A_1800 = tpu.memref_slice %arg4[%mul3A_1488] : memref<4128768xf32, #tpu.memory_space<hbm>> -> memref<1024xf32, #tpu.memory_space<hbm>>
    %dma_start3A_1801 = arith.constant 30720 : i32
    %dma_start3A_1802 = tpu.memref_slice %arg7[%dma_start3A_1801] : memref<64512xf32, #tpu.memory_space<vmem>> -> memref<1024xf32, #tpu.memory_space<vmem>>
    tpu.enqueue_dma source(%dma_start3A_1802 : memref<1024xf32, #tpu.memory_space<vmem>>) target(%dma_start3A_1800 : memref<1024xf32, #tpu.memory_space<hbm>>) target_semaphore(%arg9 : memref<!tpu.dma_semaphore, #tpu.memory_space<semaphore_mem>>)
    %dma_start3A_1803 = arith.constant 31744 : i32
    %dma_start3A_1804 = tpu.memref_slice %arg7[%dma_start3A_1803] : memref<64512xf32, #tpu.memory_space<vmem>> -> memref<1024xf32, #tpu.memory_space<vmem>>
    %dma_start3A_1805 = tpu.memref_slice %arg4[%mul3A_1492] : memref<4128768xf32, #tpu.memory_space<hbm>> -> memref<1024xf32, #tpu.memory_space<hbm>>
    %dma_start3A_1806 = tpu.memref_slice %arg4[%mul3A_1492] : memref<4128768xf32, #tpu.memory_space<hbm>> -> memref<1024xf32, #tpu.memory_space<hbm>>
    %dma_start3A_1807 = arith.constant 31744 : i32
    %dma_start3A_1808 = tpu.memref_slice %arg7[%dma_start3A_1807] : memref<64512xf32, #tpu.memory_space<vmem>> -> memref<1024xf32, #tpu.memory_space<vmem>>
    tpu.enqueue_dma source(%dma_start3A_1808 : memref<1024xf32, #tpu.memory_space<vmem>>) target(%dma_start3A_1806 : memref<1024xf32, #tpu.memory_space<hbm>>) target_semaphore(%arg9 : memref<!tpu.dma_semaphore, #tpu.memory_space<semaphore_mem>>)
    %dma_start3A_1809 = arith.constant 32768 : i32
    %dma_start3A_1810 = tpu.memref_slice %arg7[%dma_start3A_1809] : memref<64512xf32, #tpu.memory_space<vmem>> -> memref<1024xf32, #tpu.memory_space<vmem>>
    %dma_start3A_1811 = tpu.memref_slice %arg4[%mul3A_1496] : memref<4128768xf32, #tpu.memory_space<hbm>> -> memref<1024xf32, #tpu.memory_space<hbm>>
    %dma_start3A_1812 = tpu.memref_slice %arg4[%mul3A_1496] : memref<4128768xf32, #tpu.memory_space<hbm>> -> memref<1024xf32, #tpu.memory_space<hbm>>
    %dma_start3A_1813 = arith.constant 32768 : i32
    %dma_start3A_1814 = tpu.memref_slice %arg7[%dma_start3A_1813] : memref<64512xf32, #tpu.memory_space<vmem>> -> memref<1024xf32, #tpu.memory_space<vmem>>
    tpu.enqueue_dma source(%dma_start3A_1814 : memref<1024xf32, #tpu.memory_space<vmem>>) target(%dma_start3A_1812 : memref<1024xf32, #tpu.memory_space<hbm>>) target_semaphore(%arg9 : memref<!tpu.dma_semaphore, #tpu.memory_space<semaphore_mem>>)
    %dma_start3A_1815 = arith.constant 33792 : i32
    %dma_start3A_1816 = tpu.memref_slice %arg7[%dma_start3A_1815] : memref<64512xf32, #tpu.memory_space<vmem>> -> memref<1024xf32, #tpu.memory_space<vmem>>
    %dma_start3A_1817 = tpu.memref_slice %arg4[%mul3A_1500] : memref<4128768xf32, #tpu.memory_space<hbm>> -> memref<1024xf32, #tpu.memory_space<hbm>>
    %dma_start3A_1818 = tpu.memref_slice %arg4[%mul3A_1500] : memref<4128768xf32, #tpu.memory_space<hbm>> -> memref<1024xf32, #tpu.memory_space<hbm>>
    %dma_start3A_1819 = arith.constant 33792 : i32
    %dma_start3A_1820 = tpu.memref_slice %arg7[%dma_start3A_1819] : memref<64512xf32, #tpu.memory_space<vmem>> -> memref<1024xf32, #tpu.memory_space<vmem>>
    tpu.enqueue_dma source(%dma_start3A_1820 : memref<1024xf32, #tpu.memory_space<vmem>>) target(%dma_start3A_1818 : memref<1024xf32, #tpu.memory_space<hbm>>) target_semaphore(%arg9 : memref<!tpu.dma_semaphore, #tpu.memory_space<semaphore_mem>>)
    %dma_start3A_1821 = arith.constant 34816 : i32
    %dma_start3A_1822 = tpu.memref_slice %arg7[%dma_start3A_1821] : memref<64512xf32, #tpu.memory_space<vmem>> -> memref<1024xf32, #tpu.memory_space<vmem>>
    %dma_start3A_1823 = tpu.memref_slice %arg4[%mul3A_1504] : memref<4128768xf32, #tpu.memory_space<hbm>> -> memref<1024xf32, #tpu.memory_space<hbm>>
    %dma_start3A_1824 = tpu.memref_slice %arg4[%mul3A_1504] : memref<4128768xf32, #tpu.memory_space<hbm>> -> memref<1024xf32, #tpu.memory_space<hbm>>
    %dma_start3A_1825 = arith.constant 34816 : i32
    %dma_start3A_1826 = tpu.memref_slice %arg7[%dma_start3A_1825] : memref<64512xf32, #tpu.memory_space<vmem>> -> memref<1024xf32, #tpu.memory_space<vmem>>
    tpu.enqueue_dma source(%dma_start3A_1826 : memref<1024xf32, #tpu.memory_space<vmem>>) target(%dma_start3A_1824 : memref<1024xf32, #tpu.memory_space<hbm>>) target_semaphore(%arg9 : memref<!tpu.dma_semaphore, #tpu.memory_space<semaphore_mem>>)
    %dma_start3A_1827 = arith.constant 35840 : i32
    %dma_start3A_1828 = tpu.memref_slice %arg7[%dma_start3A_1827] : memref<64512xf32, #tpu.memory_space<vmem>> -> memref<1024xf32, #tpu.memory_space<vmem>>
    %dma_start3A_1829 = tpu.memref_slice %arg4[%mul3A_1508] : memref<4128768xf32, #tpu.memory_space<hbm>> -> memref<1024xf32, #tpu.memory_space<hbm>>
    %dma_start3A_1830 = tpu.memref_slice %arg4[%mul3A_1508] : memref<4128768xf32, #tpu.memory_space<hbm>> -> memref<1024xf32, #tpu.memory_space<hbm>>
    %dma_start3A_1831 = arith.constant 35840 : i32
    %dma_start3A_1832 = tpu.memref_slice %arg7[%dma_start3A_1831] : memref<64512xf32, #tpu.memory_space<vmem>> -> memref<1024xf32, #tpu.memory_space<vmem>>
    tpu.enqueue_dma source(%dma_start3A_1832 : memref<1024xf32, #tpu.memory_space<vmem>>) target(%dma_start3A_1830 : memref<1024xf32, #tpu.memory_space<hbm>>) target_semaphore(%arg9 : memref<!tpu.dma_semaphore, #tpu.memory_space<semaphore_mem>>)
    %dma_start3A_1833 = arith.constant 36864 : i32
    %dma_start3A_1834 = tpu.memref_slice %arg7[%dma_start3A_1833] : memref<64512xf32, #tpu.memory_space<vmem>> -> memref<1024xf32, #tpu.memory_space<vmem>>
    %dma_start3A_1835 = tpu.memref_slice %arg4[%mul3A_1512] : memref<4128768xf32, #tpu.memory_space<hbm>> -> memref<1024xf32, #tpu.memory_space<hbm>>
    %dma_start3A_1836 = tpu.memref_slice %arg4[%mul3A_1512] : memref<4128768xf32, #tpu.memory_space<hbm>> -> memref<1024xf32, #tpu.memory_space<hbm>>
    %dma_start3A_1837 = arith.constant 36864 : i32
    %dma_start3A_1838 = tpu.memref_slice %arg7[%dma_start3A_1837] : memref<64512xf32, #tpu.memory_space<vmem>> -> memref<1024xf32, #tpu.memory_space<vmem>>
    tpu.enqueue_dma source(%dma_start3A_1838 : memref<1024xf32, #tpu.memory_space<vmem>>) target(%dma_start3A_1836 : memref<1024xf32, #tpu.memory_space<hbm>>) target_semaphore(%arg9 : memref<!tpu.dma_semaphore, #tpu.memory_space<semaphore_mem>>)
    %dma_start3A_1839 = arith.constant 37888 : i32
    %dma_start3A_1840 = tpu.memref_slice %arg7[%dma_start3A_1839] : memref<64512xf32, #tpu.memory_space<vmem>> -> memref<1024xf32, #tpu.memory_space<vmem>>
    %dma_start3A_1841 = tpu.memref_slice %arg4[%mul3A_1516] : memref<4128768xf32, #tpu.memory_space<hbm>> -> memref<1024xf32, #tpu.memory_space<hbm>>
    %dma_start3A_1842 = tpu.memref_slice %arg4[%mul3A_1516] : memref<4128768xf32, #tpu.memory_space<hbm>> -> memref<1024xf32, #tpu.memory_space<hbm>>
    %dma_start3A_1843 = arith.constant 37888 : i32
    %dma_start3A_1844 = tpu.memref_slice %arg7[%dma_start3A_1843] : memref<64512xf32, #tpu.memory_space<vmem>> -> memref<1024xf32, #tpu.memory_space<vmem>>
    tpu.enqueue_dma source(%dma_start3A_1844 : memref<1024xf32, #tpu.memory_space<vmem>>) target(%dma_start3A_1842 : memref<1024xf32, #tpu.memory_space<hbm>>) target_semaphore(%arg9 : memref<!tpu.dma_semaphore, #tpu.memory_space<semaphore_mem>>)
    %dma_start3A_1845 = arith.constant 38912 : i32
    %dma_start3A_1846 = tpu.memref_slice %arg7[%dma_start3A_1845] : memref<64512xf32, #tpu.memory_space<vmem>> -> memref<1024xf32, #tpu.memory_space<vmem>>
    %dma_start3A_1847 = tpu.memref_slice %arg4[%mul3A_1520] : memref<4128768xf32, #tpu.memory_space<hbm>> -> memref<1024xf32, #tpu.memory_space<hbm>>
    %dma_start3A_1848 = tpu.memref_slice %arg4[%mul3A_1520] : memref<4128768xf32, #tpu.memory_space<hbm>> -> memref<1024xf32, #tpu.memory_space<hbm>>
    %dma_start3A_1849 = arith.constant 38912 : i32
    %dma_start3A_1850 = tpu.memref_slice %arg7[%dma_start3A_1849] : memref<64512xf32, #tpu.memory_space<vmem>> -> memref<1024xf32, #tpu.memory_space<vmem>>
    tpu.enqueue_dma source(%dma_start3A_1850 : memref<1024xf32, #tpu.memory_space<vmem>>) target(%dma_start3A_1848 : memref<1024xf32, #tpu.memory_space<hbm>>) target_semaphore(%arg9 : memref<!tpu.dma_semaphore, #tpu.memory_space<semaphore_mem>>)
    %dma_start3A_1851 = arith.constant 39936 : i32
    %dma_start3A_1852 = tpu.memref_slice %arg7[%dma_start3A_1851] : memref<64512xf32, #tpu.memory_space<vmem>> -> memref<1024xf32, #tpu.memory_space<vmem>>
    %dma_start3A_1853 = tpu.memref_slice %arg4[%mul3A_1524] : memref<4128768xf32, #tpu.memory_space<hbm>> -> memref<1024xf32, #tpu.memory_space<hbm>>
    %dma_start3A_1854 = tpu.memref_slice %arg4[%mul3A_1524] : memref<4128768xf32, #tpu.memory_space<hbm>> -> memref<1024xf32, #tpu.memory_space<hbm>>
    %dma_start3A_1855 = arith.constant 39936 : i32
    %dma_start3A_1856 = tpu.memref_slice %arg7[%dma_start3A_1855] : memref<64512xf32, #tpu.memory_space<vmem>> -> memref<1024xf32, #tpu.memory_space<vmem>>
    tpu.enqueue_dma source(%dma_start3A_1856 : memref<1024xf32, #tpu.memory_space<vmem>>) target(%dma_start3A_1854 : memref<1024xf32, #tpu.memory_space<hbm>>) target_semaphore(%arg9 : memref<!tpu.dma_semaphore, #tpu.memory_space<semaphore_mem>>)
    %dma_start3A_1857 = arith.constant 40960 : i32
    %dma_start3A_1858 = tpu.memref_slice %arg7[%dma_start3A_1857] : memref<64512xf32, #tpu.memory_space<vmem>> -> memref<1024xf32, #tpu.memory_space<vmem>>
    %dma_start3A_1859 = tpu.memref_slice %arg4[%mul3A_1528] : memref<4128768xf32, #tpu.memory_space<hbm>> -> memref<1024xf32, #tpu.memory_space<hbm>>
    %dma_start3A_1860 = tpu.memref_slice %arg4[%mul3A_1528] : memref<4128768xf32, #tpu.memory_space<hbm>> -> memref<1024xf32, #tpu.memory_space<hbm>>
    %dma_start3A_1861 = arith.constant 40960 : i32
    %dma_start3A_1862 = tpu.memref_slice %arg7[%dma_start3A_1861] : memref<64512xf32, #tpu.memory_space<vmem>> -> memref<1024xf32, #tpu.memory_space<vmem>>
    tpu.enqueue_dma source(%dma_start3A_1862 : memref<1024xf32, #tpu.memory_space<vmem>>) target(%dma_start3A_1860 : memref<1024xf32, #tpu.memory_space<hbm>>) target_semaphore(%arg9 : memref<!tpu.dma_semaphore, #tpu.memory_space<semaphore_mem>>)
    %dma_start3A_1863 = arith.constant 41984 : i32
    %dma_start3A_1864 = tpu.memref_slice %arg7[%dma_start3A_1863] : memref<64512xf32, #tpu.memory_space<vmem>> -> memref<1024xf32, #tpu.memory_space<vmem>>
    %dma_start3A_1865 = tpu.memref_slice %arg4[%mul3A_1532] : memref<4128768xf32, #tpu.memory_space<hbm>> -> memref<1024xf32, #tpu.memory_space<hbm>>
    %dma_start3A_1866 = tpu.memref_slice %arg4[%mul3A_1532] : memref<4128768xf32, #tpu.memory_space<hbm>> -> memref<1024xf32, #tpu.memory_space<hbm>>
    %dma_start3A_1867 = arith.constant 41984 : i32
    %dma_start3A_1868 = tpu.memref_slice %arg7[%dma_start3A_1867] : memref<64512xf32, #tpu.memory_space<vmem>> -> memref<1024xf32, #tpu.memory_space<vmem>>
    tpu.enqueue_dma source(%dma_start3A_1868 : memref<1024xf32, #tpu.memory_space<vmem>>) target(%dma_start3A_1866 : memref<1024xf32, #tpu.memory_space<hbm>>) target_semaphore(%arg9 : memref<!tpu.dma_semaphore, #tpu.memory_space<semaphore_mem>>)
    %dma_start3A_1869 = arith.constant 43008 : i32
    %dma_start3A_1870 = tpu.memref_slice %arg7[%dma_start3A_1869] : memref<64512xf32, #tpu.memory_space<vmem>> -> memref<1024xf32, #tpu.memory_space<vmem>>
    %dma_start3A_1871 = tpu.memref_slice %arg4[%mul3A_1536] : memref<4128768xf32, #tpu.memory_space<hbm>> -> memref<1024xf32, #tpu.memory_space<hbm>>
    %dma_start3A_1872 = tpu.memref_slice %arg4[%mul3A_1536] : memref<4128768xf32, #tpu.memory_space<hbm>> -> memref<1024xf32, #tpu.memory_space<hbm>>
    %dma_start3A_1873 = arith.constant 43008 : i32
    %dma_start3A_1874 = tpu.memref_slice %arg7[%dma_start3A_1873] : memref<64512xf32, #tpu.memory_space<vmem>> -> memref<1024xf32, #tpu.memory_space<vmem>>
    tpu.enqueue_dma source(%dma_start3A_1874 : memref<1024xf32, #tpu.memory_space<vmem>>) target(%dma_start3A_1872 : memref<1024xf32, #tpu.memory_space<hbm>>) target_semaphore(%arg9 : memref<!tpu.dma_semaphore, #tpu.memory_space<semaphore_mem>>)
    %dma_start3A_1875 = arith.constant 44032 : i32
    %dma_start3A_1876 = tpu.memref_slice %arg7[%dma_start3A_1875] : memref<64512xf32, #tpu.memory_space<vmem>> -> memref<1024xf32, #tpu.memory_space<vmem>>
    %dma_start3A_1877 = tpu.memref_slice %arg4[%mul3A_1540] : memref<4128768xf32, #tpu.memory_space<hbm>> -> memref<1024xf32, #tpu.memory_space<hbm>>
    %dma_start3A_1878 = tpu.memref_slice %arg4[%mul3A_1540] : memref<4128768xf32, #tpu.memory_space<hbm>> -> memref<1024xf32, #tpu.memory_space<hbm>>
    %dma_start3A_1879 = arith.constant 44032 : i32
    %dma_start3A_1880 = tpu.memref_slice %arg7[%dma_start3A_1879] : memref<64512xf32, #tpu.memory_space<vmem>> -> memref<1024xf32, #tpu.memory_space<vmem>>
    tpu.enqueue_dma source(%dma_start3A_1880 : memref<1024xf32, #tpu.memory_space<vmem>>) target(%dma_start3A_1878 : memref<1024xf32, #tpu.memory_space<hbm>>) target_semaphore(%arg9 : memref<!tpu.dma_semaphore, #tpu.memory_space<semaphore_mem>>)
    %dma_start3A_1881 = arith.constant 45056 : i32
    %dma_start3A_1882 = tpu.memref_slice %arg7[%dma_start3A_1881] : memref<64512xf32, #tpu.memory_space<vmem>> -> memref<1024xf32, #tpu.memory_space<vmem>>
    %dma_start3A_1883 = tpu.memref_slice %arg4[%mul3A_1544] : memref<4128768xf32, #tpu.memory_space<hbm>> -> memref<1024xf32, #tpu.memory_space<hbm>>
    %dma_start3A_1884 = tpu.memref_slice %arg4[%mul3A_1544] : memref<4128768xf32, #tpu.memory_space<hbm>> -> memref<1024xf32, #tpu.memory_space<hbm>>
    %dma_start3A_1885 = arith.constant 45056 : i32
    %dma_start3A_1886 = tpu.memref_slice %arg7[%dma_start3A_1885] : memref<64512xf32, #tpu.memory_space<vmem>> -> memref<1024xf32, #tpu.memory_space<vmem>>
    tpu.enqueue_dma source(%dma_start3A_1886 : memref<1024xf32, #tpu.memory_space<vmem>>) target(%dma_start3A_1884 : memref<1024xf32, #tpu.memory_space<hbm>>) target_semaphore(%arg9 : memref<!tpu.dma_semaphore, #tpu.memory_space<semaphore_mem>>)
    %dma_start3A_1887 = arith.constant 46080 : i32
    %dma_start3A_1888 = tpu.memref_slice %arg7[%dma_start3A_1887] : memref<64512xf32, #tpu.memory_space<vmem>> -> memref<1024xf32, #tpu.memory_space<vmem>>
    %dma_start3A_1889 = tpu.memref_slice %arg4[%mul3A_1548] : memref<4128768xf32, #tpu.memory_space<hbm>> -> memref<1024xf32, #tpu.memory_space<hbm>>
    %dma_start3A_1890 = tpu.memref_slice %arg4[%mul3A_1548] : memref<4128768xf32, #tpu.memory_space<hbm>> -> memref<1024xf32, #tpu.memory_space<hbm>>
    %dma_start3A_1891 = arith.constant 46080 : i32
    %dma_start3A_1892 = tpu.memref_slice %arg7[%dma_start3A_1891] : memref<64512xf32, #tpu.memory_space<vmem>> -> memref<1024xf32, #tpu.memory_space<vmem>>
    tpu.enqueue_dma source(%dma_start3A_1892 : memref<1024xf32, #tpu.memory_space<vmem>>) target(%dma_start3A_1890 : memref<1024xf32, #tpu.memory_space<hbm>>) target_semaphore(%arg9 : memref<!tpu.dma_semaphore, #tpu.memory_space<semaphore_mem>>)
    %dma_start3A_1893 = arith.constant 47104 : i32
    %dma_start3A_1894 = tpu.memref_slice %arg7[%dma_start3A_1893] : memref<64512xf32, #tpu.memory_space<vmem>> -> memref<1024xf32, #tpu.memory_space<vmem>>
    %dma_start3A_1895 = tpu.memref_slice %arg4[%mul3A_1552] : memref<4128768xf32, #tpu.memory_space<hbm>> -> memref<1024xf32, #tpu.memory_space<hbm>>
    %dma_start3A_1896 = tpu.memref_slice %arg4[%mul3A_1552] : memref<4128768xf32, #tpu.memory_space<hbm>> -> memref<1024xf32, #tpu.memory_space<hbm>>
    %dma_start3A_1897 = arith.constant 47104 : i32
    %dma_start3A_1898 = tpu.memref_slice %arg7[%dma_start3A_1897] : memref<64512xf32, #tpu.memory_space<vmem>> -> memref<1024xf32, #tpu.memory_space<vmem>>
    tpu.enqueue_dma source(%dma_start3A_1898 : memref<1024xf32, #tpu.memory_space<vmem>>) target(%dma_start3A_1896 : memref<1024xf32, #tpu.memory_space<hbm>>) target_semaphore(%arg9 : memref<!tpu.dma_semaphore, #tpu.memory_space<semaphore_mem>>)
    %dma_start3A_1899 = arith.constant 48128 : i32
    %dma_start3A_1900 = tpu.memref_slice %arg7[%dma_start3A_1899] : memref<64512xf32, #tpu.memory_space<vmem>> -> memref<1024xf32, #tpu.memory_space<vmem>>
    %dma_start3A_1901 = tpu.memref_slice %arg4[%mul3A_1556] : memref<4128768xf32, #tpu.memory_space<hbm>> -> memref<1024xf32, #tpu.memory_space<hbm>>
    %dma_start3A_1902 = tpu.memref_slice %arg4[%mul3A_1556] : memref<4128768xf32, #tpu.memory_space<hbm>> -> memref<1024xf32, #tpu.memory_space<hbm>>
    %dma_start3A_1903 = arith.constant 48128 : i32
    %dma_start3A_1904 = tpu.memref_slice %arg7[%dma_start3A_1903] : memref<64512xf32, #tpu.memory_space<vmem>> -> memref<1024xf32, #tpu.memory_space<vmem>>
    tpu.enqueue_dma source(%dma_start3A_1904 : memref<1024xf32, #tpu.memory_space<vmem>>) target(%dma_start3A_1902 : memref<1024xf32, #tpu.memory_space<hbm>>) target_semaphore(%arg9 : memref<!tpu.dma_semaphore, #tpu.memory_space<semaphore_mem>>)
    %dma_start3A_1905 = arith.constant 49152 : i32
    %dma_start3A_1906 = tpu.memref_slice %arg7[%dma_start3A_1905] : memref<64512xf32, #tpu.memory_space<vmem>> -> memref<1024xf32, #tpu.memory_space<vmem>>
    %dma_start3A_1907 = tpu.memref_slice %arg4[%mul3A_1560] : memref<4128768xf32, #tpu.memory_space<hbm>> -> memref<1024xf32, #tpu.memory_space<hbm>>
    %dma_start3A_1908 = tpu.memref_slice %arg4[%mul3A_1560] : memref<4128768xf32, #tpu.memory_space<hbm>> -> memref<1024xf32, #tpu.memory_space<hbm>>
    %dma_start3A_1909 = arith.constant 49152 : i32
    %dma_start3A_1910 = tpu.memref_slice %arg7[%dma_start3A_1909] : memref<64512xf32, #tpu.memory_space<vmem>> -> memref<1024xf32, #tpu.memory_space<vmem>>
    tpu.enqueue_dma source(%dma_start3A_1910 : memref<1024xf32, #tpu.memory_space<vmem>>) target(%dma_start3A_1908 : memref<1024xf32, #tpu.memory_space<hbm>>) target_semaphore(%arg9 : memref<!tpu.dma_semaphore, #tpu.memory_space<semaphore_mem>>)
    %dma_start3A_1911 = arith.constant 50176 : i32
    %dma_start3A_1912 = tpu.memref_slice %arg7[%dma_start3A_1911] : memref<64512xf32, #tpu.memory_space<vmem>> -> memref<1024xf32, #tpu.memory_space<vmem>>
    %dma_start3A_1913 = tpu.memref_slice %arg4[%mul3A_1564] : memref<4128768xf32, #tpu.memory_space<hbm>> -> memref<1024xf32, #tpu.memory_space<hbm>>
    %dma_start3A_1914 = tpu.memref_slice %arg4[%mul3A_1564] : memref<4128768xf32, #tpu.memory_space<hbm>> -> memref<1024xf32, #tpu.memory_space<hbm>>
    %dma_start3A_1915 = arith.constant 50176 : i32
    %dma_start3A_1916 = tpu.memref_slice %arg7[%dma_start3A_1915] : memref<64512xf32, #tpu.memory_space<vmem>> -> memref<1024xf32, #tpu.memory_space<vmem>>
    tpu.enqueue_dma source(%dma_start3A_1916 : memref<1024xf32, #tpu.memory_space<vmem>>) target(%dma_start3A_1914 : memref<1024xf32, #tpu.memory_space<hbm>>) target_semaphore(%arg9 : memref<!tpu.dma_semaphore, #tpu.memory_space<semaphore_mem>>)
    %dma_start3A_1917 = arith.constant 51200 : i32
    %dma_start3A_1918 = tpu.memref_slice %arg7[%dma_start3A_1917] : memref<64512xf32, #tpu.memory_space<vmem>> -> memref<1024xf32, #tpu.memory_space<vmem>>
    %dma_start3A_1919 = tpu.memref_slice %arg4[%mul3A_1568] : memref<4128768xf32, #tpu.memory_space<hbm>> -> memref<1024xf32, #tpu.memory_space<hbm>>
    %dma_start3A_1920 = tpu.memref_slice %arg4[%mul3A_1568] : memref<4128768xf32, #tpu.memory_space<hbm>> -> memref<1024xf32, #tpu.memory_space<hbm>>
    %dma_start3A_1921 = arith.constant 51200 : i32
    %dma_start3A_1922 = tpu.memref_slice %arg7[%dma_start3A_1921] : memref<64512xf32, #tpu.memory_space<vmem>> -> memref<1024xf32, #tpu.memory_space<vmem>>
    tpu.enqueue_dma source(%dma_start3A_1922 : memref<1024xf32, #tpu.memory_space<vmem>>) target(%dma_start3A_1920 : memref<1024xf32, #tpu.memory_space<hbm>>) target_semaphore(%arg9 : memref<!tpu.dma_semaphore, #tpu.memory_space<semaphore_mem>>)
    %dma_start3A_1923 = arith.constant 52224 : i32
    %dma_start3A_1924 = tpu.memref_slice %arg7[%dma_start3A_1923] : memref<64512xf32, #tpu.memory_space<vmem>> -> memref<1024xf32, #tpu.memory_space<vmem>>
    %dma_start3A_1925 = tpu.memref_slice %arg4[%mul3A_1572] : memref<4128768xf32, #tpu.memory_space<hbm>> -> memref<1024xf32, #tpu.memory_space<hbm>>
    %dma_start3A_1926 = tpu.memref_slice %arg4[%mul3A_1572] : memref<4128768xf32, #tpu.memory_space<hbm>> -> memref<1024xf32, #tpu.memory_space<hbm>>
    %dma_start3A_1927 = arith.constant 52224 : i32
    %dma_start3A_1928 = tpu.memref_slice %arg7[%dma_start3A_1927] : memref<64512xf32, #tpu.memory_space<vmem>> -> memref<1024xf32, #tpu.memory_space<vmem>>
    tpu.enqueue_dma source(%dma_start3A_1928 : memref<1024xf32, #tpu.memory_space<vmem>>) target(%dma_start3A_1926 : memref<1024xf32, #tpu.memory_space<hbm>>) target_semaphore(%arg9 : memref<!tpu.dma_semaphore, #tpu.memory_space<semaphore_mem>>)
    %dma_start3A_1929 = arith.constant 53248 : i32
    %dma_start3A_1930 = tpu.memref_slice %arg7[%dma_start3A_1929] : memref<64512xf32, #tpu.memory_space<vmem>> -> memref<1024xf32, #tpu.memory_space<vmem>>
    %dma_start3A_1931 = tpu.memref_slice %arg4[%mul3A_1576] : memref<4128768xf32, #tpu.memory_space<hbm>> -> memref<1024xf32, #tpu.memory_space<hbm>>
    %dma_start3A_1932 = tpu.memref_slice %arg4[%mul3A_1576] : memref<4128768xf32, #tpu.memory_space<hbm>> -> memref<1024xf32, #tpu.memory_space<hbm>>
    %dma_start3A_1933 = arith.constant 53248 : i32
    %dma_start3A_1934 = tpu.memref_slice %arg7[%dma_start3A_1933] : memref<64512xf32, #tpu.memory_space<vmem>> -> memref<1024xf32, #tpu.memory_space<vmem>>
    tpu.enqueue_dma source(%dma_start3A_1934 : memref<1024xf32, #tpu.memory_space<vmem>>) target(%dma_start3A_1932 : memref<1024xf32, #tpu.memory_space<hbm>>) target_semaphore(%arg9 : memref<!tpu.dma_semaphore, #tpu.memory_space<semaphore_mem>>)
    %dma_start3A_1935 = arith.constant 54272 : i32
    %dma_start3A_1936 = tpu.memref_slice %arg7[%dma_start3A_1935] : memref<64512xf32, #tpu.memory_space<vmem>> -> memref<1024xf32, #tpu.memory_space<vmem>>
    %dma_start3A_1937 = tpu.memref_slice %arg4[%mul3A_1580] : memref<4128768xf32, #tpu.memory_space<hbm>> -> memref<1024xf32, #tpu.memory_space<hbm>>
    %dma_start3A_1938 = tpu.memref_slice %arg4[%mul3A_1580] : memref<4128768xf32, #tpu.memory_space<hbm>> -> memref<1024xf32, #tpu.memory_space<hbm>>
    %dma_start3A_1939 = arith.constant 54272 : i32
    %dma_start3A_1940 = tpu.memref_slice %arg7[%dma_start3A_1939] : memref<64512xf32, #tpu.memory_space<vmem>> -> memref<1024xf32, #tpu.memory_space<vmem>>
    tpu.enqueue_dma source(%dma_start3A_1940 : memref<1024xf32, #tpu.memory_space<vmem>>) target(%dma_start3A_1938 : memref<1024xf32, #tpu.memory_space<hbm>>) target_semaphore(%arg9 : memref<!tpu.dma_semaphore, #tpu.memory_space<semaphore_mem>>)
    %dma_start3A_1941 = arith.constant 55296 : i32
    %dma_start3A_1942 = tpu.memref_slice %arg7[%dma_start3A_1941] : memref<64512xf32, #tpu.memory_space<vmem>> -> memref<1024xf32, #tpu.memory_space<vmem>>
    %dma_start3A_1943 = tpu.memref_slice %arg4[%mul3A_1584] : memref<4128768xf32, #tpu.memory_space<hbm>> -> memref<1024xf32, #tpu.memory_space<hbm>>
    %dma_start3A_1944 = tpu.memref_slice %arg4[%mul3A_1584] : memref<4128768xf32, #tpu.memory_space<hbm>> -> memref<1024xf32, #tpu.memory_space<hbm>>
    %dma_start3A_1945 = arith.constant 55296 : i32
    %dma_start3A_1946 = tpu.memref_slice %arg7[%dma_start3A_1945] : memref<64512xf32, #tpu.memory_space<vmem>> -> memref<1024xf32, #tpu.memory_space<vmem>>
    tpu.enqueue_dma source(%dma_start3A_1946 : memref<1024xf32, #tpu.memory_space<vmem>>) target(%dma_start3A_1944 : memref<1024xf32, #tpu.memory_space<hbm>>) target_semaphore(%arg9 : memref<!tpu.dma_semaphore, #tpu.memory_space<semaphore_mem>>)
    %dma_start3A_1947 = arith.constant 56320 : i32
    %dma_start3A_1948 = tpu.memref_slice %arg7[%dma_start3A_1947] : memref<64512xf32, #tpu.memory_space<vmem>> -> memref<1024xf32, #tpu.memory_space<vmem>>
    %dma_start3A_1949 = tpu.memref_slice %arg4[%mul3A_1588] : memref<4128768xf32, #tpu.memory_space<hbm>> -> memref<1024xf32, #tpu.memory_space<hbm>>
    %dma_start3A_1950 = tpu.memref_slice %arg4[%mul3A_1588] : memref<4128768xf32, #tpu.memory_space<hbm>> -> memref<1024xf32, #tpu.memory_space<hbm>>
    %dma_start3A_1951 = arith.constant 56320 : i32
    %dma_start3A_1952 = tpu.memref_slice %arg7[%dma_start3A_1951] : memref<64512xf32, #tpu.memory_space<vmem>> -> memref<1024xf32, #tpu.memory_space<vmem>>
    tpu.enqueue_dma source(%dma_start3A_1952 : memref<1024xf32, #tpu.memory_space<vmem>>) target(%dma_start3A_1950 : memref<1024xf32, #tpu.memory_space<hbm>>) target_semaphore(%arg9 : memref<!tpu.dma_semaphore, #tpu.memory_space<semaphore_mem>>)
    %dma_start3A_1953 = arith.constant 57344 : i32
    %dma_start3A_1954 = tpu.memref_slice %arg7[%dma_start3A_1953] : memref<64512xf32, #tpu.memory_space<vmem>> -> memref<1024xf32, #tpu.memory_space<vmem>>
    %dma_start3A_1955 = tpu.memref_slice %arg4[%mul3A_1592] : memref<4128768xf32, #tpu.memory_space<hbm>> -> memref<1024xf32, #tpu.memory_space<hbm>>
    %dma_start3A_1956 = tpu.memref_slice %arg4[%mul3A_1592] : memref<4128768xf32, #tpu.memory_space<hbm>> -> memref<1024xf32, #tpu.memory_space<hbm>>
    %dma_start3A_1957 = arith.constant 57344 : i32
    %dma_start3A_1958 = tpu.memref_slice %arg7[%dma_start3A_1957] : memref<64512xf32, #tpu.memory_space<vmem>> -> memref<1024xf32, #tpu.memory_space<vmem>>
    tpu.enqueue_dma source(%dma_start3A_1958 : memref<1024xf32, #tpu.memory_space<vmem>>) target(%dma_start3A_1956 : memref<1024xf32, #tpu.memory_space<hbm>>) target_semaphore(%arg9 : memref<!tpu.dma_semaphore, #tpu.memory_space<semaphore_mem>>)
    %dma_start3A_1959 = arith.constant 58368 : i32
    %dma_start3A_1960 = tpu.memref_slice %arg7[%dma_start3A_1959] : memref<64512xf32, #tpu.memory_space<vmem>> -> memref<1024xf32, #tpu.memory_space<vmem>>
    %dma_start3A_1961 = tpu.memref_slice %arg4[%mul3A_1596] : memref<4128768xf32, #tpu.memory_space<hbm>> -> memref<1024xf32, #tpu.memory_space<hbm>>
    %dma_start3A_1962 = tpu.memref_slice %arg4[%mul3A_1596] : memref<4128768xf32, #tpu.memory_space<hbm>> -> memref<1024xf32, #tpu.memory_space<hbm>>
    %dma_start3A_1963 = arith.constant 58368 : i32
    %dma_start3A_1964 = tpu.memref_slice %arg7[%dma_start3A_1963] : memref<64512xf32, #tpu.memory_space<vmem>> -> memref<1024xf32, #tpu.memory_space<vmem>>
    tpu.enqueue_dma source(%dma_start3A_1964 : memref<1024xf32, #tpu.memory_space<vmem>>) target(%dma_start3A_1962 : memref<1024xf32, #tpu.memory_space<hbm>>) target_semaphore(%arg9 : memref<!tpu.dma_semaphore, #tpu.memory_space<semaphore_mem>>)
    %dma_start3A_1965 = arith.constant 59392 : i32
    %dma_start3A_1966 = tpu.memref_slice %arg7[%dma_start3A_1965] : memref<64512xf32, #tpu.memory_space<vmem>> -> memref<1024xf32, #tpu.memory_space<vmem>>
    %dma_start3A_1967 = tpu.memref_slice %arg4[%mul3A_1600] : memref<4128768xf32, #tpu.memory_space<hbm>> -> memref<1024xf32, #tpu.memory_space<hbm>>
    %dma_start3A_1968 = tpu.memref_slice %arg4[%mul3A_1600] : memref<4128768xf32, #tpu.memory_space<hbm>> -> memref<1024xf32, #tpu.memory_space<hbm>>
    %dma_start3A_1969 = arith.constant 59392 : i32
    %dma_start3A_1970 = tpu.memref_slice %arg7[%dma_start3A_1969] : memref<64512xf32, #tpu.memory_space<vmem>> -> memref<1024xf32, #tpu.memory_space<vmem>>
    tpu.enqueue_dma source(%dma_start3A_1970 : memref<1024xf32, #tpu.memory_space<vmem>>) target(%dma_start3A_1968 : memref<1024xf32, #tpu.memory_space<hbm>>) target_semaphore(%arg9 : memref<!tpu.dma_semaphore, #tpu.memory_space<semaphore_mem>>)
    %dma_start3A_1971 = arith.constant 60416 : i32
    %dma_start3A_1972 = tpu.memref_slice %arg7[%dma_start3A_1971] : memref<64512xf32, #tpu.memory_space<vmem>> -> memref<1024xf32, #tpu.memory_space<vmem>>
    %dma_start3A_1973 = tpu.memref_slice %arg4[%mul3A_1604] : memref<4128768xf32, #tpu.memory_space<hbm>> -> memref<1024xf32, #tpu.memory_space<hbm>>
    %dma_start3A_1974 = tpu.memref_slice %arg4[%mul3A_1604] : memref<4128768xf32, #tpu.memory_space<hbm>> -> memref<1024xf32, #tpu.memory_space<hbm>>
    %dma_start3A_1975 = arith.constant 60416 : i32
    %dma_start3A_1976 = tpu.memref_slice %arg7[%dma_start3A_1975] : memref<64512xf32, #tpu.memory_space<vmem>> -> memref<1024xf32, #tpu.memory_space<vmem>>
    tpu.enqueue_dma source(%dma_start3A_1976 : memref<1024xf32, #tpu.memory_space<vmem>>) target(%dma_start3A_1974 : memref<1024xf32, #tpu.memory_space<hbm>>) target_semaphore(%arg9 : memref<!tpu.dma_semaphore, #tpu.memory_space<semaphore_mem>>)
    %dma_start3A_1977 = arith.constant 61440 : i32
    %dma_start3A_1978 = tpu.memref_slice %arg7[%dma_start3A_1977] : memref<64512xf32, #tpu.memory_space<vmem>> -> memref<1024xf32, #tpu.memory_space<vmem>>
    %dma_start3A_1979 = tpu.memref_slice %arg4[%mul3A_1608] : memref<4128768xf32, #tpu.memory_space<hbm>> -> memref<1024xf32, #tpu.memory_space<hbm>>
    %dma_start3A_1980 = tpu.memref_slice %arg4[%mul3A_1608] : memref<4128768xf32, #tpu.memory_space<hbm>> -> memref<1024xf32, #tpu.memory_space<hbm>>
    %dma_start3A_1981 = arith.constant 61440 : i32
    %dma_start3A_1982 = tpu.memref_slice %arg7[%dma_start3A_1981] : memref<64512xf32, #tpu.memory_space<vmem>> -> memref<1024xf32, #tpu.memory_space<vmem>>
    tpu.enqueue_dma source(%dma_start3A_1982 : memref<1024xf32, #tpu.memory_space<vmem>>) target(%dma_start3A_1980 : memref<1024xf32, #tpu.memory_space<hbm>>) target_semaphore(%arg9 : memref<!tpu.dma_semaphore, #tpu.memory_space<semaphore_mem>>)
    %dma_start3A_1983 = arith.constant 62464 : i32
    %dma_start3A_1984 = tpu.memref_slice %arg7[%dma_start3A_1983] : memref<64512xf32, #tpu.memory_space<vmem>> -> memref<1024xf32, #tpu.memory_space<vmem>>
    %dma_start3A_1985 = tpu.memref_slice %arg4[%mul3A_1612] : memref<4128768xf32, #tpu.memory_space<hbm>> -> memref<1024xf32, #tpu.memory_space<hbm>>
    %dma_start3A_1986 = tpu.memref_slice %arg4[%mul3A_1612] : memref<4128768xf32, #tpu.memory_space<hbm>> -> memref<1024xf32, #tpu.memory_space<hbm>>
    %dma_start3A_1987 = arith.constant 62464 : i32
    %dma_start3A_1988 = tpu.memref_slice %arg7[%dma_start3A_1987] : memref<64512xf32, #tpu.memory_space<vmem>> -> memref<1024xf32, #tpu.memory_space<vmem>>
    tpu.enqueue_dma source(%dma_start3A_1988 : memref<1024xf32, #tpu.memory_space<vmem>>) target(%dma_start3A_1986 : memref<1024xf32, #tpu.memory_space<hbm>>) target_semaphore(%arg9 : memref<!tpu.dma_semaphore, #tpu.memory_space<semaphore_mem>>)
    %dma_start3A_1989 = arith.constant 63488 : i32
    %dma_start3A_1990 = tpu.memref_slice %arg7[%dma_start3A_1989] : memref<64512xf32, #tpu.memory_space<vmem>> -> memref<1024xf32, #tpu.memory_space<vmem>>
    %dma_start3A_1991 = tpu.memref_slice %arg4[%mul3A_1616] : memref<4128768xf32, #tpu.memory_space<hbm>> -> memref<1024xf32, #tpu.memory_space<hbm>>
    %dma_start3A_1992 = tpu.memref_slice %arg4[%mul3A_1616] : memref<4128768xf32, #tpu.memory_space<hbm>> -> memref<1024xf32, #tpu.memory_space<hbm>>
    %dma_start3A_1993 = arith.constant 63488 : i32
    %dma_start3A_1994 = tpu.memref_slice %arg7[%dma_start3A_1993] : memref<64512xf32, #tpu.memory_space<vmem>> -> memref<1024xf32, #tpu.memory_space<vmem>>
    tpu.enqueue_dma source(%dma_start3A_1994 : memref<1024xf32, #tpu.memory_space<vmem>>) target(%dma_start3A_1992 : memref<1024xf32, #tpu.memory_space<hbm>>) target_semaphore(%arg9 : memref<!tpu.dma_semaphore, #tpu.memory_space<semaphore_mem>>)
    %dma_wait3A_1995 = arith.constant 0 : i32
    %dma_wait3A_1996 = tpu.memref_slice %arg7[%dma_wait3A_1995] : memref<64512xf32, #tpu.memory_space<vmem>> -> memref<1024xf32, #tpu.memory_space<vmem>>
    %dma_wait3A_1997 = tpu.memref_slice %arg4[%mul3A_1368] : memref<4128768xf32, #tpu.memory_space<hbm>> -> memref<1024xf32, #tpu.memory_space<hbm>>
    %dma_wait3A_1998 = tpu.memref_slice %arg4[%mul3A_1368] : memref<4128768xf32, #tpu.memory_space<hbm>> -> memref<1024xf32, #tpu.memory_space<hbm>>
    %dma_wait3A_1999 = arith.constant 0 : i32
    %dma_wait3A_2000 = tpu.memref_slice %arg7[%dma_wait3A_1999] : memref<64512xf32, #tpu.memory_space<vmem>> -> memref<1024xf32, #tpu.memory_space<vmem>>
    tpu.wait_dma2 semaphore(%arg9 : memref<!tpu.dma_semaphore, #tpu.memory_space<semaphore_mem>>) src(%dma_wait3A_2000 : memref<1024xf32, #tpu.memory_space<vmem>>) dst(%dma_wait3A_1998 : memref<1024xf32, #tpu.memory_space<hbm>>)
    %dma_wait3A_2001 = arith.constant 1024 : i32
    %dma_wait3A_2002 = tpu.memref_slice %arg7[%dma_wait3A_2001] : memref<64512xf32, #tpu.memory_space<vmem>> -> memref<1024xf32, #tpu.memory_space<vmem>>
    %dma_wait3A_2003 = tpu.memref_slice %arg4[%mul3A_1372] : memref<4128768xf32, #tpu.memory_space<hbm>> -> memref<1024xf32, #tpu.memory_space<hbm>>
    %dma_wait3A_2004 = tpu.memref_slice %arg4[%mul3A_1372] : memref<4128768xf32, #tpu.memory_space<hbm>> -> memref<1024xf32, #tpu.memory_space<hbm>>
    %dma_wait3A_2005 = arith.constant 1024 : i32
    %dma_wait3A_2006 = tpu.memref_slice %arg7[%dma_wait3A_2005] : memref<64512xf32, #tpu.memory_space<vmem>> -> memref<1024xf32, #tpu.memory_space<vmem>>
    tpu.wait_dma2 semaphore(%arg9 : memref<!tpu.dma_semaphore, #tpu.memory_space<semaphore_mem>>) src(%dma_wait3A_2006 : memref<1024xf32, #tpu.memory_space<vmem>>) dst(%dma_wait3A_2004 : memref<1024xf32, #tpu.memory_space<hbm>>)
    %dma_wait3A_2007 = arith.constant 2048 : i32
    %dma_wait3A_2008 = tpu.memref_slice %arg7[%dma_wait3A_2007] : memref<64512xf32, #tpu.memory_space<vmem>> -> memref<1024xf32, #tpu.memory_space<vmem>>
    %dma_wait3A_2009 = tpu.memref_slice %arg4[%mul3A_1376] : memref<4128768xf32, #tpu.memory_space<hbm>> -> memref<1024xf32, #tpu.memory_space<hbm>>
    %dma_wait3A_2010 = tpu.memref_slice %arg4[%mul3A_1376] : memref<4128768xf32, #tpu.memory_space<hbm>> -> memref<1024xf32, #tpu.memory_space<hbm>>
    %dma_wait3A_2011 = arith.constant 2048 : i32
    %dma_wait3A_2012 = tpu.memref_slice %arg7[%dma_wait3A_2011] : memref<64512xf32, #tpu.memory_space<vmem>> -> memref<1024xf32, #tpu.memory_space<vmem>>
    tpu.wait_dma2 semaphore(%arg9 : memref<!tpu.dma_semaphore, #tpu.memory_space<semaphore_mem>>) src(%dma_wait3A_2012 : memref<1024xf32, #tpu.memory_space<vmem>>) dst(%dma_wait3A_2010 : memref<1024xf32, #tpu.memory_space<hbm>>)
    %dma_wait3A_2013 = arith.constant 3072 : i32
    %dma_wait3A_2014 = tpu.memref_slice %arg7[%dma_wait3A_2013] : memref<64512xf32, #tpu.memory_space<vmem>> -> memref<1024xf32, #tpu.memory_space<vmem>>
    %dma_wait3A_2015 = tpu.memref_slice %arg4[%mul3A_1380] : memref<4128768xf32, #tpu.memory_space<hbm>> -> memref<1024xf32, #tpu.memory_space<hbm>>
    %dma_wait3A_2016 = tpu.memref_slice %arg4[%mul3A_1380] : memref<4128768xf32, #tpu.memory_space<hbm>> -> memref<1024xf32, #tpu.memory_space<hbm>>
    %dma_wait3A_2017 = arith.constant 3072 : i32
    %dma_wait3A_2018 = tpu.memref_slice %arg7[%dma_wait3A_2017] : memref<64512xf32, #tpu.memory_space<vmem>> -> memref<1024xf32, #tpu.memory_space<vmem>>
    tpu.wait_dma2 semaphore(%arg9 : memref<!tpu.dma_semaphore, #tpu.memory_space<semaphore_mem>>) src(%dma_wait3A_2018 : memref<1024xf32, #tpu.memory_space<vmem>>) dst(%dma_wait3A_2016 : memref<1024xf32, #tpu.memory_space<hbm>>)
    %dma_wait3A_2019 = arith.constant 4096 : i32
    %dma_wait3A_2020 = tpu.memref_slice %arg7[%dma_wait3A_2019] : memref<64512xf32, #tpu.memory_space<vmem>> -> memref<1024xf32, #tpu.memory_space<vmem>>
    %dma_wait3A_2021 = tpu.memref_slice %arg4[%mul3A_1384] : memref<4128768xf32, #tpu.memory_space<hbm>> -> memref<1024xf32, #tpu.memory_space<hbm>>
    %dma_wait3A_2022 = tpu.memref_slice %arg4[%mul3A_1384] : memref<4128768xf32, #tpu.memory_space<hbm>> -> memref<1024xf32, #tpu.memory_space<hbm>>
    %dma_wait3A_2023 = arith.constant 4096 : i32
    %dma_wait3A_2024 = tpu.memref_slice %arg7[%dma_wait3A_2023] : memref<64512xf32, #tpu.memory_space<vmem>> -> memref<1024xf32, #tpu.memory_space<vmem>>
    tpu.wait_dma2 semaphore(%arg9 : memref<!tpu.dma_semaphore, #tpu.memory_space<semaphore_mem>>) src(%dma_wait3A_2024 : memref<1024xf32, #tpu.memory_space<vmem>>) dst(%dma_wait3A_2022 : memref<1024xf32, #tpu.memory_space<hbm>>)
    %dma_wait3A_2025 = arith.constant 5120 : i32
    %dma_wait3A_2026 = tpu.memref_slice %arg7[%dma_wait3A_2025] : memref<64512xf32, #tpu.memory_space<vmem>> -> memref<1024xf32, #tpu.memory_space<vmem>>
    %dma_wait3A_2027 = tpu.memref_slice %arg4[%mul3A_1388] : memref<4128768xf32, #tpu.memory_space<hbm>> -> memref<1024xf32, #tpu.memory_space<hbm>>
    %dma_wait3A_2028 = tpu.memref_slice %arg4[%mul3A_1388] : memref<4128768xf32, #tpu.memory_space<hbm>> -> memref<1024xf32, #tpu.memory_space<hbm>>
    %dma_wait3A_2029 = arith.constant 5120 : i32
    %dma_wait3A_2030 = tpu.memref_slice %arg7[%dma_wait3A_2029] : memref<64512xf32, #tpu.memory_space<vmem>> -> memref<1024xf32, #tpu.memory_space<vmem>>
    tpu.wait_dma2 semaphore(%arg9 : memref<!tpu.dma_semaphore, #tpu.memory_space<semaphore_mem>>) src(%dma_wait3A_2030 : memref<1024xf32, #tpu.memory_space<vmem>>) dst(%dma_wait3A_2028 : memref<1024xf32, #tpu.memory_space<hbm>>)
    %dma_wait3A_2031 = arith.constant 6144 : i32
    %dma_wait3A_2032 = tpu.memref_slice %arg7[%dma_wait3A_2031] : memref<64512xf32, #tpu.memory_space<vmem>> -> memref<1024xf32, #tpu.memory_space<vmem>>
    %dma_wait3A_2033 = tpu.memref_slice %arg4[%mul3A_1392] : memref<4128768xf32, #tpu.memory_space<hbm>> -> memref<1024xf32, #tpu.memory_space<hbm>>
    %dma_wait3A_2034 = tpu.memref_slice %arg4[%mul3A_1392] : memref<4128768xf32, #tpu.memory_space<hbm>> -> memref<1024xf32, #tpu.memory_space<hbm>>
    %dma_wait3A_2035 = arith.constant 6144 : i32
    %dma_wait3A_2036 = tpu.memref_slice %arg7[%dma_wait3A_2035] : memref<64512xf32, #tpu.memory_space<vmem>> -> memref<1024xf32, #tpu.memory_space<vmem>>
    tpu.wait_dma2 semaphore(%arg9 : memref<!tpu.dma_semaphore, #tpu.memory_space<semaphore_mem>>) src(%dma_wait3A_2036 : memref<1024xf32, #tpu.memory_space<vmem>>) dst(%dma_wait3A_2034 : memref<1024xf32, #tpu.memory_space<hbm>>)
    %dma_wait3A_2037 = arith.constant 7168 : i32
    %dma_wait3A_2038 = tpu.memref_slice %arg7[%dma_wait3A_2037] : memref<64512xf32, #tpu.memory_space<vmem>> -> memref<1024xf32, #tpu.memory_space<vmem>>
    %dma_wait3A_2039 = tpu.memref_slice %arg4[%mul3A_1396] : memref<4128768xf32, #tpu.memory_space<hbm>> -> memref<1024xf32, #tpu.memory_space<hbm>>
    %dma_wait3A_2040 = tpu.memref_slice %arg4[%mul3A_1396] : memref<4128768xf32, #tpu.memory_space<hbm>> -> memref<1024xf32, #tpu.memory_space<hbm>>
    %dma_wait3A_2041 = arith.constant 7168 : i32
    %dma_wait3A_2042 = tpu.memref_slice %arg7[%dma_wait3A_2041] : memref<64512xf32, #tpu.memory_space<vmem>> -> memref<1024xf32, #tpu.memory_space<vmem>>
    tpu.wait_dma2 semaphore(%arg9 : memref<!tpu.dma_semaphore, #tpu.memory_space<semaphore_mem>>) src(%dma_wait3A_2042 : memref<1024xf32, #tpu.memory_space<vmem>>) dst(%dma_wait3A_2040 : memref<1024xf32, #tpu.memory_space<hbm>>)
    %dma_wait3A_2043 = arith.constant 8192 : i32
    %dma_wait3A_2044 = tpu.memref_slice %arg7[%dma_wait3A_2043] : memref<64512xf32, #tpu.memory_space<vmem>> -> memref<1024xf32, #tpu.memory_space<vmem>>
    %dma_wait3A_2045 = tpu.memref_slice %arg4[%mul3A_1400] : memref<4128768xf32, #tpu.memory_space<hbm>> -> memref<1024xf32, #tpu.memory_space<hbm>>
    %dma_wait3A_2046 = tpu.memref_slice %arg4[%mul3A_1400] : memref<4128768xf32, #tpu.memory_space<hbm>> -> memref<1024xf32, #tpu.memory_space<hbm>>
    %dma_wait3A_2047 = arith.constant 8192 : i32
    %dma_wait3A_2048 = tpu.memref_slice %arg7[%dma_wait3A_2047] : memref<64512xf32, #tpu.memory_space<vmem>> -> memref<1024xf32, #tpu.memory_space<vmem>>
    tpu.wait_dma2 semaphore(%arg9 : memref<!tpu.dma_semaphore, #tpu.memory_space<semaphore_mem>>) src(%dma_wait3A_2048 : memref<1024xf32, #tpu.memory_space<vmem>>) dst(%dma_wait3A_2046 : memref<1024xf32, #tpu.memory_space<hbm>>)
    %dma_wait3A_2049 = arith.constant 9216 : i32
    %dma_wait3A_2050 = tpu.memref_slice %arg7[%dma_wait3A_2049] : memref<64512xf32, #tpu.memory_space<vmem>> -> memref<1024xf32, #tpu.memory_space<vmem>>
    %dma_wait3A_2051 = tpu.memref_slice %arg4[%mul3A_1404] : memref<4128768xf32, #tpu.memory_space<hbm>> -> memref<1024xf32, #tpu.memory_space<hbm>>
    %dma_wait3A_2052 = tpu.memref_slice %arg4[%mul3A_1404] : memref<4128768xf32, #tpu.memory_space<hbm>> -> memref<1024xf32, #tpu.memory_space<hbm>>
    %dma_wait3A_2053 = arith.constant 9216 : i32
    %dma_wait3A_2054 = tpu.memref_slice %arg7[%dma_wait3A_2053] : memref<64512xf32, #tpu.memory_space<vmem>> -> memref<1024xf32, #tpu.memory_space<vmem>>
    tpu.wait_dma2 semaphore(%arg9 : memref<!tpu.dma_semaphore, #tpu.memory_space<semaphore_mem>>) src(%dma_wait3A_2054 : memref<1024xf32, #tpu.memory_space<vmem>>) dst(%dma_wait3A_2052 : memref<1024xf32, #tpu.memory_space<hbm>>)
    %dma_wait3A_2055 = arith.constant 10240 : i32
    %dma_wait3A_2056 = tpu.memref_slice %arg7[%dma_wait3A_2055] : memref<64512xf32, #tpu.memory_space<vmem>> -> memref<1024xf32, #tpu.memory_space<vmem>>
    %dma_wait3A_2057 = tpu.memref_slice %arg4[%mul3A_1408] : memref<4128768xf32, #tpu.memory_space<hbm>> -> memref<1024xf32, #tpu.memory_space<hbm>>
    %dma_wait3A_2058 = tpu.memref_slice %arg4[%mul3A_1408] : memref<4128768xf32, #tpu.memory_space<hbm>> -> memref<1024xf32, #tpu.memory_space<hbm>>
    %dma_wait3A_2059 = arith.constant 10240 : i32
    %dma_wait3A_2060 = tpu.memref_slice %arg7[%dma_wait3A_2059] : memref<64512xf32, #tpu.memory_space<vmem>> -> memref<1024xf32, #tpu.memory_space<vmem>>
    tpu.wait_dma2 semaphore(%arg9 : memref<!tpu.dma_semaphore, #tpu.memory_space<semaphore_mem>>) src(%dma_wait3A_2060 : memref<1024xf32, #tpu.memory_space<vmem>>) dst(%dma_wait3A_2058 : memref<1024xf32, #tpu.memory_space<hbm>>)
    %dma_wait3A_2061 = arith.constant 11264 : i32
    %dma_wait3A_2062 = tpu.memref_slice %arg7[%dma_wait3A_2061] : memref<64512xf32, #tpu.memory_space<vmem>> -> memref<1024xf32, #tpu.memory_space<vmem>>
    %dma_wait3A_2063 = tpu.memref_slice %arg4[%mul3A_1412] : memref<4128768xf32, #tpu.memory_space<hbm>> -> memref<1024xf32, #tpu.memory_space<hbm>>
    %dma_wait3A_2064 = tpu.memref_slice %arg4[%mul3A_1412] : memref<4128768xf32, #tpu.memory_space<hbm>> -> memref<1024xf32, #tpu.memory_space<hbm>>
    %dma_wait3A_2065 = arith.constant 11264 : i32
    %dma_wait3A_2066 = tpu.memref_slice %arg7[%dma_wait3A_2065] : memref<64512xf32, #tpu.memory_space<vmem>> -> memref<1024xf32, #tpu.memory_space<vmem>>
    tpu.wait_dma2 semaphore(%arg9 : memref<!tpu.dma_semaphore, #tpu.memory_space<semaphore_mem>>) src(%dma_wait3A_2066 : memref<1024xf32, #tpu.memory_space<vmem>>) dst(%dma_wait3A_2064 : memref<1024xf32, #tpu.memory_space<hbm>>)
    %dma_wait3A_2067 = arith.constant 12288 : i32
    %dma_wait3A_2068 = tpu.memref_slice %arg7[%dma_wait3A_2067] : memref<64512xf32, #tpu.memory_space<vmem>> -> memref<1024xf32, #tpu.memory_space<vmem>>
    %dma_wait3A_2069 = tpu.memref_slice %arg4[%mul3A_1416] : memref<4128768xf32, #tpu.memory_space<hbm>> -> memref<1024xf32, #tpu.memory_space<hbm>>
    %dma_wait3A_2070 = tpu.memref_slice %arg4[%mul3A_1416] : memref<4128768xf32, #tpu.memory_space<hbm>> -> memref<1024xf32, #tpu.memory_space<hbm>>
    %dma_wait3A_2071 = arith.constant 12288 : i32
    %dma_wait3A_2072 = tpu.memref_slice %arg7[%dma_wait3A_2071] : memref<64512xf32, #tpu.memory_space<vmem>> -> memref<1024xf32, #tpu.memory_space<vmem>>
    tpu.wait_dma2 semaphore(%arg9 : memref<!tpu.dma_semaphore, #tpu.memory_space<semaphore_mem>>) src(%dma_wait3A_2072 : memref<1024xf32, #tpu.memory_space<vmem>>) dst(%dma_wait3A_2070 : memref<1024xf32, #tpu.memory_space<hbm>>)
    %dma_wait3A_2073 = arith.constant 13312 : i32
    %dma_wait3A_2074 = tpu.memref_slice %arg7[%dma_wait3A_2073] : memref<64512xf32, #tpu.memory_space<vmem>> -> memref<1024xf32, #tpu.memory_space<vmem>>
    %dma_wait3A_2075 = tpu.memref_slice %arg4[%mul3A_1420] : memref<4128768xf32, #tpu.memory_space<hbm>> -> memref<1024xf32, #tpu.memory_space<hbm>>
    %dma_wait3A_2076 = tpu.memref_slice %arg4[%mul3A_1420] : memref<4128768xf32, #tpu.memory_space<hbm>> -> memref<1024xf32, #tpu.memory_space<hbm>>
    %dma_wait3A_2077 = arith.constant 13312 : i32
    %dma_wait3A_2078 = tpu.memref_slice %arg7[%dma_wait3A_2077] : memref<64512xf32, #tpu.memory_space<vmem>> -> memref<1024xf32, #tpu.memory_space<vmem>>
    tpu.wait_dma2 semaphore(%arg9 : memref<!tpu.dma_semaphore, #tpu.memory_space<semaphore_mem>>) src(%dma_wait3A_2078 : memref<1024xf32, #tpu.memory_space<vmem>>) dst(%dma_wait3A_2076 : memref<1024xf32, #tpu.memory_space<hbm>>)
    %dma_wait3A_2079 = arith.constant 14336 : i32
    %dma_wait3A_2080 = tpu.memref_slice %arg7[%dma_wait3A_2079] : memref<64512xf32, #tpu.memory_space<vmem>> -> memref<1024xf32, #tpu.memory_space<vmem>>
    %dma_wait3A_2081 = tpu.memref_slice %arg4[%mul3A_1424] : memref<4128768xf32, #tpu.memory_space<hbm>> -> memref<1024xf32, #tpu.memory_space<hbm>>
    %dma_wait3A_2082 = tpu.memref_slice %arg4[%mul3A_1424] : memref<4128768xf32, #tpu.memory_space<hbm>> -> memref<1024xf32, #tpu.memory_space<hbm>>
    %dma_wait3A_2083 = arith.constant 14336 : i32
    %dma_wait3A_2084 = tpu.memref_slice %arg7[%dma_wait3A_2083] : memref<64512xf32, #tpu.memory_space<vmem>> -> memref<1024xf32, #tpu.memory_space<vmem>>
    tpu.wait_dma2 semaphore(%arg9 : memref<!tpu.dma_semaphore, #tpu.memory_space<semaphore_mem>>) src(%dma_wait3A_2084 : memref<1024xf32, #tpu.memory_space<vmem>>) dst(%dma_wait3A_2082 : memref<1024xf32, #tpu.memory_space<hbm>>)
    %dma_wait3A_2085 = arith.constant 15360 : i32
    %dma_wait3A_2086 = tpu.memref_slice %arg7[%dma_wait3A_2085] : memref<64512xf32, #tpu.memory_space<vmem>> -> memref<1024xf32, #tpu.memory_space<vmem>>
    %dma_wait3A_2087 = tpu.memref_slice %arg4[%mul3A_1428] : memref<4128768xf32, #tpu.memory_space<hbm>> -> memref<1024xf32, #tpu.memory_space<hbm>>
    %dma_wait3A_2088 = tpu.memref_slice %arg4[%mul3A_1428] : memref<4128768xf32, #tpu.memory_space<hbm>> -> memref<1024xf32, #tpu.memory_space<hbm>>
    %dma_wait3A_2089 = arith.constant 15360 : i32
    %dma_wait3A_2090 = tpu.memref_slice %arg7[%dma_wait3A_2089] : memref<64512xf32, #tpu.memory_space<vmem>> -> memref<1024xf32, #tpu.memory_space<vmem>>
    tpu.wait_dma2 semaphore(%arg9 : memref<!tpu.dma_semaphore, #tpu.memory_space<semaphore_mem>>) src(%dma_wait3A_2090 : memref<1024xf32, #tpu.memory_space<vmem>>) dst(%dma_wait3A_2088 : memref<1024xf32, #tpu.memory_space<hbm>>)
    %dma_wait3A_2091 = arith.constant 16384 : i32
    %dma_wait3A_2092 = tpu.memref_slice %arg7[%dma_wait3A_2091] : memref<64512xf32, #tpu.memory_space<vmem>> -> memref<1024xf32, #tpu.memory_space<vmem>>
    %dma_wait3A_2093 = tpu.memref_slice %arg4[%mul3A_1432] : memref<4128768xf32, #tpu.memory_space<hbm>> -> memref<1024xf32, #tpu.memory_space<hbm>>
    %dma_wait3A_2094 = tpu.memref_slice %arg4[%mul3A_1432] : memref<4128768xf32, #tpu.memory_space<hbm>> -> memref<1024xf32, #tpu.memory_space<hbm>>
    %dma_wait3A_2095 = arith.constant 16384 : i32
    %dma_wait3A_2096 = tpu.memref_slice %arg7[%dma_wait3A_2095] : memref<64512xf32, #tpu.memory_space<vmem>> -> memref<1024xf32, #tpu.memory_space<vmem>>
    tpu.wait_dma2 semaphore(%arg9 : memref<!tpu.dma_semaphore, #tpu.memory_space<semaphore_mem>>) src(%dma_wait3A_2096 : memref<1024xf32, #tpu.memory_space<vmem>>) dst(%dma_wait3A_2094 : memref<1024xf32, #tpu.memory_space<hbm>>)
    %dma_wait3A_2097 = arith.constant 17408 : i32
    %dma_wait3A_2098 = tpu.memref_slice %arg7[%dma_wait3A_2097] : memref<64512xf32, #tpu.memory_space<vmem>> -> memref<1024xf32, #tpu.memory_space<vmem>>
    %dma_wait3A_2099 = tpu.memref_slice %arg4[%mul3A_1436] : memref<4128768xf32, #tpu.memory_space<hbm>> -> memref<1024xf32, #tpu.memory_space<hbm>>
    %dma_wait3A_2100 = tpu.memref_slice %arg4[%mul3A_1436] : memref<4128768xf32, #tpu.memory_space<hbm>> -> memref<1024xf32, #tpu.memory_space<hbm>>
    %dma_wait3A_2101 = arith.constant 17408 : i32
    %dma_wait3A_2102 = tpu.memref_slice %arg7[%dma_wait3A_2101] : memref<64512xf32, #tpu.memory_space<vmem>> -> memref<1024xf32, #tpu.memory_space<vmem>>
    tpu.wait_dma2 semaphore(%arg9 : memref<!tpu.dma_semaphore, #tpu.memory_space<semaphore_mem>>) src(%dma_wait3A_2102 : memref<1024xf32, #tpu.memory_space<vmem>>) dst(%dma_wait3A_2100 : memref<1024xf32, #tpu.memory_space<hbm>>)
    %dma_wait3A_2103 = arith.constant 18432 : i32
    %dma_wait3A_2104 = tpu.memref_slice %arg7[%dma_wait3A_2103] : memref<64512xf32, #tpu.memory_space<vmem>> -> memref<1024xf32, #tpu.memory_space<vmem>>
    %dma_wait3A_2105 = tpu.memref_slice %arg4[%mul3A_1440] : memref<4128768xf32, #tpu.memory_space<hbm>> -> memref<1024xf32, #tpu.memory_space<hbm>>
    %dma_wait3A_2106 = tpu.memref_slice %arg4[%mul3A_1440] : memref<4128768xf32, #tpu.memory_space<hbm>> -> memref<1024xf32, #tpu.memory_space<hbm>>
    %dma_wait3A_2107 = arith.constant 18432 : i32
    %dma_wait3A_2108 = tpu.memref_slice %arg7[%dma_wait3A_2107] : memref<64512xf32, #tpu.memory_space<vmem>> -> memref<1024xf32, #tpu.memory_space<vmem>>
    tpu.wait_dma2 semaphore(%arg9 : memref<!tpu.dma_semaphore, #tpu.memory_space<semaphore_mem>>) src(%dma_wait3A_2108 : memref<1024xf32, #tpu.memory_space<vmem>>) dst(%dma_wait3A_2106 : memref<1024xf32, #tpu.memory_space<hbm>>)
    %dma_wait3A_2109 = arith.constant 19456 : i32
    %dma_wait3A_2110 = tpu.memref_slice %arg7[%dma_wait3A_2109] : memref<64512xf32, #tpu.memory_space<vmem>> -> memref<1024xf32, #tpu.memory_space<vmem>>
    %dma_wait3A_2111 = tpu.memref_slice %arg4[%mul3A_1444] : memref<4128768xf32, #tpu.memory_space<hbm>> -> memref<1024xf32, #tpu.memory_space<hbm>>
    %dma_wait3A_2112 = tpu.memref_slice %arg4[%mul3A_1444] : memref<4128768xf32, #tpu.memory_space<hbm>> -> memref<1024xf32, #tpu.memory_space<hbm>>
    %dma_wait3A_2113 = arith.constant 19456 : i32
    %dma_wait3A_2114 = tpu.memref_slice %arg7[%dma_wait3A_2113] : memref<64512xf32, #tpu.memory_space<vmem>> -> memref<1024xf32, #tpu.memory_space<vmem>>
    tpu.wait_dma2 semaphore(%arg9 : memref<!tpu.dma_semaphore, #tpu.memory_space<semaphore_mem>>) src(%dma_wait3A_2114 : memref<1024xf32, #tpu.memory_space<vmem>>) dst(%dma_wait3A_2112 : memref<1024xf32, #tpu.memory_space<hbm>>)
    %dma_wait3A_2115 = arith.constant 20480 : i32
    %dma_wait3A_2116 = tpu.memref_slice %arg7[%dma_wait3A_2115] : memref<64512xf32, #tpu.memory_space<vmem>> -> memref<1024xf32, #tpu.memory_space<vmem>>
    %dma_wait3A_2117 = tpu.memref_slice %arg4[%mul3A_1448] : memref<4128768xf32, #tpu.memory_space<hbm>> -> memref<1024xf32, #tpu.memory_space<hbm>>
    %dma_wait3A_2118 = tpu.memref_slice %arg4[%mul3A_1448] : memref<4128768xf32, #tpu.memory_space<hbm>> -> memref<1024xf32, #tpu.memory_space<hbm>>
    %dma_wait3A_2119 = arith.constant 20480 : i32
    %dma_wait3A_2120 = tpu.memref_slice %arg7[%dma_wait3A_2119] : memref<64512xf32, #tpu.memory_space<vmem>> -> memref<1024xf32, #tpu.memory_space<vmem>>
    tpu.wait_dma2 semaphore(%arg9 : memref<!tpu.dma_semaphore, #tpu.memory_space<semaphore_mem>>) src(%dma_wait3A_2120 : memref<1024xf32, #tpu.memory_space<vmem>>) dst(%dma_wait3A_2118 : memref<1024xf32, #tpu.memory_space<hbm>>)
    %dma_wait3A_2121 = arith.constant 21504 : i32
    %dma_wait3A_2122 = tpu.memref_slice %arg7[%dma_wait3A_2121] : memref<64512xf32, #tpu.memory_space<vmem>> -> memref<1024xf32, #tpu.memory_space<vmem>>
    %dma_wait3A_2123 = tpu.memref_slice %arg4[%mul3A_1452] : memref<4128768xf32, #tpu.memory_space<hbm>> -> memref<1024xf32, #tpu.memory_space<hbm>>
    %dma_wait3A_2124 = tpu.memref_slice %arg4[%mul3A_1452] : memref<4128768xf32, #tpu.memory_space<hbm>> -> memref<1024xf32, #tpu.memory_space<hbm>>
    %dma_wait3A_2125 = arith.constant 21504 : i32
    %dma_wait3A_2126 = tpu.memref_slice %arg7[%dma_wait3A_2125] : memref<64512xf32, #tpu.memory_space<vmem>> -> memref<1024xf32, #tpu.memory_space<vmem>>
    tpu.wait_dma2 semaphore(%arg9 : memref<!tpu.dma_semaphore, #tpu.memory_space<semaphore_mem>>) src(%dma_wait3A_2126 : memref<1024xf32, #tpu.memory_space<vmem>>) dst(%dma_wait3A_2124 : memref<1024xf32, #tpu.memory_space<hbm>>)
    %dma_wait3A_2127 = arith.constant 22528 : i32
    %dma_wait3A_2128 = tpu.memref_slice %arg7[%dma_wait3A_2127] : memref<64512xf32, #tpu.memory_space<vmem>> -> memref<1024xf32, #tpu.memory_space<vmem>>
    %dma_wait3A_2129 = tpu.memref_slice %arg4[%mul3A_1456] : memref<4128768xf32, #tpu.memory_space<hbm>> -> memref<1024xf32, #tpu.memory_space<hbm>>
    %dma_wait3A_2130 = tpu.memref_slice %arg4[%mul3A_1456] : memref<4128768xf32, #tpu.memory_space<hbm>> -> memref<1024xf32, #tpu.memory_space<hbm>>
    %dma_wait3A_2131 = arith.constant 22528 : i32
    %dma_wait3A_2132 = tpu.memref_slice %arg7[%dma_wait3A_2131] : memref<64512xf32, #tpu.memory_space<vmem>> -> memref<1024xf32, #tpu.memory_space<vmem>>
    tpu.wait_dma2 semaphore(%arg9 : memref<!tpu.dma_semaphore, #tpu.memory_space<semaphore_mem>>) src(%dma_wait3A_2132 : memref<1024xf32, #tpu.memory_space<vmem>>) dst(%dma_wait3A_2130 : memref<1024xf32, #tpu.memory_space<hbm>>)
    %dma_wait3A_2133 = arith.constant 23552 : i32
    %dma_wait3A_2134 = tpu.memref_slice %arg7[%dma_wait3A_2133] : memref<64512xf32, #tpu.memory_space<vmem>> -> memref<1024xf32, #tpu.memory_space<vmem>>
    %dma_wait3A_2135 = tpu.memref_slice %arg4[%mul3A_1460] : memref<4128768xf32, #tpu.memory_space<hbm>> -> memref<1024xf32, #tpu.memory_space<hbm>>
    %dma_wait3A_2136 = tpu.memref_slice %arg4[%mul3A_1460] : memref<4128768xf32, #tpu.memory_space<hbm>> -> memref<1024xf32, #tpu.memory_space<hbm>>
    %dma_wait3A_2137 = arith.constant 23552 : i32
    %dma_wait3A_2138 = tpu.memref_slice %arg7[%dma_wait3A_2137] : memref<64512xf32, #tpu.memory_space<vmem>> -> memref<1024xf32, #tpu.memory_space<vmem>>
    tpu.wait_dma2 semaphore(%arg9 : memref<!tpu.dma_semaphore, #tpu.memory_space<semaphore_mem>>) src(%dma_wait3A_2138 : memref<1024xf32, #tpu.memory_space<vmem>>) dst(%dma_wait3A_2136 : memref<1024xf32, #tpu.memory_space<hbm>>)
    %dma_wait3A_2139 = arith.constant 24576 : i32
    %dma_wait3A_2140 = tpu.memref_slice %arg7[%dma_wait3A_2139] : memref<64512xf32, #tpu.memory_space<vmem>> -> memref<1024xf32, #tpu.memory_space<vmem>>
    %dma_wait3A_2141 = tpu.memref_slice %arg4[%mul3A_1464] : memref<4128768xf32, #tpu.memory_space<hbm>> -> memref<1024xf32, #tpu.memory_space<hbm>>
    %dma_wait3A_2142 = tpu.memref_slice %arg4[%mul3A_1464] : memref<4128768xf32, #tpu.memory_space<hbm>> -> memref<1024xf32, #tpu.memory_space<hbm>>
    %dma_wait3A_2143 = arith.constant 24576 : i32
    %dma_wait3A_2144 = tpu.memref_slice %arg7[%dma_wait3A_2143] : memref<64512xf32, #tpu.memory_space<vmem>> -> memref<1024xf32, #tpu.memory_space<vmem>>
    tpu.wait_dma2 semaphore(%arg9 : memref<!tpu.dma_semaphore, #tpu.memory_space<semaphore_mem>>) src(%dma_wait3A_2144 : memref<1024xf32, #tpu.memory_space<vmem>>) dst(%dma_wait3A_2142 : memref<1024xf32, #tpu.memory_space<hbm>>)
    %dma_wait3A_2145 = arith.constant 25600 : i32
    %dma_wait3A_2146 = tpu.memref_slice %arg7[%dma_wait3A_2145] : memref<64512xf32, #tpu.memory_space<vmem>> -> memref<1024xf32, #tpu.memory_space<vmem>>
    %dma_wait3A_2147 = tpu.memref_slice %arg4[%mul3A_1468] : memref<4128768xf32, #tpu.memory_space<hbm>> -> memref<1024xf32, #tpu.memory_space<hbm>>
    %dma_wait3A_2148 = tpu.memref_slice %arg4[%mul3A_1468] : memref<4128768xf32, #tpu.memory_space<hbm>> -> memref<1024xf32, #tpu.memory_space<hbm>>
    %dma_wait3A_2149 = arith.constant 25600 : i32
    %dma_wait3A_2150 = tpu.memref_slice %arg7[%dma_wait3A_2149] : memref<64512xf32, #tpu.memory_space<vmem>> -> memref<1024xf32, #tpu.memory_space<vmem>>
    tpu.wait_dma2 semaphore(%arg9 : memref<!tpu.dma_semaphore, #tpu.memory_space<semaphore_mem>>) src(%dma_wait3A_2150 : memref<1024xf32, #tpu.memory_space<vmem>>) dst(%dma_wait3A_2148 : memref<1024xf32, #tpu.memory_space<hbm>>)
    %dma_wait3A_2151 = arith.constant 26624 : i32
    %dma_wait3A_2152 = tpu.memref_slice %arg7[%dma_wait3A_2151] : memref<64512xf32, #tpu.memory_space<vmem>> -> memref<1024xf32, #tpu.memory_space<vmem>>
    %dma_wait3A_2153 = tpu.memref_slice %arg4[%mul3A_1472] : memref<4128768xf32, #tpu.memory_space<hbm>> -> memref<1024xf32, #tpu.memory_space<hbm>>
    %dma_wait3A_2154 = tpu.memref_slice %arg4[%mul3A_1472] : memref<4128768xf32, #tpu.memory_space<hbm>> -> memref<1024xf32, #tpu.memory_space<hbm>>
    %dma_wait3A_2155 = arith.constant 26624 : i32
    %dma_wait3A_2156 = tpu.memref_slice %arg7[%dma_wait3A_2155] : memref<64512xf32, #tpu.memory_space<vmem>> -> memref<1024xf32, #tpu.memory_space<vmem>>
    tpu.wait_dma2 semaphore(%arg9 : memref<!tpu.dma_semaphore, #tpu.memory_space<semaphore_mem>>) src(%dma_wait3A_2156 : memref<1024xf32, #tpu.memory_space<vmem>>) dst(%dma_wait3A_2154 : memref<1024xf32, #tpu.memory_space<hbm>>)
    %dma_wait3A_2157 = arith.constant 27648 : i32
    %dma_wait3A_2158 = tpu.memref_slice %arg7[%dma_wait3A_2157] : memref<64512xf32, #tpu.memory_space<vmem>> -> memref<1024xf32, #tpu.memory_space<vmem>>
    %dma_wait3A_2159 = tpu.memref_slice %arg4[%mul3A_1476] : memref<4128768xf32, #tpu.memory_space<hbm>> -> memref<1024xf32, #tpu.memory_space<hbm>>
    %dma_wait3A_2160 = tpu.memref_slice %arg4[%mul3A_1476] : memref<4128768xf32, #tpu.memory_space<hbm>> -> memref<1024xf32, #tpu.memory_space<hbm>>
    %dma_wait3A_2161 = arith.constant 27648 : i32
    %dma_wait3A_2162 = tpu.memref_slice %arg7[%dma_wait3A_2161] : memref<64512xf32, #tpu.memory_space<vmem>> -> memref<1024xf32, #tpu.memory_space<vmem>>
    tpu.wait_dma2 semaphore(%arg9 : memref<!tpu.dma_semaphore, #tpu.memory_space<semaphore_mem>>) src(%dma_wait3A_2162 : memref<1024xf32, #tpu.memory_space<vmem>>) dst(%dma_wait3A_2160 : memref<1024xf32, #tpu.memory_space<hbm>>)
    %dma_wait3A_2163 = arith.constant 28672 : i32
    %dma_wait3A_2164 = tpu.memref_slice %arg7[%dma_wait3A_2163] : memref<64512xf32, #tpu.memory_space<vmem>> -> memref<1024xf32, #tpu.memory_space<vmem>>
    %dma_wait3A_2165 = tpu.memref_slice %arg4[%mul3A_1480] : memref<4128768xf32, #tpu.memory_space<hbm>> -> memref<1024xf32, #tpu.memory_space<hbm>>
    %dma_wait3A_2166 = tpu.memref_slice %arg4[%mul3A_1480] : memref<4128768xf32, #tpu.memory_space<hbm>> -> memref<1024xf32, #tpu.memory_space<hbm>>
    %dma_wait3A_2167 = arith.constant 28672 : i32
    %dma_wait3A_2168 = tpu.memref_slice %arg7[%dma_wait3A_2167] : memref<64512xf32, #tpu.memory_space<vmem>> -> memref<1024xf32, #tpu.memory_space<vmem>>
    tpu.wait_dma2 semaphore(%arg9 : memref<!tpu.dma_semaphore, #tpu.memory_space<semaphore_mem>>) src(%dma_wait3A_2168 : memref<1024xf32, #tpu.memory_space<vmem>>) dst(%dma_wait3A_2166 : memref<1024xf32, #tpu.memory_space<hbm>>)
    %dma_wait3A_2169 = arith.constant 29696 : i32
    %dma_wait3A_2170 = tpu.memref_slice %arg7[%dma_wait3A_2169] : memref<64512xf32, #tpu.memory_space<vmem>> -> memref<1024xf32, #tpu.memory_space<vmem>>
    %dma_wait3A_2171 = tpu.memref_slice %arg4[%mul3A_1484] : memref<4128768xf32, #tpu.memory_space<hbm>> -> memref<1024xf32, #tpu.memory_space<hbm>>
    %dma_wait3A_2172 = tpu.memref_slice %arg4[%mul3A_1484] : memref<4128768xf32, #tpu.memory_space<hbm>> -> memref<1024xf32, #tpu.memory_space<hbm>>
    %dma_wait3A_2173 = arith.constant 29696 : i32
    %dma_wait3A_2174 = tpu.memref_slice %arg7[%dma_wait3A_2173] : memref<64512xf32, #tpu.memory_space<vmem>> -> memref<1024xf32, #tpu.memory_space<vmem>>
    tpu.wait_dma2 semaphore(%arg9 : memref<!tpu.dma_semaphore, #tpu.memory_space<semaphore_mem>>) src(%dma_wait3A_2174 : memref<1024xf32, #tpu.memory_space<vmem>>) dst(%dma_wait3A_2172 : memref<1024xf32, #tpu.memory_space<hbm>>)
    %dma_wait3A_2175 = arith.constant 30720 : i32
    %dma_wait3A_2176 = tpu.memref_slice %arg7[%dma_wait3A_2175] : memref<64512xf32, #tpu.memory_space<vmem>> -> memref<1024xf32, #tpu.memory_space<vmem>>
    %dma_wait3A_2177 = tpu.memref_slice %arg4[%mul3A_1488] : memref<4128768xf32, #tpu.memory_space<hbm>> -> memref<1024xf32, #tpu.memory_space<hbm>>
    %dma_wait3A_2178 = tpu.memref_slice %arg4[%mul3A_1488] : memref<4128768xf32, #tpu.memory_space<hbm>> -> memref<1024xf32, #tpu.memory_space<hbm>>
    %dma_wait3A_2179 = arith.constant 30720 : i32
    %dma_wait3A_2180 = tpu.memref_slice %arg7[%dma_wait3A_2179] : memref<64512xf32, #tpu.memory_space<vmem>> -> memref<1024xf32, #tpu.memory_space<vmem>>
    tpu.wait_dma2 semaphore(%arg9 : memref<!tpu.dma_semaphore, #tpu.memory_space<semaphore_mem>>) src(%dma_wait3A_2180 : memref<1024xf32, #tpu.memory_space<vmem>>) dst(%dma_wait3A_2178 : memref<1024xf32, #tpu.memory_space<hbm>>)
    %dma_wait3A_2181 = arith.constant 31744 : i32
    %dma_wait3A_2182 = tpu.memref_slice %arg7[%dma_wait3A_2181] : memref<64512xf32, #tpu.memory_space<vmem>> -> memref<1024xf32, #tpu.memory_space<vmem>>
    %dma_wait3A_2183 = tpu.memref_slice %arg4[%mul3A_1492] : memref<4128768xf32, #tpu.memory_space<hbm>> -> memref<1024xf32, #tpu.memory_space<hbm>>
    %dma_wait3A_2184 = tpu.memref_slice %arg4[%mul3A_1492] : memref<4128768xf32, #tpu.memory_space<hbm>> -> memref<1024xf32, #tpu.memory_space<hbm>>
    %dma_wait3A_2185 = arith.constant 31744 : i32
    %dma_wait3A_2186 = tpu.memref_slice %arg7[%dma_wait3A_2185] : memref<64512xf32, #tpu.memory_space<vmem>> -> memref<1024xf32, #tpu.memory_space<vmem>>
    tpu.wait_dma2 semaphore(%arg9 : memref<!tpu.dma_semaphore, #tpu.memory_space<semaphore_mem>>) src(%dma_wait3A_2186 : memref<1024xf32, #tpu.memory_space<vmem>>) dst(%dma_wait3A_2184 : memref<1024xf32, #tpu.memory_space<hbm>>)
    %dma_wait3A_2187 = arith.constant 32768 : i32
    %dma_wait3A_2188 = tpu.memref_slice %arg7[%dma_wait3A_2187] : memref<64512xf32, #tpu.memory_space<vmem>> -> memref<1024xf32, #tpu.memory_space<vmem>>
    %dma_wait3A_2189 = tpu.memref_slice %arg4[%mul3A_1496] : memref<4128768xf32, #tpu.memory_space<hbm>> -> memref<1024xf32, #tpu.memory_space<hbm>>
    %dma_wait3A_2190 = tpu.memref_slice %arg4[%mul3A_1496] : memref<4128768xf32, #tpu.memory_space<hbm>> -> memref<1024xf32, #tpu.memory_space<hbm>>
    %dma_wait3A_2191 = arith.constant 32768 : i32
    %dma_wait3A_2192 = tpu.memref_slice %arg7[%dma_wait3A_2191] : memref<64512xf32, #tpu.memory_space<vmem>> -> memref<1024xf32, #tpu.memory_space<vmem>>
    tpu.wait_dma2 semaphore(%arg9 : memref<!tpu.dma_semaphore, #tpu.memory_space<semaphore_mem>>) src(%dma_wait3A_2192 : memref<1024xf32, #tpu.memory_space<vmem>>) dst(%dma_wait3A_2190 : memref<1024xf32, #tpu.memory_space<hbm>>)
    %dma_wait3A_2193 = arith.constant 33792 : i32
    %dma_wait3A_2194 = tpu.memref_slice %arg7[%dma_wait3A_2193] : memref<64512xf32, #tpu.memory_space<vmem>> -> memref<1024xf32, #tpu.memory_space<vmem>>
    %dma_wait3A_2195 = tpu.memref_slice %arg4[%mul3A_1500] : memref<4128768xf32, #tpu.memory_space<hbm>> -> memref<1024xf32, #tpu.memory_space<hbm>>
    %dma_wait3A_2196 = tpu.memref_slice %arg4[%mul3A_1500] : memref<4128768xf32, #tpu.memory_space<hbm>> -> memref<1024xf32, #tpu.memory_space<hbm>>
    %dma_wait3A_2197 = arith.constant 33792 : i32
    %dma_wait3A_2198 = tpu.memref_slice %arg7[%dma_wait3A_2197] : memref<64512xf32, #tpu.memory_space<vmem>> -> memref<1024xf32, #tpu.memory_space<vmem>>
    tpu.wait_dma2 semaphore(%arg9 : memref<!tpu.dma_semaphore, #tpu.memory_space<semaphore_mem>>) src(%dma_wait3A_2198 : memref<1024xf32, #tpu.memory_space<vmem>>) dst(%dma_wait3A_2196 : memref<1024xf32, #tpu.memory_space<hbm>>)
    %dma_wait3A_2199 = arith.constant 34816 : i32
    %dma_wait3A_2200 = tpu.memref_slice %arg7[%dma_wait3A_2199] : memref<64512xf32, #tpu.memory_space<vmem>> -> memref<1024xf32, #tpu.memory_space<vmem>>
    %dma_wait3A_2201 = tpu.memref_slice %arg4[%mul3A_1504] : memref<4128768xf32, #tpu.memory_space<hbm>> -> memref<1024xf32, #tpu.memory_space<hbm>>
    %dma_wait3A_2202 = tpu.memref_slice %arg4[%mul3A_1504] : memref<4128768xf32, #tpu.memory_space<hbm>> -> memref<1024xf32, #tpu.memory_space<hbm>>
    %dma_wait3A_2203 = arith.constant 34816 : i32
    %dma_wait3A_2204 = tpu.memref_slice %arg7[%dma_wait3A_2203] : memref<64512xf32, #tpu.memory_space<vmem>> -> memref<1024xf32, #tpu.memory_space<vmem>>
    tpu.wait_dma2 semaphore(%arg9 : memref<!tpu.dma_semaphore, #tpu.memory_space<semaphore_mem>>) src(%dma_wait3A_2204 : memref<1024xf32, #tpu.memory_space<vmem>>) dst(%dma_wait3A_2202 : memref<1024xf32, #tpu.memory_space<hbm>>)
    %dma_wait3A_2205 = arith.constant 35840 : i32
    %dma_wait3A_2206 = tpu.memref_slice %arg7[%dma_wait3A_2205] : memref<64512xf32, #tpu.memory_space<vmem>> -> memref<1024xf32, #tpu.memory_space<vmem>>
    %dma_wait3A_2207 = tpu.memref_slice %arg4[%mul3A_1508] : memref<4128768xf32, #tpu.memory_space<hbm>> -> memref<1024xf32, #tpu.memory_space<hbm>>
    %dma_wait3A_2208 = tpu.memref_slice %arg4[%mul3A_1508] : memref<4128768xf32, #tpu.memory_space<hbm>> -> memref<1024xf32, #tpu.memory_space<hbm>>
    %dma_wait3A_2209 = arith.constant 35840 : i32
    %dma_wait3A_2210 = tpu.memref_slice %arg7[%dma_wait3A_2209] : memref<64512xf32, #tpu.memory_space<vmem>> -> memref<1024xf32, #tpu.memory_space<vmem>>
    tpu.wait_dma2 semaphore(%arg9 : memref<!tpu.dma_semaphore, #tpu.memory_space<semaphore_mem>>) src(%dma_wait3A_2210 : memref<1024xf32, #tpu.memory_space<vmem>>) dst(%dma_wait3A_2208 : memref<1024xf32, #tpu.memory_space<hbm>>)
    %dma_wait3A_2211 = arith.constant 36864 : i32
    %dma_wait3A_2212 = tpu.memref_slice %arg7[%dma_wait3A_2211] : memref<64512xf32, #tpu.memory_space<vmem>> -> memref<1024xf32, #tpu.memory_space<vmem>>
    %dma_wait3A_2213 = tpu.memref_slice %arg4[%mul3A_1512] : memref<4128768xf32, #tpu.memory_space<hbm>> -> memref<1024xf32, #tpu.memory_space<hbm>>
    %dma_wait3A_2214 = tpu.memref_slice %arg4[%mul3A_1512] : memref<4128768xf32, #tpu.memory_space<hbm>> -> memref<1024xf32, #tpu.memory_space<hbm>>
    %dma_wait3A_2215 = arith.constant 36864 : i32
    %dma_wait3A_2216 = tpu.memref_slice %arg7[%dma_wait3A_2215] : memref<64512xf32, #tpu.memory_space<vmem>> -> memref<1024xf32, #tpu.memory_space<vmem>>
    tpu.wait_dma2 semaphore(%arg9 : memref<!tpu.dma_semaphore, #tpu.memory_space<semaphore_mem>>) src(%dma_wait3A_2216 : memref<1024xf32, #tpu.memory_space<vmem>>) dst(%dma_wait3A_2214 : memref<1024xf32, #tpu.memory_space<hbm>>)
    %dma_wait3A_2217 = arith.constant 37888 : i32
    %dma_wait3A_2218 = tpu.memref_slice %arg7[%dma_wait3A_2217] : memref<64512xf32, #tpu.memory_space<vmem>> -> memref<1024xf32, #tpu.memory_space<vmem>>
    %dma_wait3A_2219 = tpu.memref_slice %arg4[%mul3A_1516] : memref<4128768xf32, #tpu.memory_space<hbm>> -> memref<1024xf32, #tpu.memory_space<hbm>>
    %dma_wait3A_2220 = tpu.memref_slice %arg4[%mul3A_1516] : memref<4128768xf32, #tpu.memory_space<hbm>> -> memref<1024xf32, #tpu.memory_space<hbm>>
    %dma_wait3A_2221 = arith.constant 37888 : i32
    %dma_wait3A_2222 = tpu.memref_slice %arg7[%dma_wait3A_2221] : memref<64512xf32, #tpu.memory_space<vmem>> -> memref<1024xf32, #tpu.memory_space<vmem>>
    tpu.wait_dma2 semaphore(%arg9 : memref<!tpu.dma_semaphore, #tpu.memory_space<semaphore_mem>>) src(%dma_wait3A_2222 : memref<1024xf32, #tpu.memory_space<vmem>>) dst(%dma_wait3A_2220 : memref<1024xf32, #tpu.memory_space<hbm>>)
    %dma_wait3A_2223 = arith.constant 38912 : i32
    %dma_wait3A_2224 = tpu.memref_slice %arg7[%dma_wait3A_2223] : memref<64512xf32, #tpu.memory_space<vmem>> -> memref<1024xf32, #tpu.memory_space<vmem>>
    %dma_wait3A_2225 = tpu.memref_slice %arg4[%mul3A_1520] : memref<4128768xf32, #tpu.memory_space<hbm>> -> memref<1024xf32, #tpu.memory_space<hbm>>
    %dma_wait3A_2226 = tpu.memref_slice %arg4[%mul3A_1520] : memref<4128768xf32, #tpu.memory_space<hbm>> -> memref<1024xf32, #tpu.memory_space<hbm>>
    %dma_wait3A_2227 = arith.constant 38912 : i32
    %dma_wait3A_2228 = tpu.memref_slice %arg7[%dma_wait3A_2227] : memref<64512xf32, #tpu.memory_space<vmem>> -> memref<1024xf32, #tpu.memory_space<vmem>>
    tpu.wait_dma2 semaphore(%arg9 : memref<!tpu.dma_semaphore, #tpu.memory_space<semaphore_mem>>) src(%dma_wait3A_2228 : memref<1024xf32, #tpu.memory_space<vmem>>) dst(%dma_wait3A_2226 : memref<1024xf32, #tpu.memory_space<hbm>>)
    %dma_wait3A_2229 = arith.constant 39936 : i32
    %dma_wait3A_2230 = tpu.memref_slice %arg7[%dma_wait3A_2229] : memref<64512xf32, #tpu.memory_space<vmem>> -> memref<1024xf32, #tpu.memory_space<vmem>>
    %dma_wait3A_2231 = tpu.memref_slice %arg4[%mul3A_1524] : memref<4128768xf32, #tpu.memory_space<hbm>> -> memref<1024xf32, #tpu.memory_space<hbm>>
    %dma_wait3A_2232 = tpu.memref_slice %arg4[%mul3A_1524] : memref<4128768xf32, #tpu.memory_space<hbm>> -> memref<1024xf32, #tpu.memory_space<hbm>>
    %dma_wait3A_2233 = arith.constant 39936 : i32
    %dma_wait3A_2234 = tpu.memref_slice %arg7[%dma_wait3A_2233] : memref<64512xf32, #tpu.memory_space<vmem>> -> memref<1024xf32, #tpu.memory_space<vmem>>
    tpu.wait_dma2 semaphore(%arg9 : memref<!tpu.dma_semaphore, #tpu.memory_space<semaphore_mem>>) src(%dma_wait3A_2234 : memref<1024xf32, #tpu.memory_space<vmem>>) dst(%dma_wait3A_2232 : memref<1024xf32, #tpu.memory_space<hbm>>)
    %dma_wait3A_2235 = arith.constant 40960 : i32
    %dma_wait3A_2236 = tpu.memref_slice %arg7[%dma_wait3A_2235] : memref<64512xf32, #tpu.memory_space<vmem>> -> memref<1024xf32, #tpu.memory_space<vmem>>
    %dma_wait3A_2237 = tpu.memref_slice %arg4[%mul3A_1528] : memref<4128768xf32, #tpu.memory_space<hbm>> -> memref<1024xf32, #tpu.memory_space<hbm>>
    %dma_wait3A_2238 = tpu.memref_slice %arg4[%mul3A_1528] : memref<4128768xf32, #tpu.memory_space<hbm>> -> memref<1024xf32, #tpu.memory_space<hbm>>
    %dma_wait3A_2239 = arith.constant 40960 : i32
    %dma_wait3A_2240 = tpu.memref_slice %arg7[%dma_wait3A_2239] : memref<64512xf32, #tpu.memory_space<vmem>> -> memref<1024xf32, #tpu.memory_space<vmem>>
    tpu.wait_dma2 semaphore(%arg9 : memref<!tpu.dma_semaphore, #tpu.memory_space<semaphore_mem>>) src(%dma_wait3A_2240 : memref<1024xf32, #tpu.memory_space<vmem>>) dst(%dma_wait3A_2238 : memref<1024xf32, #tpu.memory_space<hbm>>)
    %dma_wait3A_2241 = arith.constant 41984 : i32
    %dma_wait3A_2242 = tpu.memref_slice %arg7[%dma_wait3A_2241] : memref<64512xf32, #tpu.memory_space<vmem>> -> memref<1024xf32, #tpu.memory_space<vmem>>
    %dma_wait3A_2243 = tpu.memref_slice %arg4[%mul3A_1532] : memref<4128768xf32, #tpu.memory_space<hbm>> -> memref<1024xf32, #tpu.memory_space<hbm>>
    %dma_wait3A_2244 = tpu.memref_slice %arg4[%mul3A_1532] : memref<4128768xf32, #tpu.memory_space<hbm>> -> memref<1024xf32, #tpu.memory_space<hbm>>
    %dma_wait3A_2245 = arith.constant 41984 : i32
    %dma_wait3A_2246 = tpu.memref_slice %arg7[%dma_wait3A_2245] : memref<64512xf32, #tpu.memory_space<vmem>> -> memref<1024xf32, #tpu.memory_space<vmem>>
    tpu.wait_dma2 semaphore(%arg9 : memref<!tpu.dma_semaphore, #tpu.memory_space<semaphore_mem>>) src(%dma_wait3A_2246 : memref<1024xf32, #tpu.memory_space<vmem>>) dst(%dma_wait3A_2244 : memref<1024xf32, #tpu.memory_space<hbm>>)
    %dma_wait3A_2247 = arith.constant 43008 : i32
    %dma_wait3A_2248 = tpu.memref_slice %arg7[%dma_wait3A_2247] : memref<64512xf32, #tpu.memory_space<vmem>> -> memref<1024xf32, #tpu.memory_space<vmem>>
    %dma_wait3A_2249 = tpu.memref_slice %arg4[%mul3A_1536] : memref<4128768xf32, #tpu.memory_space<hbm>> -> memref<1024xf32, #tpu.memory_space<hbm>>
    %dma_wait3A_2250 = tpu.memref_slice %arg4[%mul3A_1536] : memref<4128768xf32, #tpu.memory_space<hbm>> -> memref<1024xf32, #tpu.memory_space<hbm>>
    %dma_wait3A_2251 = arith.constant 43008 : i32
    %dma_wait3A_2252 = tpu.memref_slice %arg7[%dma_wait3A_2251] : memref<64512xf32, #tpu.memory_space<vmem>> -> memref<1024xf32, #tpu.memory_space<vmem>>
    tpu.wait_dma2 semaphore(%arg9 : memref<!tpu.dma_semaphore, #tpu.memory_space<semaphore_mem>>) src(%dma_wait3A_2252 : memref<1024xf32, #tpu.memory_space<vmem>>) dst(%dma_wait3A_2250 : memref<1024xf32, #tpu.memory_space<hbm>>)
    %dma_wait3A_2253 = arith.constant 44032 : i32
    %dma_wait3A_2254 = tpu.memref_slice %arg7[%dma_wait3A_2253] : memref<64512xf32, #tpu.memory_space<vmem>> -> memref<1024xf32, #tpu.memory_space<vmem>>
    %dma_wait3A_2255 = tpu.memref_slice %arg4[%mul3A_1540] : memref<4128768xf32, #tpu.memory_space<hbm>> -> memref<1024xf32, #tpu.memory_space<hbm>>
    %dma_wait3A_2256 = tpu.memref_slice %arg4[%mul3A_1540] : memref<4128768xf32, #tpu.memory_space<hbm>> -> memref<1024xf32, #tpu.memory_space<hbm>>
    %dma_wait3A_2257 = arith.constant 44032 : i32
    %dma_wait3A_2258 = tpu.memref_slice %arg7[%dma_wait3A_2257] : memref<64512xf32, #tpu.memory_space<vmem>> -> memref<1024xf32, #tpu.memory_space<vmem>>
    tpu.wait_dma2 semaphore(%arg9 : memref<!tpu.dma_semaphore, #tpu.memory_space<semaphore_mem>>) src(%dma_wait3A_2258 : memref<1024xf32, #tpu.memory_space<vmem>>) dst(%dma_wait3A_2256 : memref<1024xf32, #tpu.memory_space<hbm>>)
    %dma_wait3A_2259 = arith.constant 45056 : i32
    %dma_wait3A_2260 = tpu.memref_slice %arg7[%dma_wait3A_2259] : memref<64512xf32, #tpu.memory_space<vmem>> -> memref<1024xf32, #tpu.memory_space<vmem>>
    %dma_wait3A_2261 = tpu.memref_slice %arg4[%mul3A_1544] : memref<4128768xf32, #tpu.memory_space<hbm>> -> memref<1024xf32, #tpu.memory_space<hbm>>
    %dma_wait3A_2262 = tpu.memref_slice %arg4[%mul3A_1544] : memref<4128768xf32, #tpu.memory_space<hbm>> -> memref<1024xf32, #tpu.memory_space<hbm>>
    %dma_wait3A_2263 = arith.constant 45056 : i32
    %dma_wait3A_2264 = tpu.memref_slice %arg7[%dma_wait3A_2263] : memref<64512xf32, #tpu.memory_space<vmem>> -> memref<1024xf32, #tpu.memory_space<vmem>>
    tpu.wait_dma2 semaphore(%arg9 : memref<!tpu.dma_semaphore, #tpu.memory_space<semaphore_mem>>) src(%dma_wait3A_2264 : memref<1024xf32, #tpu.memory_space<vmem>>) dst(%dma_wait3A_2262 : memref<1024xf32, #tpu.memory_space<hbm>>)
    %dma_wait3A_2265 = arith.constant 46080 : i32
    %dma_wait3A_2266 = tpu.memref_slice %arg7[%dma_wait3A_2265] : memref<64512xf32, #tpu.memory_space<vmem>> -> memref<1024xf32, #tpu.memory_space<vmem>>
    %dma_wait3A_2267 = tpu.memref_slice %arg4[%mul3A_1548] : memref<4128768xf32, #tpu.memory_space<hbm>> -> memref<1024xf32, #tpu.memory_space<hbm>>
    %dma_wait3A_2268 = tpu.memref_slice %arg4[%mul3A_1548] : memref<4128768xf32, #tpu.memory_space<hbm>> -> memref<1024xf32, #tpu.memory_space<hbm>>
    %dma_wait3A_2269 = arith.constant 46080 : i32
    %dma_wait3A_2270 = tpu.memref_slice %arg7[%dma_wait3A_2269] : memref<64512xf32, #tpu.memory_space<vmem>> -> memref<1024xf32, #tpu.memory_space<vmem>>
    tpu.wait_dma2 semaphore(%arg9 : memref<!tpu.dma_semaphore, #tpu.memory_space<semaphore_mem>>) src(%dma_wait3A_2270 : memref<1024xf32, #tpu.memory_space<vmem>>) dst(%dma_wait3A_2268 : memref<1024xf32, #tpu.memory_space<hbm>>)
    %dma_wait3A_2271 = arith.constant 47104 : i32
    %dma_wait3A_2272 = tpu.memref_slice %arg7[%dma_wait3A_2271] : memref<64512xf32, #tpu.memory_space<vmem>> -> memref<1024xf32, #tpu.memory_space<vmem>>
    %dma_wait3A_2273 = tpu.memref_slice %arg4[%mul3A_1552] : memref<4128768xf32, #tpu.memory_space<hbm>> -> memref<1024xf32, #tpu.memory_space<hbm>>
    %dma_wait3A_2274 = tpu.memref_slice %arg4[%mul3A_1552] : memref<4128768xf32, #tpu.memory_space<hbm>> -> memref<1024xf32, #tpu.memory_space<hbm>>
    %dma_wait3A_2275 = arith.constant 47104 : i32
    %dma_wait3A_2276 = tpu.memref_slice %arg7[%dma_wait3A_2275] : memref<64512xf32, #tpu.memory_space<vmem>> -> memref<1024xf32, #tpu.memory_space<vmem>>
    tpu.wait_dma2 semaphore(%arg9 : memref<!tpu.dma_semaphore, #tpu.memory_space<semaphore_mem>>) src(%dma_wait3A_2276 : memref<1024xf32, #tpu.memory_space<vmem>>) dst(%dma_wait3A_2274 : memref<1024xf32, #tpu.memory_space<hbm>>)
    %dma_wait3A_2277 = arith.constant 48128 : i32
    %dma_wait3A_2278 = tpu.memref_slice %arg7[%dma_wait3A_2277] : memref<64512xf32, #tpu.memory_space<vmem>> -> memref<1024xf32, #tpu.memory_space<vmem>>
    %dma_wait3A_2279 = tpu.memref_slice %arg4[%mul3A_1556] : memref<4128768xf32, #tpu.memory_space<hbm>> -> memref<1024xf32, #tpu.memory_space<hbm>>
    %dma_wait3A_2280 = tpu.memref_slice %arg4[%mul3A_1556] : memref<4128768xf32, #tpu.memory_space<hbm>> -> memref<1024xf32, #tpu.memory_space<hbm>>
    %dma_wait3A_2281 = arith.constant 48128 : i32
    %dma_wait3A_2282 = tpu.memref_slice %arg7[%dma_wait3A_2281] : memref<64512xf32, #tpu.memory_space<vmem>> -> memref<1024xf32, #tpu.memory_space<vmem>>
    tpu.wait_dma2 semaphore(%arg9 : memref<!tpu.dma_semaphore, #tpu.memory_space<semaphore_mem>>) src(%dma_wait3A_2282 : memref<1024xf32, #tpu.memory_space<vmem>>) dst(%dma_wait3A_2280 : memref<1024xf32, #tpu.memory_space<hbm>>)
    %dma_wait3A_2283 = arith.constant 49152 : i32
    %dma_wait3A_2284 = tpu.memref_slice %arg7[%dma_wait3A_2283] : memref<64512xf32, #tpu.memory_space<vmem>> -> memref<1024xf32, #tpu.memory_space<vmem>>
    %dma_wait3A_2285 = tpu.memref_slice %arg4[%mul3A_1560] : memref<4128768xf32, #tpu.memory_space<hbm>> -> memref<1024xf32, #tpu.memory_space<hbm>>
    %dma_wait3A_2286 = tpu.memref_slice %arg4[%mul3A_1560] : memref<4128768xf32, #tpu.memory_space<hbm>> -> memref<1024xf32, #tpu.memory_space<hbm>>
    %dma_wait3A_2287 = arith.constant 49152 : i32
    %dma_wait3A_2288 = tpu.memref_slice %arg7[%dma_wait3A_2287] : memref<64512xf32, #tpu.memory_space<vmem>> -> memref<1024xf32, #tpu.memory_space<vmem>>
    tpu.wait_dma2 semaphore(%arg9 : memref<!tpu.dma_semaphore, #tpu.memory_space<semaphore_mem>>) src(%dma_wait3A_2288 : memref<1024xf32, #tpu.memory_space<vmem>>) dst(%dma_wait3A_2286 : memref<1024xf32, #tpu.memory_space<hbm>>)
    %dma_wait3A_2289 = arith.constant 50176 : i32
    %dma_wait3A_2290 = tpu.memref_slice %arg7[%dma_wait3A_2289] : memref<64512xf32, #tpu.memory_space<vmem>> -> memref<1024xf32, #tpu.memory_space<vmem>>
    %dma_wait3A_2291 = tpu.memref_slice %arg4[%mul3A_1564] : memref<4128768xf32, #tpu.memory_space<hbm>> -> memref<1024xf32, #tpu.memory_space<hbm>>
    %dma_wait3A_2292 = tpu.memref_slice %arg4[%mul3A_1564] : memref<4128768xf32, #tpu.memory_space<hbm>> -> memref<1024xf32, #tpu.memory_space<hbm>>
    %dma_wait3A_2293 = arith.constant 50176 : i32
    %dma_wait3A_2294 = tpu.memref_slice %arg7[%dma_wait3A_2293] : memref<64512xf32, #tpu.memory_space<vmem>> -> memref<1024xf32, #tpu.memory_space<vmem>>
    tpu.wait_dma2 semaphore(%arg9 : memref<!tpu.dma_semaphore, #tpu.memory_space<semaphore_mem>>) src(%dma_wait3A_2294 : memref<1024xf32, #tpu.memory_space<vmem>>) dst(%dma_wait3A_2292 : memref<1024xf32, #tpu.memory_space<hbm>>)
    %dma_wait3A_2295 = arith.constant 51200 : i32
    %dma_wait3A_2296 = tpu.memref_slice %arg7[%dma_wait3A_2295] : memref<64512xf32, #tpu.memory_space<vmem>> -> memref<1024xf32, #tpu.memory_space<vmem>>
    %dma_wait3A_2297 = tpu.memref_slice %arg4[%mul3A_1568] : memref<4128768xf32, #tpu.memory_space<hbm>> -> memref<1024xf32, #tpu.memory_space<hbm>>
    %dma_wait3A_2298 = tpu.memref_slice %arg4[%mul3A_1568] : memref<4128768xf32, #tpu.memory_space<hbm>> -> memref<1024xf32, #tpu.memory_space<hbm>>
    %dma_wait3A_2299 = arith.constant 51200 : i32
    %dma_wait3A_2300 = tpu.memref_slice %arg7[%dma_wait3A_2299] : memref<64512xf32, #tpu.memory_space<vmem>> -> memref<1024xf32, #tpu.memory_space<vmem>>
    tpu.wait_dma2 semaphore(%arg9 : memref<!tpu.dma_semaphore, #tpu.memory_space<semaphore_mem>>) src(%dma_wait3A_2300 : memref<1024xf32, #tpu.memory_space<vmem>>) dst(%dma_wait3A_2298 : memref<1024xf32, #tpu.memory_space<hbm>>)
    %dma_wait3A_2301 = arith.constant 52224 : i32
    %dma_wait3A_2302 = tpu.memref_slice %arg7[%dma_wait3A_2301] : memref<64512xf32, #tpu.memory_space<vmem>> -> memref<1024xf32, #tpu.memory_space<vmem>>
    %dma_wait3A_2303 = tpu.memref_slice %arg4[%mul3A_1572] : memref<4128768xf32, #tpu.memory_space<hbm>> -> memref<1024xf32, #tpu.memory_space<hbm>>
    %dma_wait3A_2304 = tpu.memref_slice %arg4[%mul3A_1572] : memref<4128768xf32, #tpu.memory_space<hbm>> -> memref<1024xf32, #tpu.memory_space<hbm>>
    %dma_wait3A_2305 = arith.constant 52224 : i32
    %dma_wait3A_2306 = tpu.memref_slice %arg7[%dma_wait3A_2305] : memref<64512xf32, #tpu.memory_space<vmem>> -> memref<1024xf32, #tpu.memory_space<vmem>>
    tpu.wait_dma2 semaphore(%arg9 : memref<!tpu.dma_semaphore, #tpu.memory_space<semaphore_mem>>) src(%dma_wait3A_2306 : memref<1024xf32, #tpu.memory_space<vmem>>) dst(%dma_wait3A_2304 : memref<1024xf32, #tpu.memory_space<hbm>>)
    %dma_wait3A_2307 = arith.constant 53248 : i32
    %dma_wait3A_2308 = tpu.memref_slice %arg7[%dma_wait3A_2307] : memref<64512xf32, #tpu.memory_space<vmem>> -> memref<1024xf32, #tpu.memory_space<vmem>>
    %dma_wait3A_2309 = tpu.memref_slice %arg4[%mul3A_1576] : memref<4128768xf32, #tpu.memory_space<hbm>> -> memref<1024xf32, #tpu.memory_space<hbm>>
    %dma_wait3A_2310 = tpu.memref_slice %arg4[%mul3A_1576] : memref<4128768xf32, #tpu.memory_space<hbm>> -> memref<1024xf32, #tpu.memory_space<hbm>>
    %dma_wait3A_2311 = arith.constant 53248 : i32
    %dma_wait3A_2312 = tpu.memref_slice %arg7[%dma_wait3A_2311] : memref<64512xf32, #tpu.memory_space<vmem>> -> memref<1024xf32, #tpu.memory_space<vmem>>
    tpu.wait_dma2 semaphore(%arg9 : memref<!tpu.dma_semaphore, #tpu.memory_space<semaphore_mem>>) src(%dma_wait3A_2312 : memref<1024xf32, #tpu.memory_space<vmem>>) dst(%dma_wait3A_2310 : memref<1024xf32, #tpu.memory_space<hbm>>)
    %dma_wait3A_2313 = arith.constant 54272 : i32
    %dma_wait3A_2314 = tpu.memref_slice %arg7[%dma_wait3A_2313] : memref<64512xf32, #tpu.memory_space<vmem>> -> memref<1024xf32, #tpu.memory_space<vmem>>
    %dma_wait3A_2315 = tpu.memref_slice %arg4[%mul3A_1580] : memref<4128768xf32, #tpu.memory_space<hbm>> -> memref<1024xf32, #tpu.memory_space<hbm>>
    %dma_wait3A_2316 = tpu.memref_slice %arg4[%mul3A_1580] : memref<4128768xf32, #tpu.memory_space<hbm>> -> memref<1024xf32, #tpu.memory_space<hbm>>
    %dma_wait3A_2317 = arith.constant 54272 : i32
    %dma_wait3A_2318 = tpu.memref_slice %arg7[%dma_wait3A_2317] : memref<64512xf32, #tpu.memory_space<vmem>> -> memref<1024xf32, #tpu.memory_space<vmem>>
    tpu.wait_dma2 semaphore(%arg9 : memref<!tpu.dma_semaphore, #tpu.memory_space<semaphore_mem>>) src(%dma_wait3A_2318 : memref<1024xf32, #tpu.memory_space<vmem>>) dst(%dma_wait3A_2316 : memref<1024xf32, #tpu.memory_space<hbm>>)
    %dma_wait3A_2319 = arith.constant 55296 : i32
    %dma_wait3A_2320 = tpu.memref_slice %arg7[%dma_wait3A_2319] : memref<64512xf32, #tpu.memory_space<vmem>> -> memref<1024xf32, #tpu.memory_space<vmem>>
    %dma_wait3A_2321 = tpu.memref_slice %arg4[%mul3A_1584] : memref<4128768xf32, #tpu.memory_space<hbm>> -> memref<1024xf32, #tpu.memory_space<hbm>>
    %dma_wait3A_2322 = tpu.memref_slice %arg4[%mul3A_1584] : memref<4128768xf32, #tpu.memory_space<hbm>> -> memref<1024xf32, #tpu.memory_space<hbm>>
    %dma_wait3A_2323 = arith.constant 55296 : i32
    %dma_wait3A_2324 = tpu.memref_slice %arg7[%dma_wait3A_2323] : memref<64512xf32, #tpu.memory_space<vmem>> -> memref<1024xf32, #tpu.memory_space<vmem>>
    tpu.wait_dma2 semaphore(%arg9 : memref<!tpu.dma_semaphore, #tpu.memory_space<semaphore_mem>>) src(%dma_wait3A_2324 : memref<1024xf32, #tpu.memory_space<vmem>>) dst(%dma_wait3A_2322 : memref<1024xf32, #tpu.memory_space<hbm>>)
    %dma_wait3A_2325 = arith.constant 56320 : i32
    %dma_wait3A_2326 = tpu.memref_slice %arg7[%dma_wait3A_2325] : memref<64512xf32, #tpu.memory_space<vmem>> -> memref<1024xf32, #tpu.memory_space<vmem>>
    %dma_wait3A_2327 = tpu.memref_slice %arg4[%mul3A_1588] : memref<4128768xf32, #tpu.memory_space<hbm>> -> memref<1024xf32, #tpu.memory_space<hbm>>
    %dma_wait3A_2328 = tpu.memref_slice %arg4[%mul3A_1588] : memref<4128768xf32, #tpu.memory_space<hbm>> -> memref<1024xf32, #tpu.memory_space<hbm>>
    %dma_wait3A_2329 = arith.constant 56320 : i32
    %dma_wait3A_2330 = tpu.memref_slice %arg7[%dma_wait3A_2329] : memref<64512xf32, #tpu.memory_space<vmem>> -> memref<1024xf32, #tpu.memory_space<vmem>>
    tpu.wait_dma2 semaphore(%arg9 : memref<!tpu.dma_semaphore, #tpu.memory_space<semaphore_mem>>) src(%dma_wait3A_2330 : memref<1024xf32, #tpu.memory_space<vmem>>) dst(%dma_wait3A_2328 : memref<1024xf32, #tpu.memory_space<hbm>>)
    %dma_wait3A_2331 = arith.constant 57344 : i32
    %dma_wait3A_2332 = tpu.memref_slice %arg7[%dma_wait3A_2331] : memref<64512xf32, #tpu.memory_space<vmem>> -> memref<1024xf32, #tpu.memory_space<vmem>>
    %dma_wait3A_2333 = tpu.memref_slice %arg4[%mul3A_1592] : memref<4128768xf32, #tpu.memory_space<hbm>> -> memref<1024xf32, #tpu.memory_space<hbm>>
    %dma_wait3A_2334 = tpu.memref_slice %arg4[%mul3A_1592] : memref<4128768xf32, #tpu.memory_space<hbm>> -> memref<1024xf32, #tpu.memory_space<hbm>>
    %dma_wait3A_2335 = arith.constant 57344 : i32
    %dma_wait3A_2336 = tpu.memref_slice %arg7[%dma_wait3A_2335] : memref<64512xf32, #tpu.memory_space<vmem>> -> memref<1024xf32, #tpu.memory_space<vmem>>
    tpu.wait_dma2 semaphore(%arg9 : memref<!tpu.dma_semaphore, #tpu.memory_space<semaphore_mem>>) src(%dma_wait3A_2336 : memref<1024xf32, #tpu.memory_space<vmem>>) dst(%dma_wait3A_2334 : memref<1024xf32, #tpu.memory_space<hbm>>)
    %dma_wait3A_2337 = arith.constant 58368 : i32
    %dma_wait3A_2338 = tpu.memref_slice %arg7[%dma_wait3A_2337] : memref<64512xf32, #tpu.memory_space<vmem>> -> memref<1024xf32, #tpu.memory_space<vmem>>
    %dma_wait3A_2339 = tpu.memref_slice %arg4[%mul3A_1596] : memref<4128768xf32, #tpu.memory_space<hbm>> -> memref<1024xf32, #tpu.memory_space<hbm>>
    %dma_wait3A_2340 = tpu.memref_slice %arg4[%mul3A_1596] : memref<4128768xf32, #tpu.memory_space<hbm>> -> memref<1024xf32, #tpu.memory_space<hbm>>
    %dma_wait3A_2341 = arith.constant 58368 : i32
    %dma_wait3A_2342 = tpu.memref_slice %arg7[%dma_wait3A_2341] : memref<64512xf32, #tpu.memory_space<vmem>> -> memref<1024xf32, #tpu.memory_space<vmem>>
    tpu.wait_dma2 semaphore(%arg9 : memref<!tpu.dma_semaphore, #tpu.memory_space<semaphore_mem>>) src(%dma_wait3A_2342 : memref<1024xf32, #tpu.memory_space<vmem>>) dst(%dma_wait3A_2340 : memref<1024xf32, #tpu.memory_space<hbm>>)
    %dma_wait3A_2343 = arith.constant 59392 : i32
    %dma_wait3A_2344 = tpu.memref_slice %arg7[%dma_wait3A_2343] : memref<64512xf32, #tpu.memory_space<vmem>> -> memref<1024xf32, #tpu.memory_space<vmem>>
    %dma_wait3A_2345 = tpu.memref_slice %arg4[%mul3A_1600] : memref<4128768xf32, #tpu.memory_space<hbm>> -> memref<1024xf32, #tpu.memory_space<hbm>>
    %dma_wait3A_2346 = tpu.memref_slice %arg4[%mul3A_1600] : memref<4128768xf32, #tpu.memory_space<hbm>> -> memref<1024xf32, #tpu.memory_space<hbm>>
    %dma_wait3A_2347 = arith.constant 59392 : i32
    %dma_wait3A_2348 = tpu.memref_slice %arg7[%dma_wait3A_2347] : memref<64512xf32, #tpu.memory_space<vmem>> -> memref<1024xf32, #tpu.memory_space<vmem>>
    tpu.wait_dma2 semaphore(%arg9 : memref<!tpu.dma_semaphore, #tpu.memory_space<semaphore_mem>>) src(%dma_wait3A_2348 : memref<1024xf32, #tpu.memory_space<vmem>>) dst(%dma_wait3A_2346 : memref<1024xf32, #tpu.memory_space<hbm>>)
    %dma_wait3A_2349 = arith.constant 60416 : i32
    %dma_wait3A_2350 = tpu.memref_slice %arg7[%dma_wait3A_2349] : memref<64512xf32, #tpu.memory_space<vmem>> -> memref<1024xf32, #tpu.memory_space<vmem>>
    %dma_wait3A_2351 = tpu.memref_slice %arg4[%mul3A_1604] : memref<4128768xf32, #tpu.memory_space<hbm>> -> memref<1024xf32, #tpu.memory_space<hbm>>
    %dma_wait3A_2352 = tpu.memref_slice %arg4[%mul3A_1604] : memref<4128768xf32, #tpu.memory_space<hbm>> -> memref<1024xf32, #tpu.memory_space<hbm>>
    %dma_wait3A_2353 = arith.constant 60416 : i32
    %dma_wait3A_2354 = tpu.memref_slice %arg7[%dma_wait3A_2353] : memref<64512xf32, #tpu.memory_space<vmem>> -> memref<1024xf32, #tpu.memory_space<vmem>>
    tpu.wait_dma2 semaphore(%arg9 : memref<!tpu.dma_semaphore, #tpu.memory_space<semaphore_mem>>) src(%dma_wait3A_2354 : memref<1024xf32, #tpu.memory_space<vmem>>) dst(%dma_wait3A_2352 : memref<1024xf32, #tpu.memory_space<hbm>>)
    %dma_wait3A_2355 = arith.constant 61440 : i32
    %dma_wait3A_2356 = tpu.memref_slice %arg7[%dma_wait3A_2355] : memref<64512xf32, #tpu.memory_space<vmem>> -> memref<1024xf32, #tpu.memory_space<vmem>>
    %dma_wait3A_2357 = tpu.memref_slice %arg4[%mul3A_1608] : memref<4128768xf32, #tpu.memory_space<hbm>> -> memref<1024xf32, #tpu.memory_space<hbm>>
    %dma_wait3A_2358 = tpu.memref_slice %arg4[%mul3A_1608] : memref<4128768xf32, #tpu.memory_space<hbm>> -> memref<1024xf32, #tpu.memory_space<hbm>>
    %dma_wait3A_2359 = arith.constant 61440 : i32
    %dma_wait3A_2360 = tpu.memref_slice %arg7[%dma_wait3A_2359] : memref<64512xf32, #tpu.memory_space<vmem>> -> memref<1024xf32, #tpu.memory_space<vmem>>
    tpu.wait_dma2 semaphore(%arg9 : memref<!tpu.dma_semaphore, #tpu.memory_space<semaphore_mem>>) src(%dma_wait3A_2360 : memref<1024xf32, #tpu.memory_space<vmem>>) dst(%dma_wait3A_2358 : memref<1024xf32, #tpu.memory_space<hbm>>)
    %dma_wait3A_2361 = arith.constant 62464 : i32
    %dma_wait3A_2362 = tpu.memref_slice %arg7[%dma_wait3A_2361] : memref<64512xf32, #tpu.memory_space<vmem>> -> memref<1024xf32, #tpu.memory_space<vmem>>
    %dma_wait3A_2363 = tpu.memref_slice %arg4[%mul3A_1612] : memref<4128768xf32, #tpu.memory_space<hbm>> -> memref<1024xf32, #tpu.memory_space<hbm>>
    %dma_wait3A_2364 = tpu.memref_slice %arg4[%mul3A_1612] : memref<4128768xf32, #tpu.memory_space<hbm>> -> memref<1024xf32, #tpu.memory_space<hbm>>
    %dma_wait3A_2365 = arith.constant 62464 : i32
    %dma_wait3A_2366 = tpu.memref_slice %arg7[%dma_wait3A_2365] : memref<64512xf32, #tpu.memory_space<vmem>> -> memref<1024xf32, #tpu.memory_space<vmem>>
    tpu.wait_dma2 semaphore(%arg9 : memref<!tpu.dma_semaphore, #tpu.memory_space<semaphore_mem>>) src(%dma_wait3A_2366 : memref<1024xf32, #tpu.memory_space<vmem>>) dst(%dma_wait3A_2364 : memref<1024xf32, #tpu.memory_space<hbm>>)
    %dma_wait3A_2367 = arith.constant 63488 : i32
    %dma_wait3A_2368 = tpu.memref_slice %arg7[%dma_wait3A_2367] : memref<64512xf32, #tpu.memory_space<vmem>> -> memref<1024xf32, #tpu.memory_space<vmem>>
    %dma_wait3A_2369 = tpu.memref_slice %arg4[%mul3A_1616] : memref<4128768xf32, #tpu.memory_space<hbm>> -> memref<1024xf32, #tpu.memory_space<hbm>>
    %dma_wait3A_2370 = tpu.memref_slice %arg4[%mul3A_1616] : memref<4128768xf32, #tpu.memory_space<hbm>> -> memref<1024xf32, #tpu.memory_space<hbm>>
    %dma_wait3A_2371 = arith.constant 63488 : i32
    %dma_wait3A_2372 = tpu.memref_slice %arg7[%dma_wait3A_2371] : memref<64512xf32, #tpu.memory_space<vmem>> -> memref<1024xf32, #tpu.memory_space<vmem>>
    tpu.wait_dma2 semaphore(%arg9 : memref<!tpu.dma_semaphore, #tpu.memory_space<semaphore_mem>>) src(%dma_wait3A_2372 : memref<1024xf32, #tpu.memory_space<vmem>>) dst(%dma_wait3A_2370 : memref<1024xf32, #tpu.memory_space<hbm>>)
    %scan3A_2373 = arith.constant 0 : i32
    %scan3A_2374 = arith.constant 0 : i32
    %scan3A_2375 = arith.constant 192 : i32
    %scan3A_2376 = arith.addi %scan3A_2374, %scan3A_2375 : i32
    %scan3A_2377 = arith.constant 1 : i32
    scf.for %scan3A_2379 = %scan3A_2374 to %scan3A_2376 step %scan3A_2377  : i32 {
      %mul3A_2380 = arith.constant 16 : i32
      %mul3A_2381 = arith.muli %scan3A_2379, %mul3A_2380 : i32
      %get3A = arith.index_cast %mul3A_2381 : i32 to index
      %get3A_2382 = tpu.vector_load %arg8[%get3A] {strides = array<i32>} : memref<3072xi32, #tpu.memory_space<vmem>>, vector<16xi32>,
      tpu.vector_store_idx %arg7[%get3A_2382], %broadcast_in_dim3A_3 : memref<64512xf32, #tpu.memory_space<vmem>>[vector<16xi32>], vector<16xf32>,
    }
    %scan3A_2378 = arith.constant 192 : i32
    return
  }
}

</mosaic_0001>

<sc_bundles>
// kernel: kernel.3.cloned.1.call-start
scs
__scs_entry_jumppad:
0x0: {  	(pc) =	sbr.rel $0x88, $3  }
0x1: {  	(tag) =	ssettag $0x0;
	lr =	simm.s32 $0x1  }
0x2: {  	[smem:$0x3F9F] =	sst lr;
	_ =	strace $0xD0000000  }
0x3: {  	_ = 	snop  }
0x4: {  	_ = 	snop  }
0x5: {  	_ = 	snop  }
0x6: {  	_ = 	snop  }
0x7: {  	_ = 	snop  }
__scs_overlays_trampoline_lowered:
0x8: {  	[smem:$0x3FAE] =	sst s0  }
0x9: {  	[smem:$0x3FAF] =	sst s1  }
0xa: {  	[smem:$0x3FB0] =	sst s2  }
0xb: {  	[smem:$0x3FB1] =	sst s3  }
0xc: {  	[smem:$0x3FB2] =	sst s4  }
0xd: {  	[smem:$0x3FB3] =	sst s5  }
0xe: {  	[smem:$0x3FB4] =	sst s6  }
0xf: {  	[smem:$0x3FB5] =	sst s7  }
0x10: {  	[smem:$0x3FB6] =	sst s8  }
0x11: {  	[smem:$0x3FB7] =	sst s9;
	s0 =	simm.s32 @!p0 $0x0  }
0x12: {  	s1 =	sld [smem:$0x3F9D];
	s0 =	simm.s32 @p0 $0x1  }
0x13: {  	[smem:$0x3FB8] =	sst s0;
	s0 =	simm.s32 @!p1 $0x0  }
0x14: {  	s2 =	sld [smem:$0x3F9C];
	s0 =	simm.s32 @p1 $0x1  }
0x15: {  	[smem:$0x3FB9] =	sst s0;
	s0 =	simm.s32 @!p2 $0x0  }
0x16: {  	s3 =	sld [smem:$0x3FDB];
	s0 =	simm.s32 @p2 $0x1  }
0x17: {  	s4 =	simm.s32 $0x1BF5;
	[smem:$0x3FBB] =	sst s0  }
0x18: {  	s0 =	sld [smem:$0x3F9E];
	_ =	swait.ge [sflag:s4], $0x0  }
0x19: {  	s7 =	sld [smem:$0x3F9F]  }
0x1a: {  	s8 =	sadd.s32 $0xFFFFE003, lr  }
0x1b: {  	s9 =	sadd.s32 $0xFFFFFEF7, lr;
	s5 =	simm.s32 $0xFFFFFFFF;
	p2 =	slt.u32 s8, $0xFFFFF086  }
0x1c: {  	p1 =	slt.u32 s9, $0xF7A;
	s5 =	simm.s32 @!p2 $0x0  }
0x1d: {  	s5 =	simm.s32 @p1 $0x1;
	p0 =	seq.s32 s7, s2  }
0x1e: {  	s7 =	smul.u32 @!p0 $0xF7A, s2;
	p2 =	seq.s32 @!p0 s5, $0x0  }
0x1f: {  	s9 =	smul.u32 $0xF7A, s1;
	s8 =	simm.s32 @!p0 $0x1BF5;
	p2 =	por !p2, p0  }
0x20: {  	[sflag:s8] =	ssyncset.s32 @!p0 $0xFFFFF086;
	s6 =	sadd.s32 @!p0 s3, s7;
	s7 =	simm.s32 @!p0 $0x108  }
0x21: {  	s3 =	sadd.s32 s3, s9;
	s6 =	sadd.s32 @!p0 $0x88, s6;
	s7 =	simm.s32 @p2 $0x1082  }
0x22: {  	[simem:s7], [sflag:s8] =	dma.local @!p0 [hbm:s6], $0xF7A  }
0x23: {  	s9 =	sor.u32 $0xD0000000, s2;
	s6 =	simm.s32 $0x108;
	_ =	swait.ge @!p0 [sflag:s8], $0x0  }
0x24: {  	s3 =	sadd.s32 $0x88, s3;
	s6 =	simm.s32 @!p1 $0x1082;
	[sflag:s4] =	ssyncset.s32 $0xFFFFF086  }
0x25: {  	[simem:s6], [sflag:s4] =	dma.local [hbm:s3], $0xF7A  }
0x26: {  	[smem:$0x3F9F] =	sst s1;
	(tag) =	ssettag s2;
	_ =	strace s9  }
0x27: {  	s1 =	sld [smem:$0x3FAF]  }
0x28: {  	s2 =	sld [smem:$0x3FB0]  }
0x29: {  	s4 =	sld [smem:$0x3FB2]  }
0x2a: {  	p0 =	seq.s32 s5, $0x0;
	s5 =	sld [smem:$0x3FB3]  }
0x2b: {  	s6 =	sld [smem:$0x3FB4]  }
0x2c: {  	s7 =	sld [smem:$0x3FB5]  }
0x2d: {  	s3 =	simm.s32 $0x108;
	s8 =	sld [smem:$0x3FB6]  }
0x2e: {  	s3 =	simm.s32 @!p0 $0x1082;
	s9 =	sld [smem:$0x3FB7]  }
0x2f: {  	lr =	sadd.s32 s0, s3;
	s0 =	sld [smem:$0x3FAE]  }
0x30: {  	s3 =	sld [smem:$0x3FB1]  }
0x31: {  	[smem:$0x3FBA] =	sst s10  }
0x32: {  	s10 =	sld [smem:$0x3FB8];
	_ =	sdelay $0x3  }
0x33: {  	p0 =	seq.s32 s10, $0x1;
	s10 =	sld [smem:$0x3FBA];
	_ =	sdelay $0x3  }
0x34: {  	[smem:$0x3FBA] =	sst s10  }
0x35: {  	s10 =	sld [smem:$0x3FB9];
	_ =	sdelay $0x3  }
0x36: {  	p1 =	seq.s32 s10, $0x1;
	s10 =	sld [smem:$0x3FBA];
	_ =	sdelay $0x3  }
0x37: {  	[smem:$0x3FBA] =	sst s10  }
0x38: {  	s10 =	sld [smem:$0x3FBB]  }
0x39: {  	_ = 	snop;
	(pc) =	sbr.ind lr, $3  }
0x3a: {  	_ = 	snop  }
0x3b: {  	_ = 	snop  }
0x3c: {  	p2 =	seq.s32 s10, $0x1;
	s10 =	sld [smem:$0x3FBA]  }
0x3d: {  	_ =	shalt  }
0x3e: {  	_ =	shalt  }
0x3f: {  	_ =	shalt  }
0x40: {  	_ =	shalt  }
0x41: {  	_ =	shalt  }
0x42: {  	_ =	shalt  }
0x43: {  	_ =	shalt  }
0x44: {  	_ =	shalt  }
0x45: {  	_ =	shalt  }
0x46: {  	_ =	shalt  }
0x47: {  	_ =	shalt  }
0x48: {  	_ =	shalt  }
0x49: {  	_ =	shalt  }
0x4a: {  	_ =	shalt  }
0x4b: {  	_ =	shalt  }
0x4c: {  	_ =	shalt  }
0x4d: {  	_ =	shalt  }
0x4e: {  	_ =	shalt  }
0x4f: {  	_ =	shalt  }
0x50: {  	_ =	shalt  }
0x51: {  	_ =	shalt  }
0x52: {  	_ =	shalt  }
0x53: {  	_ =	shalt  }
0x54: {  	_ =	shalt  }
0x55: {  	_ =	shalt  }
0x56: {  	_ =	shalt  }
0x57: {  	_ =	shalt  }
0x58: {  	_ =	shalt  }
0x59: {  	_ =	shalt  }
0x5a: {  	_ =	shalt  }
0x5b: {  	_ =	shalt  }
0x5c: {  	_ =	shalt  }
0x5d: {  	_ =	shalt  }
0x5e: {  	_ =	shalt  }
0x5f: {  	_ =	shalt  }
0x60: {  	_ =	shalt  }
0x61: {  	_ =	shalt  }
0x62: {  	_ =	shalt  }
0x63: {  	_ =	shalt  }
0x64: {  	_ =	shalt  }
0x65: {  	_ =	shalt  }
0x66: {  	_ =	shalt  }
0x67: {  	_ =	shalt  }
0x68: {  	_ =	shalt  }
0x69: {  	_ =	shalt  }
0x6a: {  	_ =	shalt  }
0x6b: {  	_ =	shalt  }
0x6c: {  	_ =	shalt  }
0x6d: {  	_ =	shalt  }
0x6e: {  	_ =	shalt  }
0x6f: {  	_ =	shalt  }
0x70: {  	_ =	shalt  }
0x71: {  	_ =	shalt  }
0x72: {  	_ =	shalt  }
0x73: {  	_ =	shalt  }
0x74: {  	_ =	shalt  }
0x75: {  	_ =	shalt  }
0x76: {  	_ =	shalt  }
0x77: {  	_ =	shalt  }
0x78: {  	_ =	shalt  }
0x79: {  	_ =	shalt  }
0x7a: {  	_ =	shalt  }
0x7b: {  	_ =	shalt  }
0x7c: {  	_ =	shalt  }
0x7d: {  	_ =	shalt  }
0x7e: {  	_ =	shalt  }
0x7f: {  	_ =	shalt  }
0x80: {  	_ =	shalt  }
0x81: {  	_ =	shalt  }
0x82: {  	_ =	shalt  }
0x83: {  	_ =	shalt  }
0x84: {  	_ =	shalt  }
0x85: {  	_ =	shalt  }
0x86: {  	_ =	shalt  }
0x87: {  	_ =	shalt  }
.Lfunc_end0:
.L_simem_size_0:
called_computation_lowered:
.L_overlay_start_0:
0x88: {  	s2 =	sld [smem:$0x3FD9]  }
0x89: {  	s3 =	sld [smem:$0x3FFE];
	_ =	sdelay $0x1  }
0x8a: {  	s1 =	srdreg.scid  }
0x8b: {  	s0 =	sand.u32 $0x1, s1  }
0x8c: {  	s17 =	sshll.u32 s0, $0xA;
	s2 =	sadd.s32 s3, s2  }
0x8d: {  	s2 =	sadd.s32 s2, s17  }
0x8e: {  	[smem:$0x3FC6] =	sst s2  }
0x8f: {  	_ = 	snop  }
0x90: {  	s2 =	sld [smem:$0x3FD0];
	(tm) =	ssettm $0x1  }
0x91: {  	s18 =	sld [smem:$0x3FFB];
	_ =	sdelay $0x3  }
0x92: {  	_ =	strace s18  }
0x93: {  	s3 =	sld [smem:$0x3FFC];
	_ =	sdelay $0x3  }
0x94: {  	_ =	strace s3  }
0x95: {  	s3 =	sld [smem:$0x3FFD];
	_ =	sdelay $0x3  }
0x96: {  	_ =	strace s3  }
0x97: {  	_ =	strace $0x8FFFFFFF  }
0x98: {  	s19 =	sld [smem:$0x3FDB];
	_ =	sdelay $0x1  }
0x99: {  	s4 =	simm.s32 $_scs_section_size  }
0x9a: {  	s5 =	simm.s32 $_size__tile_overlayer_lowered;
	s6 =	simm.s32 $_tile_overlayer_lowered  }
0x9b: {  	s22 =	simm.s32 $0x1BFF;
	s21 =	sshll.u32 s6, $0x1;
	s3 =	sadd.s32 s4, s19  }
0x9c: {  	s7 =	simm.s32 $0x0;
	s20 =	sshll.u32 s5, $0x1;
	s5 =	sadd.s32 s21, s3  }
0x9d: {  	[timem:s7], [sflag:s22] =	dma.local [hbm:s5], s20  }
0x9e: {  	_ =	swait.ge [sflag:s22], s20  }
0x9f: {  	s4 =	ssub.s32 $0x0, s20;
	[sflag:s22] =	ssyncset.done $0x0  }
0xa0: {  	[sflag:s22] =	ssyncadd.s32 s4;
	_ =	sdelay $0x1  }
0xa1: {  	s23 =	simm.s32 $0x1B8B  }
0xa2: {  	_ =	swait.ge [sflag:s23], $0x1  }
0xa3: {  	[sflag:s23] =	ssyncset.done $0x0  }
0xa4: {  	s25 =	simm.s32 $0x1B8E;
	s24 =	sld [smem:$0x3FFE];
	[sflag:s23] =	ssyncadd.s32 $0xFFFFFFFF  }
0xa5: {  	s26 =	simm.s32 $execute0_lowered;
	[smem:$0x3FD2] =	sst s25  }
0xa6: {  	s5 =	sshll.u32 s26, $0x1;
	_ =	strace $0x80000046;
	[dreg:$0x1] =	wrdreg $0xFFFFFFFF  }
0xa7: {  	s28 =	simm.s32 $_size_execute0_lowered;
	s3 =	sadd.s32 s3, s5;
	[dreg:$0x0] =	wrdreg $0x0  }
0xa8: {  	s5 =	sshll.u32 s28, $0x1;
	[dreg:$0x2] =	wrdreg s3  }
0xa9: {  	[dreg:$0x3] =	wrdreg s5  }
0xaa: {  	[dreg:$0x4] =	wrdreg $0xC0  }
0xab: {  	_ =	task [dreg:s7], $0x5FFFF  }
0xac: {  	[dreg:$0x1] =	wrdreg $0xFFFFFFFF  }
0xad: {  	[dreg:$0x0] =	wrdreg $0x60  }
0xae: {  	[dreg:$0x2] =	wrdreg s2  }
0xaf: {  	[dreg:$0x3] =	wrdreg s24  }
0xb0: {  	[dreg:$0x4] =	wrdreg $0x9  }
0xb1: {  	_ =	task.clear_ibuf [dreg:s7], $0x5FFFF;
	_ =	strace $0x90000046  }
0xb2: {  	s29 =	simm.s32 $0x9;
	_ =	strace $0x80000048  }
0xb3: {  	_ =	swait.ge [sflag:s29], $0x1  }
0xb4: {  	[sflag:s29] =	ssyncadd.s32 $0xFFFFFFFF  }
0xb5: {  	_ =	strace $0x90000048  }
0xb6: {  	_ =	sfence  }
0xb7: {  	s30 =	sld [smem:$0x0];
	_ =	sdelay $0x2  }
0xb8: {  	s31 =	sshll.u32 s1, $0xD;
	s1 =	sshrl.u32 s1, $0x2  }
0xb9: {  	s3 =	sand.u32 $0x4000, s31;
	s1 =	sadd.s32 s1, s30  }
0xba: {  	s0 =	sor.u32 s3, s0;
	s1 =	sshll.u32 s1, $0x11  }
0xbb: {  	s0 =	sor.u32 s1, s0  }
0xbc: {  	s0 =	sadd.s32 $0x8F2B, s0  }
0xbd: {  	[sflag:s0] =	ssyncadd.remote.s32 $0x1  }
0xbe: {  	_ =	sfence.sel $0xFFFF  }
0xbf: {  	[dreg:$0x0] =	wrdreg $0xFFFFFFFF;
	(pc) =	sbr.abs _section_cstart, $3  }
0xc0: {  	[dreg:$0x1] =	wrdreg $0xFFFFFFFF  }
0xc1: {  	_ =	task.clear_ibuf [dreg:s7], $0x2FFFF;
	_ =	strace $0x9FFFFFFF  }
0xc2: {  	(tm) =	ssettm $0x7FFFFFFF  }
0xc3: {  	_ =	shalt  }
tec
execute0_lowered:
.L_overlay_start_1:
0x0: {  	(tag) =	ssettag $0x1  }
0x1: {  	s0 =	rddreg [dreg:$0x0]  }
0x2: {  	s2 =	rddreg [dreg:$0x1];
	s3 =	srdreg.scid  }
0x3: {  	s1 =	simm.s32 $0x0;
	s6 =	stileid.u32;
	s3 =	sand.u32 $0x1, s3  }
0x4: {  	s6 =	sshll.u32 s6, $0x9;
	s5 =	ssub.s32 $0x2, s3;
	s3 =	sshll.u32 s3, $0x8  }
0x5: {  	[smem:$0x7FF] =	sst s1;
	s7 =	sshrl.u32 s5, $0x1;
	s3 =	sor.u32 s3, s6  }
0x6: {  	s4 =	sadd.s32 $0x400, s2;
	s5 =	ssub.s32 s5, s7;
	s8 =	sadd.s32 s0, s3  }
0x7: {  	s6 =	sor.u32 $0x2000, s3;
	s26 =	sadd.s32 s4, s3;
	[dreg:$0x3] =	wrdreg s8  }
0x8: {  	s7 =	sor.u32 $0x4000, s3;
	s15 =	sadd.s32 s0, s6;
	[dreg:$0x15] =	wrdreg s26  }
0x9: {  	s9 =	sor.u32 $0x8000, s3;
	s16 =	sadd.s32 s0, s7;
	[dreg:$0x4] =	wrdreg s15  }
0xa: {  	s10 =	sor.u32 $0xA000, s3;
	s17 =	sadd.s32 s0, s9;
	[dreg:$0x5] =	wrdreg s16  }
0xb: {  	s12 =	sor.u32 $0xE000, s3;
	s18 =	sadd.s32 s0, s10;
	[dreg:$0x7] =	wrdreg s17  }
0xc: {  	s13 =	sor.u32 $0x10000, s3;
	s19 =	sadd.s32 s0, s12;
	[dreg:$0x8] =	wrdreg s18  }
0xd: {  	s2 =	sadd.s32 $0x2400, s2;
	s20 =	sadd.s32 s0, s13;
	[dreg:$0xa] =	wrdreg s19  }
0xe: {  	s6 =	sadd.s32 s2, s6;
	[dreg:$0xb] =	wrdreg s20  }
0xf: {  	s7 =	sadd.s32 s2, s7;
	[dreg:$0x17] =	wrdreg s6  }
0x10: {  	s9 =	sadd.s32 s2, s9;
	[dreg:$0x18] =	wrdreg s7  }
0x11: {  	s10 =	sadd.s32 s2, s10;
	[dreg:$0x1a] =	wrdreg s9  }
0x12: {  	s8 =	sor.u32 $0x6000, s3;
	s26 =	sadd.s32 s2, s13;
	[dreg:$0x1b] =	wrdreg s10  }
0x13: {  	s11 =	sadd.s32 s0, s8;
	[dreg:$0x1e] =	wrdreg s26  }
0x14: {  	s15 =	sor.u32 $0x2080, s3;
	s8 =	sadd.s32 s2, s8;
	[dreg:$0x6] =	wrdreg s11  }
0x15: {  	s16 =	sor.u32 $0x4080, s3;
	s21 =	sadd.s32 s0, s15;
	[dreg:$0x19] =	wrdreg s8  }
0x16: {  	s18 =	sor.u32 $0x8080, s3;
	s22 =	sadd.s32 s0, s16;
	[dreg:$0xd] =	wrdreg s21  }
0x17: {  	s19 =	sor.u32 $0xA080, s3;
	s23 =	sadd.s32 s0, s18;
	[dreg:$0xe] =	wrdreg s22  }
0x18: {  	s24 =	sadd.s32 s0, s19;
	[dreg:$0x10] =	wrdreg s23  }
0x19: {  	s6 =	sadd.s32 s2, s16;
	[dreg:$0x11] =	wrdreg s24  }
0x1a: {  	s8 =	sadd.s32 s2, s18;
	[smem:$0x78A] =	sst s6  }
0x1b: {  	s11 =	sor.u32 $0xC000, s3;
	s9 =	sadd.s32 s2, s19;
	[smem:$0x78C] =	sst s8  }
0x1c: {  	s14 =	sadd.s32 s0, s11;
	[smem:$0x78D] =	sst s9  }
0x1d: {  	s21 =	sor.u32 $0xE080, s3;
	s24 =	sadd.s32 s2, s11;
	[dreg:$0x9] =	wrdreg s14  }
0x1e: {  	s25 =	sadd.s32 s0, s21;
	[dreg:$0x1c] =	wrdreg s24  }
0x1f: {  	s14 =	sor.u32 $0x80, s3;
	s11 =	sadd.s32 s2, s21;
	[dreg:$0x13] =	wrdreg s25  }
0x20: {  	s17 =	sadd.s32 s0, s14;
	[smem:$0x78F] =	sst s11  }
0x21: {  	s4 =	sadd.s32 s4, s14;
	[dreg:$0xc] =	wrdreg s17  }
0x22: {  	s23 =	sor.u32 $0x10080, s3;
	s25 =	sadd.s32 s2, s12;
	[dreg:$0x16] =	wrdreg s4  }
0x23: {  	s12 =	sadd.s32 s2, s23;
	[dreg:$0x1d] =	wrdreg s25  }
0x24: {  	s17 =	sor.u32 $0x6080, s3;
	s4 =	sadd.s32 s2, s15;
	[smem:$0x790] =	sst s12  }
0x25: {  	s20 =	sadd.s32 s0, s17;
	[smem:$0x789] =	sst s4  }
0x26: {  	s7 =	sadd.s32 s2, s17;
	[dreg:$0xf] =	wrdreg s20;
	s20 =	sor.u32 $0xC080, s3  }
0x27: {  	[smem:$0x78B] =	sst s7;
	s22 =	sadd.s32 s0, s20  }
0x28: {  	s0 =	sadd.s32 s0, s23;
	[dreg:$0x12] =	wrdreg s22  }
0x29: {  	s10 =	sadd.s32 s2, s20;
	[dreg:$0x14] =	wrdreg s0  }
0x2a: {  	s22 =	sadd.s32 s2, s3;
	s3 =	sadd.s32 s2, s14;
	[smem:$0x78E] =	sst s10  }
0x2b: {  	s13 =	smax.u32 s5, $0x1;
	[dreg:$0x1f] =	wrdreg s3  }
0x2c: {  	s14 =	sadd.s32 $0x12000, s22;
	_ =	strace $0x80000047;
	[smem:$0x791] =	sst s13  }
0x2d: {  	s15 =	sadd.s32 $0x14000, s22;
	[smem:$0x792] =	sst s14  }
0x2e: {  	s16 =	sadd.s32 $0x16000, s22;
	[smem:$0x793] =	sst s15  }
0x2f: {  	s17 =	sadd.s32 $0x18000, s22;
	[smem:$0x794] =	sst s16  }
0x30: {  	s18 =	sadd.s32 $0x1A000, s22;
	[smem:$0x795] =	sst s17  }
0x31: {  	s19 =	sadd.s32 $0x1C000, s22;
	[smem:$0x796] =	sst s18  }
0x32: {  	s20 =	sadd.s32 $0x1E000, s22;
	[smem:$0x797] =	sst s19  }
0x33: {  	s21 =	sadd.s32 $0x20000, s22;
	[smem:$0x798] =	sst s20  }
0x34: {  	s23 =	sadd.s32 $0x22000, s22;
	[smem:$0x799] =	sst s21  }
0x35: {  	s24 =	sadd.s32 $0x24000, s22;
	[smem:$0x79A] =	sst s23  }
0x36: {  	s25 =	sadd.s32 $0x26000, s22;
	[smem:$0x79B] =	sst s24  }
0x37: {  	s26 =	sadd.s32 $0x28000, s22;
	[smem:$0x79C] =	sst s25  }
0x38: {  	s2 =	sadd.s32 $0x2A000, s22;
	[smem:$0x79D] =	sst s26  }
0x39: {  	s3 =	sadd.s32 $0x2C000, s22;
	[smem:$0x79E] =	sst s2  }
0x3a: {  	s4 =	sadd.s32 $0x2E000, s22;
	[smem:$0x79F] =	sst s3  }
0x3b: {  	s5 =	sadd.s32 $0x30000, s22;
	[smem:$0x7A0] =	sst s4  }
0x3c: {  	s6 =	sadd.s32 $0x32000, s22;
	[smem:$0x7A1] =	sst s5  }
0x3d: {  	s7 =	sadd.s32 $0x34000, s22;
	[smem:$0x7A2] =	sst s6  }
0x3e: {  	s8 =	sadd.s32 $0x36000, s22;
	[smem:$0x7A3] =	sst s7  }
0x3f: {  	s9 =	sadd.s32 $0x38000, s22;
	[smem:$0x7A4] =	sst s8  }
0x40: {  	s10 =	sadd.s32 $0x3A000, s22;
	[smem:$0x7A5] =	sst s9  }
0x41: {  	s11 =	sadd.s32 $0x3C000, s22;
	[smem:$0x7A6] =	sst s10  }
0x42: {  	s12 =	sadd.s32 $0x3E000, s22;
	[smem:$0x7A7] =	sst s11  }
0x43: {  	[smem:$0x7A8] =	sst s12;
	s13 =	sadd.s32 $0x40000, s22  }
0x44: {  	s14 =	sadd.s32 $0x42000, s22;
	[smem:$0x7A9] =	sst s13  }
0x45: {  	s15 =	sadd.s32 $0x44000, s22;
	[smem:$0x7AA] =	sst s14  }
0x46: {  	s16 =	sadd.s32 $0x46000, s22;
	[smem:$0x7AB] =	sst s15  }
0x47: {  	s17 =	sadd.s32 $0x48000, s22;
	[smem:$0x7AC] =	sst s16  }
0x48: {  	s18 =	sadd.s32 $0x4A000, s22;
	[smem:$0x7AD] =	sst s17  }
0x49: {  	s19 =	sadd.s32 $0x4C000, s22;
	[smem:$0x7AE] =	sst s18  }
0x4a: {  	s20 =	sadd.s32 $0x4E000, s22;
	[smem:$0x7AF] =	sst s19  }
0x4b: {  	s21 =	sadd.s32 $0x50000, s22;
	[smem:$0x7B0] =	sst s20  }
0x4c: {  	s23 =	sadd.s32 $0x52000, s22;
	[smem:$0x7B1] =	sst s21  }
0x4d: {  	s24 =	sadd.s32 $0x54000, s22;
	[smem:$0x7B2] =	sst s23  }
0x4e: {  	s25 =	sadd.s32 $0x56000, s22;
	[smem:$0x7B3] =	sst s24  }
0x4f: {  	s26 =	sadd.s32 $0x58000, s22;
	[smem:$0x7B4] =	sst s25  }
0x50: {  	s2 =	sadd.s32 $0x5A000, s22;
	[smem:$0x7B5] =	sst s26  }
0x51: {  	s3 =	sadd.s32 $0x5C000, s22;
	[smem:$0x7B6] =	sst s2  }
0x52: {  	s4 =	sadd.s32 $0x5E000, s22;
	[smem:$0x7B7] =	sst s3  }
0x53: {  	s5 =	sadd.s32 $0x60000, s22;
	[smem:$0x7B8] =	sst s4  }
0x54: {  	s6 =	sadd.s32 $0x62000, s22;
	[smem:$0x7B9] =	sst s5  }
0x55: {  	s7 =	sadd.s32 $0x64000, s22;
	[smem:$0x7BA] =	sst s6  }
0x56: {  	s8 =	sadd.s32 $0x66000, s22;
	[smem:$0x7BB] =	sst s7  }
0x57: {  	s9 =	sadd.s32 $0x68000, s22;
	[smem:$0x7BC] =	sst s8  }
0x58: {  	s10 =	sadd.s32 $0x6A000, s22;
	[smem:$0x7BD] =	sst s9  }
0x59: {  	s11 =	sadd.s32 $0x6C000, s22;
	[smem:$0x7BE] =	sst s10  }
0x5a: {  	s12 =	sadd.s32 $0x6E000, s22;
	[smem:$0x7BF] =	sst s11  }
0x5b: {  	[smem:$0x7C0] =	sst s12;
	s13 =	sadd.s32 $0x70000, s22  }
0x5c: {  	s14 =	sadd.s32 $0x72000, s22;
	[smem:$0x7C1] =	sst s13  }
0x5d: {  	s15 =	sadd.s32 $0x74000, s22;
	[smem:$0x7C2] =	sst s14  }
0x5e: {  	s16 =	sadd.s32 $0x76000, s22;
	[smem:$0x7C3] =	sst s15  }
0x5f: {  	s17 =	sadd.s32 $0x78000, s22;
	[smem:$0x7C4] =	sst s16  }
0x60: {  	s18 =	sadd.s32 $0x7A000, s22;
	[smem:$0x7C5] =	sst s17  }
0x61: {  	s19 =	sadd.s32 $0x7C000, s22;
	[smem:$0x7C6] =	sst s18  }
0x62: {  	s20 =	sadd.s32 $0x12080, s22;
	[smem:$0x7C7] =	sst s19  }
0x63: {  	s21 =	sadd.s32 $0x14080, s22;
	[smem:$0x7C8] =	sst s20  }
0x64: {  	s23 =	sadd.s32 $0x16080, s22;
	[smem:$0x7C9] =	sst s21  }
0x65: {  	s24 =	sadd.s32 $0x18080, s22;
	[smem:$0x7CA] =	sst s23  }
0x66: {  	s25 =	sadd.s32 $0x1A080, s22;
	[smem:$0x7CB] =	sst s24  }
0x67: {  	s26 =	sadd.s32 $0x1C080, s22;
	[smem:$0x7CC] =	sst s25  }
0x68: {  	s2 =	sadd.s32 $0x1E080, s22;
	[smem:$0x7CD] =	sst s26  }
0x69: {  	s3 =	sadd.s32 $0x20080, s22;
	[smem:$0x7CE] =	sst s2  }
0x6a: {  	s4 =	sadd.s32 $0x22080, s22;
	[smem:$0x7CF] =	sst s3  }
0x6b: {  	s5 =	sadd.s32 $0x24080, s22;
	[smem:$0x7D0] =	sst s4  }
0x6c: {  	s6 =	sadd.s32 $0x26080, s22;
	[smem:$0x7D1] =	sst s5  }
0x6d: {  	s7 =	sadd.s32 $0x28080, s22;
	[smem:$0x7D2] =	sst s6  }
0x6e: {  	s8 =	sadd.s32 $0x2A080, s22;
	[smem:$0x7D3] =	sst s7  }
0x6f: {  	s9 =	sadd.s32 $0x2C080, s22;
	[smem:$0x7D4] =	sst s8  }
0x70: {  	s10 =	sadd.s32 $0x2E080, s22;
	[smem:$0x7D5] =	sst s9  }
0x71: {  	s11 =	sadd.s32 $0x30080, s22;
	[smem:$0x7D6] =	sst s10  }
0x72: {  	s12 =	sadd.s32 $0x32080, s22;
	[smem:$0x7D7] =	sst s11  }
0x73: {  	[smem:$0x7D8] =	sst s12;
	s13 =	sadd.s32 $0x34080, s22  }
0x74: {  	s14 =	sadd.s32 $0x36080, s22;
	[smem:$0x7D9] =	sst s13  }
0x75: {  	s15 =	sadd.s32 $0x38080, s22;
	[smem:$0x7DA] =	sst s14  }
0x76: {  	s16 =	sadd.s32 $0x3A080, s22;
	[smem:$0x7DB] =	sst s15  }
0x77: {  	s17 =	sadd.s32 $0x3C080, s22;
	[smem:$0x7DC] =	sst s16  }
0x78: {  	s18 =	sadd.s32 $0x3E080, s22;
	[smem:$0x7DD] =	sst s17  }
0x79: {  	s19 =	sadd.s32 $0x40080, s22;
	[smem:$0x7DE] =	sst s18  }
0x7a: {  	s20 =	sadd.s32 $0x42080, s22;
	[smem:$0x7DF] =	sst s19  }
0x7b: {  	s21 =	sadd.s32 $0x44080, s22;
	[smem:$0x7E0] =	sst s20  }
0x7c: {  	s23 =	sadd.s32 $0x46080, s22;
	[smem:$0x7E1] =	sst s21  }
0x7d: {  	s24 =	sadd.s32 $0x48080, s22;
	[smem:$0x7E2] =	sst s23  }
0x7e: {  	s25 =	sadd.s32 $0x4A080, s22;
	[smem:$0x7E3] =	sst s24  }
0x7f: {  	s26 =	sadd.s32 $0x4C080, s22;
	[smem:$0x7E4] =	sst s25  }
0x80: {  	s2 =	sadd.s32 $0x4E080, s22;
	[smem:$0x7E5] =	sst s26  }
0x81: {  	s3 =	sadd.s32 $0x50080, s22;
	[smem:$0x7E6] =	sst s2  }
0x82: {  	s4 =	sadd.s32 $0x52080, s22;
	[smem:$0x7E7] =	sst s3  }
0x83: {  	s5 =	sadd.s32 $0x54080, s22;
	[smem:$0x7E8] =	sst s4  }
0x84: {  	s6 =	sadd.s32 $0x56080, s22;
	[smem:$0x7E9] =	sst s5  }
0x85: {  	s7 =	sadd.s32 $0x58080, s22;
	[smem:$0x7EA] =	sst s6  }
0x86: {  	s8 =	sadd.s32 $0x5A080, s22;
	[smem:$0x7EB] =	sst s7  }
0x87: {  	s9 =	sadd.s32 $0x5C080, s22;
	[smem:$0x7EC] =	sst s8  }
0x88: {  	s28 =	simm.s32 $0x11480;
	s10 =	sadd.s32 $0x5E080, s22;
	[smem:$0x7ED] =	sst s9  }
0x89: {  	s29 =	simm.s32 $0x11880;
	s11 =	sadd.s32 $0x60080, s22;
	[smem:$0x7EE] =	sst s10  }
0x8a: {  	s30 =	simm.s32 $0x11C80;
	s12 =	sadd.s32 $0x62080, s22;
	[smem:$0x7EF] =	sst s11  }
0x8b: {  	s31 =	simm.s32 $0x12080;
	[smem:$0x7F0] =	sst s12;
	s13 =	sadd.s32 $0x64080, s22  }
0x8c: {  	s0 =	simm.s32 $0x12880;
	s14 =	sadd.s32 $0x66080, s22;
	[smem:$0x7F1] =	sst s13  }
0x8d: {  	s15 =	sadd.s32 $0x68080, s22;
	s16 =	sadd.s32 $0x6A080, s22;
	[smem:$0x7F2] =	sst s14  }
0x8e: {  	s17 =	sadd.s32 $0x6C080, s22;
	s18 =	sadd.s32 $0x6E080, s22;
	[smem:$0x7F3] =	sst s15  }
0x8f: {  	s19 =	sadd.s32 $0x70080, s22;
	s20 =	sadd.s32 $0x72080, s22;
	[smem:$0x7F4] =	sst s16  }
0x90: {  	s21 =	sadd.s32 $0x74080, s22;
	s23 =	sadd.s32 $0x76080, s22;
	[smem:$0x7F5] =	sst s17  }
0x91: {  	s24 =	sadd.s32 $0x78080, s22;
	s25 =	sadd.s32 $0x7A080, s22;
	[smem:$0x7F6] =	sst s18  }
0x92: {  	s26 =	sadd.s32 $0x7C080, s22;
	s3 =	simm.s32 $0x2;
	[smem:$0x7F7] =	sst s19  }
0x93: {  	s4 =	simm.s32 $0x5080;
	s5 =	simm.s32 $0x12480;
	[smem:$0x7F8] =	sst s20  }
0x94: {  	s6 =	simm.s32 $0x12C80;
	s2 =	simm.s32 $0x13080;
	[smem:$0x7F9] =	sst s21  }
0x95: {  	s7 =	simm.s32 $0x13480;
	s8 =	simm.s32 $0x13880;
	[smem:$0x7FA] =	sst s23  }
0x96: {  	s9 =	simm.s32 $0x13C80;
	s10 =	simm.s32 $0x14080;
	[smem:$0x7FB] =	sst s24  }
0x97: {  	v0 =	vlaneseq.u32;
	s11 =	simm.s32 $0x14480;
	s12 =	simm.s32 $0x14880;
	[smem:$0x7FC] =	sst s25  }
0x98: {  	v2 =	vmul.u32 $0xFFFFFFFF, v0;
	[smem:$0x7FD] =	sst s26;
	s20 =	simm.s32 $0x5480;
	s21 =	simm.s32 $0x5880  }
0x99: {  	v1 =	vimm.f32 $0.0e+00;
	v3 =	vimm.s32 $0xA;
	s23 =	simm.s32 $0x5C80;
	s24 =	simm.s32 $0x10880;
	s25 =	simm.s32 $0x10C80  }
0x9a: {  	v4 =	vimm.s32 $0x0;
	v5 =	vimm.f32 $1.000000000e+00;
	v2 =	vadd.s32 $0x3FF, v2;
	s26 =	simm.s32 $0x11080;
	s13 =	simm.s32 $0x1;
	s14 =	simm.s32 $0x0  }
.LBB2_1:
0x9b: {  	s15 =	rddreg [dreg:$0x3]  }
0x9c: {  	[tilespmem:s1], [sflag:$0x2] =	stream.linear.gather [hbm4b:s15+s1], $0x400, $0x38;
	[tilespmem:$0x15880] =	vst v63  }
0x9d: {  	s19 =	rddreg [dreg:$0x4];
	s16 =	simm.s32 $0x400  }
0x9e: {  	[tilespmem:s16], [sflag:$0x2] =	stream.linear.gather [hbm4b:s19+s1], $0x400, $0x38;
	[tilespmem:$0x15880] =	vst v63  }
0x9f: {  	s17 =	simm.s32 $0x800;
	s16 =	rddreg [dreg:$0x5]  }
0xa0: {  	[tilespmem:s17], [sflag:$0x2] =	stream.linear.gather [hbm4b:s16+s1], $0x400, $0x38;
	[tilespmem:$0x15880] =	vst v63  }
0xa1: {  	s18 =	rddreg [dreg:$0x6];
	s19 =	simm.s32 $0xC00  }
0xa2: {  	[tilespmem:s19], [sflag:$0x2] =	stream.linear.gather [hbm4b:s18+s1], $0x400, $0x38;
	[tilespmem:$0x15880] =	vst v63  }
0xa3: {  	s16 =	rddreg [dreg:$0x7];
	s17 =	simm.s32 $0x1000  }
0xa4: {  	[tilespmem:s17], [sflag:$0x2] =	stream.linear.gather [hbm4b:s16+s1], $0x400, $0x38;
	[tilespmem:$0x15880] =	vst v63  }
0xa5: {  	s18 =	rddreg [dreg:$0x8];
	s19 =	simm.s32 $0x1400  }
0xa6: {  	[tilespmem:s19], [sflag:$0x2] =	stream.linear.gather [hbm4b:s18+s1], $0x400, $0x38;
	[tilespmem:$0x15880] =	vst v63  }
0xa7: {  	s16 =	rddreg [dreg:$0x9];
	s17 =	simm.s32 $0x1800  }
0xa8: {  	[tilespmem:s17], [sflag:$0x2] =	stream.linear.gather [hbm4b:s16+s1], $0x400, $0x38;
	[tilespmem:$0x15880] =	vst v63  }
0xa9: {  	s18 =	rddreg [dreg:$0xa];
	s19 =	simm.s32 $0x1C00  }
0xaa: {  	[tilespmem:s19], [sflag:$0x2] =	stream.linear.gather [hbm4b:s18+s1], $0x400, $0x38;
	[tilespmem:$0x15880] =	vst v63  }
0xab: {  	s15 =	simm.s32 $0x0;
	s16 =	rddreg [dreg:$0xb];
	s17 =	simm.s32 $0x2000  }
0xac: {  	[tilespmem:s17], [sflag:$0x2] =	stream.linear.gather [hbm4b:s16+s1], $0x400, $0x38;
	[tilespmem:$0x15880] =	vst v63  }
0xad: {  	s18 =	rddreg [dreg:$0x15];
	s19 =	simm.s32 $0x4800;
	s16 =	simm.s32 $0x100  }
0xae: {  	[tilespmem:s19], [sflag:$0x2] =	stream.linear.gather [hbm4b:s18+s1], $0x400, $0x38;
	[tilespmem:$0x15880] =	vst v63  }
.LBB2_2:
0xaf: {  	p0 =	sne.s32 s16, $0x3EF00;
	[tilespmem:s15+$0x50B0] =	vst v1;
	s17 =	smov.u32 s16;
	s16 =	sadd.s32 $0x100, s16  }
.Ltmp0:
0xb0: {  	[tilespmem:s15+$0x50A0] =	vst v1;
	(pc) =	sbr.rel @p0 .LBB2_2-.Ltmp0, $3  }
0xb1: {  	[tilespmem:s15+$0x5080] =	vst v1  }
0xb2: {  	[tilespmem:s15+$0x5090] =	vst v1;
	_ =	sdelay $0x1  }
0xb3: {  	s15 =	sshra.s32 s17, $0x2  }
0xb4: {  	[tilespmem:s15+$0x50B0] =	vst v1  }
0xb5: {  	[tilespmem:s15+$0x50A0] =	vst v1  }
0xb6: {  	[tilespmem:s15+$0x5080] =	vst v1  }
0xb7: {  	[tilespmem:s15+$0x5090] =	vst v1  }
0xb8: {  	_ =	swait.ge [sflag:s3], $0x400  }
0xb9: {  	[sflag:s3] =	ssyncset.done $0x0  }
0xba: {  	[sflag:s3] =	ssyncadd.s32 $0xFFFFFC00  }
0xbb: {  	_ =	swait.ge [sflag:s3], $0x400  }
0xbc: {  	[sflag:s3] =	ssyncset.done $0x0  }
0xbd: {  	[sflag:s3] =	ssyncadd.s32 $0xFFFFFC00  }
0xbe: {  	_ =	swait.ge [sflag:s3], $0x400  }
0xbf: {  	[sflag:s3] =	ssyncset.done $0x0  }
0xc0: {  	[sflag:s3] =	ssyncadd.s32 $0xFFFFFC00  }
0xc1: {  	_ =	swait.ge [sflag:s3], $0x400  }
0xc2: {  	[sflag:s3] =	ssyncset.done $0x0  }
0xc3: {  	[sflag:s3] =	ssyncadd.s32 $0xFFFFFC00  }
0xc4: {  	_ =	swait.ge [sflag:s3], $0x400  }
0xc5: {  	[sflag:s3] =	ssyncset.done $0x0  }
0xc6: {  	[sflag:s3] =	ssyncadd.s32 $0xFFFFFC00  }
0xc7: {  	_ =	swait.ge [sflag:s3], $0x400  }
0xc8: {  	[sflag:s3] =	ssyncset.done $0x0  }
0xc9: {  	[sflag:s3] =	ssyncadd.s32 $0xFFFFFC00  }
0xca: {  	_ =	swait.ge [sflag:s3], $0x400  }
0xcb: {  	[sflag:s3] =	ssyncset.done $0x0  }
0xcc: {  	[sflag:s3] =	ssyncadd.s32 $0xFFFFFC00  }
0xcd: {  	_ =	swait.ge [sflag:s3], $0x400  }
0xce: {  	[sflag:s3] =	ssyncset.done $0x0  }
0xcf: {  	[sflag:s3] =	ssyncadd.s32 $0xFFFFFC00  }
0xd0: {  	_ =	swait.ge [sflag:s3], $0x400  }
0xd1: {  	[sflag:s3] =	ssyncset.done $0x0  }
0xd2: {  	[sflag:s3] =	ssyncadd.s32 $0xFFFFFC00  }
0xd3: {  	_ =	swait.ge [sflag:s3], $0x400  }
0xd4: {  	s15 =	simm.s32 $0x0;
	[sflag:s3] =	ssyncset.done $0x0  }
0xd5: {  	s17 =	simm.s32 $0x2400;
	s16 =	rddreg [dreg:$0xc];
	[sflag:s3] =	ssyncadd.s32 $0xFFFFFC00  }
0xd6: {  	[tilespmem:s17], [sflag:$0x2] =	stream.linear.gather [hbm4b:s16+s15], $0x400, $0x38;
	[tilespmem:$0x15880] =	vst v63  }
0xd7: {  	s19 =	simm.s32 $0x2800;
	s18 =	rddreg [dreg:$0xd]  }
0xd8: {  	[tilespmem:s19], [sflag:$0x2] =	stream.linear.gather [hbm4b:s18+s15], $0x400, $0x38;
	[tilespmem:$0x15880] =	vst v63  }
0xd9: {  	s18 =	rddreg [dreg:$0xe];
	s19 =	simm.s32 $0x2C00  }
0xda: {  	[tilespmem:s19], [sflag:$0x2] =	stream.linear.gather [hbm4b:s18+s15], $0x400, $0x38;
	[tilespmem:$0x15880] =	vst v63  }
0xdb: {  	s18 =	rddreg [dreg:$0xf];
	s19 =	simm.s32 $0x3000  }
0xdc: {  	[tilespmem:s19], [sflag:$0x2] =	stream.linear.gather [hbm4b:s18+s15], $0x400, $0x38;
	[tilespmem:$0x15880] =	vst v63  }
0xdd: {  	s18 =	rddreg [dreg:$0x10];
	s19 =	simm.s32 $0x3400  }
0xde: {  	[tilespmem:s19], [sflag:$0x2] =	stream.linear.gather [hbm4b:s18+s15], $0x400, $0x38;
	[tilespmem:$0x15880] =	vst v63  }
0xdf: {  	s18 =	rddreg [dreg:$0x11];
	s19 =	simm.s32 $0x3800  }
0xe0: {  	[tilespmem:s19], [sflag:$0x2] =	stream.linear.gather [hbm4b:s18+s15], $0x400, $0x38;
	[tilespmem:$0x15880] =	vst v63  }
0xe1: {  	s18 =	rddreg [dreg:$0x12];
	s19 =	simm.s32 $0x3C00  }
0xe2: {  	[tilespmem:s19], [sflag:$0x2] =	stream.linear.gather [hbm4b:s18+s15], $0x400, $0x38;
	[tilespmem:$0x15880] =	vst v63  }
0xe3: {  	s18 =	rddreg [dreg:$0x13];
	s19 =	simm.s32 $0x4000  }
0xe4: {  	[tilespmem:s19], [sflag:$0x2] =	stream.linear.gather [hbm4b:s18+s15], $0x400, $0x38;
	[tilespmem:$0x15880] =	vst v63  }
0xe5: {  	s18 =	rddreg [dreg:$0x14];
	s19 =	simm.s32 $0x4400  }
0xe6: {  	[tilespmem:s19], [sflag:$0x2] =	stream.linear.gather [hbm4b:s18+s15], $0x400, $0x38;
	[tilespmem:$0x15880] =	vst v63  }
0xe7: {  	s18 =	rddreg [dreg:$0x16];
	s19 =	simm.s32 $0x4C10  }
0xe8: {  	[tilespmem:s19], [sflag:$0x2] =	stream.linear.gather [hbm4b:s18+s15], $0x400, $0x38;
	[tilespmem:$0x15880] =	vst v63  }
0xe9: {  	s16 =	simm.s32 $0x14CA0;
	s17 =	simm.s32 $0x4801;
	s18 =	simm.s32 $0x0  }
.LBB2_4:
0xea: {  	v6 =	vld [tilespmem:s15+$0x0]  }
0xeb: {  	v19 =	vld [tilespmem:s15+$0x1]  }
0xec: {  	s19 =	sand.u32 $0x3F0, s18;
	v50 =	vld [tilespmem:s15+$0xC01]  }
0xed: {  	v7 =	vld [tilespmem:s19+$0x400]  }
0xee: {  	v8 =	vld [tilespmem:s19+$0x800]  }
0xef: {  	v9 =	vld [tilespmem:s19+$0xC00]  }
0xf0: {  	v10 =	vld [tilespmem:s19+$0x1000]  }
0xf1: {  	v11 =	vld [tilespmem:s19+$0x1800]  }
0xf2: {  	v12 =	vld [tilespmem:s19+$0x1C00]  }
0xf3: {  	v13 =	vld [tilespmem:s19+$0x1400]  }
0xf4: {  	v14 =	vld [tilespmem:s19+$0x2000];
	_ =	sdelay $0x1  }
0xf5: {  	v58 =	vsub.f32 v50, v19;
	v6 =	vsub.f32 v6, v9  }
0xf6: {  	v7 =	vsub.f32 v7, v10;
	v15 =	vsub.f32 v11, v9  }
0xf7: {  	v41 =	vld [tilespmem:s15+$0x401];
	v32 =	vmov s18;
	v16 =	vsub.f32 v12, v10;
	v8 =	vsub.f32 v8, v13  }
0xf8: {  	vm10 =	vne.s32 v32, v2;
	v20 =	vsub.f32 v14, v13;
	v9 =	vsub.f32 v9, v11  }
0xf9: {  	v46 =	vsub.f32 v19, v11;
	v61 =	vmul.f32 v58, v58;
	v17 =	vmul.f32 v6, v6  }
0xfa: {  	v10 =	vsub.f32 v10, v12;
	v18 =	vmul.f32 v7, v7;
	v21 =	vmul.f32 v15, v15  }
0xfb: {  	v47 =	vld [tilespmem:s15+$0x801];
	v13 =	vsub.f32 v13, v14;
	v22 =	vmul.f32 v16, v16;
	v6 =	vmul.f32 v15, v6  }
0xfc: {  	v48 =	vsub.f32 v41, v12;
	v7 =	vmul.f32 v16, v7;
	v42 =	vmul.f32 v8, v8  }
0xfd: {  	v44 =	vmul.f32 v20, v20;
	v40 =	vadd.f32 v18, v17;
	v43 =	vadd.f32 v22, v21  }
0xfe: {  	v8 =	vmul.f32 v20, v8;
	v49 =	vmul.f32 v46, v9;
	v6 =	vadd.f32 v7, v6  }
0xff: {  	v23 =	vld [tilespmem:s15+$0x1001];
	v9 =	vmul.f32 v9, v9;
	v7 =	vadd.f32 v42, v40;
	v45 =	vadd.f32 v44, v43  }
0x100: {  	v24 =	vsub.f32 v47, v14;
	v51 =	vmul.f32 v10, v10;
	v52 =	vmul.f32 v48, v10  }
0x101: {  	v54 =	vld [tilespmem:s15+$0x1401];
	v11 =	vsub.f32 v11, v19;
	v15 =	vmul.f32 v48, v48;
	v7 =	vmul.f32 v45, v7  }
0x102: {  	v12 =	vsub.f32 v12, v41;
	v56 =	vmul.f32 v24, v13;
	v57 =	vmul.f32 v24, v24  }
0x103: {  	v14 =	vsub.f32 v14, v47;
	v59 =	vmul.f32 v11, v11;
	(erf) = vrcp.f32 v7  }
0x104: {  	v16 =	vsub.f32 v23, v41;
	v60 =	vmul.f32 v12, v12;
	v11 =	vmul.f32 v58, v11  }
0x105: {  	v24 =	vmul.f32 v14, v14;
	v9 =	vadd.f32 v51, v9;
	v17 =	vmul.f32 v46, v46  }
0x106: {  	v27 =	vld [tilespmem:s17+$0xFFFFFFFF];
	v18 =	vsub.f32 v54, v47;
	v62 =	vmul.f32 v16, v16;
	v63 =	vadd.f32 v60, v59  }
0x107: {  	v28 =	vld [tilespmem:s17+$0x0];
	v12 =	vmul.f32 v16, v12;
	v6 =	vadd.f32 v8, v6;
	v8 =	vadd.f32 v52, v49  }
0x108: {  	v55 =	vadd.f32 v15, v17;
	v25 =	vadd.f32 v62, v61;
	v26 =	vmul.f32 v18, v18  }
0x109: {  	v53 =	vmul.f32 v13, v13;
	v11 =	vadd.f32 v12, v11;
	v15 =	vadd.f32 v24, v63  }
0x10a: {  	v14 =	vmul.f32 v18, v14;
	v30 =	vadd.f32 v26, v25;
	v8 =	vadd.f32 v56, v8  }
0x10b: {  	v29 =	vmul.f32 v6, v6;
	v7 =	vadd.f32 v53, v9;
	v9 =	vadd.f32 v57, v55  }
0x10c: {  	v34 =	vadd.f32 v14, v11;
	vm1 =	vlt.f32 v6, $0.0e+00;
	v6 =	vsub.s32 v28, v27;
	v31 =	vpop (erf)  }
0x10d: {  	v56 =	vor.u32 s18, v0;
	v7 =	vmul.f32 v9, v7;
	v33 =	vmul.f32 v31, v29  }
0x10e: {  	vm3 =	veq.s32 v6, $0x1;
	v35 =	vmul.f32 v30, v15;
	v37 =	vmul.f32 v8, v8  }
0x10f: {  	v48 =	vmul.f32 v34, v34;
	(erf) = vrcp.f32 v7;
	vm0 =	vlt.f32 v33, $9.729086750e-01  }
0x110: {  	vm2 =	vlt.f32 v33, $7.734741560e-01;
	vm4 =	vlt.f32 v33, $4.587104620e-01;
	vm12 =	vlt.f32 v33, $1.613591310e-01  }
0x111: {  	vm13 =	vlt.f32 v33, $6.819370200e-03;
	vm14 =	vgt.f32 v33, $6.026294450e-02;
	vm15 =	vgt.f32 v33, $2.991521660e-01  }
0x112: {  	vm7 =	vgt.f32 v33, $6.227428310e-01;
	vm8 =	vgt.f32 v33, $8.945701710e-01;
	vm0 =	vmor vm1, vm0  }
0x113: {  	vm9 =	vmor vm1, vm2;
	vm11 =	vmor vm1, vm4;
	vm2 =	vmor vm1, vm12  }
0x114: {  	vm6 =	vmand vm1, vm15;
	v6 =	vsel vm0, $0xB, v3;
	v7 =	vsel vm9, $0x1, v4  }
0x115: {  	vm0 =	vmand vm10, vm3;
	vm3 =	vmor vm1, vm13;
	v40 =	vsel vm6, $0x1, v4  }
0x116: {  	v6 =	vadd.s32 v7, v6;
	v7 =	vsel vm11, $0x1, v4;
	v36 =	vsel vm3, $0x1, v4  }
0x117: {  	vm3 =	vmand vm1, vm7;
	v6 =	vadd.s32 v7, v6;
	v7 =	vsel vm2, $0x1, v4  }
0x118: {  	vm2 =	vmand vm1, vm14;
	v41 =	vsel vm3, $0x1, v4;
	v6 =	vadd.s32 v7, v6  }
0x119: {  	vm1 =	vmand vm1, vm8;
	v38 =	vsel vm2, $0x1, v4;
	v39 =	vpop (erf);
	v6 =	vadd.s32 v36, v6  }
0x11a: {  	vm2 =	vlt.f32 v8, $0.0e+00;
	v13 =	vmul.f32 v39, v37;
	v6 =	vadd.s32 v38, v6  }
0x11b: {  	v42 =	vsel vm1, $0x1, v4;
	(erf) = vrcp.f32 v35;
	v6 =	vadd.s32 v40, v6  }
0x11c: {  	vm9 =	vlt.f32 v13, $9.729086750e-01;
	vm11 =	vlt.f32 v13, $7.734741560e-01;
	vm13 =	vlt.f32 v13, $4.587104620e-01  }
0x11d: {  	vm15 =	vlt.f32 v13, $1.613591310e-01;
	vm7 =	vlt.f32 v13, $6.819370200e-03;
	v6 =	vadd.s32 v41, v6  }
0x11e: {  	vm10 =	vmor vm2, vm9;
	vm12 =	vmor vm2, vm11;
	vm14 =	vmor vm2, vm13  }
0x11f: {  	vm6 =	vmor vm2, vm15;
	vm8 =	vmor vm2, vm7;
	vm9 =	vgt.f32 v13, $6.026294450e-02  }
0x120: {  	vm11 =	vgt.f32 v13, $2.991521660e-01;
	vm13 =	vgt.f32 v13, $8.945701710e-01;
	v43 =	vsel vm10, $0xB, v3  }
0x121: {  	v44 =	vsel vm12, $0x1, v4;
	v45 =	vsel vm14, $0x1, v4;
	v46 =	vsel vm6, $0x1, v4  }
0x122: {  	v47 =	vsel vm8, $0x1, v4;
	vm10 =	vmand vm2, vm9;
	v9 =	vadd.s32 v44, v43  }
0x123: {  	vm12 =	vgt.f32 v13, $6.227428310e-01;
	vm1 =	vmand vm2, vm11;
	v9 =	vadd.s32 v45, v9  }
0x124: {  	v49 =	vsel vm10, $0x1, v4;
	vm3 =	vmand vm2, vm12;
	v9 =	vadd.s32 v46, v9  }
0x125: {  	v51 =	vsel vm1, $0x1, v4;
	vm2 =	vmand vm2, vm13;
	v50 =	vpop (erf);
	v9 =	vadd.s32 v47, v9  }
0x126: {  	vm1 =	vlt.f32 v34, $0.0e+00;
	v20 =	vmul.f32 v50, v48;
	v9 =	vadd.s32 v49, v9  }
0x127: {  	v52 =	vsel vm3, $0x1, v4;
	v53 =	vsel vm2, $0x1, v4;
	v9 =	vadd.s32 v51, v9  }
0x128: {  	vm14 =	vlt.f32 v20, $9.729086750e-01;
	vm6 =	vlt.f32 v20, $7.734741560e-01;
	vm8 =	vlt.f32 v20, $4.587104620e-01  }
0x129: {  	vm10 =	vlt.f32 v20, $1.613591310e-01;
	vm11 =	vlt.f32 v20, $6.819370200e-03;
	vm12 =	vgt.f32 v20, $6.026294450e-02  }
0x12a: {  	vm13 =	vgt.f32 v20, $2.991521660e-01;
	v9 =	vadd.s32 v52, v9;
	vm15 =	vmor vm1, vm14  }
0x12b: {  	vm7 =	vmor vm1, vm6;
	vm9 =	vmor vm1, vm8;
	vm2 =	vmor vm1, vm10  }
0x12c: {  	vm14 =	vgt.f32 v20, $6.227428310e-01;
	v54 =	vsel vm15, $0xB, v3;
	v55 =	vsel vm7, $0x1, v4  }
0x12d: {  	v7 =	vsel vm9, $0x1, v4;
	v57 =	vsel vm2, $0x1, v4;
	v13 =	vadd.s32 v55, v54  }
0x12e: {  	vm2 =	vmor vm1, vm11;
	vm15 =	vgt.f32 v20, $8.945701710e-01;
	v7 =	vadd.s32 v7, v13  }
0x12f: {  	v58 =	vsel vm2, $0x1, v4;
	vm2 =	vmand vm1, vm12;
	v7 =	vadd.s32 v57, v7  }
0x130: {  	v59 =	vsel vm2, $0x1, v4;
	vm2 =	vmand vm1, vm13;
	v7 =	vadd.s32 v58, v7  }
0x131: {  	v60 =	vsel vm2, $0x1, v4;
	vm2 =	vmand vm1, vm14;
	v7 =	vadd.s32 v59, v7  }
0x132: {  	vm1 =	vmand vm1, vm15;
	v61 =	vsel vm2, $0x1, v4;
	v7 =	vadd.s32 v60, v7  }
0x133: {  	v9 =	vadd.s32 v53, v9;
	v62 =	vsel vm1, $0x1, v4;
	v7 =	vadd.s32 v61, v7  }
0x134: {  	v6 =	vadd.s32 v42, v6;
	v63 =	vshll.u32 v9, $0xA;
	v7 =	vadd.s32 v62, v7  }
0x135: {  	v6 =	vshll.u32 v6, $0xA;
	v8 =	vadd.s32 $0x5400, v63;
	v7 =	vshll.u32 v7, $0xA  }
0x136: {  	v6 =	vadd.s32 v56, v6;
	v8 =	vnsel vm0, $0x7C00, v8;
	v7 =	vadd.s32 $0xA800, v7  }
0x137: {  	v8 =	vor.u32 v56, v8;
	v7 =	vnsel vm0, $0xD000, v7  }
0x138: {  	v7 =	vor.u32 v56, v7;
	_ =	sdelay $0x2  }
0x139: {  	p0 =	sne.s32 s18, $0x3F0;
	[tilespmem:v6+s4+$0x0] =	vst.idx.msk $0xffff, v5  }
.Ltmp1:
0x13a: {  	[tilespmem:v8+s4+$0x0] =	vst.idx.msk $0xffff, v5;
	(pc) =	sbr.rel @p0 .LBB2_4-.Ltmp1, $4  }
0x13b: {  	[tilespmem:v7+s4+$0x0] =	vst.idx.msk $0xffff, v5  }
0x13c: {  	[tilespmem:s16+$0xFFFFFFE0] =	vst v6  }
0x13d: {  	s17 =	sadd.s32 $0x10, s17;
	[tilespmem:s16+$0xFFFFFFF0] =	vst v8  }
0x13e: {  	s15 =	sadd.s32 $0x10, s15;
	s18 =	sadd.s32 $0x10, s18;
	[tilespmem:s16+$0x0] =	vst v7;
	s16 =	sadd.s32 $0x30, s16  }
0x13f: {  	s15 =	simm.s32 $0x0;
	s16 =	rddreg [dreg:$0x17]  }
0x140: {  	[hbm4b:s22+s15] =	stream.linear.scatter [tilespmem:s4], [sflag:$0x1], $0x400, $0x38;
	[tilespmem:$0x15880] =	vst v63  }
0x141: {  	s17 =	rddreg [dreg:$0x19]  }
0x142: {  	[hbm4b:s16+s15] =	stream.linear.scatter [tilespmem:s20], [sflag:$0x1], $0x400, $0x38;
	[tilespmem:$0x15880] =	vst v63  }
0x143: {  	s20 =	rddreg [dreg:$0x18]  }
0x144: {  	[hbm4b:s20+s15] =	stream.linear.scatter [tilespmem:s21], [sflag:$0x1], $0x400, $0x38;
	[tilespmem:$0x15880] =	vst v63  }
0x145: {  	s18 =	rddreg [dreg:$0x1a]  }
0x146: {  	[hbm4b:s17+s15] =	stream.linear.scatter [tilespmem:s23], [sflag:$0x1], $0x400, $0x38;
	[tilespmem:$0x15880] =	vst v63  }
0x147: {  	s19 =	rddreg [dreg:$0x1b];
	s17 =	simm.s32 $0x6080  }
0x148: {  	[hbm4b:s18+s15] =	stream.linear.scatter [tilespmem:s17], [sflag:$0x1], $0x400, $0x38;
	[tilespmem:$0x15880] =	vst v63  }
0x149: {  	s20 =	simm.s32 $0x6480;
	s21 =	rddreg [dreg:$0x1c]  }
0x14a: {  	[hbm4b:s19+s15] =	stream.linear.scatter [tilespmem:s20], [sflag:$0x1], $0x400, $0x38;
	[tilespmem:$0x15880] =	vst v63  }
0x14b: {  	s23 =	simm.s32 $0x6880;
	s17 =	rddreg [dreg:$0x1d]  }
0x14c: {  	[hbm4b:s21+s15] =	stream.linear.scatter [tilespmem:s23], [sflag:$0x1], $0x400, $0x38;
	[tilespmem:$0x15880] =	vst v63  }
0x14d: {  	s18 =	simm.s32 $0x6C80;
	s19 =	rddreg [dreg:$0x1e]  }
0x14e: {  	[hbm4b:s17+s15] =	stream.linear.scatter [tilespmem:s18], [sflag:$0x1], $0x400, $0x38;
	[tilespmem:$0x15880] =	vst v63  }
0x14f: {  	s20 =	simm.s32 $0x7080;
	s21 =	sld [smem:$0x792]  }
0x150: {  	[hbm4b:s19+s15] =	stream.linear.scatter [tilespmem:s20], [sflag:$0x1], $0x400, $0x38;
	[tilespmem:$0x15880] =	vst v63  }
0x151: {  	s23 =	simm.s32 $0x7480;
	s17 =	sld [smem:$0x793]  }
0x152: {  	[hbm4b:s21+s15] =	stream.linear.scatter [tilespmem:s23], [sflag:$0x1], $0x400, $0x38;
	[tilespmem:$0x15880] =	vst v63  }
0x153: {  	s18 =	simm.s32 $0x7880;
	s19 =	sld [smem:$0x794]  }
0x154: {  	[hbm4b:s17+s15] =	stream.linear.scatter [tilespmem:s18], [sflag:$0x1], $0x400, $0x38;
	[tilespmem:$0x15880] =	vst v63  }
0x155: {  	s20 =	simm.s32 $0x7C80;
	s21 =	sld [smem:$0x795]  }
0x156: {  	[hbm4b:s19+s15] =	stream.linear.scatter [tilespmem:s20], [sflag:$0x1], $0x400, $0x38;
	[tilespmem:$0x15880] =	vst v63  }
0x157: {  	s23 =	simm.s32 $0x8080;
	s17 =	sld [smem:$0x796]  }
0x158: {  	[hbm4b:s21+s15] =	stream.linear.scatter [tilespmem:s23], [sflag:$0x1], $0x400, $0x38;
	[tilespmem:$0x15880] =	vst v63  }
0x159: {  	s18 =	simm.s32 $0x8480;
	s19 =	sld [smem:$0x797]  }
0x15a: {  	[hbm4b:s17+s15] =	stream.linear.scatter [tilespmem:s18], [sflag:$0x1], $0x400, $0x38;
	[tilespmem:$0x15880] =	vst v63  }
0x15b: {  	s20 =	simm.s32 $0x8880;
	s21 =	sld [smem:$0x798]  }
0x15c: {  	[hbm4b:s19+s15] =	stream.linear.scatter [tilespmem:s20], [sflag:$0x1], $0x400, $0x38;
	[tilespmem:$0x15880] =	vst v63  }
0x15d: {  	s23 =	simm.s32 $0x8C80;
	s17 =	sld [smem:$0x799]  }
0x15e: {  	[hbm4b:s21+s15] =	stream.linear.scatter [tilespmem:s23], [sflag:$0x1], $0x400, $0x38;
	[tilespmem:$0x15880] =	vst v63  }
0x15f: {  	s18 =	simm.s32 $0x9080;
	s19 =	sld [smem:$0x79A]  }
0x160: {  	[hbm4b:s17+s15] =	stream.linear.scatter [tilespmem:s18], [sflag:$0x1], $0x400, $0x38;
	[tilespmem:$0x15880] =	vst v63  }
0x161: {  	s20 =	simm.s32 $0x9480;
	s21 =	sld [smem:$0x79B]  }
0x162: {  	[hbm4b:s19+s15] =	stream.linear.scatter [tilespmem:s20], [sflag:$0x1], $0x400, $0x38;
	[tilespmem:$0x15880] =	vst v63  }
0x163: {  	s23 =	simm.s32 $0x9880;
	s17 =	sld [smem:$0x79C]  }
0x164: {  	[hbm4b:s21+s15] =	stream.linear.scatter [tilespmem:s23], [sflag:$0x1], $0x400, $0x38;
	[tilespmem:$0x15880] =	vst v63  }
0x165: {  	s18 =	simm.s32 $0x9C80;
	s19 =	sld [smem:$0x79D]  }
0x166: {  	[hbm4b:s17+s15] =	stream.linear.scatter [tilespmem:s18], [sflag:$0x1], $0x400, $0x38;
	[tilespmem:$0x15880] =	vst v63  }
0x167: {  	s20 =	simm.s32 $0xA080;
	s21 =	sld [smem:$0x79E]  }
0x168: {  	[hbm4b:s19+s15] =	stream.linear.scatter [tilespmem:s20], [sflag:$0x1], $0x400, $0x38;
	[tilespmem:$0x15880] =	vst v63  }
0x169: {  	s23 =	simm.s32 $0xA480;
	s17 =	sld [smem:$0x79F]  }
0x16a: {  	[hbm4b:s21+s15] =	stream.linear.scatter [tilespmem:s23], [sflag:$0x1], $0x400, $0x38;
	[tilespmem:$0x15880] =	vst v63  }
0x16b: {  	s18 =	simm.s32 $0xA880;
	s19 =	sld [smem:$0x7A0]  }
0x16c: {  	[hbm4b:s17+s15] =	stream.linear.scatter [tilespmem:s18], [sflag:$0x1], $0x400, $0x38;
	[tilespmem:$0x15880] =	vst v63  }
0x16d: {  	s20 =	simm.s32 $0xAC80;
	s21 =	sld [smem:$0x7A1]  }
0x16e: {  	[hbm4b:s19+s15] =	stream.linear.scatter [tilespmem:s20], [sflag:$0x1], $0x400, $0x38;
	[tilespmem:$0x15880] =	vst v63  }
0x16f: {  	s23 =	simm.s32 $0xB080;
	s17 =	sld [smem:$0x7A2]  }
0x170: {  	[hbm4b:s21+s15] =	stream.linear.scatter [tilespmem:s23], [sflag:$0x1], $0x400, $0x38;
	[tilespmem:$0x15880] =	vst v63  }
0x171: {  	s18 =	simm.s32 $0xB480;
	s19 =	sld [smem:$0x7A3]  }
0x172: {  	[hbm4b:s17+s15] =	stream.linear.scatter [tilespmem:s18], [sflag:$0x1], $0x400, $0x38;
	[tilespmem:$0x15880] =	vst v63  }
0x173: {  	s20 =	simm.s32 $0xB880;
	s21 =	sld [smem:$0x7A4]  }
0x174: {  	[hbm4b:s19+s15] =	stream.linear.scatter [tilespmem:s20], [sflag:$0x1], $0x400, $0x38;
	[tilespmem:$0x15880] =	vst v63  }
0x175: {  	s23 =	simm.s32 $0xBC80;
	s17 =	sld [smem:$0x7A5]  }
0x176: {  	[hbm4b:s21+s15] =	stream.linear.scatter [tilespmem:s23], [sflag:$0x1], $0x400, $0x38;
	[tilespmem:$0x15880] =	vst v63  }
0x177: {  	s18 =	simm.s32 $0xC080;
	s19 =	sld [smem:$0x7A6]  }
0x178: {  	[hbm4b:s17+s15] =	stream.linear.scatter [tilespmem:s18], [sflag:$0x1], $0x400, $0x38;
	[tilespmem:$0x15880] =	vst v63  }
0x179: {  	s20 =	simm.s32 $0xC480;
	s21 =	sld [smem:$0x7A7]  }
0x17a: {  	[hbm4b:s19+s15] =	stream.linear.scatter [tilespmem:s20], [sflag:$0x1], $0x400, $0x38;
	[tilespmem:$0x15880] =	vst v63  }
0x17b: {  	s23 =	simm.s32 $0xC880;
	s17 =	sld [smem:$0x7A8]  }
0x17c: {  	[hbm4b:s21+s15] =	stream.linear.scatter [tilespmem:s23], [sflag:$0x1], $0x400, $0x38;
	[tilespmem:$0x15880] =	vst v63  }
0x17d: {  	s18 =	simm.s32 $0xCC80;
	s19 =	sld [smem:$0x7A9]  }
0x17e: {  	[hbm4b:s17+s15] =	stream.linear.scatter [tilespmem:s18], [sflag:$0x1], $0x400, $0x38;
	[tilespmem:$0x15880] =	vst v63  }
0x17f: {  	s20 =	simm.s32 $0xD080;
	s21 =	sld [smem:$0x7AA]  }
0x180: {  	[hbm4b:s19+s15] =	stream.linear.scatter [tilespmem:s20], [sflag:$0x1], $0x400, $0x38;
	[tilespmem:$0x15880] =	vst v63  }
0x181: {  	s23 =	simm.s32 $0xD480;
	s17 =	sld [smem:$0x7AB]  }
0x182: {  	[hbm4b:s21+s15] =	stream.linear.scatter [tilespmem:s23], [sflag:$0x1], $0x400, $0x38;
	[tilespmem:$0x15880] =	vst v63  }
0x183: {  	s18 =	simm.s32 $0xD880;
	s19 =	sld [smem:$0x7AC]  }
0x184: {  	[hbm4b:s17+s15] =	stream.linear.scatter [tilespmem:s18], [sflag:$0x1], $0x400, $0x38;
	[tilespmem:$0x15880] =	vst v63  }
0x185: {  	s20 =	simm.s32 $0xDC80;
	s21 =	sld [smem:$0x7AD]  }
0x186: {  	[hbm4b:s19+s15] =	stream.linear.scatter [tilespmem:s20], [sflag:$0x1], $0x400, $0x38;
	[tilespmem:$0x15880] =	vst v63  }
0x187: {  	s23 =	simm.s32 $0xE080;
	s17 =	sld [smem:$0x7AE]  }
0x188: {  	[hbm4b:s21+s15] =	stream.linear.scatter [tilespmem:s23], [sflag:$0x1], $0x400, $0x38;
	[tilespmem:$0x15880] =	vst v63  }
0x189: {  	s18 =	simm.s32 $0xE480;
	s19 =	sld [smem:$0x7AF]  }
0x18a: {  	[hbm4b:s17+s15] =	stream.linear.scatter [tilespmem:s18], [sflag:$0x1], $0x400, $0x38;
	[tilespmem:$0x15880] =	vst v63  }
0x18b: {  	s20 =	simm.s32 $0xE880;
	s21 =	sld [smem:$0x7B0]  }
0x18c: {  	[hbm4b:s19+s15] =	stream.linear.scatter [tilespmem:s20], [sflag:$0x1], $0x400, $0x38;
	[tilespmem:$0x15880] =	vst v63  }
0x18d: {  	s23 =	simm.s32 $0xEC80;
	s17 =	sld [smem:$0x7B1]  }
0x18e: {  	[hbm4b:s21+s15] =	stream.linear.scatter [tilespmem:s23], [sflag:$0x1], $0x400, $0x38;
	[tilespmem:$0x15880] =	vst v63  }
0x18f: {  	s18 =	simm.s32 $0xF080;
	s19 =	sld [smem:$0x7B2]  }
0x190: {  	[hbm4b:s17+s15] =	stream.linear.scatter [tilespmem:s18], [sflag:$0x1], $0x400, $0x38;
	[tilespmem:$0x15880] =	vst v63  }
0x191: {  	s20 =	simm.s32 $0xF480;
	s21 =	sld [smem:$0x7B3]  }
0x192: {  	[hbm4b:s19+s15] =	stream.linear.scatter [tilespmem:s20], [sflag:$0x1], $0x400, $0x38;
	[tilespmem:$0x15880] =	vst v63  }
0x193: {  	s23 =	simm.s32 $0xF880;
	s17 =	sld [smem:$0x7B4]  }
0x194: {  	[hbm4b:s21+s15] =	stream.linear.scatter [tilespmem:s23], [sflag:$0x1], $0x400, $0x38;
	[tilespmem:$0x15880] =	vst v63  }
0x195: {  	s18 =	simm.s32 $0xFC80;
	s19 =	sld [smem:$0x7B5]  }
0x196: {  	[hbm4b:s17+s15] =	stream.linear.scatter [tilespmem:s18], [sflag:$0x1], $0x400, $0x38;
	[tilespmem:$0x15880] =	vst v63  }
0x197: {  	s20 =	simm.s32 $0x10080;
	s21 =	sld [smem:$0x7B6]  }
0x198: {  	[hbm4b:s19+s15] =	stream.linear.scatter [tilespmem:s20], [sflag:$0x1], $0x400, $0x38;
	[tilespmem:$0x15880] =	vst v63  }
0x199: {  	s23 =	simm.s32 $0x10480;
	s18 =	sld [smem:$0x7B7]  }
0x19a: {  	[hbm4b:s21+s15] =	stream.linear.scatter [tilespmem:s23], [sflag:$0x1], $0x400, $0x38;
	[tilespmem:$0x15880] =	vst v63  }
0x19b: {  	s19 =	sld [smem:$0x7B8]  }
0x19c: {  	[hbm4b:s18+s15] =	stream.linear.scatter [tilespmem:s24], [sflag:$0x1], $0x400, $0x38;
	[tilespmem:$0x15880] =	vst v63  }
0x19d: {  	s20 =	sld [smem:$0x7B9]  }
0x19e: {  	[hbm4b:s19+s15] =	stream.linear.scatter [tilespmem:s25], [sflag:$0x1], $0x400, $0x38;
	[tilespmem:$0x15880] =	vst v63  }
0x19f: {  	s21 =	sld [smem:$0x7BA]  }
0x1a0: {  	[hbm4b:s20+s15] =	stream.linear.scatter [tilespmem:s26], [sflag:$0x1], $0x400, $0x38;
	[tilespmem:$0x15880] =	vst v63  }
0x1a1: {  	s23 =	sld [smem:$0x7BB]  }
0x1a2: {  	[hbm4b:s21+s15] =	stream.linear.scatter [tilespmem:s28], [sflag:$0x1], $0x400, $0x38;
	[tilespmem:$0x15880] =	vst v63  }
0x1a3: {  	s17 =	sld [smem:$0x7BC]  }
0x1a4: {  	[hbm4b:s23+s15] =	stream.linear.scatter [tilespmem:s29], [sflag:$0x1], $0x400, $0x38;
	[tilespmem:$0x15880] =	vst v63  }
0x1a5: {  	s18 =	sld [smem:$0x7BD]  }
0x1a6: {  	[hbm4b:s17+s15] =	stream.linear.scatter [tilespmem:s30], [sflag:$0x1], $0x400, $0x38;
	[tilespmem:$0x15880] =	vst v63  }
0x1a7: {  	s19 =	sld [smem:$0x7BE]  }
0x1a8: {  	[hbm4b:s18+s15] =	stream.linear.scatter [tilespmem:s31], [sflag:$0x1], $0x400, $0x38;
	[tilespmem:$0x15880] =	vst v63  }
0x1a9: {  	s20 =	sld [smem:$0x7BF]  }
0x1aa: {  	[hbm4b:s19+s15] =	stream.linear.scatter [tilespmem:s5], [sflag:$0x1], $0x400, $0x38;
	[tilespmem:$0x15880] =	vst v63  }
0x1ab: {  	s21 =	sld [smem:$0x7C0]  }
0x1ac: {  	[hbm4b:s20+s15] =	stream.linear.scatter [tilespmem:s0], [sflag:$0x1], $0x400, $0x38;
	[tilespmem:$0x15880] =	vst v63  }
0x1ad: {  	s23 =	sld [smem:$0x7C1]  }
0x1ae: {  	[hbm4b:s21+s15] =	stream.linear.scatter [tilespmem:s6], [sflag:$0x1], $0x400, $0x38;
	[tilespmem:$0x15880] =	vst v63  }
0x1af: {  	s17 =	sld [smem:$0x7C2]  }
0x1b0: {  	[hbm4b:s23+s15] =	stream.linear.scatter [tilespmem:s2], [sflag:$0x1], $0x400, $0x38;
	[tilespmem:$0x15880] =	vst v63  }
0x1b1: {  	s18 =	sld [smem:$0x7C3]  }
0x1b2: {  	[hbm4b:s17+s15] =	stream.linear.scatter [tilespmem:s7], [sflag:$0x1], $0x400, $0x38;
	[tilespmem:$0x15880] =	vst v63  }
0x1b3: {  	s19 =	sld [smem:$0x7C4]  }
0x1b4: {  	[hbm4b:s18+s15] =	stream.linear.scatter [tilespmem:s8], [sflag:$0x1], $0x400, $0x38;
	[tilespmem:$0x15880] =	vst v63  }
0x1b5: {  	s20 =	sld [smem:$0x7C5]  }
0x1b6: {  	[hbm4b:s19+s15] =	stream.linear.scatter [tilespmem:s9], [sflag:$0x1], $0x400, $0x38;
	[tilespmem:$0x15880] =	vst v63  }
0x1b7: {  	s21 =	sld [smem:$0x7C6]  }
0x1b8: {  	[hbm4b:s20+s15] =	stream.linear.scatter [tilespmem:s10], [sflag:$0x1], $0x400, $0x38;
	[tilespmem:$0x15880] =	vst v63  }
0x1b9: {  	s23 =	sld [smem:$0x7C7]  }
0x1ba: {  	[hbm4b:s21+s15] =	stream.linear.scatter [tilespmem:s11], [sflag:$0x1], $0x400, $0x38;
	[tilespmem:$0x15880] =	vst v63  }
0x1bb: {  	_ = 	snop  }
0x1bc: {  	[hbm4b:s23+s15] =	stream.linear.scatter [tilespmem:s12], [sflag:$0x1], $0x400, $0x38;
	[tilespmem:$0x15880] =	vst v63  }
0x1bd: {  	_ =	swait.ge [sflag:s13], $0x400  }
0x1be: {  	[sflag:s13] =	ssyncset.done $0x0  }
0x1bf: {  	[sflag:s13] =	ssyncadd.s32 $0xFFFFFC00  }
0x1c0: {  	_ =	swait.ge [sflag:s13], $0x400  }
0x1c1: {  	[sflag:s13] =	ssyncset.done $0x0  }
0x1c2: {  	[sflag:s13] =	ssyncadd.s32 $0xFFFFFC00  }
0x1c3: {  	_ =	swait.ge [sflag:s13], $0x400  }
0x1c4: {  	[sflag:s13] =	ssyncset.done $0x0  }
0x1c5: {  	[sflag:s13] =	ssyncadd.s32 $0xFFFFFC00  }
0x1c6: {  	_ =	swait.ge [sflag:s13], $0x400  }
0x1c7: {  	[sflag:s13] =	ssyncset.done $0x0  }
0x1c8: {  	[sflag:s13] =	ssyncadd.s32 $0xFFFFFC00  }
0x1c9: {  	_ =	swait.ge [sflag:s13], $0x400  }
0x1ca: {  	[sflag:s13] =	ssyncset.done $0x0  }
0x1cb: {  	[sflag:s13] =	ssyncadd.s32 $0xFFFFFC00  }
0x1cc: {  	_ =	swait.ge [sflag:s13], $0x400  }
0x1cd: {  	[sflag:s13] =	ssyncset.done $0x0  }
0x1ce: {  	[sflag:s13] =	ssyncadd.s32 $0xFFFFFC00  }
0x1cf: {  	_ =	swait.ge [sflag:s13], $0x400  }
0x1d0: {  	[sflag:s13] =	ssyncset.done $0x0  }
0x1d1: {  	[sflag:s13] =	ssyncadd.s32 $0xFFFFFC00  }
0x1d2: {  	_ =	swait.ge [sflag:s13], $0x400  }
0x1d3: {  	[sflag:s13] =	ssyncset.done $0x0  }
0x1d4: {  	[sflag:s13] =	ssyncadd.s32 $0xFFFFFC00  }
0x1d5: {  	_ =	swait.ge [sflag:s13], $0x400  }
0x1d6: {  	[sflag:s13] =	ssyncset.done $0x0  }
0x1d7: {  	[sflag:s13] =	ssyncadd.s32 $0xFFFFFC00  }
0x1d8: {  	_ =	swait.ge [sflag:s13], $0x400  }
0x1d9: {  	[sflag:s13] =	ssyncset.done $0x0  }
0x1da: {  	[sflag:s13] =	ssyncadd.s32 $0xFFFFFC00  }
0x1db: {  	_ =	swait.ge [sflag:s13], $0x400  }
0x1dc: {  	[sflag:s13] =	ssyncset.done $0x0  }
0x1dd: {  	[sflag:s13] =	ssyncadd.s32 $0xFFFFFC00  }
0x1de: {  	_ =	swait.ge [sflag:s13], $0x400  }
0x1df: {  	[sflag:s13] =	ssyncset.done $0x0  }
0x1e0: {  	[sflag:s13] =	ssyncadd.s32 $0xFFFFFC00  }
0x1e1: {  	_ =	swait.ge [sflag:s13], $0x400  }
0x1e2: {  	[sflag:s13] =	ssyncset.done $0x0  }
0x1e3: {  	[sflag:s13] =	ssyncadd.s32 $0xFFFFFC00  }
0x1e4: {  	_ =	swait.ge [sflag:s13], $0x400  }
0x1e5: {  	[sflag:s13] =	ssyncset.done $0x0  }
0x1e6: {  	[sflag:s13] =	ssyncadd.s32 $0xFFFFFC00  }
0x1e7: {  	_ =	swait.ge [sflag:s13], $0x400  }
0x1e8: {  	[sflag:s13] =	ssyncset.done $0x0  }
0x1e9: {  	[sflag:s13] =	ssyncadd.s32 $0xFFFFFC00  }
0x1ea: {  	_ =	swait.ge [sflag:s13], $0x400  }
0x1eb: {  	[sflag:s13] =	ssyncset.done $0x0  }
0x1ec: {  	[sflag:s13] =	ssyncadd.s32 $0xFFFFFC00  }
0x1ed: {  	_ =	swait.ge [sflag:s13], $0x400  }
0x1ee: {  	[sflag:s13] =	ssyncset.done $0x0  }
0x1ef: {  	[sflag:s13] =	ssyncadd.s32 $0xFFFFFC00  }
0x1f0: {  	_ =	swait.ge [sflag:s13], $0x400  }
0x1f1: {  	[sflag:s13] =	ssyncset.done $0x0  }
0x1f2: {  	[sflag:s13] =	ssyncadd.s32 $0xFFFFFC00  }
0x1f3: {  	_ =	swait.ge [sflag:s13], $0x400  }
0x1f4: {  	[sflag:s13] =	ssyncset.done $0x0  }
0x1f5: {  	[sflag:s13] =	ssyncadd.s32 $0xFFFFFC00  }
0x1f6: {  	_ =	swait.ge [sflag:s13], $0x400  }
0x1f7: {  	[sflag:s13] =	ssyncset.done $0x0  }
0x1f8: {  	[sflag:s13] =	ssyncadd.s32 $0xFFFFFC00  }
0x1f9: {  	_ =	swait.ge [sflag:s13], $0x400  }
0x1fa: {  	[sflag:s13] =	ssyncset.done $0x0  }
0x1fb: {  	[sflag:s13] =	ssyncadd.s32 $0xFFFFFC00  }
0x1fc: {  	_ =	swait.ge [sflag:s13], $0x400  }
0x1fd: {  	[sflag:s13] =	ssyncset.done $0x0  }
0x1fe: {  	[sflag:s13] =	ssyncadd.s32 $0xFFFFFC00  }
0x1ff: {  	_ =	swait.ge [sflag:s13], $0x400  }
0x200: {  	[sflag:s13] =	ssyncset.done $0x0  }
0x201: {  	[sflag:s13] =	ssyncadd.s32 $0xFFFFFC00  }
0x202: {  	_ =	swait.ge [sflag:s13], $0x400  }
0x203: {  	[sflag:s13] =	ssyncset.done $0x0  }
0x204: {  	[sflag:s13] =	ssyncadd.s32 $0xFFFFFC00  }
0x205: {  	_ =	swait.ge [sflag:s13], $0x400  }
0x206: {  	[sflag:s13] =	ssyncset.done $0x0  }
0x207: {  	[sflag:s13] =	ssyncadd.s32 $0xFFFFFC00  }
0x208: {  	_ =	swait.ge [sflag:s13], $0x400  }
0x209: {  	[sflag:s13] =	ssyncset.done $0x0  }
0x20a: {  	[sflag:s13] =	ssyncadd.s32 $0xFFFFFC00  }
0x20b: {  	_ =	swait.ge [sflag:s13], $0x400  }
0x20c: {  	[sflag:s13] =	ssyncset.done $0x0  }
0x20d: {  	[sflag:s13] =	ssyncadd.s32 $0xFFFFFC00  }
0x20e: {  	_ =	swait.ge [sflag:s13], $0x400  }
0x20f: {  	[sflag:s13] =	ssyncset.done $0x0  }
0x210: {  	[sflag:s13] =	ssyncadd.s32 $0xFFFFFC00  }
0x211: {  	_ =	swait.ge [sflag:s13], $0x400  }
0x212: {  	[sflag:s13] =	ssyncset.done $0x0  }
0x213: {  	[sflag:s13] =	ssyncadd.s32 $0xFFFFFC00  }
0x214: {  	_ =	swait.ge [sflag:s13], $0x400  }
0x215: {  	[sflag:s13] =	ssyncset.done $0x0  }
0x216: {  	[sflag:s13] =	ssyncadd.s32 $0xFFFFFC00  }
0x217: {  	_ =	swait.ge [sflag:s13], $0x400  }
0x218: {  	[sflag:s13] =	ssyncset.done $0x0  }
0x219: {  	[sflag:s13] =	ssyncadd.s32 $0xFFFFFC00  }
0x21a: {  	_ =	swait.ge [sflag:s13], $0x400  }
0x21b: {  	[sflag:s13] =	ssyncset.done $0x0  }
0x21c: {  	[sflag:s13] =	ssyncadd.s32 $0xFFFFFC00  }
0x21d: {  	_ =	swait.ge [sflag:s13], $0x400  }
0x21e: {  	[sflag:s13] =	ssyncset.done $0x0  }
0x21f: {  	[sflag:s13] =	ssyncadd.s32 $0xFFFFFC00  }
0x220: {  	_ =	swait.ge [sflag:s13], $0x400  }
0x221: {  	[sflag:s13] =	ssyncset.done $0x0  }
0x222: {  	[sflag:s13] =	ssyncadd.s32 $0xFFFFFC00  }
0x223: {  	_ =	swait.ge [sflag:s13], $0x400  }
0x224: {  	[sflag:s13] =	ssyncset.done $0x0  }
0x225: {  	[sflag:s13] =	ssyncadd.s32 $0xFFFFFC00  }
0x226: {  	_ =	swait.ge [sflag:s13], $0x400  }
0x227: {  	[sflag:s13] =	ssyncset.done $0x0  }
0x228: {  	[sflag:s13] =	ssyncadd.s32 $0xFFFFFC00  }
0x229: {  	_ =	swait.ge [sflag:s13], $0x400  }
0x22a: {  	[sflag:s13] =	ssyncset.done $0x0  }
0x22b: {  	[sflag:s13] =	ssyncadd.s32 $0xFFFFFC00  }
0x22c: {  	_ =	swait.ge [sflag:s13], $0x400  }
0x22d: {  	[sflag:s13] =	ssyncset.done $0x0  }
0x22e: {  	[sflag:s13] =	ssyncadd.s32 $0xFFFFFC00  }
0x22f: {  	_ =	swait.ge [sflag:s13], $0x400  }
0x230: {  	[sflag:s13] =	ssyncset.done $0x0  }
0x231: {  	[sflag:s13] =	ssyncadd.s32 $0xFFFFFC00  }
0x232: {  	_ =	swait.ge [sflag:s13], $0x400  }
0x233: {  	[sflag:s13] =	ssyncset.done $0x0  }
0x234: {  	[sflag:s13] =	ssyncadd.s32 $0xFFFFFC00  }
0x235: {  	_ =	swait.ge [sflag:s13], $0x400  }
0x236: {  	[sflag:s13] =	ssyncset.done $0x0  }
0x237: {  	[sflag:s13] =	ssyncadd.s32 $0xFFFFFC00  }
0x238: {  	_ =	swait.ge [sflag:s13], $0x400  }
0x239: {  	[sflag:s13] =	ssyncset.done $0x0  }
0x23a: {  	[sflag:s13] =	ssyncadd.s32 $0xFFFFFC00  }
0x23b: {  	_ =	swait.ge [sflag:s13], $0x400  }
0x23c: {  	[sflag:s13] =	ssyncset.done $0x0  }
0x23d: {  	[sflag:s13] =	ssyncadd.s32 $0xFFFFFC00  }
0x23e: {  	_ =	swait.ge [sflag:s13], $0x400  }
0x23f: {  	[sflag:s13] =	ssyncset.done $0x0  }
0x240: {  	[sflag:s13] =	ssyncadd.s32 $0xFFFFFC00  }
0x241: {  	_ =	swait.ge [sflag:s13], $0x400  }
0x242: {  	[sflag:s13] =	ssyncset.done $0x0  }
0x243: {  	[sflag:s13] =	ssyncadd.s32 $0xFFFFFC00  }
0x244: {  	_ =	swait.ge [sflag:s13], $0x400  }
0x245: {  	[sflag:s13] =	ssyncset.done $0x0  }
0x246: {  	[sflag:s13] =	ssyncadd.s32 $0xFFFFFC00  }
0x247: {  	_ =	swait.ge [sflag:s13], $0x400  }
0x248: {  	[sflag:s13] =	ssyncset.done $0x0  }
0x249: {  	[sflag:s13] =	ssyncadd.s32 $0xFFFFFC00  }
0x24a: {  	_ =	swait.ge [sflag:s13], $0x400  }
0x24b: {  	[sflag:s13] =	ssyncset.done $0x0  }
0x24c: {  	[sflag:s13] =	ssyncadd.s32 $0xFFFFFC00  }
0x24d: {  	_ =	swait.ge [sflag:s13], $0x400  }
0x24e: {  	[sflag:s13] =	ssyncset.done $0x0  }
0x24f: {  	[sflag:s13] =	ssyncadd.s32 $0xFFFFFC00  }
0x250: {  	_ =	swait.ge [sflag:s13], $0x400  }
0x251: {  	[sflag:s13] =	ssyncset.done $0x0  }
0x252: {  	[sflag:s13] =	ssyncadd.s32 $0xFFFFFC00  }
0x253: {  	_ =	swait.ge [sflag:s13], $0x400  }
0x254: {  	[sflag:s13] =	ssyncset.done $0x0  }
0x255: {  	[sflag:s13] =	ssyncadd.s32 $0xFFFFFC00  }
0x256: {  	_ =	swait.ge [sflag:s13], $0x400  }
0x257: {  	[sflag:s13] =	ssyncset.done $0x0  }
0x258: {  	[sflag:s13] =	ssyncadd.s32 $0xFFFFFC00  }
0x259: {  	_ =	swait.ge [sflag:s13], $0x400  }
0x25a: {  	[sflag:s13] =	ssyncset.done $0x0  }
0x25b: {  	[sflag:s13] =	ssyncadd.s32 $0xFFFFFC00  }
0x25c: {  	_ =	swait.ge [sflag:s13], $0x400  }
0x25d: {  	[sflag:s13] =	ssyncset.done $0x0  }
0x25e: {  	[sflag:s13] =	ssyncadd.s32 $0xFFFFFC00  }
0x25f: {  	_ =	swait.ge [sflag:s13], $0x400  }
0x260: {  	[sflag:s13] =	ssyncset.done $0x0  }
0x261: {  	[sflag:s13] =	ssyncadd.s32 $0xFFFFFC00  }
0x262: {  	_ =	swait.ge [sflag:s13], $0x400  }
0x263: {  	[sflag:s13] =	ssyncset.done $0x0  }
0x264: {  	[sflag:s13] =	ssyncadd.s32 $0xFFFFFC00  }
0x265: {  	_ =	swait.ge [sflag:s13], $0x400  }
0x266: {  	[sflag:s13] =	ssyncset.done $0x0  }
0x267: {  	[sflag:s13] =	ssyncadd.s32 $0xFFFFFC00  }
0x268: {  	_ =	swait.ge [sflag:s13], $0x400  }
0x269: {  	[sflag:s13] =	ssyncset.done $0x0  }
0x26a: {  	[sflag:s13] =	ssyncadd.s32 $0xFFFFFC00  }
0x26b: {  	_ =	swait.ge [sflag:s13], $0x400  }
0x26c: {  	[sflag:s13] =	ssyncset.done $0x0  }
0x26d: {  	[sflag:s13] =	ssyncadd.s32 $0xFFFFFC00  }
0x26e: {  	_ =	swait.ge [sflag:s13], $0x400  }
0x26f: {  	[sflag:s13] =	ssyncset.done $0x0  }
0x270: {  	[sflag:s13] =	ssyncadd.s32 $0xFFFFFC00  }
0x271: {  	_ =	swait.ge [sflag:s13], $0x400  }
0x272: {  	[sflag:s13] =	ssyncset.done $0x0  }
0x273: {  	[sflag:s13] =	ssyncadd.s32 $0xFFFFFC00  }
0x274: {  	_ =	swait.ge [sflag:s13], $0x400  }
0x275: {  	[sflag:s13] =	ssyncset.done $0x0  }
0x276: {  	[sflag:s13] =	ssyncadd.s32 $0xFFFFFC00  }
0x277: {  	_ =	swait.ge [sflag:s13], $0x400  }
0x278: {  	[sflag:s13] =	ssyncset.done $0x0  }
0x279: {  	s16 =	simm.s32 $0x0;
	s15 =	simm.s32 $0x40;
	[sflag:s13] =	ssyncadd.s32 $0xFFFFFC00  }
.LBB2_6:
0x27a: {  	p0 =	sne.s32 s15, $0x2FC0;
	v6 =	vld [tilespmem:s16+$0x14C80];
	_ =	sdelay $0x3  }
.Ltmp2:
0x27b: {  	(pc) =	sbr.rel @p0 .LBB2_6-.Ltmp2, $2  }
0x27c: {  	_ =	sdelay $0x2  }
0x27d: {  	s16 =	sshra.s32 s15, $0x2;
	s15 =	sadd.s32 $0x40, s15;
	[tilespmem:v6+s4+$0x0] =	vst.idx.msk $0xffff, v1  }
0x27e: {  	v6 =	vld [tilespmem:s16+$0x14C80];
	_ =	sdelay $0x7  }
0x27f: {  	[tilespmem:v6+s4+$0x0] =	vst.idx.msk $0xffff, v1  }
0x280: {  	_ =	swait.ge [sflag:s3], $0x400  }
0x281: {  	[sflag:s3] =	ssyncset.done $0x0  }
0x282: {  	[sflag:s3] =	ssyncadd.s32 $0xFFFFFC00  }
0x283: {  	_ =	swait.ge [sflag:s3], $0x400  }
0x284: {  	[sflag:s3] =	ssyncset.done $0x0  }
0x285: {  	[sflag:s3] =	ssyncadd.s32 $0xFFFFFC00  }
0x286: {  	_ =	swait.ge [sflag:s3], $0x400  }
0x287: {  	[sflag:s3] =	ssyncset.done $0x0  }
0x288: {  	[sflag:s3] =	ssyncadd.s32 $0xFFFFFC00  }
0x289: {  	_ =	swait.ge [sflag:s3], $0x400  }
0x28a: {  	[sflag:s3] =	ssyncset.done $0x0  }
0x28b: {  	[sflag:s3] =	ssyncadd.s32 $0xFFFFFC00  }
0x28c: {  	_ =	swait.ge [sflag:s3], $0x400  }
0x28d: {  	[sflag:s3] =	ssyncset.done $0x0  }
0x28e: {  	[sflag:s3] =	ssyncadd.s32 $0xFFFFFC00  }
0x28f: {  	_ =	swait.ge [sflag:s3], $0x400  }
0x290: {  	[sflag:s3] =	ssyncset.done $0x0  }
0x291: {  	[sflag:s3] =	ssyncadd.s32 $0xFFFFFC00  }
0x292: {  	_ =	swait.ge [sflag:s3], $0x400  }
0x293: {  	[sflag:s3] =	ssyncset.done $0x0  }
0x294: {  	[sflag:s3] =	ssyncadd.s32 $0xFFFFFC00  }
0x295: {  	_ =	swait.ge [sflag:s3], $0x400  }
0x296: {  	[sflag:s3] =	ssyncset.done $0x0  }
0x297: {  	[sflag:s3] =	ssyncadd.s32 $0xFFFFFC00  }
0x298: {  	_ =	swait.ge [sflag:s3], $0x400  }
0x299: {  	[sflag:s3] =	ssyncset.done $0x0  }
0x29a: {  	[sflag:s3] =	ssyncadd.s32 $0xFFFFFC00  }
0x29b: {  	_ =	swait.ge [sflag:s3], $0x400  }
0x29c: {  	[sflag:s3] =	ssyncset.done $0x0  }
0x29d: {  	s16 =	simm.s32 $0x3801;
	[sflag:s3] =	ssyncadd.s32 $0xFFFFFC00  }
0x29e: {  	v6 =	vld [tilespmem:s16+$0xFFFFF400]  }
0x29f: {  	v7 =	vld [tilespmem:s16+$0xFFFFF000]  }
0x2a0: {  	v8 =	vld [tilespmem:s16+$0xFFFFFC00]  }
0x2a1: {  	v9 =	vld [tilespmem:s16+$0x0]  }
0x2a2: {  	s15 =	simm.s32 $0x0;
	v10 =	vld [tilespmem:s16+$0xFFFFEC00]  }
0x2a3: {  	s17 =	sand.u32 $0x3F0, s15;
	v11 =	vld [tilespmem:s16+$0xFFFFF800]  }
0x2a4: {  	v12 =	vld [tilespmem:s17+$0x2C00]  }
0x2a5: {  	v13 =	vld [tilespmem:s17+$0x3800]  }
0x2a6: {  	v14 =	vld [tilespmem:s17+$0x4400]  }
0x2a7: {  	v15 =	vld [tilespmem:s17+$0x2400]  }
0x2a8: {  	v16 =	vld [tilespmem:s17+$0x4000]  }
0x2a9: {  	v17 =	vld [tilespmem:s17+$0x3000]  }
0x2aa: {  	v18 =	vld [tilespmem:s17+$0x3C00];
	v11 =	vsub.f32 v11, v10;
	v8 =	vsub.f32 v8, v7  }
0x2ab: {  	v9 =	vsub.f32 v9, v6;
	v19 =	vsub.f32 v13, v14  }
0x2ac: {  	v21 =	vld [tilespmem:s17+$0x3400];
	v20 =	vsub.f32 v14, v6;
	v22 =	vsub.f32 v14, v13  }
0x2ad: {  	v6 =	vsub.f32 v6, v14;
	v23 =	vsub.f32 v7, v16  }
0x2ae: {  	v7 =	vsub.f32 v16, v7;
	v15 =	vsub.f32 v15, v17  }
0x2af: {  	v12 =	vsub.f32 v12, v13;
	v13 =	vsub.f32 v17, v18  }
0x2b0: {  	v14 =	vld [tilespmem:s17+$0x2800];
	v27 =	vsub.f32 v10, v18;
	v17 =	vsub.f32 v18, v17;
	v24 =	vmul.f32 v11, v11  }
0x2b1: {  	v30 =	vsub.f32 v16, v21;
	v25 =	vmul.f32 v8, v8;
	v26 =	vmul.f32 v6, v6  }
0x2b2: {  	v10 =	vsub.f32 v18, v10;
	v28 =	vmul.f32 v15, v15;
	v29 =	vmul.f32 v23, v23  }
0x2b3: {  	v16 =	vsub.f32 v21, v16;
	v52 =	vmul.f32 v27, v27;
	v31 =	vmul.f32 v17, v17  }
0x2b4: {  	v32 =	vmul.f32 v30, v30;
	v56 =	vmul.f32 v13, v13  }
0x2b5: {  	v57 =	vmul.f32 v16, v16;
	v58 =	vmul.f32 v10, v10;
	v14 =	vsub.f32 v14, v21  }
0x2b6: {  	v59 =	vmul.f32 v7, v7;
	v33 =	vmul.f32 v12, v12  }
0x2b7: {  	v60 =	vmul.f32 v19, v19;
	v53 =	vadd.f32 v25, v24;
	v54 =	vmul.f32 v14, v14  }
0x2b8: {  	v61 =	vmul.f32 v22, v22;
	v18 =	vadd.f32 v29, v52;
	v29 =	vadd.f32 v57, v56  }
0x2b9: {  	v62 =	vmul.f32 v9, v9;
	v55 =	vadd.f32 v32, v31;
	v24 =	vadd.f32 v54, v28  }
0x2ba: {  	v63 =	vmul.f32 v20, v20;
	v18 =	vadd.f32 v26, v18;
	v29 =	vadd.f32 v60, v29  }
0x2bb: {  	v7 =	vmul.f32 v8, v7;
	v25 =	vadd.f32 v61, v55;
	v24 =	vadd.f32 v33, v24  }
0x2bc: {  	v13 =	vmul.f32 v27, v13;
	v26 =	vadd.f32 v59, v58;
	v18 =	vmul.f32 v18, v29  }
0x2bd: {  	v15 =	vmul.f32 v17, v15;
	v8 =	vmul.f32 v25, v24  }
0x2be: {  	v21 =	vadd.f32 v62, v53;
	v26 =	vadd.f32 v63, v26;
	(erf) = vrcp.f32 v18  }
0x2bf: {  	(erf) = vrcp.f32 v8;
	v8 =	vmul.f32 v23, v16  }
0x2c0: {  	v14 =	vmul.f32 v30, v14;
	v21 =	vmul.f32 v21, v26  }
0x2c1: {  	v10 =	vmul.f32 v11, v10;
	v6 =	vmul.f32 v6, v19;
	v8 =	vadd.f32 v8, v13  }
0x2c2: {  	v12 =	vmul.f32 v22, v12;
	v11 =	vadd.f32 v14, v15;
	(erf) = vrcp.f32 v21  }
0x2c3: {  	v9 =	vmul.f32 v9, v20;
	v7 =	vadd.f32 v7, v10;
	v6 =	vadd.f32 v6, v8  }
0x2c4: {  	v8 =	vadd.f32 v12, v11  }
0x2c5: {  	v9 =	vadd.f32 v9, v7;
	v7 =	vmul.f32 v6, v6;
	_ =	sdelay $0x1  }
0x2c6: {  	vm2 =	vlt.f32 v9, $0.0e+00  }
0x2c7: {  	v11 =	vmov s15;
	v10 =	vmul.f32 v8, v8;
	vm1 =	vlt.f32 v8, $0.0e+00;
	v8 =	vpop (erf)  }
0x2c8: {  	vm0 =	vne.s32 v11, v2;
	v11 =	vimm.s32 $0x0;
	v12 =	vmul.f32 v8, v7;
	v7 =	vpop (erf)  }
0x2c9: {  	v11 =	vsel vm0, $0xFFFFFFFF, v11;
	v8 =	vmul.f32 v9, v9;
	v7 =	vmul.f32 v7, v10  }
0x2ca: {  	vm3 =	vlt.f32 v6, $0.0e+00;
	v6 =	vpop (erf);
	vm6 =	vlt.f32 v12, $7.734741560e-01;
	vm7 =	vlt.f32 v12, $4.587104620e-01  }
0x2cb: {  	v6 =	vmul.f32 v6, v8;
	vm6 =	vmor vm3, vm6;
	vm5 =	vlt.f32 v7, $9.729086750e-01  }
0x2cc: {  	vm15 =	vlt.f32 v7, $7.734741560e-01;
	v10 =	vsel vm6, $0x1, v4;
	vm6 =	vlt.f32 v12, $1.613591310e-01  }
0x2cd: {  	vm5 =	vmor vm1, vm5;
	vm8 =	vlt.f32 v6, $9.729086750e-01;
	vm9 =	vlt.f32 v6, $7.734741560e-01  }
0x2ce: {  	vm10 =	vlt.f32 v6, $1.613591310e-01;
	vm6 =	vmor vm3, vm6;
	vm8 =	vmor vm2, vm8  }
0x2cf: {  	vm11 =	vmor vm2, vm9;
	vm9 =	vgt.f32 v7, $8.945701710e-01;
	v8 =	vsel vm8, $0xB, v3  }
0x2d0: {  	s19 =	simm.s32 $0x14CA0;
	v9 =	vsel vm11, $0x1, v4;
	vm8 =	vlt.f32 v12, $9.729086750e-01;
	vm11 =	vgt.f32 v12, $6.227428310e-01  }
0x2d1: {  	s20 =	simm.s32 $0x4C11;
	s18 =	simm.s32 $0x4C11;
	s17 =	simm.s32 $0x14CA0;
	v9 =	vadd.s32 v9, v8;
	vm8 =	vmor vm3, vm8;
	v8 =	vsel vm6, $0x1, v4  }
0x2d2: {  	s21 =	simm.s32 $0x10;
	[tilespmem:$0x1FFF0] =	vst v11;
	vm6 =	vgt.f32 v12, $2.991521660e-01;
	v11 =	vsel vm8, $0xB, v3;
	vm8 =	vlt.f32 v12, $6.819370200e-03  }
.LBB2_8:
0x2d3: {  	vm12 =	vlt.f32 v7, $1.613591310e-01;
	vm13 =	vmand vm3, vm11  }
0x2d4: {  	vm14 =	vgt.f32 v12, $8.945701710e-01;
	vm0 =	vgt.f32 v7, $6.227428310e-01;
	v13 =	vimm.s32 $0x0  }
0x2d5: {  	vm11 =	vmmov vm6;
	vm6 =	vmmov vm5;
	vm5 =	vmmov vm15  }
0x2d6: {  	vm15 =	vgt.f32 v12, $6.026294450e-02;
	vm10 =	vmor vm2, vm10;
	vm4 =	vgt.f32 v7, $6.026294450e-02  }
0x2d7: {  	v10 =	vadd.s32 v10, v11;
	vm8 =	vmor vm3, vm8;
	vm12 =	vmor vm1, vm12  }
0x2d8: {  	v13 =	vsel vm0, $0xFFFFFFFF, v13;
	vm14 =	vmand vm3, vm14;
	vm0 =	vmor vm3, vm7  }
0x2d9: {  	vm15 =	vmand vm3, vm15;
	vm7 =	vmand vm1, vm9;
	v14 =	vsel vm6, $0xB, v3  }
0x2da: {  	v18 =	vsel vm8, $0x1, v4;
	v41 =	vsel vm10, $0x1, v4;
	vm8 =	vlt.f32 v7, $4.587104620e-01  }
0x2db: {  	vm3 =	vmand vm3, vm11;
	v12 =	vsel vm14, $0x1, v4;
	vm14 =	vgt.f32 v7, $2.991521660e-01  }
0x2dc: {  	[tilespmem:$0x1FFE0] =	vst v13;
	v13 =	vsel vm0, $0x1, v4;
	vm0 =	vmand vm1, vm4;
	v11 =	vsel vm15, $0x1, v4  }
0x2dd: {  	vm4 =	vlt.f32 v7, $6.819370200e-03;
	vm15 =	vmor vm1, vm5;
	vm5 =	vgt.f32 v6, $6.026294450e-02  }
0x2de: {  	v17 =	vsel vm12, $0x1, v4;
	vm6 =	vmor vm1, vm8;
	vm9 =	vmand vm1, vm14  }
0x2df: {  	v10 =	vadd.s32 v13, v10;
	v13 =	vsel vm13, $0x1, v4;
	vm13 =	vlt.f32 v6, $4.587104620e-01;
	v7 =	vld [tilespmem:$0x1FFE0]  }
0x2e0: {  	vm14 =	vgt.f32 v6, $6.227428310e-01;
	v15 =	vsel vm15, $0x1, v4;
	vm4 =	vmor vm1, vm4  }
0x2e1: {  	vm5 =	vmand vm2, vm5;
	v20 =	vsel vm0, $0x1, v4;
	vm0 =	vlt.f32 v6, $6.819370200e-03  }
0x2e2: {  	v42 =	vsel vm6, $0x1, v4;
	vm14 =	vmand vm2, vm14;
	v14 =	vadd.s32 v15, v14  }
0x2e3: {  	v15 =	vsel vm4, $0x1, v4;
	vm4 =	vmor vm2, vm13;
	vm0 =	vmor vm2, vm0  }
0x2e4: {  	v43 =	vsel vm5, $0x1, v4;
	v19 =	vsel vm4, $0x1, v4;
	vm8 =	vnez.u8 v7  }
0x2e5: {  	v44 =	vld [tilespmem:s18+$0x0];
	v8 =	vadd.s32 v8, v10;
	v9 =	vadd.s32 v19, v9;
	vm1 =	vmand vm1, vm8  }
0x2e6: {  	v23 =	vld [tilespmem:s18+$0xFFFFFFFF];
	vm4 =	vgt.f32 v6, $8.945701710e-01;
	v9 =	vadd.s32 v41, v9;
	v21 =	vsel vm1, $0x1, v4  }
0x2e7: {  	vm1 =	vgt.f32 v6, $2.991521660e-01;
	v6 =	vadd.s32 v42, v14;
	v14 =	vsel vm0, $0x1, v4  }
0x2e8: {  	v16 =	vsel vm14, $0x1, v4;
	vm0 =	vmand vm2, vm1;
	v9 =	vadd.s32 v14, v9  }
0x2e9: {  	v8 =	vadd.s32 v18, v8;
	v10 =	vsel vm0, $0x1, v4;
	v9 =	vadd.s32 v43, v9  }
0x2ea: {  	v8 =	vadd.s32 v11, v8;
	v7 =	vsel vm3, $0x1, v4;
	v9 =	vadd.s32 v10, v9  }
0x2eb: {  	v7 =	vadd.s32 v7, v8;
	v8 =	vadd.s32 v16, v9;
	v9 =	vsub.s32 v44, v23  }
0x2ec: {  	v22 =	vsel vm7, $0x1, v4;
	v6 =	vadd.s32 v17, v6;
	vm0 =	veq.s32 v9, $0x1;
	v9 =	vld [tilespmem:$0x1FFF0]  }
0x2ed: {  	v7 =	vadd.s32 v13, v7;
	vm1 =	vmand vm2, vm4;
	v6 =	vadd.s32 v15, v6  }
0x2ee: {  	v7 =	vadd.s32 v12, v7;
	v15 =	vsel vm9, $0x1, v4;
	v6 =	vadd.s32 v20, v6  }
0x2ef: {  	v7 =	vshll.u32 v7, $0xA;
	v10 =	vsel vm1, $0x1, v4;
	v6 =	vadd.s32 v15, v6  }
0x2f0: {  	v7 =	vadd.s32 $0x5400, v7;
	v6 =	vadd.s32 v21, v6;
	v8 =	vadd.s32 v10, v8  }
0x2f1: {  	v6 =	vadd.s32 v22, v6;
	v8 =	vshll.u32 v8, $0xA;
	vm1 =	vnez.u8 v9  }
0x2f2: {  	v6 =	vshll.u32 v6, $0xA;
	v9 =	vor.u32 s15, v0;
	vm0 =	vmand vm1, vm0  }
0x2f3: {  	v8 =	vadd.s32 $0xA800, v8;
	v6 =	vadd.s32 v9, v6;
	v7 =	vnsel vm0, $0x7C00, v7  }
0x2f4: {  	v8 =	vnsel vm0, $0xD000, v8;
	v7 =	vor.u32 v9, v7  }
0x2f5: {  	v8 =	vor.u32 v9, v8;
	_ =	sdelay $0x2  }
0x2f6: {  	[tilespmem:v6+s4+$0x0] =	vst.idx.msk $0xffff, v5  }
0x2f7: {  	[tilespmem:v7+s4+$0x0] =	vst.idx.msk $0xffff, v5  }
0x2f8: {  	[tilespmem:v8+s4+$0x0] =	vst.idx.msk $0xffff, v5  }
0x2f9: {  	[tilespmem:s17+$0xFFFFFFE0] =	vst v6  }
0x2fa: {  	[tilespmem:s17+$0xFFFFFFF0] =	vst v7  }
0x2fb: {  	s16 =	sadd.s32 $0x10, s16;
	[tilespmem:s17+$0x0] =	vst v8  }
0x2fc: {  	v6 =	vld [tilespmem:s16+$0xFFFFF400]  }
0x2fd: {  	v7 =	vld [tilespmem:s16+$0xFFFFF000]  }
0x2fe: {  	v8 =	vld [tilespmem:s16+$0xFFFFFC00]  }
0x2ff: {  	s23 =	smov.u32 s21;
	v9 =	vld [tilespmem:s16+$0x0]  }
0x300: {  	s15 =	smov.u32 s23;
	v10 =	vld [tilespmem:s16+$0xFFFFEC00]  }
0x301: {  	s23 =	sand.u32 $0x3F0, s15;
	v11 =	vld [tilespmem:s16+$0xFFFFF800]  }
0x302: {  	v12 =	vld [tilespmem:s23+$0x2C00]  }
0x303: {  	v13 =	vld [tilespmem:s23+$0x3800]  }
0x304: {  	v14 =	vld [tilespmem:s23+$0x4400]  }
0x305: {  	v15 =	vld [tilespmem:s23+$0x2400]  }
0x306: {  	v45 =	vld [tilespmem:s23+$0x4000]  }
0x307: {  	v46 =	vld [tilespmem:s23+$0x3000]  }
0x308: {  	v47 =	vld [tilespmem:s23+$0x3C00];
	v11 =	vsub.f32 v11, v10;
	v8 =	vsub.f32 v8, v7  }
0x309: {  	v9 =	vsub.f32 v9, v6;
	v49 =	vsub.f32 v13, v14  }
0x30a: {  	v50 =	vsub.f32 v14, v6;
	v24 =	vsub.f32 v14, v13  }
0x30b: {  	v52 =	vld [tilespmem:s23+$0x3400];
	v6 =	vsub.f32 v6, v14;
	v26 =	vsub.f32 v7, v45  }
0x30c: {  	v7 =	vsub.f32 v45, v7;
	v15 =	vsub.f32 v15, v46  }
0x30d: {  	v12 =	vsub.f32 v12, v13;
	v27 =	vsub.f32 v46, v47  }
0x30e: {  	v25 =	vld [tilespmem:s23+$0x2800];
	v28 =	vsub.f32 v10, v47;
	v48 =	vmul.f32 v11, v11;
	v51 =	vmul.f32 v8, v8  }
0x30f: {  	v17 =	vsub.f32 v47, v46;
	v14 =	vmul.f32 v9, v9;
	v13 =	vmul.f32 v6, v6  }
0x310: {  	v31 =	vsub.f32 v45, v52;
	v8 =	vmul.f32 v8, v7;
	v29 =	vmul.f32 v15, v15  }
0x311: {  	v10 =	vsub.f32 v47, v10;
	v30 =	vmul.f32 v26, v26;
	v32 =	vmul.f32 v12, v12  }
0x312: {  	v16 =	vsub.f32 v52, v45;
	v15 =	vmul.f32 v17, v15;
	v54 =	vmul.f32 v28, v28  }
0x313: {  	v53 =	vsub.f32 v25, v52;
	v17 =	vmul.f32 v17, v17;
	v33 =	vmul.f32 v31, v31  }
0x314: {  	v58 =	vmul.f32 v27, v27;
	v59 =	vmul.f32 v16, v16;
	v19 =	vadd.f32 v51, v48  }
0x315: {  	v57 =	vmul.f32 v53, v53;
	v60 =	vmul.f32 v10, v10;
	v56 =	vadd.f32 v30, v54  }
0x316: {  	v62 =	vmul.f32 v49, v49;
	v14 =	vadd.f32 v14, v19;
	v19 =	vadd.f32 v59, v58  }
0x317: {  	v7 =	vmul.f32 v7, v7;
	v17 =	vadd.f32 v33, v17;
	v25 =	vadd.f32 v57, v29  }
0x318: {  	v61 =	vmul.f32 v24, v24;
	v13 =	vadd.f32 v13, v56;
	v19 =	vadd.f32 v62, v19  }
0x319: {  	v9 =	vmul.f32 v9, v50;
	v21 =	vmul.f32 v50, v50;
	v7 =	vadd.f32 v7, v60  }
0x31a: {  	v17 =	vadd.f32 v61, v17;
	v63 =	vadd.f32 v32, v25;
	v13 =	vmul.f32 v13, v19  }
0x31b: {  	v55 =	vmul.f32 v28, v27;
	v10 =	vmul.f32 v11, v10;
	v7 =	vadd.f32 v21, v7  }
0x31c: {  	v17 =	vmul.f32 v17, v63;
	(erf) = vrcp.f32 v13  }
0x31d: {  	v11 =	vmul.f32 v31, v53;
	v7 =	vmul.f32 v14, v7  }
0x31e: {  	v16 =	vmul.f32 v26, v16;
	v8 =	vadd.f32 v8, v10;
	(erf) = vrcp.f32 v17  }
0x31f: {  	v10 =	vadd.f32 v11, v15;
	v11 =	vmul.f32 v24, v12;
	(erf) = vrcp.f32 v7  }
0x320: {  	v6 =	vmul.f32 v6, v49;
	v16 =	vadd.f32 v16, v55  }
0x321: {  	v8 =	vadd.f32 v9, v8;
	v9 =	vadd.f32 v11, v10  }
0x322: {  	v6 =	vadd.f32 v6, v16  }
0x323: {  	v11 =	vmov s15  }
0x324: {  	vm0 =	vne.s32 v11, v2;
	v13 =	vmul.f32 v6, v6  }
0x325: {  	v11 =	vimm.s32 $0x0;
	v10 =	vmul.f32 v9, v9;
	vm1 =	vlt.f32 v9, $0.0e+00;
	v9 =	vpop (erf)  }
0x326: {  	v11 =	vsel vm0, $0xFFFFFFFF, v11;
	v12 =	vmul.f32 v9, v13  }
0x327: {  	vm3 =	vlt.f32 v6, $0.0e+00;
	vm2 =	vlt.f32 v8, $0.0e+00;
	v9 =	vmul.f32 v8, v8;
	v7 =	vpop (erf)  }
0x328: {  	v7 =	vmul.f32 v7, v10;
	v6 =	vpop (erf);
	vm0 =	vlt.f32 v12, $7.734741560e-01;
	vm7 =	vlt.f32 v12, $4.587104620e-01  }
0x329: {  	v6 =	vmul.f32 v6, v9;
	vm8 =	vlt.f32 v12, $6.819370200e-03;
	vm11 =	vgt.f32 v12, $6.227428310e-01  }
0x32a: {  	vm4 =	vlt.f32 v7, $9.729086750e-01;
	vm15 =	vlt.f32 v7, $7.734741560e-01;
	vm9 =	vgt.f32 v7, $8.945701710e-01  }
0x32b: {  	p0 =	sne.s32 s21, $0x3F0;
	vm0 =	vmor vm3, vm0;
	vm5 =	vmor vm1, vm4;
	vm4 =	vlt.f32 v6, $9.729086750e-01  }
.Ltmp3:
0x32c: {  	vm6 =	vlt.f32 v6, $7.734741560e-01;
	vm10 =	vlt.f32 v6, $1.613591310e-01;
	v10 =	vsel vm0, $0x1, v4;
	(pc) =	sbr.rel @p0 .LBB2_8-.Ltmp3, $4  }
0x32d: {  	vm0 =	vlt.f32 v12, $1.613591310e-01;
	vm4 =	vmor vm2, vm4;
	vm6 =	vmor vm2, vm6  }
0x32e: {  	vm0 =	vmor vm3, vm0;
	v8 =	vsel vm4, $0xB, v3;
	vm4 =	vlt.f32 v12, $9.729086750e-01  }
0x32f: {  	s19 =	sadd.s32 $0x30, s19;
	s20 =	sadd.s32 $0x10, s20;
	v9 =	vsel vm6, $0x1, v4;
	vm6 =	vgt.f32 v12, $2.991521660e-01;
	vm4 =	vmor vm3, vm4  }
0x330: {  	s21 =	sadd.s32 $0x10, s21;
	s18 =	smov.u32 s20;
	s17 =	smov.u32 s19;
	[tilespmem:$0x1FFF0] =	vst v11;
	v9 =	vadd.s32 v9, v8;
	v8 =	vsel vm0, $0x1, v4;
	v11 =	vsel vm4, $0xB, v3  }
0x331: {  	vm0 =	vlt.f32 v7, $1.613591310e-01;
	vm4 =	vmand vm3, vm11  }
0x332: {  	vm12 =	vgt.f32 v12, $8.945701710e-01;
	v13 =	vimm.s32 $0x0;
	vm13 =	vgt.f32 v12, $6.026294450e-02  }
0x333: {  	vm10 =	vmor vm2, vm10;
	vm7 =	vmor vm3, vm7;
	vm14 =	vgt.f32 v7, $2.991521660e-01  }
0x334: {  	vm11 =	vgt.f32 v7, $6.026294450e-02;
	vm9 =	vmand vm1, vm9;
	v14 =	vimm.s32 $0x0  }
0x335: {  	v18 =	vsel vm5, $0xB, v3;
	vm5 =	vgt.f32 v6, $6.227428310e-01;
	vm8 =	vmor vm3, vm8  }
0x336: {  	v10 =	vadd.s32 v10, v11;
	v63 =	vor.u32 s15, v0;
	vm0 =	vmor vm1, vm0  }
0x337: {  	vm12 =	vmand vm3, vm12;
	v58 =	vsel vm7, $0x1, v4;
	vm13 =	vmand vm3, vm13  }
0x338: {  	v14 =	vsel vm9, $0xFFFFFFFF, v14;
	vm9 =	vmand vm1, vm14;
	v17 =	vsel vm4, $0x1, v4  }
0x339: {  	vm4 =	vlt.f32 v6, $4.587104620e-01;
	vm14 =	vmor vm1, vm15;
	vm7 =	vmand vm3, vm6  }
0x33a: {  	vm15 =	vgt.f32 v6, $6.026294450e-02;
	vm5 =	vmand vm2, vm5;
	v19 =	vsel vm8, $0x1, v4  }
0x33b: {  	v15 =	vld [tilespmem:s18+$0x0];
	v22 =	vsel vm10, $0x1, v4;
	v13 =	vsel vm0, $0xFFFFFFFF, v13;
	vm0 =	vgt.f32 v7, $6.227428310e-01  }
0x33c: {  	v16 =	vld [tilespmem:s18+$0xFFFFFFFF];
	v57 =	vsel vm12, $0x1, v4;
	vm12 =	vmand vm1, vm11;
	v59 =	vsel vm13, $0x1, v4  }
0x33d: {  	vm13 =	vlt.f32 v7, $6.819370200e-03;
	vm11 =	vlt.f32 v7, $4.587104620e-01;
	vm4 =	vmor vm2, vm4  }
0x33e: {  	vm15 =	vmand vm2, vm15;
	v23 =	vsel vm7, $0x1, v4;
	v28 =	vsel vm9, $0x1, v4  }
0x33f: {  	v10 =	vadd.s32 v58, v10;
	vm13 =	vmor vm1, vm13;
	vm6 =	vmor vm1, vm11  }
0x340: {  	vm3 =	vmand vm1, vm0;
	vm0 =	vlt.f32 v6, $6.819370200e-03;
	vm11 =	vgt.f32 v6, $2.991521660e-01  }
0x341: {  	vm1 =	vmand vm2, vm11;
	vm11 =	vgt.f32 v6, $8.945701710e-01;
	v7 =	vsub.s32 v15, v16  }
0x342: {  	[tilespmem:$0x1FFC0] =	vst v13;
	vm0 =	vmor vm2, vm0;
	vm11 =	vmand vm2, vm11;
	vm2 =	veq.s32 v7, $0x1;
	v7 =	vld [tilespmem:$0x1FFF0]  }
0x343: {  	v20 =	vsel vm4, $0x1, v4;
	v21 =	vsel vm12, $0x1, v4;
	v27 =	vsel vm15, $0x1, v4;
	v61 =	vld [tilespmem:$0x1FFC0]  }
0x344: {  	v8 =	vadd.s32 v8, v10;
	v6 =	vsel vm14, $0x1, v4;
	v60 =	vsel vm13, $0x1, v4  }
0x345: {  	v24 =	vsel vm6, $0x1, v4;
	v25 =	vsel vm3, $0x1, v4;
	v9 =	vadd.s32 v20, v9  }
0x346: {  	[tilespmem:$0x1FFD0] =	vst v14;
	v8 =	vadd.s32 v19, v8;
	v26 =	vsel vm0, $0x1, v4;
	v30 =	vsel vm1, $0x1, v4  }
0x347: {  	v29 =	vld [tilespmem:$0x1FFD0];
	v6 =	vadd.s32 v6, v18;
	v9 =	vadd.s32 v22, v9;
	vm14 =	vnez.u8 v7  }
0x348: {  	v8 =	vadd.s32 v59, v8;
	vm2 =	vmand vm14, vm2;
	vm14 =	vnez.u8 v61  }
0x349: {  	v62 =	vsel vm11, $0x1, v4;
	v6 =	vadd.s32 v24, v6;
	v16 =	vsel vm14, $0x1, v4  }
0x34a: {  	v9 =	vadd.s32 v26, v9;
	v8 =	vadd.s32 v23, v8;
	v6 =	vadd.s32 v16, v6  }
0x34b: {  	v9 =	vadd.s32 v27, v9;
	v8 =	vadd.s32 v17, v8;
	v6 =	vadd.s32 v60, v6  }
0x34c: {  	vm15 =	vnez.u8 v29;
	v9 =	vadd.s32 v30, v9;
	v6 =	vadd.s32 v21, v6  }
0x34d: {  	v8 =	vadd.s32 v57, v8;
	v7 =	vsel vm5, $0x1, v4;
	v6 =	vadd.s32 v28, v6  }
0x34e: {  	v29 =	vsel vm15, $0x1, v4;
	v7 =	vadd.s32 v7, v9;
	v6 =	vadd.s32 v25, v6  }
0x34f: {  	v8 =	vshll.u32 v8, $0xA;
	v7 =	vadd.s32 v62, v7;
	v6 =	vadd.s32 v29, v6  }
0x350: {  	v8 =	vadd.s32 $0x5400, v8;
	v7 =	vshll.u32 v7, $0xA;
	v6 =	vshll.u32 v6, $0xA  }
0x351: {  	v8 =	vnsel vm2, $0x7C00, v8;
	v7 =	vadd.s32 $0xA800, v7;
	v6 =	vadd.s32 v63, v6  }
0x352: {  	v8 =	vor.u32 v63, v8;
	v7 =	vnsel vm2, $0xD000, v7  }
0x353: {  	v7 =	vor.u32 v63, v7;
	_ =	sdelay $0x2  }
0x354: {  	[tilespmem:v6+s4+$0x0] =	vst.idx.msk $0xffff, v5  }
0x355: {  	[tilespmem:v8+s4+$0x0] =	vst.idx.msk $0xffff, v5  }
0x356: {  	[tilespmem:v7+s4+$0x0] =	vst.idx.msk $0xffff, v5  }
0x357: {  	[tilespmem:s17+$0xFFFFFFE0] =	vst v6  }
0x358: {  	s16 =	rddreg [dreg:$0x1f];
	[tilespmem:s17+$0xFFFFFFF0] =	vst v8  }
0x359: {  	s15 =	simm.s32 $0x0;
	s21 =	sld [smem:$0x789];
	[tilespmem:s17+$0x0] =	vst v7  }
0x35a: {  	[hbm4b:s16+s15] =	stream.linear.scatter [tilespmem:s4], [sflag:$0x1], $0x400, $0x38;
	[tilespmem:$0x15880] =	vst v63  }
0x35b: {  	s20 =	simm.s32 $0x5480;
	s23 =	sld [smem:$0x78A]  }
0x35c: {  	[hbm4b:s21+s15] =	stream.linear.scatter [tilespmem:s20], [sflag:$0x1], $0x400, $0x38;
	[tilespmem:$0x15880] =	vst v63  }
0x35d: {  	s17 =	sld [smem:$0x78B];
	s21 =	simm.s32 $0x5880  }
0x35e: {  	[hbm4b:s23+s15] =	stream.linear.scatter [tilespmem:s21], [sflag:$0x1], $0x400, $0x38;
	[tilespmem:$0x15880] =	vst v63  }
0x35f: {  	s18 =	sld [smem:$0x78C];
	s23 =	simm.s32 $0x5C80  }
0x360: {  	[hbm4b:s17+s15] =	stream.linear.scatter [tilespmem:s23], [sflag:$0x1], $0x400, $0x38;
	[tilespmem:$0x15880] =	vst v63  }
0x361: {  	s19 =	simm.s32 $0x6080  }
0x362: {  	[hbm4b:s18+s15] =	stream.linear.scatter [tilespmem:s19], [sflag:$0x1], $0x400, $0x38;
	[tilespmem:$0x15880] =	vst v63  }
0x363: {  	s18 =	sld [smem:$0x78D];
	_ =	sdelay $0x1  }
0x364: {  	s19 =	simm.s32 $0x6480  }
0x365: {  	[hbm4b:s18+s15] =	stream.linear.scatter [tilespmem:s19], [sflag:$0x1], $0x400, $0x38;
	[tilespmem:$0x15880] =	vst v63  }
0x366: {  	s18 =	sld [smem:$0x78E];
	_ =	sdelay $0x1  }
0x367: {  	s19 =	simm.s32 $0x6880  }
0x368: {  	[hbm4b:s18+s15] =	stream.linear.scatter [tilespmem:s19], [sflag:$0x1], $0x400, $0x38;
	[tilespmem:$0x15880] =	vst v63  }
0x369: {  	s18 =	sld [smem:$0x78F];
	_ =	sdelay $0x1  }
0x36a: {  	s19 =	simm.s32 $0x6C80  }
0x36b: {  	[hbm4b:s18+s15] =	stream.linear.scatter [tilespmem:s19], [sflag:$0x1], $0x400, $0x38;
	[tilespmem:$0x15880] =	vst v63  }
0x36c: {  	s18 =	sld [smem:$0x790];
	_ =	sdelay $0x1  }
0x36d: {  	s19 =	simm.s32 $0x7080  }
0x36e: {  	[hbm4b:s18+s15] =	stream.linear.scatter [tilespmem:s19], [sflag:$0x1], $0x400, $0x38;
	[tilespmem:$0x15880] =	vst v63  }
0x36f: {  	s18 =	sld [smem:$0x7C8];
	_ =	sdelay $0x1  }
0x370: {  	s19 =	simm.s32 $0x7480  }
0x371: {  	[hbm4b:s18+s15] =	stream.linear.scatter [tilespmem:s19], [sflag:$0x1], $0x400, $0x38;
	[tilespmem:$0x15880] =	vst v63  }
0x372: {  	s18 =	sld [smem:$0x7C9];
	_ =	sdelay $0x1  }
0x373: {  	s19 =	simm.s32 $0x7880  }
0x374: {  	[hbm4b:s18+s15] =	stream.linear.scatter [tilespmem:s19], [sflag:$0x1], $0x400, $0x38;
	[tilespmem:$0x15880] =	vst v63  }
0x375: {  	s18 =	sld [smem:$0x7CA];
	_ =	sdelay $0x1  }
0x376: {  	s19 =	simm.s32 $0x7C80  }
0x377: {  	[hbm4b:s18+s15] =	stream.linear.scatter [tilespmem:s19], [sflag:$0x1], $0x400, $0x38;
	[tilespmem:$0x15880] =	vst v63  }
0x378: {  	s18 =	sld [smem:$0x7CB];
	_ =	sdelay $0x1  }
0x379: {  	s19 =	simm.s32 $0x8080  }
0x37a: {  	[hbm4b:s18+s15] =	stream.linear.scatter [tilespmem:s19], [sflag:$0x1], $0x400, $0x38;
	[tilespmem:$0x15880] =	vst v63  }
0x37b: {  	s18 =	sld [smem:$0x7CC];
	_ =	sdelay $0x1  }
0x37c: {  	s19 =	simm.s32 $0x8480  }
0x37d: {  	[hbm4b:s18+s15] =	stream.linear.scatter [tilespmem:s19], [sflag:$0x1], $0x400, $0x38;
	[tilespmem:$0x15880] =	vst v63  }
0x37e: {  	s18 =	sld [smem:$0x7CD];
	_ =	sdelay $0x1  }
0x37f: {  	s19 =	simm.s32 $0x8880  }
0x380: {  	[hbm4b:s18+s15] =	stream.linear.scatter [tilespmem:s19], [sflag:$0x1], $0x400, $0x38;
	[tilespmem:$0x15880] =	vst v63  }
0x381: {  	s18 =	sld [smem:$0x7CE];
	_ =	sdelay $0x1  }
0x382: {  	s19 =	simm.s32 $0x8C80  }
0x383: {  	[hbm4b:s18+s15] =	stream.linear.scatter [tilespmem:s19], [sflag:$0x1], $0x400, $0x38;
	[tilespmem:$0x15880] =	vst v63  }
0x384: {  	s18 =	sld [smem:$0x7CF];
	_ =	sdelay $0x1  }
0x385: {  	s19 =	simm.s32 $0x9080  }
0x386: {  	[hbm4b:s18+s15] =	stream.linear.scatter [tilespmem:s19], [sflag:$0x1], $0x400, $0x38;
	[tilespmem:$0x15880] =	vst v63  }
0x387: {  	s18 =	sld [smem:$0x7D0];
	_ =	sdelay $0x1  }
0x388: {  	s19 =	simm.s32 $0x9480  }
0x389: {  	[hbm4b:s18+s15] =	stream.linear.scatter [tilespmem:s19], [sflag:$0x1], $0x400, $0x38;
	[tilespmem:$0x15880] =	vst v63  }
0x38a: {  	s18 =	sld [smem:$0x7D1];
	_ =	sdelay $0x1  }
0x38b: {  	s19 =	simm.s32 $0x9880  }
0x38c: {  	[hbm4b:s18+s15] =	stream.linear.scatter [tilespmem:s19], [sflag:$0x1], $0x400, $0x38;
	[tilespmem:$0x15880] =	vst v63  }
0x38d: {  	s18 =	sld [smem:$0x7D2];
	_ =	sdelay $0x1  }
0x38e: {  	s19 =	simm.s32 $0x9C80  }
0x38f: {  	[hbm4b:s18+s15] =	stream.linear.scatter [tilespmem:s19], [sflag:$0x1], $0x400, $0x38;
	[tilespmem:$0x15880] =	vst v63  }
0x390: {  	s18 =	sld [smem:$0x7D3];
	_ =	sdelay $0x1  }
0x391: {  	s19 =	simm.s32 $0xA080  }
0x392: {  	[hbm4b:s18+s15] =	stream.linear.scatter [tilespmem:s19], [sflag:$0x1], $0x400, $0x38;
	[tilespmem:$0x15880] =	vst v63  }
0x393: {  	s18 =	sld [smem:$0x7D4];
	_ =	sdelay $0x1  }
0x394: {  	s19 =	simm.s32 $0xA480  }
0x395: {  	[hbm4b:s18+s15] =	stream.linear.scatter [tilespmem:s19], [sflag:$0x1], $0x400, $0x38;
	[tilespmem:$0x15880] =	vst v63  }
0x396: {  	s18 =	sld [smem:$0x7D5];
	_ =	sdelay $0x1  }
0x397: {  	s19 =	simm.s32 $0xA880  }
0x398: {  	[hbm4b:s18+s15] =	stream.linear.scatter [tilespmem:s19], [sflag:$0x1], $0x400, $0x38;
	[tilespmem:$0x15880] =	vst v63  }
0x399: {  	s18 =	sld [smem:$0x7D6];
	_ =	sdelay $0x1  }
0x39a: {  	s19 =	simm.s32 $0xAC80  }
0x39b: {  	[hbm4b:s18+s15] =	stream.linear.scatter [tilespmem:s19], [sflag:$0x1], $0x400, $0x38;
	[tilespmem:$0x15880] =	vst v63  }
0x39c: {  	s18 =	sld [smem:$0x7D7];
	_ =	sdelay $0x1  }
0x39d: {  	s19 =	simm.s32 $0xB080  }
0x39e: {  	[hbm4b:s18+s15] =	stream.linear.scatter [tilespmem:s19], [sflag:$0x1], $0x400, $0x38;
	[tilespmem:$0x15880] =	vst v63  }
0x39f: {  	s18 =	sld [smem:$0x7D8];
	_ =	sdelay $0x1  }
0x3a0: {  	s19 =	simm.s32 $0xB480  }
0x3a1: {  	[hbm4b:s18+s15] =	stream.linear.scatter [tilespmem:s19], [sflag:$0x1], $0x400, $0x38;
	[tilespmem:$0x15880] =	vst v63  }
0x3a2: {  	s18 =	sld [smem:$0x7D9];
	_ =	sdelay $0x1  }
0x3a3: {  	s19 =	simm.s32 $0xB880  }
0x3a4: {  	[hbm4b:s18+s15] =	stream.linear.scatter [tilespmem:s19], [sflag:$0x1], $0x400, $0x38;
	[tilespmem:$0x15880] =	vst v63  }
0x3a5: {  	s18 =	sld [smem:$0x7DA];
	_ =	sdelay $0x1  }
0x3a6: {  	s19 =	simm.s32 $0xBC80  }
0x3a7: {  	[hbm4b:s18+s15] =	stream.linear.scatter [tilespmem:s19], [sflag:$0x1], $0x400, $0x38;
	[tilespmem:$0x15880] =	vst v63  }
0x3a8: {  	s18 =	sld [smem:$0x7DB];
	_ =	sdelay $0x1  }
0x3a9: {  	s19 =	simm.s32 $0xC080  }
0x3aa: {  	[hbm4b:s18+s15] =	stream.linear.scatter [tilespmem:s19], [sflag:$0x1], $0x400, $0x38;
	[tilespmem:$0x15880] =	vst v63  }
0x3ab: {  	s18 =	sld [smem:$0x7DC];
	_ =	sdelay $0x1  }
0x3ac: {  	s19 =	simm.s32 $0xC480  }
0x3ad: {  	[hbm4b:s18+s15] =	stream.linear.scatter [tilespmem:s19], [sflag:$0x1], $0x400, $0x38;
	[tilespmem:$0x15880] =	vst v63  }
0x3ae: {  	s18 =	sld [smem:$0x7DD];
	_ =	sdelay $0x1  }
0x3af: {  	s19 =	simm.s32 $0xC880  }
0x3b0: {  	[hbm4b:s18+s15] =	stream.linear.scatter [tilespmem:s19], [sflag:$0x1], $0x400, $0x38;
	[tilespmem:$0x15880] =	vst v63  }
0x3b1: {  	s18 =	sld [smem:$0x7DE];
	_ =	sdelay $0x1  }
0x3b2: {  	s19 =	simm.s32 $0xCC80  }
0x3b3: {  	[hbm4b:s18+s15] =	stream.linear.scatter [tilespmem:s19], [sflag:$0x1], $0x400, $0x38;
	[tilespmem:$0x15880] =	vst v63  }
0x3b4: {  	s18 =	sld [smem:$0x7DF];
	_ =	sdelay $0x1  }
0x3b5: {  	s19 =	simm.s32 $0xD080  }
0x3b6: {  	[hbm4b:s18+s15] =	stream.linear.scatter [tilespmem:s19], [sflag:$0x1], $0x400, $0x38;
	[tilespmem:$0x15880] =	vst v63  }
0x3b7: {  	s18 =	sld [smem:$0x7E0];
	_ =	sdelay $0x1  }
0x3b8: {  	s19 =	simm.s32 $0xD480  }
0x3b9: {  	[hbm4b:s18+s15] =	stream.linear.scatter [tilespmem:s19], [sflag:$0x1], $0x400, $0x38;
	[tilespmem:$0x15880] =	vst v63  }
0x3ba: {  	s18 =	sld [smem:$0x7E1];
	_ =	sdelay $0x1  }
0x3bb: {  	s19 =	simm.s32 $0xD880  }
0x3bc: {  	[hbm4b:s18+s15] =	stream.linear.scatter [tilespmem:s19], [sflag:$0x1], $0x400, $0x38;
	[tilespmem:$0x15880] =	vst v63  }
0x3bd: {  	s18 =	sld [smem:$0x7E2];
	_ =	sdelay $0x1  }
0x3be: {  	s19 =	simm.s32 $0xDC80  }
0x3bf: {  	[hbm4b:s18+s15] =	stream.linear.scatter [tilespmem:s19], [sflag:$0x1], $0x400, $0x38;
	[tilespmem:$0x15880] =	vst v63  }
0x3c0: {  	s18 =	sld [smem:$0x7E3];
	_ =	sdelay $0x1  }
0x3c1: {  	s19 =	simm.s32 $0xE080  }
0x3c2: {  	[hbm4b:s18+s15] =	stream.linear.scatter [tilespmem:s19], [sflag:$0x1], $0x400, $0x38;
	[tilespmem:$0x15880] =	vst v63  }
0x3c3: {  	s18 =	sld [smem:$0x7E4];
	_ =	sdelay $0x1  }
0x3c4: {  	s19 =	simm.s32 $0xE480  }
0x3c5: {  	[hbm4b:s18+s15] =	stream.linear.scatter [tilespmem:s19], [sflag:$0x1], $0x400, $0x38;
	[tilespmem:$0x15880] =	vst v63  }
0x3c6: {  	s18 =	sld [smem:$0x7E5];
	_ =	sdelay $0x1  }
0x3c7: {  	s19 =	simm.s32 $0xE880  }
0x3c8: {  	[hbm4b:s18+s15] =	stream.linear.scatter [tilespmem:s19], [sflag:$0x1], $0x400, $0x38;
	[tilespmem:$0x15880] =	vst v63  }
0x3c9: {  	s18 =	sld [smem:$0x7E6];
	_ =	sdelay $0x1  }
0x3ca: {  	s19 =	simm.s32 $0xEC80  }
0x3cb: {  	[hbm4b:s18+s15] =	stream.linear.scatter [tilespmem:s19], [sflag:$0x1], $0x400, $0x38;
	[tilespmem:$0x15880] =	vst v63  }
0x3cc: {  	s18 =	sld [smem:$0x7E7];
	_ =	sdelay $0x1  }
0x3cd: {  	s19 =	simm.s32 $0xF080  }
0x3ce: {  	[hbm4b:s18+s15] =	stream.linear.scatter [tilespmem:s19], [sflag:$0x1], $0x400, $0x38;
	[tilespmem:$0x15880] =	vst v63  }
0x3cf: {  	s18 =	sld [smem:$0x7E8];
	_ =	sdelay $0x1  }
0x3d0: {  	s19 =	simm.s32 $0xF480  }
0x3d1: {  	[hbm4b:s18+s15] =	stream.linear.scatter [tilespmem:s19], [sflag:$0x1], $0x400, $0x38;
	[tilespmem:$0x15880] =	vst v63  }
0x3d2: {  	s18 =	sld [smem:$0x7E9];
	_ =	sdelay $0x1  }
0x3d3: {  	s19 =	simm.s32 $0xF880  }
0x3d4: {  	[hbm4b:s18+s15] =	stream.linear.scatter [tilespmem:s19], [sflag:$0x1], $0x400, $0x38;
	[tilespmem:$0x15880] =	vst v63  }
0x3d5: {  	s18 =	sld [smem:$0x7EA];
	_ =	sdelay $0x1  }
0x3d6: {  	s19 =	simm.s32 $0xFC80  }
0x3d7: {  	[hbm4b:s18+s15] =	stream.linear.scatter [tilespmem:s19], [sflag:$0x1], $0x400, $0x38;
	[tilespmem:$0x15880] =	vst v63  }
0x3d8: {  	s18 =	sld [smem:$0x7EB];
	_ =	sdelay $0x1  }
0x3d9: {  	s19 =	simm.s32 $0x10080  }
0x3da: {  	[hbm4b:s18+s15] =	stream.linear.scatter [tilespmem:s19], [sflag:$0x1], $0x400, $0x38;
	[tilespmem:$0x15880] =	vst v63  }
0x3db: {  	s18 =	sld [smem:$0x7EC];
	_ =	sdelay $0x1  }
0x3dc: {  	s19 =	simm.s32 $0x10480  }
0x3dd: {  	[hbm4b:s18+s15] =	stream.linear.scatter [tilespmem:s19], [sflag:$0x1], $0x400, $0x38;
	[tilespmem:$0x15880] =	vst v63  }
0x3de: {  	s18 =	sld [smem:$0x7ED];
	_ =	sdelay $0x1  }
0x3df: {  	s19 =	sld [smem:$0x7EE]  }
0x3e0: {  	[hbm4b:s18+s15] =	stream.linear.scatter [tilespmem:s24], [sflag:$0x1], $0x400, $0x38;
	[tilespmem:$0x15880] =	vst v63  }
0x3e1: {  	s17 =	sld [smem:$0x7EF]  }
0x3e2: {  	[hbm4b:s19+s15] =	stream.linear.scatter [tilespmem:s25], [sflag:$0x1], $0x400, $0x38;
	[tilespmem:$0x15880] =	vst v63  }
0x3e3: {  	s18 =	sld [smem:$0x7F0]  }
0x3e4: {  	[hbm4b:s17+s15] =	stream.linear.scatter [tilespmem:s26], [sflag:$0x1], $0x400, $0x38;
	[tilespmem:$0x15880] =	vst v63  }
0x3e5: {  	s19 =	sld [smem:$0x7F1]  }
0x3e6: {  	[hbm4b:s18+s15] =	stream.linear.scatter [tilespmem:s28], [sflag:$0x1], $0x400, $0x38;
	[tilespmem:$0x15880] =	vst v63  }
0x3e7: {  	s17 =	sld [smem:$0x7F2]  }
0x3e8: {  	[hbm4b:s19+s15] =	stream.linear.scatter [tilespmem:s29], [sflag:$0x1], $0x400, $0x38;
	[tilespmem:$0x15880] =	vst v63  }
0x3e9: {  	s18 =	sld [smem:$0x7F3]  }
0x3ea: {  	[hbm4b:s17+s15] =	stream.linear.scatter [tilespmem:s30], [sflag:$0x1], $0x400, $0x38;
	[tilespmem:$0x15880] =	vst v63  }
0x3eb: {  	s19 =	sld [smem:$0x7F4]  }
0x3ec: {  	[hbm4b:s18+s15] =	stream.linear.scatter [tilespmem:s31], [sflag:$0x1], $0x400, $0x38;
	[tilespmem:$0x15880] =	vst v63  }
0x3ed: {  	s17 =	sld [smem:$0x7F5]  }
0x3ee: {  	[hbm4b:s19+s15] =	stream.linear.scatter [tilespmem:s5], [sflag:$0x1], $0x400, $0x38;
	[tilespmem:$0x15880] =	vst v63  }
0x3ef: {  	s18 =	sld [smem:$0x7F6]  }
0x3f0: {  	[hbm4b:s17+s15] =	stream.linear.scatter [tilespmem:s0], [sflag:$0x1], $0x400, $0x38;
	[tilespmem:$0x15880] =	vst v63  }
0x3f1: {  	s19 =	sld [smem:$0x7F7]  }
0x3f2: {  	[hbm4b:s18+s15] =	stream.linear.scatter [tilespmem:s6], [sflag:$0x1], $0x400, $0x38;
	[tilespmem:$0x15880] =	vst v63  }
0x3f3: {  	s17 =	sld [smem:$0x7F8]  }
0x3f4: {  	[hbm4b:s19+s15] =	stream.linear.scatter [tilespmem:s2], [sflag:$0x1], $0x400, $0x38;
	[tilespmem:$0x15880] =	vst v63  }
0x3f5: {  	s18 =	sld [smem:$0x7F9]  }
0x3f6: {  	[hbm4b:s17+s15] =	stream.linear.scatter [tilespmem:s7], [sflag:$0x1], $0x400, $0x38;
	[tilespmem:$0x15880] =	vst v63  }
0x3f7: {  	s19 =	sld [smem:$0x7FA]  }
0x3f8: {  	[hbm4b:s18+s15] =	stream.linear.scatter [tilespmem:s8], [sflag:$0x1], $0x400, $0x38;
	[tilespmem:$0x15880] =	vst v63  }
0x3f9: {  	s17 =	sld [smem:$0x7FB]  }
0x3fa: {  	[hbm4b:s19+s15] =	stream.linear.scatter [tilespmem:s9], [sflag:$0x1], $0x400, $0x38;
	[tilespmem:$0x15880] =	vst v63  }
0x3fb: {  	s18 =	sld [smem:$0x7FC]  }
0x3fc: {  	[hbm4b:s17+s15] =	stream.linear.scatter [tilespmem:s10], [sflag:$0x1], $0x400, $0x38;
	[tilespmem:$0x15880] =	vst v63  }
0x3fd: {  	s19 =	sld [smem:$0x7FD]  }
0x3fe: {  	[hbm4b:s18+s15] =	stream.linear.scatter [tilespmem:s11], [sflag:$0x1], $0x400, $0x38;
	[tilespmem:$0x15880] =	vst v63  }
0x3ff: {  	_ = 	snop  }
0x400: {  	[hbm4b:s19+s15] =	stream.linear.scatter [tilespmem:s12], [sflag:$0x1], $0x400, $0x38;
	[tilespmem:$0x15880] =	vst v63  }
0x401: {  	_ =	swait.ge [sflag:s13], $0x400  }
0x402: {  	[sflag:s13] =	ssyncset.done $0x0  }
0x403: {  	[sflag:s13] =	ssyncadd.s32 $0xFFFFFC00  }
0x404: {  	_ =	swait.ge [sflag:s13], $0x400  }
0x405: {  	[sflag:s13] =	ssyncset.done $0x0  }
0x406: {  	[sflag:s13] =	ssyncadd.s32 $0xFFFFFC00  }
0x407: {  	_ =	swait.ge [sflag:s13], $0x400  }
0x408: {  	[sflag:s13] =	ssyncset.done $0x0  }
0x409: {  	[sflag:s13] =	ssyncadd.s32 $0xFFFFFC00  }
0x40a: {  	_ =	swait.ge [sflag:s13], $0x400  }
0x40b: {  	[sflag:s13] =	ssyncset.done $0x0  }
0x40c: {  	[sflag:s13] =	ssyncadd.s32 $0xFFFFFC00  }
0x40d: {  	_ =	swait.ge [sflag:s13], $0x400  }
0x40e: {  	[sflag:s13] =	ssyncset.done $0x0  }
0x40f: {  	[sflag:s13] =	ssyncadd.s32 $0xFFFFFC00  }
0x410: {  	_ =	swait.ge [sflag:s13], $0x400  }
0x411: {  	[sflag:s13] =	ssyncset.done $0x0  }
0x412: {  	[sflag:s13] =	ssyncadd.s32 $0xFFFFFC00  }
0x413: {  	_ =	swait.ge [sflag:s13], $0x400  }
0x414: {  	[sflag:s13] =	ssyncset.done $0x0  }
0x415: {  	[sflag:s13] =	ssyncadd.s32 $0xFFFFFC00  }
0x416: {  	_ =	swait.ge [sflag:s13], $0x400  }
0x417: {  	[sflag:s13] =	ssyncset.done $0x0  }
0x418: {  	[sflag:s13] =	ssyncadd.s32 $0xFFFFFC00  }
0x419: {  	_ =	swait.ge [sflag:s13], $0x400  }
0x41a: {  	[sflag:s13] =	ssyncset.done $0x0  }
0x41b: {  	[sflag:s13] =	ssyncadd.s32 $0xFFFFFC00  }
0x41c: {  	_ =	swait.ge [sflag:s13], $0x400  }
0x41d: {  	[sflag:s13] =	ssyncset.done $0x0  }
0x41e: {  	[sflag:s13] =	ssyncadd.s32 $0xFFFFFC00  }
0x41f: {  	_ =	swait.ge [sflag:s13], $0x400  }
0x420: {  	[sflag:s13] =	ssyncset.done $0x0  }
0x421: {  	[sflag:s13] =	ssyncadd.s32 $0xFFFFFC00  }
0x422: {  	_ =	swait.ge [sflag:s13], $0x400  }
0x423: {  	[sflag:s13] =	ssyncset.done $0x0  }
0x424: {  	[sflag:s13] =	ssyncadd.s32 $0xFFFFFC00  }
0x425: {  	_ =	swait.ge [sflag:s13], $0x400  }
0x426: {  	[sflag:s13] =	ssyncset.done $0x0  }
0x427: {  	[sflag:s13] =	ssyncadd.s32 $0xFFFFFC00  }
0x428: {  	_ =	swait.ge [sflag:s13], $0x400  }
0x429: {  	[sflag:s13] =	ssyncset.done $0x0  }
0x42a: {  	[sflag:s13] =	ssyncadd.s32 $0xFFFFFC00  }
0x42b: {  	_ =	swait.ge [sflag:s13], $0x400  }
0x42c: {  	[sflag:s13] =	ssyncset.done $0x0  }
0x42d: {  	[sflag:s13] =	ssyncadd.s32 $0xFFFFFC00  }
0x42e: {  	_ =	swait.ge [sflag:s13], $0x400  }
0x42f: {  	[sflag:s13] =	ssyncset.done $0x0  }
0x430: {  	[sflag:s13] =	ssyncadd.s32 $0xFFFFFC00  }
0x431: {  	_ =	swait.ge [sflag:s13], $0x400  }
0x432: {  	[sflag:s13] =	ssyncset.done $0x0  }
0x433: {  	[sflag:s13] =	ssyncadd.s32 $0xFFFFFC00  }
0x434: {  	_ =	swait.ge [sflag:s13], $0x400  }
0x435: {  	[sflag:s13] =	ssyncset.done $0x0  }
0x436: {  	[sflag:s13] =	ssyncadd.s32 $0xFFFFFC00  }
0x437: {  	_ =	swait.ge [sflag:s13], $0x400  }
0x438: {  	[sflag:s13] =	ssyncset.done $0x0  }
0x439: {  	[sflag:s13] =	ssyncadd.s32 $0xFFFFFC00  }
0x43a: {  	_ =	swait.ge [sflag:s13], $0x400  }
0x43b: {  	[sflag:s13] =	ssyncset.done $0x0  }
0x43c: {  	[sflag:s13] =	ssyncadd.s32 $0xFFFFFC00  }
0x43d: {  	_ =	swait.ge [sflag:s13], $0x400  }
0x43e: {  	[sflag:s13] =	ssyncset.done $0x0  }
0x43f: {  	[sflag:s13] =	ssyncadd.s32 $0xFFFFFC00  }
0x440: {  	_ =	swait.ge [sflag:s13], $0x400  }
0x441: {  	[sflag:s13] =	ssyncset.done $0x0  }
0x442: {  	[sflag:s13] =	ssyncadd.s32 $0xFFFFFC00  }
0x443: {  	_ =	swait.ge [sflag:s13], $0x400  }
0x444: {  	[sflag:s13] =	ssyncset.done $0x0  }
0x445: {  	[sflag:s13] =	ssyncadd.s32 $0xFFFFFC00  }
0x446: {  	_ =	swait.ge [sflag:s13], $0x400  }
0x447: {  	[sflag:s13] =	ssyncset.done $0x0  }
0x448: {  	[sflag:s13] =	ssyncadd.s32 $0xFFFFFC00  }
0x449: {  	_ =	swait.ge [sflag:s13], $0x400  }
0x44a: {  	[sflag:s13] =	ssyncset.done $0x0  }
0x44b: {  	[sflag:s13] =	ssyncadd.s32 $0xFFFFFC00  }
0x44c: {  	_ =	swait.ge [sflag:s13], $0x400  }
0x44d: {  	[sflag:s13] =	ssyncset.done $0x0  }
0x44e: {  	[sflag:s13] =	ssyncadd.s32 $0xFFFFFC00  }
0x44f: {  	_ =	swait.ge [sflag:s13], $0x400  }
0x450: {  	[sflag:s13] =	ssyncset.done $0x0  }
0x451: {  	[sflag:s13] =	ssyncadd.s32 $0xFFFFFC00  }
0x452: {  	_ =	swait.ge [sflag:s13], $0x400  }
0x453: {  	[sflag:s13] =	ssyncset.done $0x0  }
0x454: {  	[sflag:s13] =	ssyncadd.s32 $0xFFFFFC00  }
0x455: {  	_ =	swait.ge [sflag:s13], $0x400  }
0x456: {  	[sflag:s13] =	ssyncset.done $0x0  }
0x457: {  	[sflag:s13] =	ssyncadd.s32 $0xFFFFFC00  }
0x458: {  	_ =	swait.ge [sflag:s13], $0x400  }
0x459: {  	[sflag:s13] =	ssyncset.done $0x0  }
0x45a: {  	[sflag:s13] =	ssyncadd.s32 $0xFFFFFC00  }
0x45b: {  	_ =	swait.ge [sflag:s13], $0x400  }
0x45c: {  	[sflag:s13] =	ssyncset.done $0x0  }
0x45d: {  	[sflag:s13] =	ssyncadd.s32 $0xFFFFFC00  }
0x45e: {  	_ =	swait.ge [sflag:s13], $0x400  }
0x45f: {  	[sflag:s13] =	ssyncset.done $0x0  }
0x460: {  	[sflag:s13] =	ssyncadd.s32 $0xFFFFFC00  }
0x461: {  	_ =	swait.ge [sflag:s13], $0x400  }
0x462: {  	[sflag:s13] =	ssyncset.done $0x0  }
0x463: {  	[sflag:s13] =	ssyncadd.s32 $0xFFFFFC00  }
0x464: {  	_ =	swait.ge [sflag:s13], $0x400  }
0x465: {  	[sflag:s13] =	ssyncset.done $0x0  }
0x466: {  	[sflag:s13] =	ssyncadd.s32 $0xFFFFFC00  }
0x467: {  	_ =	swait.ge [sflag:s13], $0x400  }
0x468: {  	[sflag:s13] =	ssyncset.done $0x0  }
0x469: {  	[sflag:s13] =	ssyncadd.s32 $0xFFFFFC00  }
0x46a: {  	_ =	swait.ge [sflag:s13], $0x400  }
0x46b: {  	[sflag:s13] =	ssyncset.done $0x0  }
0x46c: {  	[sflag:s13] =	ssyncadd.s32 $0xFFFFFC00  }
0x46d: {  	_ =	swait.ge [sflag:s13], $0x400  }
0x46e: {  	[sflag:s13] =	ssyncset.done $0x0  }
0x46f: {  	[sflag:s13] =	ssyncadd.s32 $0xFFFFFC00  }
0x470: {  	_ =	swait.ge [sflag:s13], $0x400  }
0x471: {  	[sflag:s13] =	ssyncset.done $0x0  }
0x472: {  	[sflag:s13] =	ssyncadd.s32 $0xFFFFFC00  }
0x473: {  	_ =	swait.ge [sflag:s13], $0x400  }
0x474: {  	[sflag:s13] =	ssyncset.done $0x0  }
0x475: {  	[sflag:s13] =	ssyncadd.s32 $0xFFFFFC00  }
0x476: {  	_ =	swait.ge [sflag:s13], $0x400  }
0x477: {  	[sflag:s13] =	ssyncset.done $0x0  }
0x478: {  	[sflag:s13] =	ssyncadd.s32 $0xFFFFFC00  }
0x479: {  	_ =	swait.ge [sflag:s13], $0x400  }
0x47a: {  	[sflag:s13] =	ssyncset.done $0x0  }
0x47b: {  	[sflag:s13] =	ssyncadd.s32 $0xFFFFFC00  }
0x47c: {  	_ =	swait.ge [sflag:s13], $0x400  }
0x47d: {  	[sflag:s13] =	ssyncset.done $0x0  }
0x47e: {  	[sflag:s13] =	ssyncadd.s32 $0xFFFFFC00  }
0x47f: {  	_ =	swait.ge [sflag:s13], $0x400  }
0x480: {  	[sflag:s13] =	ssyncset.done $0x0  }
0x481: {  	[sflag:s13] =	ssyncadd.s32 $0xFFFFFC00  }
0x482: {  	_ =	swait.ge [sflag:s13], $0x400  }
0x483: {  	[sflag:s13] =	ssyncset.done $0x0  }
0x484: {  	[sflag:s13] =	ssyncadd.s32 $0xFFFFFC00  }
0x485: {  	_ =	swait.ge [sflag:s13], $0x400  }
0x486: {  	[sflag:s13] =	ssyncset.done $0x0  }
0x487: {  	[sflag:s13] =	ssyncadd.s32 $0xFFFFFC00  }
0x488: {  	_ =	swait.ge [sflag:s13], $0x400  }
0x489: {  	[sflag:s13] =	ssyncset.done $0x0  }
0x48a: {  	[sflag:s13] =	ssyncadd.s32 $0xFFFFFC00  }
0x48b: {  	_ =	swait.ge [sflag:s13], $0x400  }
0x48c: {  	[sflag:s13] =	ssyncset.done $0x0  }
0x48d: {  	[sflag:s13] =	ssyncadd.s32 $0xFFFFFC00  }
0x48e: {  	_ =	swait.ge [sflag:s13], $0x400  }
0x48f: {  	[sflag:s13] =	ssyncset.done $0x0  }
0x490: {  	[sflag:s13] =	ssyncadd.s32 $0xFFFFFC00  }
0x491: {  	_ =	swait.ge [sflag:s13], $0x400  }
0x492: {  	[sflag:s13] =	ssyncset.done $0x0  }
0x493: {  	[sflag:s13] =	ssyncadd.s32 $0xFFFFFC00  }
0x494: {  	_ =	swait.ge [sflag:s13], $0x400  }
0x495: {  	[sflag:s13] =	ssyncset.done $0x0  }
0x496: {  	[sflag:s13] =	ssyncadd.s32 $0xFFFFFC00  }
0x497: {  	_ =	swait.ge [sflag:s13], $0x400  }
0x498: {  	[sflag:s13] =	ssyncset.done $0x0  }
0x499: {  	[sflag:s13] =	ssyncadd.s32 $0xFFFFFC00  }
0x49a: {  	_ =	swait.ge [sflag:s13], $0x400  }
0x49b: {  	[sflag:s13] =	ssyncset.done $0x0  }
0x49c: {  	[sflag:s13] =	ssyncadd.s32 $0xFFFFFC00  }
0x49d: {  	_ =	swait.ge [sflag:s13], $0x400  }
0x49e: {  	[sflag:s13] =	ssyncset.done $0x0  }
0x49f: {  	[sflag:s13] =	ssyncadd.s32 $0xFFFFFC00  }
0x4a0: {  	_ =	swait.ge [sflag:s13], $0x400  }
0x4a1: {  	[sflag:s13] =	ssyncset.done $0x0  }
0x4a2: {  	[sflag:s13] =	ssyncadd.s32 $0xFFFFFC00  }
0x4a3: {  	_ =	swait.ge [sflag:s13], $0x400  }
0x4a4: {  	[sflag:s13] =	ssyncset.done $0x0  }
0x4a5: {  	[sflag:s13] =	ssyncadd.s32 $0xFFFFFC00  }
0x4a6: {  	_ =	swait.ge [sflag:s13], $0x400  }
0x4a7: {  	[sflag:s13] =	ssyncset.done $0x0  }
0x4a8: {  	[sflag:s13] =	ssyncadd.s32 $0xFFFFFC00  }
0x4a9: {  	_ =	swait.ge [sflag:s13], $0x400  }
0x4aa: {  	[sflag:s13] =	ssyncset.done $0x0  }
0x4ab: {  	[sflag:s13] =	ssyncadd.s32 $0xFFFFFC00  }
0x4ac: {  	_ =	swait.ge [sflag:s13], $0x400  }
0x4ad: {  	[sflag:s13] =	ssyncset.done $0x0  }
0x4ae: {  	[sflag:s13] =	ssyncadd.s32 $0xFFFFFC00  }
0x4af: {  	_ =	swait.ge [sflag:s13], $0x400  }
0x4b0: {  	[sflag:s13] =	ssyncset.done $0x0  }
0x4b1: {  	[sflag:s13] =	ssyncadd.s32 $0xFFFFFC00  }
0x4b2: {  	_ =	swait.ge [sflag:s13], $0x400  }
0x4b3: {  	[sflag:s13] =	ssyncset.done $0x0  }
0x4b4: {  	[sflag:s13] =	ssyncadd.s32 $0xFFFFFC00  }
0x4b5: {  	_ =	swait.ge [sflag:s13], $0x400  }
0x4b6: {  	[sflag:s13] =	ssyncset.done $0x0  }
0x4b7: {  	[sflag:s13] =	ssyncadd.s32 $0xFFFFFC00  }
0x4b8: {  	_ =	swait.ge [sflag:s13], $0x400  }
0x4b9: {  	[sflag:s13] =	ssyncset.done $0x0  }
0x4ba: {  	[sflag:s13] =	ssyncadd.s32 $0xFFFFFC00  }
0x4bb: {  	_ =	swait.ge [sflag:s13], $0x400  }
0x4bc: {  	[sflag:s13] =	ssyncset.done $0x0  }
0x4bd: {  	s16 =	simm.s32 $0x0;
	s15 =	simm.s32 $0x40;
	[sflag:s13] =	ssyncadd.s32 $0xFFFFFC00  }
.LBB2_10:
0x4be: {  	p0 =	sne.s32 s15, $0x2FC0;
	v6 =	vld [tilespmem:s16+$0x14C80];
	_ =	sdelay $0x3  }
.Ltmp4:
0x4bf: {  	(pc) =	sbr.rel @p0 .LBB2_10-.Ltmp4, $2  }
0x4c0: {  	_ =	sdelay $0x2  }
0x4c1: {  	s16 =	sshra.s32 s15, $0x2;
	s15 =	sadd.s32 $0x40, s15;
	[tilespmem:v6+s4+$0x0] =	vst.idx.msk $0xffff, v1  }
0x4c2: {  	v6 =	vld [tilespmem:s16+$0x14C80];
	s15 =	sld [smem:$0x791];
	_ =	sdelay $0x1  }
0x4c3: {  	s14 =	sadd.s32 $0x1, s14  }
0x4c4: {  	p0 =	sne.s32 s14, s15  }
.Ltmp5:
0x4c5: {  	_ = 	snop;
	(pc) =	sbr.rel @p0 .LBB2_1-.Ltmp5, $2  }
0x4c6: {  	_ =	sdelay $0x2  }
0x4c7: {  	[tilespmem:v6+s4+$0x0] =	vst.idx.msk $0xffff, v1  }
0x4c8: {  	_ =	sfence.sel $0x180000  }
0x4c9: {  	[bflag:$0x0] =	sbarrier.arrive $0xFFFF  }
0x4ca: {  	_ =	strace $0x90000047  }
0x4cb: {  	s0 =	stileid.u32;
	[bflag:$0x2] =	sbarrier.arrive $0xFFFF  }
0x4cc: {  	p0 =	sne.s32 s0, $0x0;
	s0 =	rddreg [dreg:$0x2]  }
0x4cd: {  	s0 =	sadd.s32 @!p0 $0x100000, s0  }
0x4ce: {  	[sflag:s0] =	ssyncadd.tile.s32 @!p0 $0x1;
	_ =	shalt  }
.Lfunc_end2:
_tile_overlayer_lowered:
.L_overlay_start_2:
0x4cf: {  	(tag) =	ssettag $0x2  }
0x4d0: {  	s0 =	rddreg [dreg:$0x0];
	s2 =	stileid.u32  }
0x4d1: {  	s1 =	rddreg [dreg:$0x1];
	p0 =	sne.s32 s2, $0x0  }
0x4d2: {  	s3 =	rddreg [dreg:$0x2];
	[bflag:$0x3] =	sbarrier.arrive $0xFFFF;
	s2 =	simm.s32 @!p0 $0x1C03  }
0x4d3: {  	[timem:s3], [sflag:s2] =	dma.local @!p0 [hbm:s0], s1  }
0x4d4: {  	s0 =	simm.s32 @!p0 $0x3  }
0x4d5: {  	_ =	swait.ge @!p0 [sflag:s0], s1  }
0x4d6: {  	s1 =	ssub.s32 @!p0 $0x0, s1;
	[sflag:s0] =	ssyncset.done @!p0 $0x0  }
0x4d7: {  	[sflag:s0] =	ssyncadd.s32 @!p0 s1  }
0x4d8: {  	[bflag:$0x3] =	sbarrier.arrive $0xFFFF  }
0x4d9: {  	_ =	shalt  }

</sc_bundles>
